<compile_context>
chip_gen: v7x
topology: tpu7x:2x2x1
jax: 0.10.2.dev20260603
libtpu: 0.0.44.dev20260713+nightly
codegen_flags: <defaults>
</compile_context>

<pallas_src>
import functools

import jax
import jax.numpy as jnp
from jax import lax
from jax.experimental import pallas as pl
from jax.experimental.pallas import tpu as pltpu
from jax.experimental.pallas import tpu_sc as plsc

NB = 30
B = 4

_SC_NC = 2
_SC_NS = 16
_SC_NW = _SC_NC * _SC_NS
_SC_L = 16


def _sc_level(m_hbm, f_buf, mb, sems, acc_ref, r0, rows, n0, nn):
    z = jnp.zeros((_SC_L,), jnp.float32)
    for b in range(B):
        for n in range(32):
            acc_ref[b, n] = z

    pltpu.make_async_copy(
        m_hbm.at[n0, pl.ds(r0, rows), :], mb[0], sems[0]
    ).start()

    def n_body(i, _):
        for p in (0, 1):

            @pl.when(i % 2 == p)
            def _():
                pltpu.make_async_copy(
                    m_hbm.at[n0 + i, pl.ds(r0, rows), :], mb[p], sems[p]
                ).wait()

                @pl.when(i + 1 < nn)
                def _():
                    pltpu.make_async_copy(
                        m_hbm.at[n0 + i + 1, pl.ds(r0, rows), :],
                        mb[1 - p],
                        sems[1 - p],
                    ).start()

                accs0 = tuple(z for _ in range(B))

                def r_body(r, accs):
                    out = list(accs)
                    for cc in range(128 // _SC_L):
                        off = cc * _SC_L
                        mv = mb[p][r, pl.ds(off, _SC_L)]
                        for b in range(B):
                            d = mv - f_buf[b, r, pl.ds(off, _SC_L)]
                            out[b] = out[b] + d * d
                    return tuple(out)

                accs = lax.fori_loop(0, rows, r_body, accs0)
                for b in range(B):
                    acc_ref[b, n0 + i] = accs[b]

        return 0

    lax.fori_loop(0, nn, n_body, 0)


def _sc_dist_body(m1_hbm, f1_hbm, m2_hbm, f2_hbm, out_hbm,
                  f1_buf, f2_buf, m1a, m1b, m2a, m2b, acc_ref,
                  s1a, s1b, s2a, s2b):
    rows1 = m1_hbm.shape[1] // _SC_NW
    rows2 = 2 * (m2_hbm.shape[1] // _SC_NW)
    wid = lax.axis_index("s") * _SC_NC + lax.axis_index("c")
    r01 = wid * rows1
    r02 = (wid // 2) * rows2
    n02 = (wid % 2) * (NB // 2)

    pltpu.sync_copy(f1_hbm.at[:, pl.ds(r01, rows1), :], f1_buf)
    pltpu.sync_copy(f2_hbm.at[:, pl.ds(r02, rows2), :], f2_buf)

    _sc_level(m1_hbm, f1_buf, (m1a, m1b), (s1a, s1b), acc_ref,
              r01, rows1, 0, NB)
    pltpu.sync_copy(acc_ref, out_hbm.at[0, wid])

    _sc_level(m2_hbm, f2_buf, (m2a, m2b), (s2a, s2b), acc_ref,
              r02, rows2, n02, NB // 2)
    pltpu.sync_copy(acc_ref, out_hbm.at[1, wid])


def _sc_dist(m1r, f1r, m2r, f2r):
    rows1 = m1r.shape[1] // _SC_NW
    rows2 = 2 * (m2r.shape[1] // _SC_NW)
    mesh = plsc.VectorSubcoreMesh(core_axis_name="c", subcore_axis_name="s")
    f = pl.kernel(
        _sc_dist_body,
        mesh=mesh,
        out_type=jax.ShapeDtypeStruct((2, _SC_NW, B, 32, _SC_L), jnp.float32),
        scratch_types=[
            pltpu.VMEM((B, rows1, 128), jnp.float32),
            pltpu.VMEM((B, rows2, 128), jnp.float32),
            pltpu.VMEM((rows1, 128), jnp.float32),
            pltpu.VMEM((rows1, 128), jnp.float32),
            pltpu.VMEM((rows2, 128), jnp.float32),
            pltpu.VMEM((rows2, 128), jnp.float32),
            pltpu.VMEM((B, 32, _SC_L), jnp.float32),
            pltpu.SemaphoreType.DMA,
            pltpu.SemaphoreType.DMA,
            pltpu.SemaphoreType.DMA,
            pltpu.SemaphoreType.DMA,
        ],
    )
    return f(m1r, f1r, m2r, f2r)


def _dist_body(f_ref, m_ref, o_ref):
    step = pl.program_id(0)

    @pl.when(step == 0)
    def _():
        o_ref[...] = jnp.zeros_like(o_ref)

    m = m_ref[...]
    for b in range(B):
        d = m - f_ref[b : b + 1]
        o_ref[b, :] += jnp.sum(d * d, axis=(1, 2, 3))


def _dist(f, m, cc):
    _, c, h, w = f.shape
    n = c // cc
    return pl.pallas_call(
        _dist_body,
        grid=(n,),
        in_specs=[
            pl.BlockSpec((B, cc, h, w), lambda i: (0, i, 0, 0)),
            pl.BlockSpec((NB, cc, h, w), lambda i: (0, i, 0, 0)),
        ],
        out_specs=pl.BlockSpec((B, NB), lambda i: (0, 0)),
        out_shape=jax.ShapeDtypeStruct((B, NB), jnp.float32),
    )(f, m)


def _argmin_body(s0_ref, sc_ref, o_ref, *, scales):
    s0 = s0_ref[...]
    red = jnp.sum(sc_ref[...], axis=(1, 4))
    s = (
        s0 * scales[0]
        + red[0][:, :NB] * scales[1]
        + red[1][:, :NB] * scales[2]
    )
    mn = jnp.min(s, axis=1, keepdims=True)
    ii = jax.lax.broadcasted_iota(jnp.int32, s.shape, 1)
    cand = jnp.where(s == mn, ii, NB)
    o_ref[...] = jnp.min(cand, axis=1, keepdims=True)


def _argmin(s0, sc_out, scales):
    out = pl.pallas_call(
        functools.partial(_argmin_body, scales=scales),
        out_shape=jax.ShapeDtypeStruct((B, 1), jnp.int32),
    )(s0, sc_out)
    return out.reshape(B)


def _gather_cfirst_body(idx_ref, f_ref, m_ref, o_ref):
    f = f_ref[0]
    m = m_ref[0]
    o_ref[0, 0] = f
    d = m - f
    o_ref[0, 1] = d * d


def _gather_cfirst(idx, f, m, cc):
    _, c, h, w = f.shape
    nc = c // cc
    grid_spec = pltpu.PrefetchScalarGridSpec(
        num_scalar_prefetch=1,
        grid=(B, nc),
        in_specs=[
            pl.BlockSpec((1, cc, h, w), lambda b, i, idx_ref: (b, i, 0, 0)),
            pl.BlockSpec(
                (1, cc, h, w), lambda b, i, idx_ref: (idx_ref[b], i, 0, 0)
            ),
        ],
        out_specs=pl.BlockSpec(
            (1, 2, cc, h, w), lambda b, i, idx_ref: (b, 0, i, 0, 0)
        ),
    )
    out = pl.pallas_call(
        _gather_cfirst_body,
        grid_spec=grid_spec,
        out_shape=jax.ShapeDtypeStruct((B, 2, c, h, w), jnp.float32),
    )(idx, f, m)
    return out.reshape(B, 2 * c, h, w)


def _gather_clast_body(idx_ref, f_ref, m_ref, o_ref, *, nct):
    f3 = f_ref[0]
    m3 = m_ref[0]
    hh, w, c = f3.shape
    fr = f3.reshape(hh, w // 8, 8, c)
    d = m3 - f3
    dr = (d * d).reshape(hh, w // 8, 8, c)
    for t in range(nct):
        o_ref[0, :, :, t] = fr[..., t * 128 : (t + 1) * 128]
        o_ref[0, :, :, nct + t] = dr[..., t * 128 : (t + 1) * 128]


def _gather_clast(idx, fv, mv, hh):
    _, h, w, c = fv.shape
    nct = c // 128
    nh = h // hh
    grid_spec = pltpu.PrefetchScalarGridSpec(
        num_scalar_prefetch=1,
        grid=(B, nh),
        in_specs=[
            pl.BlockSpec((1, hh, w, c), lambda b, i, idx_ref: (b, i, 0, 0)),
            pl.BlockSpec(
                (1, hh, w, c), lambda b, i, idx_ref: (idx_ref[b], i, 0, 0)
            ),
        ],
        out_specs=pl.BlockSpec(
            (1, hh, w // 8, 2 * nct, 8, 128),
            lambda b, i, idx_ref: (b, i, 0, 0, 0, 0),
        ),
    )
    out = pl.pallas_call(
        functools.partial(_gather_clast_body, nct=nct),
        grid_spec=grid_spec,
        out_shape=jax.ShapeDtypeStruct(
            (B, h, w // 8, 2 * nct, 8, 128), jnp.float32
        ),
    )(idx, fv, mv)
    return (
        out.transpose(0, 3, 5, 1, 2, 4).reshape(B, 2 * c, h, w)
    )


_DIST_CC = {0: 4, 1: 8, 2: 8}
_GATHER_L0_CC = 16
_GATHER_HH = {1: 12, 2: 12}


def kernel(features_l0, features_l1, features_l2, mem_l0, mem_l1, mem_l2):
    f1v = features_l1.transpose(0, 2, 3, 1)
    m1v = mem_l1.transpose(0, 2, 3, 1)
    f2v = features_l2.transpose(0, 2, 3, 1)
    m2v = mem_l2.transpose(0, 2, 3, 1)

    r1 = m1v.shape[1] * m1v.shape[2] * (m1v.shape[3] // 128)
    r2 = m2v.shape[1] * m2v.shape[2] * (m2v.shape[3] // 128)
    sc_out = _sc_dist(
        m1v.reshape(NB, r1, 128),
        f1v.reshape(B, r1, 128),
        m2v.reshape(NB, r2, 128),
        f2v.reshape(B, r2, 128),
    )

    s0 = _dist(features_l0, mem_l0, _DIST_CC[0])

    scales = []
    for f in (features_l0, features_l1, features_l2):
        scales.append(1.0 / (f.shape[1] * f.shape[2] * f.shape[3]))
    idx = _argmin(s0, sc_out, tuple(scales))

    o0 = _gather_cfirst(idx, features_l0, mem_l0, _GATHER_L0_CC)
    o1 = _gather_clast(idx, f1v, m1v, _GATHER_HH[1])
    o2 = _gather_clast(idx, f2v, m2v, _GATHER_HH[2])
    return (o0, o1, o2)

# --- scband reference (transcript-rebuilt; emitter-appended) ---
"""Pipeline reference for scband-memory-block-69552700391763 (READ-ONLY COPY).

The authoritative reference and input builder live on the scoring server;
editing this copy changes nothing except your own understanding.
"""

import jax, jax.numpy as jnp
import numpy as np

NB_MEM = 30

def setup_inputs(seed: int = 0) -> dict:
    key = jax.random.key(seed)
    ks = jax.random.split(key, 6)
    feat_shapes = [(4, 64, 96, 96), (4, 128, 48, 48), (4, 256, 24, 24)]
    mem_shapes = [(NB_MEM, 64, 96, 96), (NB_MEM, 128, 48, 48), (NB_MEM, 256, 24, 24)]
    inp = {}
    for i, s in enumerate(feat_shapes):
        inp[f'features_l{i}'] = jax.random.normal(ks[i], s, dtype=jnp.float32)
    for i, s in enumerate(mem_shapes):
        inp[f'mem_l{i}'] = jax.random.normal(ks[3 + i], s, dtype=jnp.float32)
    return inp


def _calc_diff(features, memories):
    # diff_bank[b, n] = sum over levels of mean_{C,H,W}((features_l[b] - mem_l[n])**2)
    B = features[0].shape[0]
    nb = memories[0].shape[0]
    diff_bank = jnp.zeros((B, nb), dtype=jnp.float32)
    for f, m in zip(features, memories):
        for b in range(B):
            # torch: repeat_interleave(features_b, nb) - memory, squared, mean over [1,2,3]
            d = jnp.mean((f[b][None, ...] - m) ** 2, axis=(1, 2, 3))
            diff_bank = diff_bank.at[b].add(d)
    # torch computes diff_bank under no_grad; argmin is non-differentiable anyway
    diff_bank = jax.lax.stop_gradient(diff_bank)
    return diff_bank


def reference(features_l0, features_l1, features_l2, mem_l0, mem_l1, mem_l2):
    features = [features_l0, features_l1, features_l2]
    memories = [mem_l0, mem_l1, mem_l2]
    diff_bank = _calc_diff(features, memories)
    idx = jnp.argmin(diff_bank, axis=1)  # [B]
    outs = []
    for f, m in zip(features, memories):
        selected = jnp.take(m, idx, axis=0)          # index_select along dim 0
        diff_features = (selected - f) ** 2
        outs.append(jnp.concatenate([f, diff_features], axis=1))  # cat on channel dim
    return tuple(outs)

if __name__ == "__main__":
    import jax
    _d = setup_inputs()
    print(jax.jit(kernel)(*tuple(_d.values())))

</pallas_src>

<mosaic_0001>
#map = affine_map<(d0, d1) -> (0, 0, 0)>
#map1 = affine_map<(d0, d1) -> (0, 0, 0, 0, 0)>
module attributes {stable_mosaic.version = 14 : i64} {
  func.func @_sc_dist_body(%arg0: i32, %arg1: i32, %arg2: memref<30x2304x128xf32, #tpu.memory_space<hbm>>, %arg3: memref<4x2304x128xf32, #tpu.memory_space<hbm>>, %arg4: memref<30x1152x128xf32, #tpu.memory_space<hbm>>, %arg5: memref<4x1152x128xf32, #tpu.memory_space<hbm>>, %arg6: memref<2x32x4x32x16xf32, #tpu.memory_space<hbm>>, %arg7: memref<4x72x128xf32, #tpu.memory_space<vmem>>, %arg8: memref<4x72x128xf32, #tpu.memory_space<vmem>>, %arg9: memref<72x128xf32, #tpu.memory_space<vmem>>, %arg10: memref<72x128xf32, #tpu.memory_space<vmem>>, %arg11: memref<72x128xf32, #tpu.memory_space<vmem>>, %arg12: memref<72x128xf32, #tpu.memory_space<vmem>>, %arg13: memref<4x32x16xf32, #tpu.memory_space<vmem>>, %arg14: memref<!tpu.dma_semaphore, #tpu.memory_space<semaphore_mem>>, %arg15: memref<!tpu.dma_semaphore, #tpu.memory_space<semaphore_mem>>, %arg16: memref<!tpu.dma_semaphore, #tpu.memory_space<semaphore_mem>>, %arg17: memref<!tpu.dma_semaphore, #tpu.memory_space<semaphore_mem>>) attributes {dimension_semantics = [#tpu.dimension_semantics<core_parallel>, #tpu.dimension_semantics<subcore_parallel>], iteration_bounds = array<i64: 2, 16>, scalar_prefetch = 0 : i64, scratch_operands = 11 : i64, tpu.core_type = #tpu.core_type<sc_vector_subcore>, window_params = [{transform_indices = #map}, {transform_indices = #map}, {transform_indices = #map}, {transform_indices = #map}, {transform_indices = #map1}]} {
    %mul3A = arith.constant 2 : i32
    %mul3A_0 = arith.muli %arg1, %mul3A : i32
    %add3A = arith.addi %mul3A_0, %arg0 : i32
    %mul3A_1 = arith.constant 72 : i32
    %mul3A_2 = arith.muli %add3A, %mul3A_1 : i32
    %jit3A = arith.constant 2 : i32
    %div3A = arith.divsi %add3A, %jit3A : i32
    %sign3A = arith.constant 0 : i32
    %sign3A_3 = arith.cmpi sgt, %add3A, %sign3A : i32
    %sign3A_4 = arith.extui %sign3A_3 : i1 to i32
    %sign3A_5 = arith.constant 0 : i32
    %sign3A_6 = arith.cmpi slt, %add3A, %sign3A_5 : i32
    %sign3A_7 = arith.extui %sign3A_6 : i1 to i32
    %sign3A_8 = arith.subi %sign3A_4, %sign3A_7 : i32
    %sign3A_9 = arith.constant 0 : i32
    %sign3A_10 = arith.cmpi sgt, %jit3A, %sign3A_9 : i32
    %sign3A_11 = arith.extui %sign3A_10 : i1 to i32
    %sign3A_12 = arith.constant 0 : i32
    %sign3A_13 = arith.cmpi slt, %jit3A, %sign3A_12 : i32
    %sign3A_14 = arith.extui %sign3A_13 : i1 to i32
    %sign3A_15 = arith.subi %sign3A_11, %sign3A_14 : i32
    %ne3A = arith.cmpi ne, %sign3A_8, %sign3A_15 : i32
    %rem3A = arith.remsi %add3A, %jit3A : i32
    %ne3A_16 = arith.constant 0 : i32
    %ne3A_17 = arith.cmpi ne, %rem3A, %ne3A_16 : i32
    %and3A = arith.andi %ne3A, %ne3A_17 : i1
    %sub3A = arith.constant 1 : i32
    %sub3A_18 = arith.subi %div3A, %sub3A : i32
    %select_n3A = arith.select %and3A, %sub3A_18, %div3A : i32
    %mul3A_19 = arith.constant 72 : i32
    %mul3A_20 = arith.muli %select_n3A, %mul3A_19 : i32
    %jit3A_21 = arith.constant 2 : i32
    %eq3A = arith.constant 0 : i32
    %eq3A_22 = arith.cmpi eq, %jit3A_21, %eq3A : i32
    %jit3A_23 = arith.constant 1 : i32
    %select_n3A_24 = arith.select %eq3A_22, %jit3A_23, %jit3A_21 : i32
    %rem3A_25 = arith.remsi %add3A, %select_n3A_24 : i32
    %ne3A_26 = arith.constant 0 : i32
    %ne3A_27 = arith.cmpi ne, %rem3A_25, %ne3A_26 : i32
    %lt3A = arith.constant 0 : i32
    %lt3A_28 = arith.cmpi slt, %rem3A_25, %lt3A : i32
    %lt3A_29 = arith.constant 0 : i32
    %lt3A_30 = arith.cmpi slt, %select_n3A_24, %lt3A_29 : i32
    %ne3A_31 = arith.xori %lt3A_28, %lt3A_30 : i1
    %and3A_32 = arith.andi %ne3A_31, %ne3A_27 : i1
    %add3A_33 = arith.addi %rem3A_25, %select_n3A_24 : i32
    %select_n3A_34 = arith.select %and3A_32, %add3A_33, %rem3A_25 : i32
    %mul3A_35 = arith.constant 15 : i32
    %mul3A_36 = arith.muli %select_n3A_34, %mul3A_35 : i32
    "tpu.region"() ({
      %run_scoped3A_2113 = tpu.sem_alloc : memref<!tpu.dma_semaphore, #tpu.memory_space<semaphore_mem>>
      %dma_start3A_2114 = arith.constant 0 : i32
      %dma_start3A_2115 = arith.constant 0 : i32
      %dma_start3A_2116 = tpu.memref_slice %arg3[%dma_start3A_2114, %mul3A_2, %dma_start3A_2115] : memref<4x2304x128xf32, #tpu.memory_space<hbm>> -> memref<4x72x128xf32, #tpu.memory_space<hbm>>
      %dma_start3A_2117 = arith.constant 0 : i32
      %dma_start3A_2118 = arith.constant 0 : i32
      %dma_start3A_2119 = tpu.memref_slice %arg3[%dma_start3A_2117, %mul3A_2, %dma_start3A_2118] : memref<4x2304x128xf32, #tpu.memory_space<hbm>> -> memref<4x72x128xf32, #tpu.memory_space<hbm>>
      tpu.enqueue_dma source(%dma_start3A_2119 : memref<4x72x128xf32, #tpu.memory_space<hbm>>) target(%arg7 : memref<4x72x128xf32, #tpu.memory_space<vmem>>) target_semaphore(%run_scoped3A_2113 : memref<!tpu.dma_semaphore, #tpu.memory_space<semaphore_mem>>)
      %dma_wait3A = arith.constant 0 : i32
      %dma_wait3A_2120 = arith.constant 0 : i32
      %dma_wait3A_2121 = tpu.memref_slice %arg3[%dma_wait3A, %mul3A_2, %dma_wait3A_2120] : memref<4x2304x128xf32, #tpu.memory_space<hbm>> -> memref<4x72x128xf32, #tpu.memory_space<hbm>>
      %dma_wait3A_2122 = arith.constant 0 : i32
      %dma_wait3A_2123 = arith.constant 0 : i32
      %dma_wait3A_2124 = tpu.memref_slice %arg3[%dma_wait3A_2122, %mul3A_2, %dma_wait3A_2123] : memref<4x2304x128xf32, #tpu.memory_space<hbm>> -> memref<4x72x128xf32, #tpu.memory_space<hbm>>
      tpu.wait_dma2 semaphore(%run_scoped3A_2113 : memref<!tpu.dma_semaphore, #tpu.memory_space<semaphore_mem>>) src(%dma_wait3A_2124 : memref<4x72x128xf32, #tpu.memory_space<hbm>>) dst(%arg7 : memref<4x72x128xf32, #tpu.memory_space<vmem>>)
      tpu.yield
    }) : () -> ()
    "tpu.region"() ({
      %run_scoped3A_2113 = tpu.sem_alloc : memref<!tpu.dma_semaphore, #tpu.memory_space<semaphore_mem>>
      %dma_start3A_2114 = arith.constant 0 : i32
      %dma_start3A_2115 = arith.constant 0 : i32
      %dma_start3A_2116 = tpu.memref_slice %arg5[%dma_start3A_2114, %mul3A_20, %dma_start3A_2115] : memref<4x1152x128xf32, #tpu.memory_space<hbm>> -> memref<4x72x128xf32, #tpu.memory_space<hbm>>
      %dma_start3A_2117 = arith.constant 0 : i32
      %dma_start3A_2118 = arith.constant 0 : i32
      %dma_start3A_2119 = tpu.memref_slice %arg5[%dma_start3A_2117, %mul3A_20, %dma_start3A_2118] : memref<4x1152x128xf32, #tpu.memory_space<hbm>> -> memref<4x72x128xf32, #tpu.memory_space<hbm>>
      tpu.enqueue_dma source(%dma_start3A_2119 : memref<4x72x128xf32, #tpu.memory_space<hbm>>) target(%arg8 : memref<4x72x128xf32, #tpu.memory_space<vmem>>) target_semaphore(%run_scoped3A_2113 : memref<!tpu.dma_semaphore, #tpu.memory_space<semaphore_mem>>)
      %dma_wait3A = arith.constant 0 : i32
      %dma_wait3A_2120 = arith.constant 0 : i32
      %dma_wait3A_2121 = tpu.memref_slice %arg5[%dma_wait3A, %mul3A_20, %dma_wait3A_2120] : memref<4x1152x128xf32, #tpu.memory_space<hbm>> -> memref<4x72x128xf32, #tpu.memory_space<hbm>>
      %dma_wait3A_2122 = arith.constant 0 : i32
      %dma_wait3A_2123 = arith.constant 0 : i32
      %dma_wait3A_2124 = tpu.memref_slice %arg5[%dma_wait3A_2122, %mul3A_20, %dma_wait3A_2123] : memref<4x1152x128xf32, #tpu.memory_space<hbm>> -> memref<4x72x128xf32, #tpu.memory_space<hbm>>
      tpu.wait_dma2 semaphore(%run_scoped3A_2113 : memref<!tpu.dma_semaphore, #tpu.memory_space<semaphore_mem>>) src(%dma_wait3A_2124 : memref<4x72x128xf32, #tpu.memory_space<hbm>>) dst(%arg8 : memref<4x72x128xf32, #tpu.memory_space<vmem>>)
      tpu.yield
    }) : () -> ()
    %broadcast_in_dim3A = arith.constant 0.000000e+00 : f32
    %broadcast_in_dim3A_37 = vector.broadcast %broadcast_in_dim3A : f32 to vector<16xf32>
    %swap3A = arith.constant 0 : i32
    %swap3A_38 = arith.constant 0 : i32
    %swap3A_39 = arith.index_cast %swap3A : i32 to index
    %swap3A_40 = arith.index_cast %swap3A_38 : i32 to index
    %swap3A_41 = arith.constant 0 : index
    %swap3A_42 = tpu.vector_load %arg13[%swap3A_39, %swap3A_40, %swap3A_41] {strides = array<i32>} : memref<4x32x16xf32, #tpu.memory_space<vmem>>, vector<1x1x16xf32>,
    %swap3A_43 = vector.shape_cast %swap3A_42 : vector<1x1x16xf32> to vector<16xf32>
    %swap3A_44 = vector.shape_cast %broadcast_in_dim3A_37 : vector<16xf32> to vector<1x1x16xf32>
    tpu.vector_store %arg13[%swap3A_39, %swap3A_40, %swap3A_41], %swap3A_44 {strides = array<i32>} : memref<4x32x16xf32, #tpu.memory_space<vmem>>, vector<1x1x16xf32>,
    %swap3A_45 = arith.constant 0 : i32
    %swap3A_46 = arith.constant 1 : i32
    %swap3A_47 = arith.index_cast %swap3A_45 : i32 to index
    %swap3A_48 = arith.index_cast %swap3A_46 : i32 to index
    %swap3A_49 = arith.constant 0 : index
    %swap3A_50 = tpu.vector_load %arg13[%swap3A_47, %swap3A_48, %swap3A_49] {strides = array<i32>} : memref<4x32x16xf32, #tpu.memory_space<vmem>>, vector<1x1x16xf32>,
    %swap3A_51 = vector.shape_cast %swap3A_50 : vector<1x1x16xf32> to vector<16xf32>
    %swap3A_52 = vector.shape_cast %broadcast_in_dim3A_37 : vector<16xf32> to vector<1x1x16xf32>
    tpu.vector_store %arg13[%swap3A_47, %swap3A_48, %swap3A_49], %swap3A_52 {strides = array<i32>} : memref<4x32x16xf32, #tpu.memory_space<vmem>>, vector<1x1x16xf32>,
    %swap3A_53 = arith.constant 0 : i32
    %swap3A_54 = arith.constant 2 : i32
    %swap3A_55 = arith.index_cast %swap3A_53 : i32 to index
    %swap3A_56 = arith.index_cast %swap3A_54 : i32 to index
    %swap3A_57 = arith.constant 0 : index
    %swap3A_58 = tpu.vector_load %arg13[%swap3A_55, %swap3A_56, %swap3A_57] {strides = array<i32>} : memref<4x32x16xf32, #tpu.memory_space<vmem>>, vector<1x1x16xf32>,
    %swap3A_59 = vector.shape_cast %swap3A_58 : vector<1x1x16xf32> to vector<16xf32>
    %swap3A_60 = vector.shape_cast %broadcast_in_dim3A_37 : vector<16xf32> to vector<1x1x16xf32>
    tpu.vector_store %arg13[%swap3A_55, %swap3A_56, %swap3A_57], %swap3A_60 {strides = array<i32>} : memref<4x32x16xf32, #tpu.memory_space<vmem>>, vector<1x1x16xf32>,
    %swap3A_61 = arith.constant 0 : i32
    %swap3A_62 = arith.constant 3 : i32
    %swap3A_63 = arith.index_cast %swap3A_61 : i32 to index
    %swap3A_64 = arith.index_cast %swap3A_62 : i32 to index
    %swap3A_65 = arith.constant 0 : index
    %swap3A_66 = tpu.vector_load %arg13[%swap3A_63, %swap3A_64, %swap3A_65] {strides = array<i32>} : memref<4x32x16xf32, #tpu.memory_space<vmem>>, vector<1x1x16xf32>,
    %swap3A_67 = vector.shape_cast %swap3A_66 : vector<1x1x16xf32> to vector<16xf32>
    %swap3A_68 = vector.shape_cast %broadcast_in_dim3A_37 : vector<16xf32> to vector<1x1x16xf32>
    tpu.vector_store %arg13[%swap3A_63, %swap3A_64, %swap3A_65], %swap3A_68 {strides = array<i32>} : memref<4x32x16xf32, #tpu.memory_space<vmem>>, vector<1x1x16xf32>,
    %swap3A_69 = arith.constant 0 : i32
    %swap3A_70 = arith.constant 4 : i32
    %swap3A_71 = arith.index_cast %swap3A_69 : i32 to index
    %swap3A_72 = arith.index_cast %swap3A_70 : i32 to index
    %swap3A_73 = arith.constant 0 : index
    %swap3A_74 = tpu.vector_load %arg13[%swap3A_71, %swap3A_72, %swap3A_73] {strides = array<i32>} : memref<4x32x16xf32, #tpu.memory_space<vmem>>, vector<1x1x16xf32>,
    %swap3A_75 = vector.shape_cast %swap3A_74 : vector<1x1x16xf32> to vector<16xf32>
    %swap3A_76 = vector.shape_cast %broadcast_in_dim3A_37 : vector<16xf32> to vector<1x1x16xf32>
    tpu.vector_store %arg13[%swap3A_71, %swap3A_72, %swap3A_73], %swap3A_76 {strides = array<i32>} : memref<4x32x16xf32, #tpu.memory_space<vmem>>, vector<1x1x16xf32>,
    %swap3A_77 = arith.constant 0 : i32
    %swap3A_78 = arith.constant 5 : i32
    %swap3A_79 = arith.index_cast %swap3A_77 : i32 to index
    %swap3A_80 = arith.index_cast %swap3A_78 : i32 to index
    %swap3A_81 = arith.constant 0 : index
    %swap3A_82 = tpu.vector_load %arg13[%swap3A_79, %swap3A_80, %swap3A_81] {strides = array<i32>} : memref<4x32x16xf32, #tpu.memory_space<vmem>>, vector<1x1x16xf32>,
    %swap3A_83 = vector.shape_cast %swap3A_82 : vector<1x1x16xf32> to vector<16xf32>
    %swap3A_84 = vector.shape_cast %broadcast_in_dim3A_37 : vector<16xf32> to vector<1x1x16xf32>
    tpu.vector_store %arg13[%swap3A_79, %swap3A_80, %swap3A_81], %swap3A_84 {strides = array<i32>} : memref<4x32x16xf32, #tpu.memory_space<vmem>>, vector<1x1x16xf32>,
    %swap3A_85 = arith.constant 0 : i32
    %swap3A_86 = arith.constant 6 : i32
    %swap3A_87 = arith.index_cast %swap3A_85 : i32 to index
    %swap3A_88 = arith.index_cast %swap3A_86 : i32 to index
    %swap3A_89 = arith.constant 0 : index
    %swap3A_90 = tpu.vector_load %arg13[%swap3A_87, %swap3A_88, %swap3A_89] {strides = array<i32>} : memref<4x32x16xf32, #tpu.memory_space<vmem>>, vector<1x1x16xf32>,
    %swap3A_91 = vector.shape_cast %swap3A_90 : vector<1x1x16xf32> to vector<16xf32>
    %swap3A_92 = vector.shape_cast %broadcast_in_dim3A_37 : vector<16xf32> to vector<1x1x16xf32>
    tpu.vector_store %arg13[%swap3A_87, %swap3A_88, %swap3A_89], %swap3A_92 {strides = array<i32>} : memref<4x32x16xf32, #tpu.memory_space<vmem>>, vector<1x1x16xf32>,
    %swap3A_93 = arith.constant 0 : i32
    %swap3A_94 = arith.constant 7 : i32
    %swap3A_95 = arith.index_cast %swap3A_93 : i32 to index
    %swap3A_96 = arith.index_cast %swap3A_94 : i32 to index
    %swap3A_97 = arith.constant 0 : index
    %swap3A_98 = tpu.vector_load %arg13[%swap3A_95, %swap3A_96, %swap3A_97] {strides = array<i32>} : memref<4x32x16xf32, #tpu.memory_space<vmem>>, vector<1x1x16xf32>,
    %swap3A_99 = vector.shape_cast %swap3A_98 : vector<1x1x16xf32> to vector<16xf32>
    %swap3A_100 = vector.shape_cast %broadcast_in_dim3A_37 : vector<16xf32> to vector<1x1x16xf32>
    tpu.vector_store %arg13[%swap3A_95, %swap3A_96, %swap3A_97], %swap3A_100 {strides = array<i32>} : memref<4x32x16xf32, #tpu.memory_space<vmem>>, vector<1x1x16xf32>,
    %swap3A_101 = arith.constant 0 : i32
    %swap3A_102 = arith.constant 8 : i32
    %swap3A_103 = arith.index_cast %swap3A_101 : i32 to index
    %swap3A_104 = arith.index_cast %swap3A_102 : i32 to index
    %swap3A_105 = arith.constant 0 : index
    %swap3A_106 = tpu.vector_load %arg13[%swap3A_103, %swap3A_104, %swap3A_105] {strides = array<i32>} : memref<4x32x16xf32, #tpu.memory_space<vmem>>, vector<1x1x16xf32>,
    %swap3A_107 = vector.shape_cast %swap3A_106 : vector<1x1x16xf32> to vector<16xf32>
    %swap3A_108 = vector.shape_cast %broadcast_in_dim3A_37 : vector<16xf32> to vector<1x1x16xf32>
    tpu.vector_store %arg13[%swap3A_103, %swap3A_104, %swap3A_105], %swap3A_108 {strides = array<i32>} : memref<4x32x16xf32, #tpu.memory_space<vmem>>, vector<1x1x16xf32>,
    %swap3A_109 = arith.constant 0 : i32
    %swap3A_110 = arith.constant 9 : i32
    %swap3A_111 = arith.index_cast %swap3A_109 : i32 to index
    %swap3A_112 = arith.index_cast %swap3A_110 : i32 to index
    %swap3A_113 = arith.constant 0 : index
    %swap3A_114 = tpu.vector_load %arg13[%swap3A_111, %swap3A_112, %swap3A_113] {strides = array<i32>} : memref<4x32x16xf32, #tpu.memory_space<vmem>>, vector<1x1x16xf32>,
    %swap3A_115 = vector.shape_cast %swap3A_114 : vector<1x1x16xf32> to vector<16xf32>
    %swap3A_116 = vector.shape_cast %broadcast_in_dim3A_37 : vector<16xf32> to vector<1x1x16xf32>
    tpu.vector_store %arg13[%swap3A_111, %swap3A_112, %swap3A_113], %swap3A_116 {strides = array<i32>} : memref<4x32x16xf32, #tpu.memory_space<vmem>>, vector<1x1x16xf32>,
    %swap3A_117 = arith.constant 0 : i32
    %swap3A_118 = arith.constant 10 : i32
    %swap3A_119 = arith.index_cast %swap3A_117 : i32 to index
    %swap3A_120 = arith.index_cast %swap3A_118 : i32 to index
    %swap3A_121 = arith.constant 0 : index
    %swap3A_122 = tpu.vector_load %arg13[%swap3A_119, %swap3A_120, %swap3A_121] {strides = array<i32>} : memref<4x32x16xf32, #tpu.memory_space<vmem>>, vector<1x1x16xf32>,
    %swap3A_123 = vector.shape_cast %swap3A_122 : vector<1x1x16xf32> to vector<16xf32>
    %swap3A_124 = vector.shape_cast %broadcast_in_dim3A_37 : vector<16xf32> to vector<1x1x16xf32>
    tpu.vector_store %arg13[%swap3A_119, %swap3A_120, %swap3A_121], %swap3A_124 {strides = array<i32>} : memref<4x32x16xf32, #tpu.memory_space<vmem>>, vector<1x1x16xf32>,
    %swap3A_125 = arith.constant 0 : i32
    %swap3A_126 = arith.constant 11 : i32
    %swap3A_127 = arith.index_cast %swap3A_125 : i32 to index
    %swap3A_128 = arith.index_cast %swap3A_126 : i32 to index
    %swap3A_129 = arith.constant 0 : index
    %swap3A_130 = tpu.vector_load %arg13[%swap3A_127, %swap3A_128, %swap3A_129] {strides = array<i32>} : memref<4x32x16xf32, #tpu.memory_space<vmem>>, vector<1x1x16xf32>,
    %swap3A_131 = vector.shape_cast %swap3A_130 : vector<1x1x16xf32> to vector<16xf32>
    %swap3A_132 = vector.shape_cast %broadcast_in_dim3A_37 : vector<16xf32> to vector<1x1x16xf32>
    tpu.vector_store %arg13[%swap3A_127, %swap3A_128, %swap3A_129], %swap3A_132 {strides = array<i32>} : memref<4x32x16xf32, #tpu.memory_space<vmem>>, vector<1x1x16xf32>,
    %swap3A_133 = arith.constant 0 : i32
    %swap3A_134 = arith.constant 12 : i32
    %swap3A_135 = arith.index_cast %swap3A_133 : i32 to index
    %swap3A_136 = arith.index_cast %swap3A_134 : i32 to index
    %swap3A_137 = arith.constant 0 : index
    %swap3A_138 = tpu.vector_load %arg13[%swap3A_135, %swap3A_136, %swap3A_137] {strides = array<i32>} : memref<4x32x16xf32, #tpu.memory_space<vmem>>, vector<1x1x16xf32>,
    %swap3A_139 = vector.shape_cast %swap3A_138 : vector<1x1x16xf32> to vector<16xf32>
    %swap3A_140 = vector.shape_cast %broadcast_in_dim3A_37 : vector<16xf32> to vector<1x1x16xf32>
    tpu.vector_store %arg13[%swap3A_135, %swap3A_136, %swap3A_137], %swap3A_140 {strides = array<i32>} : memref<4x32x16xf32, #tpu.memory_space<vmem>>, vector<1x1x16xf32>,
    %swap3A_141 = arith.constant 0 : i32
    %swap3A_142 = arith.constant 13 : i32
    %swap3A_143 = arith.index_cast %swap3A_141 : i32 to index
    %swap3A_144 = arith.index_cast %swap3A_142 : i32 to index
    %swap3A_145 = arith.constant 0 : index
    %swap3A_146 = tpu.vector_load %arg13[%swap3A_143, %swap3A_144, %swap3A_145] {strides = array<i32>} : memref<4x32x16xf32, #tpu.memory_space<vmem>>, vector<1x1x16xf32>,
    %swap3A_147 = vector.shape_cast %swap3A_146 : vector<1x1x16xf32> to vector<16xf32>
    %swap3A_148 = vector.shape_cast %broadcast_in_dim3A_37 : vector<16xf32> to vector<1x1x16xf32>
    tpu.vector_store %arg13[%swap3A_143, %swap3A_144, %swap3A_145], %swap3A_148 {strides = array<i32>} : memref<4x32x16xf32, #tpu.memory_space<vmem>>, vector<1x1x16xf32>,
    %swap3A_149 = arith.constant 0 : i32
    %swap3A_150 = arith.constant 14 : i32
    %swap3A_151 = arith.index_cast %swap3A_149 : i32 to index
    %swap3A_152 = arith.index_cast %swap3A_150 : i32 to index
    %swap3A_153 = arith.constant 0 : index
    %swap3A_154 = tpu.vector_load %arg13[%swap3A_151, %swap3A_152, %swap3A_153] {strides = array<i32>} : memref<4x32x16xf32, #tpu.memory_space<vmem>>, vector<1x1x16xf32>,
    %swap3A_155 = vector.shape_cast %swap3A_154 : vector<1x1x16xf32> to vector<16xf32>
    %swap3A_156 = vector.shape_cast %broadcast_in_dim3A_37 : vector<16xf32> to vector<1x1x16xf32>
    tpu.vector_store %arg13[%swap3A_151, %swap3A_152, %swap3A_153], %swap3A_156 {strides = array<i32>} : memref<4x32x16xf32, #tpu.memory_space<vmem>>, vector<1x1x16xf32>,
    %swap3A_157 = arith.constant 0 : i32
    %swap3A_158 = arith.constant 15 : i32
    %swap3A_159 = arith.index_cast %swap3A_157 : i32 to index
    %swap3A_160 = arith.index_cast %swap3A_158 : i32 to index
    %swap3A_161 = arith.constant 0 : index
    %swap3A_162 = tpu.vector_load %arg13[%swap3A_159, %swap3A_160, %swap3A_161] {strides = array<i32>} : memref<4x32x16xf32, #tpu.memory_space<vmem>>, vector<1x1x16xf32>,
    %swap3A_163 = vector.shape_cast %swap3A_162 : vector<1x1x16xf32> to vector<16xf32>
    %swap3A_164 = vector.shape_cast %broadcast_in_dim3A_37 : vector<16xf32> to vector<1x1x16xf32>
    tpu.vector_store %arg13[%swap3A_159, %swap3A_160, %swap3A_161], %swap3A_164 {strides = array<i32>} : memref<4x32x16xf32, #tpu.memory_space<vmem>>, vector<1x1x16xf32>,
    %swap3A_165 = arith.constant 0 : i32
    %swap3A_166 = arith.constant 16 : i32
    %swap3A_167 = arith.index_cast %swap3A_165 : i32 to index
    %swap3A_168 = arith.index_cast %swap3A_166 : i32 to index
    %swap3A_169 = arith.constant 0 : index
    %swap3A_170 = tpu.vector_load %arg13[%swap3A_167, %swap3A_168, %swap3A_169] {strides = array<i32>} : memref<4x32x16xf32, #tpu.memory_space<vmem>>, vector<1x1x16xf32>,
    %swap3A_171 = vector.shape_cast %swap3A_170 : vector<1x1x16xf32> to vector<16xf32>
    %swap3A_172 = vector.shape_cast %broadcast_in_dim3A_37 : vector<16xf32> to vector<1x1x16xf32>
    tpu.vector_store %arg13[%swap3A_167, %swap3A_168, %swap3A_169], %swap3A_172 {strides = array<i32>} : memref<4x32x16xf32, #tpu.memory_space<vmem>>, vector<1x1x16xf32>,
    %swap3A_173 = arith.constant 0 : i32
    %swap3A_174 = arith.constant 17 : i32
    %swap3A_175 = arith.index_cast %swap3A_173 : i32 to index
    %swap3A_176 = arith.index_cast %swap3A_174 : i32 to index
    %swap3A_177 = arith.constant 0 : index
    %swap3A_178 = tpu.vector_load %arg13[%swap3A_175, %swap3A_176, %swap3A_177] {strides = array<i32>} : memref<4x32x16xf32, #tpu.memory_space<vmem>>, vector<1x1x16xf32>,
    %swap3A_179 = vector.shape_cast %swap3A_178 : vector<1x1x16xf32> to vector<16xf32>
    %swap3A_180 = vector.shape_cast %broadcast_in_dim3A_37 : vector<16xf32> to vector<1x1x16xf32>
    tpu.vector_store %arg13[%swap3A_175, %swap3A_176, %swap3A_177], %swap3A_180 {strides = array<i32>} : memref<4x32x16xf32, #tpu.memory_space<vmem>>, vector<1x1x16xf32>,
    %swap3A_181 = arith.constant 0 : i32
    %swap3A_182 = arith.constant 18 : i32
    %swap3A_183 = arith.index_cast %swap3A_181 : i32 to index
    %swap3A_184 = arith.index_cast %swap3A_182 : i32 to index
    %swap3A_185 = arith.constant 0 : index
    %swap3A_186 = tpu.vector_load %arg13[%swap3A_183, %swap3A_184, %swap3A_185] {strides = array<i32>} : memref<4x32x16xf32, #tpu.memory_space<vmem>>, vector<1x1x16xf32>,
    %swap3A_187 = vector.shape_cast %swap3A_186 : vector<1x1x16xf32> to vector<16xf32>
    %swap3A_188 = vector.shape_cast %broadcast_in_dim3A_37 : vector<16xf32> to vector<1x1x16xf32>
    tpu.vector_store %arg13[%swap3A_183, %swap3A_184, %swap3A_185], %swap3A_188 {strides = array<i32>} : memref<4x32x16xf32, #tpu.memory_space<vmem>>, vector<1x1x16xf32>,
    %swap3A_189 = arith.constant 0 : i32
    %swap3A_190 = arith.constant 19 : i32
    %swap3A_191 = arith.index_cast %swap3A_189 : i32 to index
    %swap3A_192 = arith.index_cast %swap3A_190 : i32 to index
    %swap3A_193 = arith.constant 0 : index
    %swap3A_194 = tpu.vector_load %arg13[%swap3A_191, %swap3A_192, %swap3A_193] {strides = array<i32>} : memref<4x32x16xf32, #tpu.memory_space<vmem>>, vector<1x1x16xf32>,
    %swap3A_195 = vector.shape_cast %swap3A_194 : vector<1x1x16xf32> to vector<16xf32>
    %swap3A_196 = vector.shape_cast %broadcast_in_dim3A_37 : vector<16xf32> to vector<1x1x16xf32>
    tpu.vector_store %arg13[%swap3A_191, %swap3A_192, %swap3A_193], %swap3A_196 {strides = array<i32>} : memref<4x32x16xf32, #tpu.memory_space<vmem>>, vector<1x1x16xf32>,
    %swap3A_197 = arith.constant 0 : i32
    %swap3A_198 = arith.constant 20 : i32
    %swap3A_199 = arith.index_cast %swap3A_197 : i32 to index
    %swap3A_200 = arith.index_cast %swap3A_198 : i32 to index
    %swap3A_201 = arith.constant 0 : index
    %swap3A_202 = tpu.vector_load %arg13[%swap3A_199, %swap3A_200, %swap3A_201] {strides = array<i32>} : memref<4x32x16xf32, #tpu.memory_space<vmem>>, vector<1x1x16xf32>,
    %swap3A_203 = vector.shape_cast %swap3A_202 : vector<1x1x16xf32> to vector<16xf32>
    %swap3A_204 = vector.shape_cast %broadcast_in_dim3A_37 : vector<16xf32> to vector<1x1x16xf32>
    tpu.vector_store %arg13[%swap3A_199, %swap3A_200, %swap3A_201], %swap3A_204 {strides = array<i32>} : memref<4x32x16xf32, #tpu.memory_space<vmem>>, vector<1x1x16xf32>,
    %swap3A_205 = arith.constant 0 : i32
    %swap3A_206 = arith.constant 21 : i32
    %swap3A_207 = arith.index_cast %swap3A_205 : i32 to index
    %swap3A_208 = arith.index_cast %swap3A_206 : i32 to index
    %swap3A_209 = arith.constant 0 : index
    %swap3A_210 = tpu.vector_load %arg13[%swap3A_207, %swap3A_208, %swap3A_209] {strides = array<i32>} : memref<4x32x16xf32, #tpu.memory_space<vmem>>, vector<1x1x16xf32>,
    %swap3A_211 = vector.shape_cast %swap3A_210 : vector<1x1x16xf32> to vector<16xf32>
    %swap3A_212 = vector.shape_cast %broadcast_in_dim3A_37 : vector<16xf32> to vector<1x1x16xf32>
    tpu.vector_store %arg13[%swap3A_207, %swap3A_208, %swap3A_209], %swap3A_212 {strides = array<i32>} : memref<4x32x16xf32, #tpu.memory_space<vmem>>, vector<1x1x16xf32>,
    %swap3A_213 = arith.constant 0 : i32
    %swap3A_214 = arith.constant 22 : i32
    %swap3A_215 = arith.index_cast %swap3A_213 : i32 to index
    %swap3A_216 = arith.index_cast %swap3A_214 : i32 to index
    %swap3A_217 = arith.constant 0 : index
    %swap3A_218 = tpu.vector_load %arg13[%swap3A_215, %swap3A_216, %swap3A_217] {strides = array<i32>} : memref<4x32x16xf32, #tpu.memory_space<vmem>>, vector<1x1x16xf32>,
    %swap3A_219 = vector.shape_cast %swap3A_218 : vector<1x1x16xf32> to vector<16xf32>
    %swap3A_220 = vector.shape_cast %broadcast_in_dim3A_37 : vector<16xf32> to vector<1x1x16xf32>
    tpu.vector_store %arg13[%swap3A_215, %swap3A_216, %swap3A_217], %swap3A_220 {strides = array<i32>} : memref<4x32x16xf32, #tpu.memory_space<vmem>>, vector<1x1x16xf32>,
    %swap3A_221 = arith.constant 0 : i32
    %swap3A_222 = arith.constant 23 : i32
    %swap3A_223 = arith.index_cast %swap3A_221 : i32 to index
    %swap3A_224 = arith.index_cast %swap3A_222 : i32 to index
    %swap3A_225 = arith.constant 0 : index
    %swap3A_226 = tpu.vector_load %arg13[%swap3A_223, %swap3A_224, %swap3A_225] {strides = array<i32>} : memref<4x32x16xf32, #tpu.memory_space<vmem>>, vector<1x1x16xf32>,
    %swap3A_227 = vector.shape_cast %swap3A_226 : vector<1x1x16xf32> to vector<16xf32>
    %swap3A_228 = vector.shape_cast %broadcast_in_dim3A_37 : vector<16xf32> to vector<1x1x16xf32>
    tpu.vector_store %arg13[%swap3A_223, %swap3A_224, %swap3A_225], %swap3A_228 {strides = array<i32>} : memref<4x32x16xf32, #tpu.memory_space<vmem>>, vector<1x1x16xf32>,
    %swap3A_229 = arith.constant 0 : i32
    %swap3A_230 = arith.constant 24 : i32
    %swap3A_231 = arith.index_cast %swap3A_229 : i32 to index
    %swap3A_232 = arith.index_cast %swap3A_230 : i32 to index
    %swap3A_233 = arith.constant 0 : index
    %swap3A_234 = tpu.vector_load %arg13[%swap3A_231, %swap3A_232, %swap3A_233] {strides = array<i32>} : memref<4x32x16xf32, #tpu.memory_space<vmem>>, vector<1x1x16xf32>,
    %swap3A_235 = vector.shape_cast %swap3A_234 : vector<1x1x16xf32> to vector<16xf32>
    %swap3A_236 = vector.shape_cast %broadcast_in_dim3A_37 : vector<16xf32> to vector<1x1x16xf32>
    tpu.vector_store %arg13[%swap3A_231, %swap3A_232, %swap3A_233], %swap3A_236 {strides = array<i32>} : memref<4x32x16xf32, #tpu.memory_space<vmem>>, vector<1x1x16xf32>,
    %swap3A_237 = arith.constant 0 : i32
    %swap3A_238 = arith.constant 25 : i32
    %swap3A_239 = arith.index_cast %swap3A_237 : i32 to index
    %swap3A_240 = arith.index_cast %swap3A_238 : i32 to index
    %swap3A_241 = arith.constant 0 : index
    %swap3A_242 = tpu.vector_load %arg13[%swap3A_239, %swap3A_240, %swap3A_241] {strides = array<i32>} : memref<4x32x16xf32, #tpu.memory_space<vmem>>, vector<1x1x16xf32>,
    %swap3A_243 = vector.shape_cast %swap3A_242 : vector<1x1x16xf32> to vector<16xf32>
    %swap3A_244 = vector.shape_cast %broadcast_in_dim3A_37 : vector<16xf32> to vector<1x1x16xf32>
    tpu.vector_store %arg13[%swap3A_239, %swap3A_240, %swap3A_241], %swap3A_244 {strides = array<i32>} : memref<4x32x16xf32, #tpu.memory_space<vmem>>, vector<1x1x16xf32>,
    %swap3A_245 = arith.constant 0 : i32
    %swap3A_246 = arith.constant 26 : i32
    %swap3A_247 = arith.index_cast %swap3A_245 : i32 to index
    %swap3A_248 = arith.index_cast %swap3A_246 : i32 to index
    %swap3A_249 = arith.constant 0 : index
    %swap3A_250 = tpu.vector_load %arg13[%swap3A_247, %swap3A_248, %swap3A_249] {strides = array<i32>} : memref<4x32x16xf32, #tpu.memory_space<vmem>>, vector<1x1x16xf32>,
    %swap3A_251 = vector.shape_cast %swap3A_250 : vector<1x1x16xf32> to vector<16xf32>
    %swap3A_252 = vector.shape_cast %broadcast_in_dim3A_37 : vector<16xf32> to vector<1x1x16xf32>
    tpu.vector_store %arg13[%swap3A_247, %swap3A_248, %swap3A_249], %swap3A_252 {strides = array<i32>} : memref<4x32x16xf32, #tpu.memory_space<vmem>>, vector<1x1x16xf32>,
    %swap3A_253 = arith.constant 0 : i32
    %swap3A_254 = arith.constant 27 : i32
    %swap3A_255 = arith.index_cast %swap3A_253 : i32 to index
    %swap3A_256 = arith.index_cast %swap3A_254 : i32 to index
    %swap3A_257 = arith.constant 0 : index
    %swap3A_258 = tpu.vector_load %arg13[%swap3A_255, %swap3A_256, %swap3A_257] {strides = array<i32>} : memref<4x32x16xf32, #tpu.memory_space<vmem>>, vector<1x1x16xf32>,
    %swap3A_259 = vector.shape_cast %swap3A_258 : vector<1x1x16xf32> to vector<16xf32>
    %swap3A_260 = vector.shape_cast %broadcast_in_dim3A_37 : vector<16xf32> to vector<1x1x16xf32>
    tpu.vector_store %arg13[%swap3A_255, %swap3A_256, %swap3A_257], %swap3A_260 {strides = array<i32>} : memref<4x32x16xf32, #tpu.memory_space<vmem>>, vector<1x1x16xf32>,
    %swap3A_261 = arith.constant 0 : i32
    %swap3A_262 = arith.constant 28 : i32
    %swap3A_263 = arith.index_cast %swap3A_261 : i32 to index
    %swap3A_264 = arith.index_cast %swap3A_262 : i32 to index
    %swap3A_265 = arith.constant 0 : index
    %swap3A_266 = tpu.vector_load %arg13[%swap3A_263, %swap3A_264, %swap3A_265] {strides = array<i32>} : memref<4x32x16xf32, #tpu.memory_space<vmem>>, vector<1x1x16xf32>,
    %swap3A_267 = vector.shape_cast %swap3A_266 : vector<1x1x16xf32> to vector<16xf32>
    %swap3A_268 = vector.shape_cast %broadcast_in_dim3A_37 : vector<16xf32> to vector<1x1x16xf32>
    tpu.vector_store %arg13[%swap3A_263, %swap3A_264, %swap3A_265], %swap3A_268 {strides = array<i32>} : memref<4x32x16xf32, #tpu.memory_space<vmem>>, vector<1x1x16xf32>,
    %swap3A_269 = arith.constant 0 : i32
    %swap3A_270 = arith.constant 29 : i32
    %swap3A_271 = arith.index_cast %swap3A_269 : i32 to index
    %swap3A_272 = arith.index_cast %swap3A_270 : i32 to index
    %swap3A_273 = arith.constant 0 : index
    %swap3A_274 = tpu.vector_load %arg13[%swap3A_271, %swap3A_272, %swap3A_273] {strides = array<i32>} : memref<4x32x16xf32, #tpu.memory_space<vmem>>, vector<1x1x16xf32>,
    %swap3A_275 = vector.shape_cast %swap3A_274 : vector<1x1x16xf32> to vector<16xf32>
    %swap3A_276 = vector.shape_cast %broadcast_in_dim3A_37 : vector<16xf32> to vector<1x1x16xf32>
    tpu.vector_store %arg13[%swap3A_271, %swap3A_272, %swap3A_273], %swap3A_276 {strides = array<i32>} : memref<4x32x16xf32, #tpu.memory_space<vmem>>, vector<1x1x16xf32>,
    %swap3A_277 = arith.constant 0 : i32
    %swap3A_278 = arith.constant 30 : i32
    %swap3A_279 = arith.index_cast %swap3A_277 : i32 to index
    %swap3A_280 = arith.index_cast %swap3A_278 : i32 to index
    %swap3A_281 = arith.constant 0 : index
    %swap3A_282 = tpu.vector_load %arg13[%swap3A_279, %swap3A_280, %swap3A_281] {strides = array<i32>} : memref<4x32x16xf32, #tpu.memory_space<vmem>>, vector<1x1x16xf32>,
    %swap3A_283 = vector.shape_cast %swap3A_282 : vector<1x1x16xf32> to vector<16xf32>
    %swap3A_284 = vector.shape_cast %broadcast_in_dim3A_37 : vector<16xf32> to vector<1x1x16xf32>
    tpu.vector_store %arg13[%swap3A_279, %swap3A_280, %swap3A_281], %swap3A_284 {strides = array<i32>} : memref<4x32x16xf32, #tpu.memory_space<vmem>>, vector<1x1x16xf32>,
    %swap3A_285 = arith.constant 0 : i32
    %swap3A_286 = arith.constant 31 : i32
    %swap3A_287 = arith.index_cast %swap3A_285 : i32 to index
    %swap3A_288 = arith.index_cast %swap3A_286 : i32 to index
    %swap3A_289 = arith.constant 0 : index
    %swap3A_290 = tpu.vector_load %arg13[%swap3A_287, %swap3A_288, %swap3A_289] {strides = array<i32>} : memref<4x32x16xf32, #tpu.memory_space<vmem>>, vector<1x1x16xf32>,
    %swap3A_291 = vector.shape_cast %swap3A_290 : vector<1x1x16xf32> to vector<16xf32>
    %swap3A_292 = vector.shape_cast %broadcast_in_dim3A_37 : vector<16xf32> to vector<1x1x16xf32>
    tpu.vector_store %arg13[%swap3A_287, %swap3A_288, %swap3A_289], %swap3A_292 {strides = array<i32>} : memref<4x32x16xf32, #tpu.memory_space<vmem>>, vector<1x1x16xf32>,
    %swap3A_293 = arith.constant 1 : i32
    %swap3A_294 = arith.constant 0 : i32
    %swap3A_295 = arith.index_cast %swap3A_293 : i32 to index
    %swap3A_296 = arith.index_cast %swap3A_294 : i32 to index
    %swap3A_297 = arith.constant 0 : index
    %swap3A_298 = tpu.vector_load %arg13[%swap3A_295, %swap3A_296, %swap3A_297] {strides = array<i32>} : memref<4x32x16xf32, #tpu.memory_space<vmem>>, vector<1x1x16xf32>,
    %swap3A_299 = vector.shape_cast %swap3A_298 : vector<1x1x16xf32> to vector<16xf32>
    %swap3A_300 = vector.shape_cast %broadcast_in_dim3A_37 : vector<16xf32> to vector<1x1x16xf32>
    tpu.vector_store %arg13[%swap3A_295, %swap3A_296, %swap3A_297], %swap3A_300 {strides = array<i32>} : memref<4x32x16xf32, #tpu.memory_space<vmem>>, vector<1x1x16xf32>,
    %swap3A_301 = arith.constant 1 : i32
    %swap3A_302 = arith.constant 1 : i32
    %swap3A_303 = arith.index_cast %swap3A_301 : i32 to index
    %swap3A_304 = arith.index_cast %swap3A_302 : i32 to index
    %swap3A_305 = arith.constant 0 : index
    %swap3A_306 = tpu.vector_load %arg13[%swap3A_303, %swap3A_304, %swap3A_305] {strides = array<i32>} : memref<4x32x16xf32, #tpu.memory_space<vmem>>, vector<1x1x16xf32>,
    %swap3A_307 = vector.shape_cast %swap3A_306 : vector<1x1x16xf32> to vector<16xf32>
    %swap3A_308 = vector.shape_cast %broadcast_in_dim3A_37 : vector<16xf32> to vector<1x1x16xf32>
    tpu.vector_store %arg13[%swap3A_303, %swap3A_304, %swap3A_305], %swap3A_308 {strides = array<i32>} : memref<4x32x16xf32, #tpu.memory_space<vmem>>, vector<1x1x16xf32>,
    %swap3A_309 = arith.constant 1 : i32
    %swap3A_310 = arith.constant 2 : i32
    %swap3A_311 = arith.index_cast %swap3A_309 : i32 to index
    %swap3A_312 = arith.index_cast %swap3A_310 : i32 to index
    %swap3A_313 = arith.constant 0 : index
    %swap3A_314 = tpu.vector_load %arg13[%swap3A_311, %swap3A_312, %swap3A_313] {strides = array<i32>} : memref<4x32x16xf32, #tpu.memory_space<vmem>>, vector<1x1x16xf32>,
    %swap3A_315 = vector.shape_cast %swap3A_314 : vector<1x1x16xf32> to vector<16xf32>
    %swap3A_316 = vector.shape_cast %broadcast_in_dim3A_37 : vector<16xf32> to vector<1x1x16xf32>
    tpu.vector_store %arg13[%swap3A_311, %swap3A_312, %swap3A_313], %swap3A_316 {strides = array<i32>} : memref<4x32x16xf32, #tpu.memory_space<vmem>>, vector<1x1x16xf32>,
    %swap3A_317 = arith.constant 1 : i32
    %swap3A_318 = arith.constant 3 : i32
    %swap3A_319 = arith.index_cast %swap3A_317 : i32 to index
    %swap3A_320 = arith.index_cast %swap3A_318 : i32 to index
    %swap3A_321 = arith.constant 0 : index
    %swap3A_322 = tpu.vector_load %arg13[%swap3A_319, %swap3A_320, %swap3A_321] {strides = array<i32>} : memref<4x32x16xf32, #tpu.memory_space<vmem>>, vector<1x1x16xf32>,
    %swap3A_323 = vector.shape_cast %swap3A_322 : vector<1x1x16xf32> to vector<16xf32>
    %swap3A_324 = vector.shape_cast %broadcast_in_dim3A_37 : vector<16xf32> to vector<1x1x16xf32>
    tpu.vector_store %arg13[%swap3A_319, %swap3A_320, %swap3A_321], %swap3A_324 {strides = array<i32>} : memref<4x32x16xf32, #tpu.memory_space<vmem>>, vector<1x1x16xf32>,
    %swap3A_325 = arith.constant 1 : i32
    %swap3A_326 = arith.constant 4 : i32
    %swap3A_327 = arith.index_cast %swap3A_325 : i32 to index
    %swap3A_328 = arith.index_cast %swap3A_326 : i32 to index
    %swap3A_329 = arith.constant 0 : index
    %swap3A_330 = tpu.vector_load %arg13[%swap3A_327, %swap3A_328, %swap3A_329] {strides = array<i32>} : memref<4x32x16xf32, #tpu.memory_space<vmem>>, vector<1x1x16xf32>,
    %swap3A_331 = vector.shape_cast %swap3A_330 : vector<1x1x16xf32> to vector<16xf32>
    %swap3A_332 = vector.shape_cast %broadcast_in_dim3A_37 : vector<16xf32> to vector<1x1x16xf32>
    tpu.vector_store %arg13[%swap3A_327, %swap3A_328, %swap3A_329], %swap3A_332 {strides = array<i32>} : memref<4x32x16xf32, #tpu.memory_space<vmem>>, vector<1x1x16xf32>,
    %swap3A_333 = arith.constant 1 : i32
    %swap3A_334 = arith.constant 5 : i32
    %swap3A_335 = arith.index_cast %swap3A_333 : i32 to index
    %swap3A_336 = arith.index_cast %swap3A_334 : i32 to index
    %swap3A_337 = arith.constant 0 : index
    %swap3A_338 = tpu.vector_load %arg13[%swap3A_335, %swap3A_336, %swap3A_337] {strides = array<i32>} : memref<4x32x16xf32, #tpu.memory_space<vmem>>, vector<1x1x16xf32>,
    %swap3A_339 = vector.shape_cast %swap3A_338 : vector<1x1x16xf32> to vector<16xf32>
    %swap3A_340 = vector.shape_cast %broadcast_in_dim3A_37 : vector<16xf32> to vector<1x1x16xf32>
    tpu.vector_store %arg13[%swap3A_335, %swap3A_336, %swap3A_337], %swap3A_340 {strides = array<i32>} : memref<4x32x16xf32, #tpu.memory_space<vmem>>, vector<1x1x16xf32>,
    %swap3A_341 = arith.constant 1 : i32
    %swap3A_342 = arith.constant 6 : i32
    %swap3A_343 = arith.index_cast %swap3A_341 : i32 to index
    %swap3A_344 = arith.index_cast %swap3A_342 : i32 to index
    %swap3A_345 = arith.constant 0 : index
    %swap3A_346 = tpu.vector_load %arg13[%swap3A_343, %swap3A_344, %swap3A_345] {strides = array<i32>} : memref<4x32x16xf32, #tpu.memory_space<vmem>>, vector<1x1x16xf32>,
    %swap3A_347 = vector.shape_cast %swap3A_346 : vector<1x1x16xf32> to vector<16xf32>
    %swap3A_348 = vector.shape_cast %broadcast_in_dim3A_37 : vector<16xf32> to vector<1x1x16xf32>
    tpu.vector_store %arg13[%swap3A_343, %swap3A_344, %swap3A_345], %swap3A_348 {strides = array<i32>} : memref<4x32x16xf32, #tpu.memory_space<vmem>>, vector<1x1x16xf32>,
    %swap3A_349 = arith.constant 1 : i32
    %swap3A_350 = arith.constant 7 : i32
    %swap3A_351 = arith.index_cast %swap3A_349 : i32 to index
    %swap3A_352 = arith.index_cast %swap3A_350 : i32 to index
    %swap3A_353 = arith.constant 0 : index
    %swap3A_354 = tpu.vector_load %arg13[%swap3A_351, %swap3A_352, %swap3A_353] {strides = array<i32>} : memref<4x32x16xf32, #tpu.memory_space<vmem>>, vector<1x1x16xf32>,
    %swap3A_355 = vector.shape_cast %swap3A_354 : vector<1x1x16xf32> to vector<16xf32>
    %swap3A_356 = vector.shape_cast %broadcast_in_dim3A_37 : vector<16xf32> to vector<1x1x16xf32>
    tpu.vector_store %arg13[%swap3A_351, %swap3A_352, %swap3A_353], %swap3A_356 {strides = array<i32>} : memref<4x32x16xf32, #tpu.memory_space<vmem>>, vector<1x1x16xf32>,
    %swap3A_357 = arith.constant 1 : i32
    %swap3A_358 = arith.constant 8 : i32
    %swap3A_359 = arith.index_cast %swap3A_357 : i32 to index
    %swap3A_360 = arith.index_cast %swap3A_358 : i32 to index
    %swap3A_361 = arith.constant 0 : index
    %swap3A_362 = tpu.vector_load %arg13[%swap3A_359, %swap3A_360, %swap3A_361] {strides = array<i32>} : memref<4x32x16xf32, #tpu.memory_space<vmem>>, vector<1x1x16xf32>,
    %swap3A_363 = vector.shape_cast %swap3A_362 : vector<1x1x16xf32> to vector<16xf32>
    %swap3A_364 = vector.shape_cast %broadcast_in_dim3A_37 : vector<16xf32> to vector<1x1x16xf32>
    tpu.vector_store %arg13[%swap3A_359, %swap3A_360, %swap3A_361], %swap3A_364 {strides = array<i32>} : memref<4x32x16xf32, #tpu.memory_space<vmem>>, vector<1x1x16xf32>,
    %swap3A_365 = arith.constant 1 : i32
    %swap3A_366 = arith.constant 9 : i32
    %swap3A_367 = arith.index_cast %swap3A_365 : i32 to index
    %swap3A_368 = arith.index_cast %swap3A_366 : i32 to index
    %swap3A_369 = arith.constant 0 : index
    %swap3A_370 = tpu.vector_load %arg13[%swap3A_367, %swap3A_368, %swap3A_369] {strides = array<i32>} : memref<4x32x16xf32, #tpu.memory_space<vmem>>, vector<1x1x16xf32>,
    %swap3A_371 = vector.shape_cast %swap3A_370 : vector<1x1x16xf32> to vector<16xf32>
    %swap3A_372 = vector.shape_cast %broadcast_in_dim3A_37 : vector<16xf32> to vector<1x1x16xf32>
    tpu.vector_store %arg13[%swap3A_367, %swap3A_368, %swap3A_369], %swap3A_372 {strides = array<i32>} : memref<4x32x16xf32, #tpu.memory_space<vmem>>, vector<1x1x16xf32>,
    %swap3A_373 = arith.constant 1 : i32
    %swap3A_374 = arith.constant 10 : i32
    %swap3A_375 = arith.index_cast %swap3A_373 : i32 to index
    %swap3A_376 = arith.index_cast %swap3A_374 : i32 to index
    %swap3A_377 = arith.constant 0 : index
    %swap3A_378 = tpu.vector_load %arg13[%swap3A_375, %swap3A_376, %swap3A_377] {strides = array<i32>} : memref<4x32x16xf32, #tpu.memory_space<vmem>>, vector<1x1x16xf32>,
    %swap3A_379 = vector.shape_cast %swap3A_378 : vector<1x1x16xf32> to vector<16xf32>
    %swap3A_380 = vector.shape_cast %broadcast_in_dim3A_37 : vector<16xf32> to vector<1x1x16xf32>
    tpu.vector_store %arg13[%swap3A_375, %swap3A_376, %swap3A_377], %swap3A_380 {strides = array<i32>} : memref<4x32x16xf32, #tpu.memory_space<vmem>>, vector<1x1x16xf32>,
    %swap3A_381 = arith.constant 1 : i32
    %swap3A_382 = arith.constant 11 : i32
    %swap3A_383 = arith.index_cast %swap3A_381 : i32 to index
    %swap3A_384 = arith.index_cast %swap3A_382 : i32 to index
    %swap3A_385 = arith.constant 0 : index
    %swap3A_386 = tpu.vector_load %arg13[%swap3A_383, %swap3A_384, %swap3A_385] {strides = array<i32>} : memref<4x32x16xf32, #tpu.memory_space<vmem>>, vector<1x1x16xf32>,
    %swap3A_387 = vector.shape_cast %swap3A_386 : vector<1x1x16xf32> to vector<16xf32>
    %swap3A_388 = vector.shape_cast %broadcast_in_dim3A_37 : vector<16xf32> to vector<1x1x16xf32>
    tpu.vector_store %arg13[%swap3A_383, %swap3A_384, %swap3A_385], %swap3A_388 {strides = array<i32>} : memref<4x32x16xf32, #tpu.memory_space<vmem>>, vector<1x1x16xf32>,
    %swap3A_389 = arith.constant 1 : i32
    %swap3A_390 = arith.constant 12 : i32
    %swap3A_391 = arith.index_cast %swap3A_389 : i32 to index
    %swap3A_392 = arith.index_cast %swap3A_390 : i32 to index
    %swap3A_393 = arith.constant 0 : index
    %swap3A_394 = tpu.vector_load %arg13[%swap3A_391, %swap3A_392, %swap3A_393] {strides = array<i32>} : memref<4x32x16xf32, #tpu.memory_space<vmem>>, vector<1x1x16xf32>,
    %swap3A_395 = vector.shape_cast %swap3A_394 : vector<1x1x16xf32> to vector<16xf32>
    %swap3A_396 = vector.shape_cast %broadcast_in_dim3A_37 : vector<16xf32> to vector<1x1x16xf32>
    tpu.vector_store %arg13[%swap3A_391, %swap3A_392, %swap3A_393], %swap3A_396 {strides = array<i32>} : memref<4x32x16xf32, #tpu.memory_space<vmem>>, vector<1x1x16xf32>,
    %swap3A_397 = arith.constant 1 : i32
    %swap3A_398 = arith.constant 13 : i32
    %swap3A_399 = arith.index_cast %swap3A_397 : i32 to index
    %swap3A_400 = arith.index_cast %swap3A_398 : i32 to index
    %swap3A_401 = arith.constant 0 : index
    %swap3A_402 = tpu.vector_load %arg13[%swap3A_399, %swap3A_400, %swap3A_401] {strides = array<i32>} : memref<4x32x16xf32, #tpu.memory_space<vmem>>, vector<1x1x16xf32>,
    %swap3A_403 = vector.shape_cast %swap3A_402 : vector<1x1x16xf32> to vector<16xf32>
    %swap3A_404 = vector.shape_cast %broadcast_in_dim3A_37 : vector<16xf32> to vector<1x1x16xf32>
    tpu.vector_store %arg13[%swap3A_399, %swap3A_400, %swap3A_401], %swap3A_404 {strides = array<i32>} : memref<4x32x16xf32, #tpu.memory_space<vmem>>, vector<1x1x16xf32>,
    %swap3A_405 = arith.constant 1 : i32
    %swap3A_406 = arith.constant 14 : i32
    %swap3A_407 = arith.index_cast %swap3A_405 : i32 to index
    %swap3A_408 = arith.index_cast %swap3A_406 : i32 to index
    %swap3A_409 = arith.constant 0 : index
    %swap3A_410 = tpu.vector_load %arg13[%swap3A_407, %swap3A_408, %swap3A_409] {strides = array<i32>} : memref<4x32x16xf32, #tpu.memory_space<vmem>>, vector<1x1x16xf32>,
    %swap3A_411 = vector.shape_cast %swap3A_410 : vector<1x1x16xf32> to vector<16xf32>
    %swap3A_412 = vector.shape_cast %broadcast_in_dim3A_37 : vector<16xf32> to vector<1x1x16xf32>
    tpu.vector_store %arg13[%swap3A_407, %swap3A_408, %swap3A_409], %swap3A_412 {strides = array<i32>} : memref<4x32x16xf32, #tpu.memory_space<vmem>>, vector<1x1x16xf32>,
    %swap3A_413 = arith.constant 1 : i32
    %swap3A_414 = arith.constant 15 : i32
    %swap3A_415 = arith.index_cast %swap3A_413 : i32 to index
    %swap3A_416 = arith.index_cast %swap3A_414 : i32 to index
    %swap3A_417 = arith.constant 0 : index
    %swap3A_418 = tpu.vector_load %arg13[%swap3A_415, %swap3A_416, %swap3A_417] {strides = array<i32>} : memref<4x32x16xf32, #tpu.memory_space<vmem>>, vector<1x1x16xf32>,
    %swap3A_419 = vector.shape_cast %swap3A_418 : vector<1x1x16xf32> to vector<16xf32>
    %swap3A_420 = vector.shape_cast %broadcast_in_dim3A_37 : vector<16xf32> to vector<1x1x16xf32>
    tpu.vector_store %arg13[%swap3A_415, %swap3A_416, %swap3A_417], %swap3A_420 {strides = array<i32>} : memref<4x32x16xf32, #tpu.memory_space<vmem>>, vector<1x1x16xf32>,
    %swap3A_421 = arith.constant 1 : i32
    %swap3A_422 = arith.constant 16 : i32
    %swap3A_423 = arith.index_cast %swap3A_421 : i32 to index
    %swap3A_424 = arith.index_cast %swap3A_422 : i32 to index
    %swap3A_425 = arith.constant 0 : index
    %swap3A_426 = tpu.vector_load %arg13[%swap3A_423, %swap3A_424, %swap3A_425] {strides = array<i32>} : memref<4x32x16xf32, #tpu.memory_space<vmem>>, vector<1x1x16xf32>,
    %swap3A_427 = vector.shape_cast %swap3A_426 : vector<1x1x16xf32> to vector<16xf32>
    %swap3A_428 = vector.shape_cast %broadcast_in_dim3A_37 : vector<16xf32> to vector<1x1x16xf32>
    tpu.vector_store %arg13[%swap3A_423, %swap3A_424, %swap3A_425], %swap3A_428 {strides = array<i32>} : memref<4x32x16xf32, #tpu.memory_space<vmem>>, vector<1x1x16xf32>,
    %swap3A_429 = arith.constant 1 : i32
    %swap3A_430 = arith.constant 17 : i32
    %swap3A_431 = arith.index_cast %swap3A_429 : i32 to index
    %swap3A_432 = arith.index_cast %swap3A_430 : i32 to index
    %swap3A_433 = arith.constant 0 : index
    %swap3A_434 = tpu.vector_load %arg13[%swap3A_431, %swap3A_432, %swap3A_433] {strides = array<i32>} : memref<4x32x16xf32, #tpu.memory_space<vmem>>, vector<1x1x16xf32>,
    %swap3A_435 = vector.shape_cast %swap3A_434 : vector<1x1x16xf32> to vector<16xf32>
    %swap3A_436 = vector.shape_cast %broadcast_in_dim3A_37 : vector<16xf32> to vector<1x1x16xf32>
    tpu.vector_store %arg13[%swap3A_431, %swap3A_432, %swap3A_433], %swap3A_436 {strides = array<i32>} : memref<4x32x16xf32, #tpu.memory_space<vmem>>, vector<1x1x16xf32>,
    %swap3A_437 = arith.constant 1 : i32
    %swap3A_438 = arith.constant 18 : i32
    %swap3A_439 = arith.index_cast %swap3A_437 : i32 to index
    %swap3A_440 = arith.index_cast %swap3A_438 : i32 to index
    %swap3A_441 = arith.constant 0 : index
    %swap3A_442 = tpu.vector_load %arg13[%swap3A_439, %swap3A_440, %swap3A_441] {strides = array<i32>} : memref<4x32x16xf32, #tpu.memory_space<vmem>>, vector<1x1x16xf32>,
    %swap3A_443 = vector.shape_cast %swap3A_442 : vector<1x1x16xf32> to vector<16xf32>
    %swap3A_444 = vector.shape_cast %broadcast_in_dim3A_37 : vector<16xf32> to vector<1x1x16xf32>
    tpu.vector_store %arg13[%swap3A_439, %swap3A_440, %swap3A_441], %swap3A_444 {strides = array<i32>} : memref<4x32x16xf32, #tpu.memory_space<vmem>>, vector<1x1x16xf32>,
    %swap3A_445 = arith.constant 1 : i32
    %swap3A_446 = arith.constant 19 : i32
    %swap3A_447 = arith.index_cast %swap3A_445 : i32 to index
    %swap3A_448 = arith.index_cast %swap3A_446 : i32 to index
    %swap3A_449 = arith.constant 0 : index
    %swap3A_450 = tpu.vector_load %arg13[%swap3A_447, %swap3A_448, %swap3A_449] {strides = array<i32>} : memref<4x32x16xf32, #tpu.memory_space<vmem>>, vector<1x1x16xf32>,
    %swap3A_451 = vector.shape_cast %swap3A_450 : vector<1x1x16xf32> to vector<16xf32>
    %swap3A_452 = vector.shape_cast %broadcast_in_dim3A_37 : vector<16xf32> to vector<1x1x16xf32>
    tpu.vector_store %arg13[%swap3A_447, %swap3A_448, %swap3A_449], %swap3A_452 {strides = array<i32>} : memref<4x32x16xf32, #tpu.memory_space<vmem>>, vector<1x1x16xf32>,
    %swap3A_453 = arith.constant 1 : i32
    %swap3A_454 = arith.constant 20 : i32
    %swap3A_455 = arith.index_cast %swap3A_453 : i32 to index
    %swap3A_456 = arith.index_cast %swap3A_454 : i32 to index
    %swap3A_457 = arith.constant 0 : index
    %swap3A_458 = tpu.vector_load %arg13[%swap3A_455, %swap3A_456, %swap3A_457] {strides = array<i32>} : memref<4x32x16xf32, #tpu.memory_space<vmem>>, vector<1x1x16xf32>,
    %swap3A_459 = vector.shape_cast %swap3A_458 : vector<1x1x16xf32> to vector<16xf32>
    %swap3A_460 = vector.shape_cast %broadcast_in_dim3A_37 : vector<16xf32> to vector<1x1x16xf32>
    tpu.vector_store %arg13[%swap3A_455, %swap3A_456, %swap3A_457], %swap3A_460 {strides = array<i32>} : memref<4x32x16xf32, #tpu.memory_space<vmem>>, vector<1x1x16xf32>,
    %swap3A_461 = arith.constant 1 : i32
    %swap3A_462 = arith.constant 21 : i32
    %swap3A_463 = arith.index_cast %swap3A_461 : i32 to index
    %swap3A_464 = arith.index_cast %swap3A_462 : i32 to index
    %swap3A_465 = arith.constant 0 : index
    %swap3A_466 = tpu.vector_load %arg13[%swap3A_463, %swap3A_464, %swap3A_465] {strides = array<i32>} : memref<4x32x16xf32, #tpu.memory_space<vmem>>, vector<1x1x16xf32>,
    %swap3A_467 = vector.shape_cast %swap3A_466 : vector<1x1x16xf32> to vector<16xf32>
    %swap3A_468 = vector.shape_cast %broadcast_in_dim3A_37 : vector<16xf32> to vector<1x1x16xf32>
    tpu.vector_store %arg13[%swap3A_463, %swap3A_464, %swap3A_465], %swap3A_468 {strides = array<i32>} : memref<4x32x16xf32, #tpu.memory_space<vmem>>, vector<1x1x16xf32>,
    %swap3A_469 = arith.constant 1 : i32
    %swap3A_470 = arith.constant 22 : i32
    %swap3A_471 = arith.index_cast %swap3A_469 : i32 to index
    %swap3A_472 = arith.index_cast %swap3A_470 : i32 to index
    %swap3A_473 = arith.constant 0 : index
    %swap3A_474 = tpu.vector_load %arg13[%swap3A_471, %swap3A_472, %swap3A_473] {strides = array<i32>} : memref<4x32x16xf32, #tpu.memory_space<vmem>>, vector<1x1x16xf32>,
    %swap3A_475 = vector.shape_cast %swap3A_474 : vector<1x1x16xf32> to vector<16xf32>
    %swap3A_476 = vector.shape_cast %broadcast_in_dim3A_37 : vector<16xf32> to vector<1x1x16xf32>
    tpu.vector_store %arg13[%swap3A_471, %swap3A_472, %swap3A_473], %swap3A_476 {strides = array<i32>} : memref<4x32x16xf32, #tpu.memory_space<vmem>>, vector<1x1x16xf32>,
    %swap3A_477 = arith.constant 1 : i32
    %swap3A_478 = arith.constant 23 : i32
    %swap3A_479 = arith.index_cast %swap3A_477 : i32 to index
    %swap3A_480 = arith.index_cast %swap3A_478 : i32 to index
    %swap3A_481 = arith.constant 0 : index
    %swap3A_482 = tpu.vector_load %arg13[%swap3A_479, %swap3A_480, %swap3A_481] {strides = array<i32>} : memref<4x32x16xf32, #tpu.memory_space<vmem>>, vector<1x1x16xf32>,
    %swap3A_483 = vector.shape_cast %swap3A_482 : vector<1x1x16xf32> to vector<16xf32>
    %swap3A_484 = vector.shape_cast %broadcast_in_dim3A_37 : vector<16xf32> to vector<1x1x16xf32>
    tpu.vector_store %arg13[%swap3A_479, %swap3A_480, %swap3A_481], %swap3A_484 {strides = array<i32>} : memref<4x32x16xf32, #tpu.memory_space<vmem>>, vector<1x1x16xf32>,
    %swap3A_485 = arith.constant 1 : i32
    %swap3A_486 = arith.constant 24 : i32
    %swap3A_487 = arith.index_cast %swap3A_485 : i32 to index
    %swap3A_488 = arith.index_cast %swap3A_486 : i32 to index
    %swap3A_489 = arith.constant 0 : index
    %swap3A_490 = tpu.vector_load %arg13[%swap3A_487, %swap3A_488, %swap3A_489] {strides = array<i32>} : memref<4x32x16xf32, #tpu.memory_space<vmem>>, vector<1x1x16xf32>,
    %swap3A_491 = vector.shape_cast %swap3A_490 : vector<1x1x16xf32> to vector<16xf32>
    %swap3A_492 = vector.shape_cast %broadcast_in_dim3A_37 : vector<16xf32> to vector<1x1x16xf32>
    tpu.vector_store %arg13[%swap3A_487, %swap3A_488, %swap3A_489], %swap3A_492 {strides = array<i32>} : memref<4x32x16xf32, #tpu.memory_space<vmem>>, vector<1x1x16xf32>,
    %swap3A_493 = arith.constant 1 : i32
    %swap3A_494 = arith.constant 25 : i32
    %swap3A_495 = arith.index_cast %swap3A_493 : i32 to index
    %swap3A_496 = arith.index_cast %swap3A_494 : i32 to index
    %swap3A_497 = arith.constant 0 : index
    %swap3A_498 = tpu.vector_load %arg13[%swap3A_495, %swap3A_496, %swap3A_497] {strides = array<i32>} : memref<4x32x16xf32, #tpu.memory_space<vmem>>, vector<1x1x16xf32>,
    %swap3A_499 = vector.shape_cast %swap3A_498 : vector<1x1x16xf32> to vector<16xf32>
    %swap3A_500 = vector.shape_cast %broadcast_in_dim3A_37 : vector<16xf32> to vector<1x1x16xf32>
    tpu.vector_store %arg13[%swap3A_495, %swap3A_496, %swap3A_497], %swap3A_500 {strides = array<i32>} : memref<4x32x16xf32, #tpu.memory_space<vmem>>, vector<1x1x16xf32>,
    %swap3A_501 = arith.constant 1 : i32
    %swap3A_502 = arith.constant 26 : i32
    %swap3A_503 = arith.index_cast %swap3A_501 : i32 to index
    %swap3A_504 = arith.index_cast %swap3A_502 : i32 to index
    %swap3A_505 = arith.constant 0 : index
    %swap3A_506 = tpu.vector_load %arg13[%swap3A_503, %swap3A_504, %swap3A_505] {strides = array<i32>} : memref<4x32x16xf32, #tpu.memory_space<vmem>>, vector<1x1x16xf32>,
    %swap3A_507 = vector.shape_cast %swap3A_506 : vector<1x1x16xf32> to vector<16xf32>
    %swap3A_508 = vector.shape_cast %broadcast_in_dim3A_37 : vector<16xf32> to vector<1x1x16xf32>
    tpu.vector_store %arg13[%swap3A_503, %swap3A_504, %swap3A_505], %swap3A_508 {strides = array<i32>} : memref<4x32x16xf32, #tpu.memory_space<vmem>>, vector<1x1x16xf32>,
    %swap3A_509 = arith.constant 1 : i32
    %swap3A_510 = arith.constant 27 : i32
    %swap3A_511 = arith.index_cast %swap3A_509 : i32 to index
    %swap3A_512 = arith.index_cast %swap3A_510 : i32 to index
    %swap3A_513 = arith.constant 0 : index
    %swap3A_514 = tpu.vector_load %arg13[%swap3A_511, %swap3A_512, %swap3A_513] {strides = array<i32>} : memref<4x32x16xf32, #tpu.memory_space<vmem>>, vector<1x1x16xf32>,
    %swap3A_515 = vector.shape_cast %swap3A_514 : vector<1x1x16xf32> to vector<16xf32>
    %swap3A_516 = vector.shape_cast %broadcast_in_dim3A_37 : vector<16xf32> to vector<1x1x16xf32>
    tpu.vector_store %arg13[%swap3A_511, %swap3A_512, %swap3A_513], %swap3A_516 {strides = array<i32>} : memref<4x32x16xf32, #tpu.memory_space<vmem>>, vector<1x1x16xf32>,
    %swap3A_517 = arith.constant 1 : i32
    %swap3A_518 = arith.constant 28 : i32
    %swap3A_519 = arith.index_cast %swap3A_517 : i32 to index
    %swap3A_520 = arith.index_cast %swap3A_518 : i32 to index
    %swap3A_521 = arith.constant 0 : index
    %swap3A_522 = tpu.vector_load %arg13[%swap3A_519, %swap3A_520, %swap3A_521] {strides = array<i32>} : memref<4x32x16xf32, #tpu.memory_space<vmem>>, vector<1x1x16xf32>,
    %swap3A_523 = vector.shape_cast %swap3A_522 : vector<1x1x16xf32> to vector<16xf32>
    %swap3A_524 = vector.shape_cast %broadcast_in_dim3A_37 : vector<16xf32> to vector<1x1x16xf32>
    tpu.vector_store %arg13[%swap3A_519, %swap3A_520, %swap3A_521], %swap3A_524 {strides = array<i32>} : memref<4x32x16xf32, #tpu.memory_space<vmem>>, vector<1x1x16xf32>,
    %swap3A_525 = arith.constant 1 : i32
    %swap3A_526 = arith.constant 29 : i32
    %swap3A_527 = arith.index_cast %swap3A_525 : i32 to index
    %swap3A_528 = arith.index_cast %swap3A_526 : i32 to index
    %swap3A_529 = arith.constant 0 : index
    %swap3A_530 = tpu.vector_load %arg13[%swap3A_527, %swap3A_528, %swap3A_529] {strides = array<i32>} : memref<4x32x16xf32, #tpu.memory_space<vmem>>, vector<1x1x16xf32>,
    %swap3A_531 = vector.shape_cast %swap3A_530 : vector<1x1x16xf32> to vector<16xf32>
    %swap3A_532 = vector.shape_cast %broadcast_in_dim3A_37 : vector<16xf32> to vector<1x1x16xf32>
    tpu.vector_store %arg13[%swap3A_527, %swap3A_528, %swap3A_529], %swap3A_532 {strides = array<i32>} : memref<4x32x16xf32, #tpu.memory_space<vmem>>, vector<1x1x16xf32>,
    %swap3A_533 = arith.constant 1 : i32
    %swap3A_534 = arith.constant 30 : i32
    %swap3A_535 = arith.index_cast %swap3A_533 : i32 to index
    %swap3A_536 = arith.index_cast %swap3A_534 : i32 to index
    %swap3A_537 = arith.constant 0 : index
    %swap3A_538 = tpu.vector_load %arg13[%swap3A_535, %swap3A_536, %swap3A_537] {strides = array<i32>} : memref<4x32x16xf32, #tpu.memory_space<vmem>>, vector<1x1x16xf32>,
    %swap3A_539 = vector.shape_cast %swap3A_538 : vector<1x1x16xf32> to vector<16xf32>
    %swap3A_540 = vector.shape_cast %broadcast_in_dim3A_37 : vector<16xf32> to vector<1x1x16xf32>
    tpu.vector_store %arg13[%swap3A_535, %swap3A_536, %swap3A_537], %swap3A_540 {strides = array<i32>} : memref<4x32x16xf32, #tpu.memory_space<vmem>>, vector<1x1x16xf32>,
    %swap3A_541 = arith.constant 1 : i32
    %swap3A_542 = arith.constant 31 : i32
    %swap3A_543 = arith.index_cast %swap3A_541 : i32 to index
    %swap3A_544 = arith.index_cast %swap3A_542 : i32 to index
    %swap3A_545 = arith.constant 0 : index
    %swap3A_546 = tpu.vector_load %arg13[%swap3A_543, %swap3A_544, %swap3A_545] {strides = array<i32>} : memref<4x32x16xf32, #tpu.memory_space<vmem>>, vector<1x1x16xf32>,
    %swap3A_547 = vector.shape_cast %swap3A_546 : vector<1x1x16xf32> to vector<16xf32>
    %swap3A_548 = vector.shape_cast %broadcast_in_dim3A_37 : vector<16xf32> to vector<1x1x16xf32>
    tpu.vector_store %arg13[%swap3A_543, %swap3A_544, %swap3A_545], %swap3A_548 {strides = array<i32>} : memref<4x32x16xf32, #tpu.memory_space<vmem>>, vector<1x1x16xf32>,
    %swap3A_549 = arith.constant 2 : i32
    %swap3A_550 = arith.constant 0 : i32
    %swap3A_551 = arith.index_cast %swap3A_549 : i32 to index
    %swap3A_552 = arith.index_cast %swap3A_550 : i32 to index
    %swap3A_553 = arith.constant 0 : index
    %swap3A_554 = tpu.vector_load %arg13[%swap3A_551, %swap3A_552, %swap3A_553] {strides = array<i32>} : memref<4x32x16xf32, #tpu.memory_space<vmem>>, vector<1x1x16xf32>,
    %swap3A_555 = vector.shape_cast %swap3A_554 : vector<1x1x16xf32> to vector<16xf32>
    %swap3A_556 = vector.shape_cast %broadcast_in_dim3A_37 : vector<16xf32> to vector<1x1x16xf32>
    tpu.vector_store %arg13[%swap3A_551, %swap3A_552, %swap3A_553], %swap3A_556 {strides = array<i32>} : memref<4x32x16xf32, #tpu.memory_space<vmem>>, vector<1x1x16xf32>,
    %swap3A_557 = arith.constant 2 : i32
    %swap3A_558 = arith.constant 1 : i32
    %swap3A_559 = arith.index_cast %swap3A_557 : i32 to index
    %swap3A_560 = arith.index_cast %swap3A_558 : i32 to index
    %swap3A_561 = arith.constant 0 : index
    %swap3A_562 = tpu.vector_load %arg13[%swap3A_559, %swap3A_560, %swap3A_561] {strides = array<i32>} : memref<4x32x16xf32, #tpu.memory_space<vmem>>, vector<1x1x16xf32>,
    %swap3A_563 = vector.shape_cast %swap3A_562 : vector<1x1x16xf32> to vector<16xf32>
    %swap3A_564 = vector.shape_cast %broadcast_in_dim3A_37 : vector<16xf32> to vector<1x1x16xf32>
    tpu.vector_store %arg13[%swap3A_559, %swap3A_560, %swap3A_561], %swap3A_564 {strides = array<i32>} : memref<4x32x16xf32, #tpu.memory_space<vmem>>, vector<1x1x16xf32>,
    %swap3A_565 = arith.constant 2 : i32
    %swap3A_566 = arith.constant 2 : i32
    %swap3A_567 = arith.index_cast %swap3A_565 : i32 to index
    %swap3A_568 = arith.index_cast %swap3A_566 : i32 to index
    %swap3A_569 = arith.constant 0 : index
    %swap3A_570 = tpu.vector_load %arg13[%swap3A_567, %swap3A_568, %swap3A_569] {strides = array<i32>} : memref<4x32x16xf32, #tpu.memory_space<vmem>>, vector<1x1x16xf32>,
    %swap3A_571 = vector.shape_cast %swap3A_570 : vector<1x1x16xf32> to vector<16xf32>
    %swap3A_572 = vector.shape_cast %broadcast_in_dim3A_37 : vector<16xf32> to vector<1x1x16xf32>
    tpu.vector_store %arg13[%swap3A_567, %swap3A_568, %swap3A_569], %swap3A_572 {strides = array<i32>} : memref<4x32x16xf32, #tpu.memory_space<vmem>>, vector<1x1x16xf32>,
    %swap3A_573 = arith.constant 2 : i32
    %swap3A_574 = arith.constant 3 : i32
    %swap3A_575 = arith.index_cast %swap3A_573 : i32 to index
    %swap3A_576 = arith.index_cast %swap3A_574 : i32 to index
    %swap3A_577 = arith.constant 0 : index
    %swap3A_578 = tpu.vector_load %arg13[%swap3A_575, %swap3A_576, %swap3A_577] {strides = array<i32>} : memref<4x32x16xf32, #tpu.memory_space<vmem>>, vector<1x1x16xf32>,
    %swap3A_579 = vector.shape_cast %swap3A_578 : vector<1x1x16xf32> to vector<16xf32>
    %swap3A_580 = vector.shape_cast %broadcast_in_dim3A_37 : vector<16xf32> to vector<1x1x16xf32>
    tpu.vector_store %arg13[%swap3A_575, %swap3A_576, %swap3A_577], %swap3A_580 {strides = array<i32>} : memref<4x32x16xf32, #tpu.memory_space<vmem>>, vector<1x1x16xf32>,
    %swap3A_581 = arith.constant 2 : i32
    %swap3A_582 = arith.constant 4 : i32
    %swap3A_583 = arith.index_cast %swap3A_581 : i32 to index
    %swap3A_584 = arith.index_cast %swap3A_582 : i32 to index
    %swap3A_585 = arith.constant 0 : index
    %swap3A_586 = tpu.vector_load %arg13[%swap3A_583, %swap3A_584, %swap3A_585] {strides = array<i32>} : memref<4x32x16xf32, #tpu.memory_space<vmem>>, vector<1x1x16xf32>,
    %swap3A_587 = vector.shape_cast %swap3A_586 : vector<1x1x16xf32> to vector<16xf32>
    %swap3A_588 = vector.shape_cast %broadcast_in_dim3A_37 : vector<16xf32> to vector<1x1x16xf32>
    tpu.vector_store %arg13[%swap3A_583, %swap3A_584, %swap3A_585], %swap3A_588 {strides = array<i32>} : memref<4x32x16xf32, #tpu.memory_space<vmem>>, vector<1x1x16xf32>,
    %swap3A_589 = arith.constant 2 : i32
    %swap3A_590 = arith.constant 5 : i32
    %swap3A_591 = arith.index_cast %swap3A_589 : i32 to index
    %swap3A_592 = arith.index_cast %swap3A_590 : i32 to index
    %swap3A_593 = arith.constant 0 : index
    %swap3A_594 = tpu.vector_load %arg13[%swap3A_591, %swap3A_592, %swap3A_593] {strides = array<i32>} : memref<4x32x16xf32, #tpu.memory_space<vmem>>, vector<1x1x16xf32>,
    %swap3A_595 = vector.shape_cast %swap3A_594 : vector<1x1x16xf32> to vector<16xf32>
    %swap3A_596 = vector.shape_cast %broadcast_in_dim3A_37 : vector<16xf32> to vector<1x1x16xf32>
    tpu.vector_store %arg13[%swap3A_591, %swap3A_592, %swap3A_593], %swap3A_596 {strides = array<i32>} : memref<4x32x16xf32, #tpu.memory_space<vmem>>, vector<1x1x16xf32>,
    %swap3A_597 = arith.constant 2 : i32
    %swap3A_598 = arith.constant 6 : i32
    %swap3A_599 = arith.index_cast %swap3A_597 : i32 to index
    %swap3A_600 = arith.index_cast %swap3A_598 : i32 to index
    %swap3A_601 = arith.constant 0 : index
    %swap3A_602 = tpu.vector_load %arg13[%swap3A_599, %swap3A_600, %swap3A_601] {strides = array<i32>} : memref<4x32x16xf32, #tpu.memory_space<vmem>>, vector<1x1x16xf32>,
    %swap3A_603 = vector.shape_cast %swap3A_602 : vector<1x1x16xf32> to vector<16xf32>
    %swap3A_604 = vector.shape_cast %broadcast_in_dim3A_37 : vector<16xf32> to vector<1x1x16xf32>
    tpu.vector_store %arg13[%swap3A_599, %swap3A_600, %swap3A_601], %swap3A_604 {strides = array<i32>} : memref<4x32x16xf32, #tpu.memory_space<vmem>>, vector<1x1x16xf32>,
    %swap3A_605 = arith.constant 2 : i32
    %swap3A_606 = arith.constant 7 : i32
    %swap3A_607 = arith.index_cast %swap3A_605 : i32 to index
    %swap3A_608 = arith.index_cast %swap3A_606 : i32 to index
    %swap3A_609 = arith.constant 0 : index
    %swap3A_610 = tpu.vector_load %arg13[%swap3A_607, %swap3A_608, %swap3A_609] {strides = array<i32>} : memref<4x32x16xf32, #tpu.memory_space<vmem>>, vector<1x1x16xf32>,
    %swap3A_611 = vector.shape_cast %swap3A_610 : vector<1x1x16xf32> to vector<16xf32>
    %swap3A_612 = vector.shape_cast %broadcast_in_dim3A_37 : vector<16xf32> to vector<1x1x16xf32>
    tpu.vector_store %arg13[%swap3A_607, %swap3A_608, %swap3A_609], %swap3A_612 {strides = array<i32>} : memref<4x32x16xf32, #tpu.memory_space<vmem>>, vector<1x1x16xf32>,
    %swap3A_613 = arith.constant 2 : i32
    %swap3A_614 = arith.constant 8 : i32
    %swap3A_615 = arith.index_cast %swap3A_613 : i32 to index
    %swap3A_616 = arith.index_cast %swap3A_614 : i32 to index
    %swap3A_617 = arith.constant 0 : index
    %swap3A_618 = tpu.vector_load %arg13[%swap3A_615, %swap3A_616, %swap3A_617] {strides = array<i32>} : memref<4x32x16xf32, #tpu.memory_space<vmem>>, vector<1x1x16xf32>,
    %swap3A_619 = vector.shape_cast %swap3A_618 : vector<1x1x16xf32> to vector<16xf32>
    %swap3A_620 = vector.shape_cast %broadcast_in_dim3A_37 : vector<16xf32> to vector<1x1x16xf32>
    tpu.vector_store %arg13[%swap3A_615, %swap3A_616, %swap3A_617], %swap3A_620 {strides = array<i32>} : memref<4x32x16xf32, #tpu.memory_space<vmem>>, vector<1x1x16xf32>,
    %swap3A_621 = arith.constant 2 : i32
    %swap3A_622 = arith.constant 9 : i32
    %swap3A_623 = arith.index_cast %swap3A_621 : i32 to index
    %swap3A_624 = arith.index_cast %swap3A_622 : i32 to index
    %swap3A_625 = arith.constant 0 : index
    %swap3A_626 = tpu.vector_load %arg13[%swap3A_623, %swap3A_624, %swap3A_625] {strides = array<i32>} : memref<4x32x16xf32, #tpu.memory_space<vmem>>, vector<1x1x16xf32>,
    %swap3A_627 = vector.shape_cast %swap3A_626 : vector<1x1x16xf32> to vector<16xf32>
    %swap3A_628 = vector.shape_cast %broadcast_in_dim3A_37 : vector<16xf32> to vector<1x1x16xf32>
    tpu.vector_store %arg13[%swap3A_623, %swap3A_624, %swap3A_625], %swap3A_628 {strides = array<i32>} : memref<4x32x16xf32, #tpu.memory_space<vmem>>, vector<1x1x16xf32>,
    %swap3A_629 = arith.constant 2 : i32
    %swap3A_630 = arith.constant 10 : i32
    %swap3A_631 = arith.index_cast %swap3A_629 : i32 to index
    %swap3A_632 = arith.index_cast %swap3A_630 : i32 to index
    %swap3A_633 = arith.constant 0 : index
    %swap3A_634 = tpu.vector_load %arg13[%swap3A_631, %swap3A_632, %swap3A_633] {strides = array<i32>} : memref<4x32x16xf32, #tpu.memory_space<vmem>>, vector<1x1x16xf32>,
    %swap3A_635 = vector.shape_cast %swap3A_634 : vector<1x1x16xf32> to vector<16xf32>
    %swap3A_636 = vector.shape_cast %broadcast_in_dim3A_37 : vector<16xf32> to vector<1x1x16xf32>
    tpu.vector_store %arg13[%swap3A_631, %swap3A_632, %swap3A_633], %swap3A_636 {strides = array<i32>} : memref<4x32x16xf32, #tpu.memory_space<vmem>>, vector<1x1x16xf32>,
    %swap3A_637 = arith.constant 2 : i32
    %swap3A_638 = arith.constant 11 : i32
    %swap3A_639 = arith.index_cast %swap3A_637 : i32 to index
    %swap3A_640 = arith.index_cast %swap3A_638 : i32 to index
    %swap3A_641 = arith.constant 0 : index
    %swap3A_642 = tpu.vector_load %arg13[%swap3A_639, %swap3A_640, %swap3A_641] {strides = array<i32>} : memref<4x32x16xf32, #tpu.memory_space<vmem>>, vector<1x1x16xf32>,
    %swap3A_643 = vector.shape_cast %swap3A_642 : vector<1x1x16xf32> to vector<16xf32>
    %swap3A_644 = vector.shape_cast %broadcast_in_dim3A_37 : vector<16xf32> to vector<1x1x16xf32>
    tpu.vector_store %arg13[%swap3A_639, %swap3A_640, %swap3A_641], %swap3A_644 {strides = array<i32>} : memref<4x32x16xf32, #tpu.memory_space<vmem>>, vector<1x1x16xf32>,
    %swap3A_645 = arith.constant 2 : i32
    %swap3A_646 = arith.constant 12 : i32
    %swap3A_647 = arith.index_cast %swap3A_645 : i32 to index
    %swap3A_648 = arith.index_cast %swap3A_646 : i32 to index
    %swap3A_649 = arith.constant 0 : index
    %swap3A_650 = tpu.vector_load %arg13[%swap3A_647, %swap3A_648, %swap3A_649] {strides = array<i32>} : memref<4x32x16xf32, #tpu.memory_space<vmem>>, vector<1x1x16xf32>,
    %swap3A_651 = vector.shape_cast %swap3A_650 : vector<1x1x16xf32> to vector<16xf32>
    %swap3A_652 = vector.shape_cast %broadcast_in_dim3A_37 : vector<16xf32> to vector<1x1x16xf32>
    tpu.vector_store %arg13[%swap3A_647, %swap3A_648, %swap3A_649], %swap3A_652 {strides = array<i32>} : memref<4x32x16xf32, #tpu.memory_space<vmem>>, vector<1x1x16xf32>,
    %swap3A_653 = arith.constant 2 : i32
    %swap3A_654 = arith.constant 13 : i32
    %swap3A_655 = arith.index_cast %swap3A_653 : i32 to index
    %swap3A_656 = arith.index_cast %swap3A_654 : i32 to index
    %swap3A_657 = arith.constant 0 : index
    %swap3A_658 = tpu.vector_load %arg13[%swap3A_655, %swap3A_656, %swap3A_657] {strides = array<i32>} : memref<4x32x16xf32, #tpu.memory_space<vmem>>, vector<1x1x16xf32>,
    %swap3A_659 = vector.shape_cast %swap3A_658 : vector<1x1x16xf32> to vector<16xf32>
    %swap3A_660 = vector.shape_cast %broadcast_in_dim3A_37 : vector<16xf32> to vector<1x1x16xf32>
    tpu.vector_store %arg13[%swap3A_655, %swap3A_656, %swap3A_657], %swap3A_660 {strides = array<i32>} : memref<4x32x16xf32, #tpu.memory_space<vmem>>, vector<1x1x16xf32>,
    %swap3A_661 = arith.constant 2 : i32
    %swap3A_662 = arith.constant 14 : i32
    %swap3A_663 = arith.index_cast %swap3A_661 : i32 to index
    %swap3A_664 = arith.index_cast %swap3A_662 : i32 to index
    %swap3A_665 = arith.constant 0 : index
    %swap3A_666 = tpu.vector_load %arg13[%swap3A_663, %swap3A_664, %swap3A_665] {strides = array<i32>} : memref<4x32x16xf32, #tpu.memory_space<vmem>>, vector<1x1x16xf32>,
    %swap3A_667 = vector.shape_cast %swap3A_666 : vector<1x1x16xf32> to vector<16xf32>
    %swap3A_668 = vector.shape_cast %broadcast_in_dim3A_37 : vector<16xf32> to vector<1x1x16xf32>
    tpu.vector_store %arg13[%swap3A_663, %swap3A_664, %swap3A_665], %swap3A_668 {strides = array<i32>} : memref<4x32x16xf32, #tpu.memory_space<vmem>>, vector<1x1x16xf32>,
    %swap3A_669 = arith.constant 2 : i32
    %swap3A_670 = arith.constant 15 : i32
    %swap3A_671 = arith.index_cast %swap3A_669 : i32 to index
    %swap3A_672 = arith.index_cast %swap3A_670 : i32 to index
    %swap3A_673 = arith.constant 0 : index
    %swap3A_674 = tpu.vector_load %arg13[%swap3A_671, %swap3A_672, %swap3A_673] {strides = array<i32>} : memref<4x32x16xf32, #tpu.memory_space<vmem>>, vector<1x1x16xf32>,
    %swap3A_675 = vector.shape_cast %swap3A_674 : vector<1x1x16xf32> to vector<16xf32>
    %swap3A_676 = vector.shape_cast %broadcast_in_dim3A_37 : vector<16xf32> to vector<1x1x16xf32>
    tpu.vector_store %arg13[%swap3A_671, %swap3A_672, %swap3A_673], %swap3A_676 {strides = array<i32>} : memref<4x32x16xf32, #tpu.memory_space<vmem>>, vector<1x1x16xf32>,
    %swap3A_677 = arith.constant 2 : i32
    %swap3A_678 = arith.constant 16 : i32
    %swap3A_679 = arith.index_cast %swap3A_677 : i32 to index
    %swap3A_680 = arith.index_cast %swap3A_678 : i32 to index
    %swap3A_681 = arith.constant 0 : index
    %swap3A_682 = tpu.vector_load %arg13[%swap3A_679, %swap3A_680, %swap3A_681] {strides = array<i32>} : memref<4x32x16xf32, #tpu.memory_space<vmem>>, vector<1x1x16xf32>,
    %swap3A_683 = vector.shape_cast %swap3A_682 : vector<1x1x16xf32> to vector<16xf32>
    %swap3A_684 = vector.shape_cast %broadcast_in_dim3A_37 : vector<16xf32> to vector<1x1x16xf32>
    tpu.vector_store %arg13[%swap3A_679, %swap3A_680, %swap3A_681], %swap3A_684 {strides = array<i32>} : memref<4x32x16xf32, #tpu.memory_space<vmem>>, vector<1x1x16xf32>,
    %swap3A_685 = arith.constant 2 : i32
    %swap3A_686 = arith.constant 17 : i32
    %swap3A_687 = arith.index_cast %swap3A_685 : i32 to index
    %swap3A_688 = arith.index_cast %swap3A_686 : i32 to index
    %swap3A_689 = arith.constant 0 : index
    %swap3A_690 = tpu.vector_load %arg13[%swap3A_687, %swap3A_688, %swap3A_689] {strides = array<i32>} : memref<4x32x16xf32, #tpu.memory_space<vmem>>, vector<1x1x16xf32>,
    %swap3A_691 = vector.shape_cast %swap3A_690 : vector<1x1x16xf32> to vector<16xf32>
    %swap3A_692 = vector.shape_cast %broadcast_in_dim3A_37 : vector<16xf32> to vector<1x1x16xf32>
    tpu.vector_store %arg13[%swap3A_687, %swap3A_688, %swap3A_689], %swap3A_692 {strides = array<i32>} : memref<4x32x16xf32, #tpu.memory_space<vmem>>, vector<1x1x16xf32>,
    %swap3A_693 = arith.constant 2 : i32
    %swap3A_694 = arith.constant 18 : i32
    %swap3A_695 = arith.index_cast %swap3A_693 : i32 to index
    %swap3A_696 = arith.index_cast %swap3A_694 : i32 to index
    %swap3A_697 = arith.constant 0 : index
    %swap3A_698 = tpu.vector_load %arg13[%swap3A_695, %swap3A_696, %swap3A_697] {strides = array<i32>} : memref<4x32x16xf32, #tpu.memory_space<vmem>>, vector<1x1x16xf32>,
    %swap3A_699 = vector.shape_cast %swap3A_698 : vector<1x1x16xf32> to vector<16xf32>
    %swap3A_700 = vector.shape_cast %broadcast_in_dim3A_37 : vector<16xf32> to vector<1x1x16xf32>
    tpu.vector_store %arg13[%swap3A_695, %swap3A_696, %swap3A_697], %swap3A_700 {strides = array<i32>} : memref<4x32x16xf32, #tpu.memory_space<vmem>>, vector<1x1x16xf32>,
    %swap3A_701 = arith.constant 2 : i32
    %swap3A_702 = arith.constant 19 : i32
    %swap3A_703 = arith.index_cast %swap3A_701 : i32 to index
    %swap3A_704 = arith.index_cast %swap3A_702 : i32 to index
    %swap3A_705 = arith.constant 0 : index
    %swap3A_706 = tpu.vector_load %arg13[%swap3A_703, %swap3A_704, %swap3A_705] {strides = array<i32>} : memref<4x32x16xf32, #tpu.memory_space<vmem>>, vector<1x1x16xf32>,
    %swap3A_707 = vector.shape_cast %swap3A_706 : vector<1x1x16xf32> to vector<16xf32>
    %swap3A_708 = vector.shape_cast %broadcast_in_dim3A_37 : vector<16xf32> to vector<1x1x16xf32>
    tpu.vector_store %arg13[%swap3A_703, %swap3A_704, %swap3A_705], %swap3A_708 {strides = array<i32>} : memref<4x32x16xf32, #tpu.memory_space<vmem>>, vector<1x1x16xf32>,
    %swap3A_709 = arith.constant 2 : i32
    %swap3A_710 = arith.constant 20 : i32
    %swap3A_711 = arith.index_cast %swap3A_709 : i32 to index
    %swap3A_712 = arith.index_cast %swap3A_710 : i32 to index
    %swap3A_713 = arith.constant 0 : index
    %swap3A_714 = tpu.vector_load %arg13[%swap3A_711, %swap3A_712, %swap3A_713] {strides = array<i32>} : memref<4x32x16xf32, #tpu.memory_space<vmem>>, vector<1x1x16xf32>,
    %swap3A_715 = vector.shape_cast %swap3A_714 : vector<1x1x16xf32> to vector<16xf32>
    %swap3A_716 = vector.shape_cast %broadcast_in_dim3A_37 : vector<16xf32> to vector<1x1x16xf32>
    tpu.vector_store %arg13[%swap3A_711, %swap3A_712, %swap3A_713], %swap3A_716 {strides = array<i32>} : memref<4x32x16xf32, #tpu.memory_space<vmem>>, vector<1x1x16xf32>,
    %swap3A_717 = arith.constant 2 : i32
    %swap3A_718 = arith.constant 21 : i32
    %swap3A_719 = arith.index_cast %swap3A_717 : i32 to index
    %swap3A_720 = arith.index_cast %swap3A_718 : i32 to index
    %swap3A_721 = arith.constant 0 : index
    %swap3A_722 = tpu.vector_load %arg13[%swap3A_719, %swap3A_720, %swap3A_721] {strides = array<i32>} : memref<4x32x16xf32, #tpu.memory_space<vmem>>, vector<1x1x16xf32>,
    %swap3A_723 = vector.shape_cast %swap3A_722 : vector<1x1x16xf32> to vector<16xf32>
    %swap3A_724 = vector.shape_cast %broadcast_in_dim3A_37 : vector<16xf32> to vector<1x1x16xf32>
    tpu.vector_store %arg13[%swap3A_719, %swap3A_720, %swap3A_721], %swap3A_724 {strides = array<i32>} : memref<4x32x16xf32, #tpu.memory_space<vmem>>, vector<1x1x16xf32>,
    %swap3A_725 = arith.constant 2 : i32
    %swap3A_726 = arith.constant 22 : i32
    %swap3A_727 = arith.index_cast %swap3A_725 : i32 to index
    %swap3A_728 = arith.index_cast %swap3A_726 : i32 to index
    %swap3A_729 = arith.constant 0 : index
    %swap3A_730 = tpu.vector_load %arg13[%swap3A_727, %swap3A_728, %swap3A_729] {strides = array<i32>} : memref<4x32x16xf32, #tpu.memory_space<vmem>>, vector<1x1x16xf32>,
    %swap3A_731 = vector.shape_cast %swap3A_730 : vector<1x1x16xf32> to vector<16xf32>
    %swap3A_732 = vector.shape_cast %broadcast_in_dim3A_37 : vector<16xf32> to vector<1x1x16xf32>
    tpu.vector_store %arg13[%swap3A_727, %swap3A_728, %swap3A_729], %swap3A_732 {strides = array<i32>} : memref<4x32x16xf32, #tpu.memory_space<vmem>>, vector<1x1x16xf32>,
    %swap3A_733 = arith.constant 2 : i32
    %swap3A_734 = arith.constant 23 : i32
    %swap3A_735 = arith.index_cast %swap3A_733 : i32 to index
    %swap3A_736 = arith.index_cast %swap3A_734 : i32 to index
    %swap3A_737 = arith.constant 0 : index
    %swap3A_738 = tpu.vector_load %arg13[%swap3A_735, %swap3A_736, %swap3A_737] {strides = array<i32>} : memref<4x32x16xf32, #tpu.memory_space<vmem>>, vector<1x1x16xf32>,
    %swap3A_739 = vector.shape_cast %swap3A_738 : vector<1x1x16xf32> to vector<16xf32>
    %swap3A_740 = vector.shape_cast %broadcast_in_dim3A_37 : vector<16xf32> to vector<1x1x16xf32>
    tpu.vector_store %arg13[%swap3A_735, %swap3A_736, %swap3A_737], %swap3A_740 {strides = array<i32>} : memref<4x32x16xf32, #tpu.memory_space<vmem>>, vector<1x1x16xf32>,
    %swap3A_741 = arith.constant 2 : i32
    %swap3A_742 = arith.constant 24 : i32
    %swap3A_743 = arith.index_cast %swap3A_741 : i32 to index
    %swap3A_744 = arith.index_cast %swap3A_742 : i32 to index
    %swap3A_745 = arith.constant 0 : index
    %swap3A_746 = tpu.vector_load %arg13[%swap3A_743, %swap3A_744, %swap3A_745] {strides = array<i32>} : memref<4x32x16xf32, #tpu.memory_space<vmem>>, vector<1x1x16xf32>,
    %swap3A_747 = vector.shape_cast %swap3A_746 : vector<1x1x16xf32> to vector<16xf32>
    %swap3A_748 = vector.shape_cast %broadcast_in_dim3A_37 : vector<16xf32> to vector<1x1x16xf32>
    tpu.vector_store %arg13[%swap3A_743, %swap3A_744, %swap3A_745], %swap3A_748 {strides = array<i32>} : memref<4x32x16xf32, #tpu.memory_space<vmem>>, vector<1x1x16xf32>,
    %swap3A_749 = arith.constant 2 : i32
    %swap3A_750 = arith.constant 25 : i32
    %swap3A_751 = arith.index_cast %swap3A_749 : i32 to index
    %swap3A_752 = arith.index_cast %swap3A_750 : i32 to index
    %swap3A_753 = arith.constant 0 : index
    %swap3A_754 = tpu.vector_load %arg13[%swap3A_751, %swap3A_752, %swap3A_753] {strides = array<i32>} : memref<4x32x16xf32, #tpu.memory_space<vmem>>, vector<1x1x16xf32>,
    %swap3A_755 = vector.shape_cast %swap3A_754 : vector<1x1x16xf32> to vector<16xf32>
    %swap3A_756 = vector.shape_cast %broadcast_in_dim3A_37 : vector<16xf32> to vector<1x1x16xf32>
    tpu.vector_store %arg13[%swap3A_751, %swap3A_752, %swap3A_753], %swap3A_756 {strides = array<i32>} : memref<4x32x16xf32, #tpu.memory_space<vmem>>, vector<1x1x16xf32>,
    %swap3A_757 = arith.constant 2 : i32
    %swap3A_758 = arith.constant 26 : i32
    %swap3A_759 = arith.index_cast %swap3A_757 : i32 to index
    %swap3A_760 = arith.index_cast %swap3A_758 : i32 to index
    %swap3A_761 = arith.constant 0 : index
    %swap3A_762 = tpu.vector_load %arg13[%swap3A_759, %swap3A_760, %swap3A_761] {strides = array<i32>} : memref<4x32x16xf32, #tpu.memory_space<vmem>>, vector<1x1x16xf32>,
    %swap3A_763 = vector.shape_cast %swap3A_762 : vector<1x1x16xf32> to vector<16xf32>
    %swap3A_764 = vector.shape_cast %broadcast_in_dim3A_37 : vector<16xf32> to vector<1x1x16xf32>
    tpu.vector_store %arg13[%swap3A_759, %swap3A_760, %swap3A_761], %swap3A_764 {strides = array<i32>} : memref<4x32x16xf32, #tpu.memory_space<vmem>>, vector<1x1x16xf32>,
    %swap3A_765 = arith.constant 2 : i32
    %swap3A_766 = arith.constant 27 : i32
    %swap3A_767 = arith.index_cast %swap3A_765 : i32 to index
    %swap3A_768 = arith.index_cast %swap3A_766 : i32 to index
    %swap3A_769 = arith.constant 0 : index
    %swap3A_770 = tpu.vector_load %arg13[%swap3A_767, %swap3A_768, %swap3A_769] {strides = array<i32>} : memref<4x32x16xf32, #tpu.memory_space<vmem>>, vector<1x1x16xf32>,
    %swap3A_771 = vector.shape_cast %swap3A_770 : vector<1x1x16xf32> to vector<16xf32>
    %swap3A_772 = vector.shape_cast %broadcast_in_dim3A_37 : vector<16xf32> to vector<1x1x16xf32>
    tpu.vector_store %arg13[%swap3A_767, %swap3A_768, %swap3A_769], %swap3A_772 {strides = array<i32>} : memref<4x32x16xf32, #tpu.memory_space<vmem>>, vector<1x1x16xf32>,
    %swap3A_773 = arith.constant 2 : i32
    %swap3A_774 = arith.constant 28 : i32
    %swap3A_775 = arith.index_cast %swap3A_773 : i32 to index
    %swap3A_776 = arith.index_cast %swap3A_774 : i32 to index
    %swap3A_777 = arith.constant 0 : index
    %swap3A_778 = tpu.vector_load %arg13[%swap3A_775, %swap3A_776, %swap3A_777] {strides = array<i32>} : memref<4x32x16xf32, #tpu.memory_space<vmem>>, vector<1x1x16xf32>,
    %swap3A_779 = vector.shape_cast %swap3A_778 : vector<1x1x16xf32> to vector<16xf32>
    %swap3A_780 = vector.shape_cast %broadcast_in_dim3A_37 : vector<16xf32> to vector<1x1x16xf32>
    tpu.vector_store %arg13[%swap3A_775, %swap3A_776, %swap3A_777], %swap3A_780 {strides = array<i32>} : memref<4x32x16xf32, #tpu.memory_space<vmem>>, vector<1x1x16xf32>,
    %swap3A_781 = arith.constant 2 : i32
    %swap3A_782 = arith.constant 29 : i32
    %swap3A_783 = arith.index_cast %swap3A_781 : i32 to index
    %swap3A_784 = arith.index_cast %swap3A_782 : i32 to index
    %swap3A_785 = arith.constant 0 : index
    %swap3A_786 = tpu.vector_load %arg13[%swap3A_783, %swap3A_784, %swap3A_785] {strides = array<i32>} : memref<4x32x16xf32, #tpu.memory_space<vmem>>, vector<1x1x16xf32>,
    %swap3A_787 = vector.shape_cast %swap3A_786 : vector<1x1x16xf32> to vector<16xf32>
    %swap3A_788 = vector.shape_cast %broadcast_in_dim3A_37 : vector<16xf32> to vector<1x1x16xf32>
    tpu.vector_store %arg13[%swap3A_783, %swap3A_784, %swap3A_785], %swap3A_788 {strides = array<i32>} : memref<4x32x16xf32, #tpu.memory_space<vmem>>, vector<1x1x16xf32>,
    %swap3A_789 = arith.constant 2 : i32
    %swap3A_790 = arith.constant 30 : i32
    %swap3A_791 = arith.index_cast %swap3A_789 : i32 to index
    %swap3A_792 = arith.index_cast %swap3A_790 : i32 to index
    %swap3A_793 = arith.constant 0 : index
    %swap3A_794 = tpu.vector_load %arg13[%swap3A_791, %swap3A_792, %swap3A_793] {strides = array<i32>} : memref<4x32x16xf32, #tpu.memory_space<vmem>>, vector<1x1x16xf32>,
    %swap3A_795 = vector.shape_cast %swap3A_794 : vector<1x1x16xf32> to vector<16xf32>
    %swap3A_796 = vector.shape_cast %broadcast_in_dim3A_37 : vector<16xf32> to vector<1x1x16xf32>
    tpu.vector_store %arg13[%swap3A_791, %swap3A_792, %swap3A_793], %swap3A_796 {strides = array<i32>} : memref<4x32x16xf32, #tpu.memory_space<vmem>>, vector<1x1x16xf32>,
    %swap3A_797 = arith.constant 2 : i32
    %swap3A_798 = arith.constant 31 : i32
    %swap3A_799 = arith.index_cast %swap3A_797 : i32 to index
    %swap3A_800 = arith.index_cast %swap3A_798 : i32 to index
    %swap3A_801 = arith.constant 0 : index
    %swap3A_802 = tpu.vector_load %arg13[%swap3A_799, %swap3A_800, %swap3A_801] {strides = array<i32>} : memref<4x32x16xf32, #tpu.memory_space<vmem>>, vector<1x1x16xf32>,
    %swap3A_803 = vector.shape_cast %swap3A_802 : vector<1x1x16xf32> to vector<16xf32>
    %swap3A_804 = vector.shape_cast %broadcast_in_dim3A_37 : vector<16xf32> to vector<1x1x16xf32>
    tpu.vector_store %arg13[%swap3A_799, %swap3A_800, %swap3A_801], %swap3A_804 {strides = array<i32>} : memref<4x32x16xf32, #tpu.memory_space<vmem>>, vector<1x1x16xf32>,
    %swap3A_805 = arith.constant 3 : i32
    %swap3A_806 = arith.constant 0 : i32
    %swap3A_807 = arith.index_cast %swap3A_805 : i32 to index
    %swap3A_808 = arith.index_cast %swap3A_806 : i32 to index
    %swap3A_809 = arith.constant 0 : index
    %swap3A_810 = tpu.vector_load %arg13[%swap3A_807, %swap3A_808, %swap3A_809] {strides = array<i32>} : memref<4x32x16xf32, #tpu.memory_space<vmem>>, vector<1x1x16xf32>,
    %swap3A_811 = vector.shape_cast %swap3A_810 : vector<1x1x16xf32> to vector<16xf32>
    %swap3A_812 = vector.shape_cast %broadcast_in_dim3A_37 : vector<16xf32> to vector<1x1x16xf32>
    tpu.vector_store %arg13[%swap3A_807, %swap3A_808, %swap3A_809], %swap3A_812 {strides = array<i32>} : memref<4x32x16xf32, #tpu.memory_space<vmem>>, vector<1x1x16xf32>,
    %swap3A_813 = arith.constant 3 : i32
    %swap3A_814 = arith.constant 1 : i32
    %swap3A_815 = arith.index_cast %swap3A_813 : i32 to index
    %swap3A_816 = arith.index_cast %swap3A_814 : i32 to index
    %swap3A_817 = arith.constant 0 : index
    %swap3A_818 = tpu.vector_load %arg13[%swap3A_815, %swap3A_816, %swap3A_817] {strides = array<i32>} : memref<4x32x16xf32, #tpu.memory_space<vmem>>, vector<1x1x16xf32>,
    %swap3A_819 = vector.shape_cast %swap3A_818 : vector<1x1x16xf32> to vector<16xf32>
    %swap3A_820 = vector.shape_cast %broadcast_in_dim3A_37 : vector<16xf32> to vector<1x1x16xf32>
    tpu.vector_store %arg13[%swap3A_815, %swap3A_816, %swap3A_817], %swap3A_820 {strides = array<i32>} : memref<4x32x16xf32, #tpu.memory_space<vmem>>, vector<1x1x16xf32>,
    %swap3A_821 = arith.constant 3 : i32
    %swap3A_822 = arith.constant 2 : i32
    %swap3A_823 = arith.index_cast %swap3A_821 : i32 to index
    %swap3A_824 = arith.index_cast %swap3A_822 : i32 to index
    %swap3A_825 = arith.constant 0 : index
    %swap3A_826 = tpu.vector_load %arg13[%swap3A_823, %swap3A_824, %swap3A_825] {strides = array<i32>} : memref<4x32x16xf32, #tpu.memory_space<vmem>>, vector<1x1x16xf32>,
    %swap3A_827 = vector.shape_cast %swap3A_826 : vector<1x1x16xf32> to vector<16xf32>
    %swap3A_828 = vector.shape_cast %broadcast_in_dim3A_37 : vector<16xf32> to vector<1x1x16xf32>
    tpu.vector_store %arg13[%swap3A_823, %swap3A_824, %swap3A_825], %swap3A_828 {strides = array<i32>} : memref<4x32x16xf32, #tpu.memory_space<vmem>>, vector<1x1x16xf32>,
    %swap3A_829 = arith.constant 3 : i32
    %swap3A_830 = arith.constant 3 : i32
    %swap3A_831 = arith.index_cast %swap3A_829 : i32 to index
    %swap3A_832 = arith.index_cast %swap3A_830 : i32 to index
    %swap3A_833 = arith.constant 0 : index
    %swap3A_834 = tpu.vector_load %arg13[%swap3A_831, %swap3A_832, %swap3A_833] {strides = array<i32>} : memref<4x32x16xf32, #tpu.memory_space<vmem>>, vector<1x1x16xf32>,
    %swap3A_835 = vector.shape_cast %swap3A_834 : vector<1x1x16xf32> to vector<16xf32>
    %swap3A_836 = vector.shape_cast %broadcast_in_dim3A_37 : vector<16xf32> to vector<1x1x16xf32>
    tpu.vector_store %arg13[%swap3A_831, %swap3A_832, %swap3A_833], %swap3A_836 {strides = array<i32>} : memref<4x32x16xf32, #tpu.memory_space<vmem>>, vector<1x1x16xf32>,
    %swap3A_837 = arith.constant 3 : i32
    %swap3A_838 = arith.constant 4 : i32
    %swap3A_839 = arith.index_cast %swap3A_837 : i32 to index
    %swap3A_840 = arith.index_cast %swap3A_838 : i32 to index
    %swap3A_841 = arith.constant 0 : index
    %swap3A_842 = tpu.vector_load %arg13[%swap3A_839, %swap3A_840, %swap3A_841] {strides = array<i32>} : memref<4x32x16xf32, #tpu.memory_space<vmem>>, vector<1x1x16xf32>,
    %swap3A_843 = vector.shape_cast %swap3A_842 : vector<1x1x16xf32> to vector<16xf32>
    %swap3A_844 = vector.shape_cast %broadcast_in_dim3A_37 : vector<16xf32> to vector<1x1x16xf32>
    tpu.vector_store %arg13[%swap3A_839, %swap3A_840, %swap3A_841], %swap3A_844 {strides = array<i32>} : memref<4x32x16xf32, #tpu.memory_space<vmem>>, vector<1x1x16xf32>,
    %swap3A_845 = arith.constant 3 : i32
    %swap3A_846 = arith.constant 5 : i32
    %swap3A_847 = arith.index_cast %swap3A_845 : i32 to index
    %swap3A_848 = arith.index_cast %swap3A_846 : i32 to index
    %swap3A_849 = arith.constant 0 : index
    %swap3A_850 = tpu.vector_load %arg13[%swap3A_847, %swap3A_848, %swap3A_849] {strides = array<i32>} : memref<4x32x16xf32, #tpu.memory_space<vmem>>, vector<1x1x16xf32>,
    %swap3A_851 = vector.shape_cast %swap3A_850 : vector<1x1x16xf32> to vector<16xf32>
    %swap3A_852 = vector.shape_cast %broadcast_in_dim3A_37 : vector<16xf32> to vector<1x1x16xf32>
    tpu.vector_store %arg13[%swap3A_847, %swap3A_848, %swap3A_849], %swap3A_852 {strides = array<i32>} : memref<4x32x16xf32, #tpu.memory_space<vmem>>, vector<1x1x16xf32>,
    %swap3A_853 = arith.constant 3 : i32
    %swap3A_854 = arith.constant 6 : i32
    %swap3A_855 = arith.index_cast %swap3A_853 : i32 to index
    %swap3A_856 = arith.index_cast %swap3A_854 : i32 to index
    %swap3A_857 = arith.constant 0 : index
    %swap3A_858 = tpu.vector_load %arg13[%swap3A_855, %swap3A_856, %swap3A_857] {strides = array<i32>} : memref<4x32x16xf32, #tpu.memory_space<vmem>>, vector<1x1x16xf32>,
    %swap3A_859 = vector.shape_cast %swap3A_858 : vector<1x1x16xf32> to vector<16xf32>
    %swap3A_860 = vector.shape_cast %broadcast_in_dim3A_37 : vector<16xf32> to vector<1x1x16xf32>
    tpu.vector_store %arg13[%swap3A_855, %swap3A_856, %swap3A_857], %swap3A_860 {strides = array<i32>} : memref<4x32x16xf32, #tpu.memory_space<vmem>>, vector<1x1x16xf32>,
    %swap3A_861 = arith.constant 3 : i32
    %swap3A_862 = arith.constant 7 : i32
    %swap3A_863 = arith.index_cast %swap3A_861 : i32 to index
    %swap3A_864 = arith.index_cast %swap3A_862 : i32 to index
    %swap3A_865 = arith.constant 0 : index
    %swap3A_866 = tpu.vector_load %arg13[%swap3A_863, %swap3A_864, %swap3A_865] {strides = array<i32>} : memref<4x32x16xf32, #tpu.memory_space<vmem>>, vector<1x1x16xf32>,
    %swap3A_867 = vector.shape_cast %swap3A_866 : vector<1x1x16xf32> to vector<16xf32>
    %swap3A_868 = vector.shape_cast %broadcast_in_dim3A_37 : vector<16xf32> to vector<1x1x16xf32>
    tpu.vector_store %arg13[%swap3A_863, %swap3A_864, %swap3A_865], %swap3A_868 {strides = array<i32>} : memref<4x32x16xf32, #tpu.memory_space<vmem>>, vector<1x1x16xf32>,
    %swap3A_869 = arith.constant 3 : i32
    %swap3A_870 = arith.constant 8 : i32
    %swap3A_871 = arith.index_cast %swap3A_869 : i32 to index
    %swap3A_872 = arith.index_cast %swap3A_870 : i32 to index
    %swap3A_873 = arith.constant 0 : index
    %swap3A_874 = tpu.vector_load %arg13[%swap3A_871, %swap3A_872, %swap3A_873] {strides = array<i32>} : memref<4x32x16xf32, #tpu.memory_space<vmem>>, vector<1x1x16xf32>,
    %swap3A_875 = vector.shape_cast %swap3A_874 : vector<1x1x16xf32> to vector<16xf32>
    %swap3A_876 = vector.shape_cast %broadcast_in_dim3A_37 : vector<16xf32> to vector<1x1x16xf32>
    tpu.vector_store %arg13[%swap3A_871, %swap3A_872, %swap3A_873], %swap3A_876 {strides = array<i32>} : memref<4x32x16xf32, #tpu.memory_space<vmem>>, vector<1x1x16xf32>,
    %swap3A_877 = arith.constant 3 : i32
    %swap3A_878 = arith.constant 9 : i32
    %swap3A_879 = arith.index_cast %swap3A_877 : i32 to index
    %swap3A_880 = arith.index_cast %swap3A_878 : i32 to index
    %swap3A_881 = arith.constant 0 : index
    %swap3A_882 = tpu.vector_load %arg13[%swap3A_879, %swap3A_880, %swap3A_881] {strides = array<i32>} : memref<4x32x16xf32, #tpu.memory_space<vmem>>, vector<1x1x16xf32>,
    %swap3A_883 = vector.shape_cast %swap3A_882 : vector<1x1x16xf32> to vector<16xf32>
    %swap3A_884 = vector.shape_cast %broadcast_in_dim3A_37 : vector<16xf32> to vector<1x1x16xf32>
    tpu.vector_store %arg13[%swap3A_879, %swap3A_880, %swap3A_881], %swap3A_884 {strides = array<i32>} : memref<4x32x16xf32, #tpu.memory_space<vmem>>, vector<1x1x16xf32>,
    %swap3A_885 = arith.constant 3 : i32
    %swap3A_886 = arith.constant 10 : i32
    %swap3A_887 = arith.index_cast %swap3A_885 : i32 to index
    %swap3A_888 = arith.index_cast %swap3A_886 : i32 to index
    %swap3A_889 = arith.constant 0 : index
    %swap3A_890 = tpu.vector_load %arg13[%swap3A_887, %swap3A_888, %swap3A_889] {strides = array<i32>} : memref<4x32x16xf32, #tpu.memory_space<vmem>>, vector<1x1x16xf32>,
    %swap3A_891 = vector.shape_cast %swap3A_890 : vector<1x1x16xf32> to vector<16xf32>
    %swap3A_892 = vector.shape_cast %broadcast_in_dim3A_37 : vector<16xf32> to vector<1x1x16xf32>
    tpu.vector_store %arg13[%swap3A_887, %swap3A_888, %swap3A_889], %swap3A_892 {strides = array<i32>} : memref<4x32x16xf32, #tpu.memory_space<vmem>>, vector<1x1x16xf32>,
    %swap3A_893 = arith.constant 3 : i32
    %swap3A_894 = arith.constant 11 : i32
    %swap3A_895 = arith.index_cast %swap3A_893 : i32 to index
    %swap3A_896 = arith.index_cast %swap3A_894 : i32 to index
    %swap3A_897 = arith.constant 0 : index
    %swap3A_898 = tpu.vector_load %arg13[%swap3A_895, %swap3A_896, %swap3A_897] {strides = array<i32>} : memref<4x32x16xf32, #tpu.memory_space<vmem>>, vector<1x1x16xf32>,
    %swap3A_899 = vector.shape_cast %swap3A_898 : vector<1x1x16xf32> to vector<16xf32>
    %swap3A_900 = vector.shape_cast %broadcast_in_dim3A_37 : vector<16xf32> to vector<1x1x16xf32>
    tpu.vector_store %arg13[%swap3A_895, %swap3A_896, %swap3A_897], %swap3A_900 {strides = array<i32>} : memref<4x32x16xf32, #tpu.memory_space<vmem>>, vector<1x1x16xf32>,
    %swap3A_901 = arith.constant 3 : i32
    %swap3A_902 = arith.constant 12 : i32
    %swap3A_903 = arith.index_cast %swap3A_901 : i32 to index
    %swap3A_904 = arith.index_cast %swap3A_902 : i32 to index
    %swap3A_905 = arith.constant 0 : index
    %swap3A_906 = tpu.vector_load %arg13[%swap3A_903, %swap3A_904, %swap3A_905] {strides = array<i32>} : memref<4x32x16xf32, #tpu.memory_space<vmem>>, vector<1x1x16xf32>,
    %swap3A_907 = vector.shape_cast %swap3A_906 : vector<1x1x16xf32> to vector<16xf32>
    %swap3A_908 = vector.shape_cast %broadcast_in_dim3A_37 : vector<16xf32> to vector<1x1x16xf32>
    tpu.vector_store %arg13[%swap3A_903, %swap3A_904, %swap3A_905], %swap3A_908 {strides = array<i32>} : memref<4x32x16xf32, #tpu.memory_space<vmem>>, vector<1x1x16xf32>,
    %swap3A_909 = arith.constant 3 : i32
    %swap3A_910 = arith.constant 13 : i32
    %swap3A_911 = arith.index_cast %swap3A_909 : i32 to index
    %swap3A_912 = arith.index_cast %swap3A_910 : i32 to index
    %swap3A_913 = arith.constant 0 : index
    %swap3A_914 = tpu.vector_load %arg13[%swap3A_911, %swap3A_912, %swap3A_913] {strides = array<i32>} : memref<4x32x16xf32, #tpu.memory_space<vmem>>, vector<1x1x16xf32>,
    %swap3A_915 = vector.shape_cast %swap3A_914 : vector<1x1x16xf32> to vector<16xf32>
    %swap3A_916 = vector.shape_cast %broadcast_in_dim3A_37 : vector<16xf32> to vector<1x1x16xf32>
    tpu.vector_store %arg13[%swap3A_911, %swap3A_912, %swap3A_913], %swap3A_916 {strides = array<i32>} : memref<4x32x16xf32, #tpu.memory_space<vmem>>, vector<1x1x16xf32>,
    %swap3A_917 = arith.constant 3 : i32
    %swap3A_918 = arith.constant 14 : i32
    %swap3A_919 = arith.index_cast %swap3A_917 : i32 to index
    %swap3A_920 = arith.index_cast %swap3A_918 : i32 to index
    %swap3A_921 = arith.constant 0 : index
    %swap3A_922 = tpu.vector_load %arg13[%swap3A_919, %swap3A_920, %swap3A_921] {strides = array<i32>} : memref<4x32x16xf32, #tpu.memory_space<vmem>>, vector<1x1x16xf32>,
    %swap3A_923 = vector.shape_cast %swap3A_922 : vector<1x1x16xf32> to vector<16xf32>
    %swap3A_924 = vector.shape_cast %broadcast_in_dim3A_37 : vector<16xf32> to vector<1x1x16xf32>
    tpu.vector_store %arg13[%swap3A_919, %swap3A_920, %swap3A_921], %swap3A_924 {strides = array<i32>} : memref<4x32x16xf32, #tpu.memory_space<vmem>>, vector<1x1x16xf32>,
    %swap3A_925 = arith.constant 3 : i32
    %swap3A_926 = arith.constant 15 : i32
    %swap3A_927 = arith.index_cast %swap3A_925 : i32 to index
    %swap3A_928 = arith.index_cast %swap3A_926 : i32 to index
    %swap3A_929 = arith.constant 0 : index
    %swap3A_930 = tpu.vector_load %arg13[%swap3A_927, %swap3A_928, %swap3A_929] {strides = array<i32>} : memref<4x32x16xf32, #tpu.memory_space<vmem>>, vector<1x1x16xf32>,
    %swap3A_931 = vector.shape_cast %swap3A_930 : vector<1x1x16xf32> to vector<16xf32>
    %swap3A_932 = vector.shape_cast %broadcast_in_dim3A_37 : vector<16xf32> to vector<1x1x16xf32>
    tpu.vector_store %arg13[%swap3A_927, %swap3A_928, %swap3A_929], %swap3A_932 {strides = array<i32>} : memref<4x32x16xf32, #tpu.memory_space<vmem>>, vector<1x1x16xf32>,
    %swap3A_933 = arith.constant 3 : i32
    %swap3A_934 = arith.constant 16 : i32
    %swap3A_935 = arith.index_cast %swap3A_933 : i32 to index
    %swap3A_936 = arith.index_cast %swap3A_934 : i32 to index
    %swap3A_937 = arith.constant 0 : index
    %swap3A_938 = tpu.vector_load %arg13[%swap3A_935, %swap3A_936, %swap3A_937] {strides = array<i32>} : memref<4x32x16xf32, #tpu.memory_space<vmem>>, vector<1x1x16xf32>,
    %swap3A_939 = vector.shape_cast %swap3A_938 : vector<1x1x16xf32> to vector<16xf32>
    %swap3A_940 = vector.shape_cast %broadcast_in_dim3A_37 : vector<16xf32> to vector<1x1x16xf32>
    tpu.vector_store %arg13[%swap3A_935, %swap3A_936, %swap3A_937], %swap3A_940 {strides = array<i32>} : memref<4x32x16xf32, #tpu.memory_space<vmem>>, vector<1x1x16xf32>,
    %swap3A_941 = arith.constant 3 : i32
    %swap3A_942 = arith.constant 17 : i32
    %swap3A_943 = arith.index_cast %swap3A_941 : i32 to index
    %swap3A_944 = arith.index_cast %swap3A_942 : i32 to index
    %swap3A_945 = arith.constant 0 : index
    %swap3A_946 = tpu.vector_load %arg13[%swap3A_943, %swap3A_944, %swap3A_945] {strides = array<i32>} : memref<4x32x16xf32, #tpu.memory_space<vmem>>, vector<1x1x16xf32>,
    %swap3A_947 = vector.shape_cast %swap3A_946 : vector<1x1x16xf32> to vector<16xf32>
    %swap3A_948 = vector.shape_cast %broadcast_in_dim3A_37 : vector<16xf32> to vector<1x1x16xf32>
    tpu.vector_store %arg13[%swap3A_943, %swap3A_944, %swap3A_945], %swap3A_948 {strides = array<i32>} : memref<4x32x16xf32, #tpu.memory_space<vmem>>, vector<1x1x16xf32>,
    %swap3A_949 = arith.constant 3 : i32
    %swap3A_950 = arith.constant 18 : i32
    %swap3A_951 = arith.index_cast %swap3A_949 : i32 to index
    %swap3A_952 = arith.index_cast %swap3A_950 : i32 to index
    %swap3A_953 = arith.constant 0 : index
    %swap3A_954 = tpu.vector_load %arg13[%swap3A_951, %swap3A_952, %swap3A_953] {strides = array<i32>} : memref<4x32x16xf32, #tpu.memory_space<vmem>>, vector<1x1x16xf32>,
    %swap3A_955 = vector.shape_cast %swap3A_954 : vector<1x1x16xf32> to vector<16xf32>
    %swap3A_956 = vector.shape_cast %broadcast_in_dim3A_37 : vector<16xf32> to vector<1x1x16xf32>
    tpu.vector_store %arg13[%swap3A_951, %swap3A_952, %swap3A_953], %swap3A_956 {strides = array<i32>} : memref<4x32x16xf32, #tpu.memory_space<vmem>>, vector<1x1x16xf32>,
    %swap3A_957 = arith.constant 3 : i32
    %swap3A_958 = arith.constant 19 : i32
    %swap3A_959 = arith.index_cast %swap3A_957 : i32 to index
    %swap3A_960 = arith.index_cast %swap3A_958 : i32 to index
    %swap3A_961 = arith.constant 0 : index
    %swap3A_962 = tpu.vector_load %arg13[%swap3A_959, %swap3A_960, %swap3A_961] {strides = array<i32>} : memref<4x32x16xf32, #tpu.memory_space<vmem>>, vector<1x1x16xf32>,
    %swap3A_963 = vector.shape_cast %swap3A_962 : vector<1x1x16xf32> to vector<16xf32>
    %swap3A_964 = vector.shape_cast %broadcast_in_dim3A_37 : vector<16xf32> to vector<1x1x16xf32>
    tpu.vector_store %arg13[%swap3A_959, %swap3A_960, %swap3A_961], %swap3A_964 {strides = array<i32>} : memref<4x32x16xf32, #tpu.memory_space<vmem>>, vector<1x1x16xf32>,
    %swap3A_965 = arith.constant 3 : i32
    %swap3A_966 = arith.constant 20 : i32
    %swap3A_967 = arith.index_cast %swap3A_965 : i32 to index
    %swap3A_968 = arith.index_cast %swap3A_966 : i32 to index
    %swap3A_969 = arith.constant 0 : index
    %swap3A_970 = tpu.vector_load %arg13[%swap3A_967, %swap3A_968, %swap3A_969] {strides = array<i32>} : memref<4x32x16xf32, #tpu.memory_space<vmem>>, vector<1x1x16xf32>,
    %swap3A_971 = vector.shape_cast %swap3A_970 : vector<1x1x16xf32> to vector<16xf32>
    %swap3A_972 = vector.shape_cast %broadcast_in_dim3A_37 : vector<16xf32> to vector<1x1x16xf32>
    tpu.vector_store %arg13[%swap3A_967, %swap3A_968, %swap3A_969], %swap3A_972 {strides = array<i32>} : memref<4x32x16xf32, #tpu.memory_space<vmem>>, vector<1x1x16xf32>,
    %swap3A_973 = arith.constant 3 : i32
    %swap3A_974 = arith.constant 21 : i32
    %swap3A_975 = arith.index_cast %swap3A_973 : i32 to index
    %swap3A_976 = arith.index_cast %swap3A_974 : i32 to index
    %swap3A_977 = arith.constant 0 : index
    %swap3A_978 = tpu.vector_load %arg13[%swap3A_975, %swap3A_976, %swap3A_977] {strides = array<i32>} : memref<4x32x16xf32, #tpu.memory_space<vmem>>, vector<1x1x16xf32>,
    %swap3A_979 = vector.shape_cast %swap3A_978 : vector<1x1x16xf32> to vector<16xf32>
    %swap3A_980 = vector.shape_cast %broadcast_in_dim3A_37 : vector<16xf32> to vector<1x1x16xf32>
    tpu.vector_store %arg13[%swap3A_975, %swap3A_976, %swap3A_977], %swap3A_980 {strides = array<i32>} : memref<4x32x16xf32, #tpu.memory_space<vmem>>, vector<1x1x16xf32>,
    %swap3A_981 = arith.constant 3 : i32
    %swap3A_982 = arith.constant 22 : i32
    %swap3A_983 = arith.index_cast %swap3A_981 : i32 to index
    %swap3A_984 = arith.index_cast %swap3A_982 : i32 to index
    %swap3A_985 = arith.constant 0 : index
    %swap3A_986 = tpu.vector_load %arg13[%swap3A_983, %swap3A_984, %swap3A_985] {strides = array<i32>} : memref<4x32x16xf32, #tpu.memory_space<vmem>>, vector<1x1x16xf32>,
    %swap3A_987 = vector.shape_cast %swap3A_986 : vector<1x1x16xf32> to vector<16xf32>
    %swap3A_988 = vector.shape_cast %broadcast_in_dim3A_37 : vector<16xf32> to vector<1x1x16xf32>
    tpu.vector_store %arg13[%swap3A_983, %swap3A_984, %swap3A_985], %swap3A_988 {strides = array<i32>} : memref<4x32x16xf32, #tpu.memory_space<vmem>>, vector<1x1x16xf32>,
    %swap3A_989 = arith.constant 3 : i32
    %swap3A_990 = arith.constant 23 : i32
    %swap3A_991 = arith.index_cast %swap3A_989 : i32 to index
    %swap3A_992 = arith.index_cast %swap3A_990 : i32 to index
    %swap3A_993 = arith.constant 0 : index
    %swap3A_994 = tpu.vector_load %arg13[%swap3A_991, %swap3A_992, %swap3A_993] {strides = array<i32>} : memref<4x32x16xf32, #tpu.memory_space<vmem>>, vector<1x1x16xf32>,
    %swap3A_995 = vector.shape_cast %swap3A_994 : vector<1x1x16xf32> to vector<16xf32>
    %swap3A_996 = vector.shape_cast %broadcast_in_dim3A_37 : vector<16xf32> to vector<1x1x16xf32>
    tpu.vector_store %arg13[%swap3A_991, %swap3A_992, %swap3A_993], %swap3A_996 {strides = array<i32>} : memref<4x32x16xf32, #tpu.memory_space<vmem>>, vector<1x1x16xf32>,
    %swap3A_997 = arith.constant 3 : i32
    %swap3A_998 = arith.constant 24 : i32
    %swap3A_999 = arith.index_cast %swap3A_997 : i32 to index
    %swap3A_1000 = arith.index_cast %swap3A_998 : i32 to index
    %swap3A_1001 = arith.constant 0 : index
    %swap3A_1002 = tpu.vector_load %arg13[%swap3A_999, %swap3A_1000, %swap3A_1001] {strides = array<i32>} : memref<4x32x16xf32, #tpu.memory_space<vmem>>, vector<1x1x16xf32>,
    %swap3A_1003 = vector.shape_cast %swap3A_1002 : vector<1x1x16xf32> to vector<16xf32>
    %swap3A_1004 = vector.shape_cast %broadcast_in_dim3A_37 : vector<16xf32> to vector<1x1x16xf32>
    tpu.vector_store %arg13[%swap3A_999, %swap3A_1000, %swap3A_1001], %swap3A_1004 {strides = array<i32>} : memref<4x32x16xf32, #tpu.memory_space<vmem>>, vector<1x1x16xf32>,
    %swap3A_1005 = arith.constant 3 : i32
    %swap3A_1006 = arith.constant 25 : i32
    %swap3A_1007 = arith.index_cast %swap3A_1005 : i32 to index
    %swap3A_1008 = arith.index_cast %swap3A_1006 : i32 to index
    %swap3A_1009 = arith.constant 0 : index
    %swap3A_1010 = tpu.vector_load %arg13[%swap3A_1007, %swap3A_1008, %swap3A_1009] {strides = array<i32>} : memref<4x32x16xf32, #tpu.memory_space<vmem>>, vector<1x1x16xf32>,
    %swap3A_1011 = vector.shape_cast %swap3A_1010 : vector<1x1x16xf32> to vector<16xf32>
    %swap3A_1012 = vector.shape_cast %broadcast_in_dim3A_37 : vector<16xf32> to vector<1x1x16xf32>
    tpu.vector_store %arg13[%swap3A_1007, %swap3A_1008, %swap3A_1009], %swap3A_1012 {strides = array<i32>} : memref<4x32x16xf32, #tpu.memory_space<vmem>>, vector<1x1x16xf32>,
    %swap3A_1013 = arith.constant 3 : i32
    %swap3A_1014 = arith.constant 26 : i32
    %swap3A_1015 = arith.index_cast %swap3A_1013 : i32 to index
    %swap3A_1016 = arith.index_cast %swap3A_1014 : i32 to index
    %swap3A_1017 = arith.constant 0 : index
    %swap3A_1018 = tpu.vector_load %arg13[%swap3A_1015, %swap3A_1016, %swap3A_1017] {strides = array<i32>} : memref<4x32x16xf32, #tpu.memory_space<vmem>>, vector<1x1x16xf32>,
    %swap3A_1019 = vector.shape_cast %swap3A_1018 : vector<1x1x16xf32> to vector<16xf32>
    %swap3A_1020 = vector.shape_cast %broadcast_in_dim3A_37 : vector<16xf32> to vector<1x1x16xf32>
    tpu.vector_store %arg13[%swap3A_1015, %swap3A_1016, %swap3A_1017], %swap3A_1020 {strides = array<i32>} : memref<4x32x16xf32, #tpu.memory_space<vmem>>, vector<1x1x16xf32>,
    %swap3A_1021 = arith.constant 3 : i32
    %swap3A_1022 = arith.constant 27 : i32
    %swap3A_1023 = arith.index_cast %swap3A_1021 : i32 to index
    %swap3A_1024 = arith.index_cast %swap3A_1022 : i32 to index
    %swap3A_1025 = arith.constant 0 : index
    %swap3A_1026 = tpu.vector_load %arg13[%swap3A_1023, %swap3A_1024, %swap3A_1025] {strides = array<i32>} : memref<4x32x16xf32, #tpu.memory_space<vmem>>, vector<1x1x16xf32>,
    %swap3A_1027 = vector.shape_cast %swap3A_1026 : vector<1x1x16xf32> to vector<16xf32>
    %swap3A_1028 = vector.shape_cast %broadcast_in_dim3A_37 : vector<16xf32> to vector<1x1x16xf32>
    tpu.vector_store %arg13[%swap3A_1023, %swap3A_1024, %swap3A_1025], %swap3A_1028 {strides = array<i32>} : memref<4x32x16xf32, #tpu.memory_space<vmem>>, vector<1x1x16xf32>,
    %swap3A_1029 = arith.constant 3 : i32
    %swap3A_1030 = arith.constant 28 : i32
    %swap3A_1031 = arith.index_cast %swap3A_1029 : i32 to index
    %swap3A_1032 = arith.index_cast %swap3A_1030 : i32 to index
    %swap3A_1033 = arith.constant 0 : index
    %swap3A_1034 = tpu.vector_load %arg13[%swap3A_1031, %swap3A_1032, %swap3A_1033] {strides = array<i32>} : memref<4x32x16xf32, #tpu.memory_space<vmem>>, vector<1x1x16xf32>,
    %swap3A_1035 = vector.shape_cast %swap3A_1034 : vector<1x1x16xf32> to vector<16xf32>
    %swap3A_1036 = vector.shape_cast %broadcast_in_dim3A_37 : vector<16xf32> to vector<1x1x16xf32>
    tpu.vector_store %arg13[%swap3A_1031, %swap3A_1032, %swap3A_1033], %swap3A_1036 {strides = array<i32>} : memref<4x32x16xf32, #tpu.memory_space<vmem>>, vector<1x1x16xf32>,
    %swap3A_1037 = arith.constant 3 : i32
    %swap3A_1038 = arith.constant 29 : i32
    %swap3A_1039 = arith.index_cast %swap3A_1037 : i32 to index
    %swap3A_1040 = arith.index_cast %swap3A_1038 : i32 to index
    %swap3A_1041 = arith.constant 0 : index
    %swap3A_1042 = tpu.vector_load %arg13[%swap3A_1039, %swap3A_1040, %swap3A_1041] {strides = array<i32>} : memref<4x32x16xf32, #tpu.memory_space<vmem>>, vector<1x1x16xf32>,
    %swap3A_1043 = vector.shape_cast %swap3A_1042 : vector<1x1x16xf32> to vector<16xf32>
    %swap3A_1044 = vector.shape_cast %broadcast_in_dim3A_37 : vector<16xf32> to vector<1x1x16xf32>
    tpu.vector_store %arg13[%swap3A_1039, %swap3A_1040, %swap3A_1041], %swap3A_1044 {strides = array<i32>} : memref<4x32x16xf32, #tpu.memory_space<vmem>>, vector<1x1x16xf32>,
    %swap3A_1045 = arith.constant 3 : i32
    %swap3A_1046 = arith.constant 30 : i32
    %swap3A_1047 = arith.index_cast %swap3A_1045 : i32 to index
    %swap3A_1048 = arith.index_cast %swap3A_1046 : i32 to index
    %swap3A_1049 = arith.constant 0 : index
    %swap3A_1050 = tpu.vector_load %arg13[%swap3A_1047, %swap3A_1048, %swap3A_1049] {strides = array<i32>} : memref<4x32x16xf32, #tpu.memory_space<vmem>>, vector<1x1x16xf32>,
    %swap3A_1051 = vector.shape_cast %swap3A_1050 : vector<1x1x16xf32> to vector<16xf32>
    %swap3A_1052 = vector.shape_cast %broadcast_in_dim3A_37 : vector<16xf32> to vector<1x1x16xf32>
    tpu.vector_store %arg13[%swap3A_1047, %swap3A_1048, %swap3A_1049], %swap3A_1052 {strides = array<i32>} : memref<4x32x16xf32, #tpu.memory_space<vmem>>, vector<1x1x16xf32>,
    %swap3A_1053 = arith.constant 3 : i32
    %swap3A_1054 = arith.constant 31 : i32
    %swap3A_1055 = arith.index_cast %swap3A_1053 : i32 to index
    %swap3A_1056 = arith.index_cast %swap3A_1054 : i32 to index
    %swap3A_1057 = arith.constant 0 : index
    %swap3A_1058 = tpu.vector_load %arg13[%swap3A_1055, %swap3A_1056, %swap3A_1057] {strides = array<i32>} : memref<4x32x16xf32, #tpu.memory_space<vmem>>, vector<1x1x16xf32>,
    %swap3A_1059 = vector.shape_cast %swap3A_1058 : vector<1x1x16xf32> to vector<16xf32>
    %swap3A_1060 = vector.shape_cast %broadcast_in_dim3A_37 : vector<16xf32> to vector<1x1x16xf32>
    tpu.vector_store %arg13[%swap3A_1055, %swap3A_1056, %swap3A_1057], %swap3A_1060 {strides = array<i32>} : memref<4x32x16xf32, #tpu.memory_space<vmem>>, vector<1x1x16xf32>,
    %dma_start3A = arith.constant 0 : i32
    %dma_start3A_1061 = arith.constant 0 : i32
    %dma_start3A_1062 = tpu.memref_slice %arg2[%dma_start3A, %mul3A_2, %dma_start3A_1061] : memref<30x2304x128xf32, #tpu.memory_space<hbm>> -> memref<1x72x128xf32, #tpu.memory_space<hbm>>
    %dma_start3A_1063 = tpu.memref_squeeze %dma_start3A_1062 : memref<1x72x128xf32, #tpu.memory_space<hbm>> -> memref<72x128xf32, #tpu.memory_space<hbm>>
    %dma_start3A_1064 = arith.constant 0 : i32
    %dma_start3A_1065 = tpu.memref_slice %arg2[%dma_start3A, %mul3A_2, %dma_start3A_1064] : memref<30x2304x128xf32, #tpu.memory_space<hbm>> -> memref<1x72x128xf32, #tpu.memory_space<hbm>>
    %dma_start3A_1066 = tpu.memref_squeeze %dma_start3A_1065 : memref<1x72x128xf32, #tpu.memory_space<hbm>> -> memref<72x128xf32, #tpu.memory_space<hbm>>
    tpu.enqueue_dma source(%dma_start3A_1066 : memref<72x128xf32, #tpu.memory_space<hbm>>) target(%arg9 : memref<72x128xf32, #tpu.memory_space<vmem>>) target_semaphore(%arg14 : memref<!tpu.dma_semaphore, #tpu.memory_space<semaphore_mem>>)
    %scan3A = arith.constant 0 : i32
    %scan3A_1067 = arith.constant 0 : i32
    %scan3A_1068 = arith.constant 30 : i32
    %scan3A_1069 = arith.addi %scan3A_1067, %scan3A_1068 : i32
    %scan3A_1070 = arith.constant 1 : i32
    %scan3A_1071 = scf.for %scan3A_2113 = %scan3A_1067 to %scan3A_1069 step %scan3A_1070 iter_args(%scan3A_2114 = %scan3A) -> (i32)  : i32 {
      %jit3A_2115 = arith.constant 2 : i32
      %eq3A_2116 = arith.constant 0 : i32
      %eq3A_2117 = arith.cmpi eq, %jit3A_2115, %eq3A_2116 : i32
      %jit3A_2118 = arith.constant 1 : i32
      %select_n3A_2119 = arith.select %eq3A_2117, %jit3A_2118, %jit3A_2115 : i32
      %rem3A_2120 = arith.remsi %scan3A_2113, %select_n3A_2119 : i32
      %ne3A_2121 = arith.constant 0 : i32
      %ne3A_2122 = arith.cmpi ne, %rem3A_2120, %ne3A_2121 : i32
      %lt3A_2123 = arith.constant 0 : i32
      %lt3A_2124 = arith.cmpi slt, %rem3A_2120, %lt3A_2123 : i32
      %lt3A_2125 = arith.constant 0 : i32
      %lt3A_2126 = arith.cmpi slt, %select_n3A_2119, %lt3A_2125 : i32
      %ne3A_2127 = arith.xori %lt3A_2124, %lt3A_2126 : i1
      %and3A_2128 = arith.andi %ne3A_2127, %ne3A_2122 : i1
      %add3A_2129 = arith.addi %rem3A_2120, %select_n3A_2119 : i32
      %select_n3A_2130 = arith.select %and3A_2128, %add3A_2129, %rem3A_2120 : i32
      %eq3A_2131 = arith.constant 0 : i32
      %eq3A_2132 = arith.cmpi eq, %select_n3A_2130, %eq3A_2131 : i32
      %convert_element_type3A = arith.extui %eq3A_2132 : i1 to i32
      %cond3A = arith.constant 0 : i32
      %cond3A_2133 = arith.cmpi ne, %convert_element_type3A, %cond3A : i32
      scf.if %cond3A_2133 {
        %add3A_2156 = arith.constant 0 : i32
        %add3A_2157 = arith.addi %add3A_2156, %scan3A_2113 : i32
        %dma_wait3A = arith.constant 0 : i32
        %dma_wait3A_2158 = tpu.memref_slice %arg2[%add3A_2157, %mul3A_2, %dma_wait3A] : memref<30x2304x128xf32, #tpu.memory_space<hbm>> -> memref<1x72x128xf32, #tpu.memory_space<hbm>>
        %dma_wait3A_2159 = tpu.memref_squeeze %dma_wait3A_2158 : memref<1x72x128xf32, #tpu.memory_space<hbm>> -> memref<72x128xf32, #tpu.memory_space<hbm>>
        %dma_wait3A_2160 = arith.constant 0 : i32
        %dma_wait3A_2161 = tpu.memref_slice %arg2[%add3A_2157, %mul3A_2, %dma_wait3A_2160] : memref<30x2304x128xf32, #tpu.memory_space<hbm>> -> memref<1x72x128xf32, #tpu.memory_space<hbm>>
        %dma_wait3A_2162 = tpu.memref_squeeze %dma_wait3A_2161 : memref<1x72x128xf32, #tpu.memory_space<hbm>> -> memref<72x128xf32, #tpu.memory_space<hbm>>
        tpu.wait_dma2 semaphore(%arg14 : memref<!tpu.dma_semaphore, #tpu.memory_space<semaphore_mem>>) src(%dma_wait3A_2162 : memref<72x128xf32, #tpu.memory_space<hbm>>) dst(%arg9 : memref<72x128xf32, #tpu.memory_space<vmem>>)
        %add3A_2163 = arith.constant 1 : i32
        %add3A_2164 = arith.addi %scan3A_2113, %add3A_2163 : i32
        %lt3A_2165 = arith.constant 30 : i32
        %lt3A_2166 = arith.cmpi slt, %add3A_2164, %lt3A_2165 : i32
        %convert_element_type3A_2167 = arith.extui %lt3A_2166 : i1 to i32
        %cond3A_2168 = arith.constant 0 : i32
        %cond3A_2169 = arith.cmpi ne, %convert_element_type3A_2167, %cond3A_2168 : i32
        scf.if %cond3A_2169 {
          %add3A_2212 = arith.constant 0 : i32
          %add3A_2213 = arith.addi %add3A_2212, %scan3A_2113 : i32
          %add3A_2214 = arith.constant 1 : i32
          %add3A_2215 = arith.addi %add3A_2213, %add3A_2214 : i32
          %dma_start3A_2216 = arith.constant 0 : i32
          %dma_start3A_2217 = tpu.memref_slice %arg2[%add3A_2215, %mul3A_2, %dma_start3A_2216] : memref<30x2304x128xf32, #tpu.memory_space<hbm>> -> memref<1x72x128xf32, #tpu.memory_space<hbm>>
          %dma_start3A_2218 = tpu.memref_squeeze %dma_start3A_2217 : memref<1x72x128xf32, #tpu.memory_space<hbm>> -> memref<72x128xf32, #tpu.memory_space<hbm>>
          %dma_start3A_2219 = arith.constant 0 : i32
          %dma_start3A_2220 = tpu.memref_slice %arg2[%add3A_2215, %mul3A_2, %dma_start3A_2219] : memref<30x2304x128xf32, #tpu.memory_space<hbm>> -> memref<1x72x128xf32, #tpu.memory_space<hbm>>
          %dma_start3A_2221 = tpu.memref_squeeze %dma_start3A_2220 : memref<1x72x128xf32, #tpu.memory_space<hbm>> -> memref<72x128xf32, #tpu.memory_space<hbm>>
          tpu.enqueue_dma source(%dma_start3A_2221 : memref<72x128xf32, #tpu.memory_space<hbm>>) target(%arg10 : memref<72x128xf32, #tpu.memory_space<vmem>>) target_semaphore(%arg15 : memref<!tpu.dma_semaphore, #tpu.memory_space<semaphore_mem>>)
        } else {
        }
        %scan3A_2170 = arith.constant 0 : i32
        %scan3A_2171 = arith.constant 72 : i32
        %scan3A_2172 = arith.addi %scan3A_2170, %scan3A_2171 : i32
        %scan3A_2173 = arith.constant 1 : i32
        %scan3A_2174:4 = scf.for %scan3A_2212 = %scan3A_2170 to %scan3A_2172 step %scan3A_2173 iter_args(%scan3A_2213 = %broadcast_in_dim3A_37, %scan3A_2214 = %broadcast_in_dim3A_37, %scan3A_2215 = %broadcast_in_dim3A_37, %scan3A_2216 = %broadcast_in_dim3A_37) -> (vector<16xf32>, vector<16xf32>, vector<16xf32>, vector<16xf32>)  : i32 {
          %get3A = arith.index_cast %scan3A_2212 : i32 to index
          %get3A_2217 = arith.constant 0 : index
          %get3A_2218 = tpu.vector_load %arg9[%get3A, %get3A_2217] {strides = array<i32>} : memref<72x128xf32, #tpu.memory_space<vmem>>, vector<1x16xf32>,
          %get3A_2219 = vector.shape_cast %get3A_2218 : vector<1x16xf32> to vector<16xf32>
          %get3A_2220 = arith.constant 0 : i32
          %get3A_2221 = arith.index_cast %get3A_2220 : i32 to index
          %get3A_2222 = arith.index_cast %scan3A_2212 : i32 to index
          %get3A_2223 = arith.constant 0 : index
          %get3A_2224 = tpu.vector_load %arg7[%get3A_2221, %get3A_2222, %get3A_2223] {strides = array<i32>} : memref<4x72x128xf32, #tpu.memory_space<vmem>>, vector<1x1x16xf32>,
          %get3A_2225 = vector.shape_cast %get3A_2224 : vector<1x1x16xf32> to vector<16xf32>
          %sub3A_2226 = arith.subf %get3A_2219, %get3A_2225 : vector<16xf32>
          %mul3A_2227 = arith.mulf %sub3A_2226, %sub3A_2226 : vector<16xf32>
          %add3A_2228 = arith.addf %scan3A_2213, %mul3A_2227 : vector<16xf32>
          %get3A_2229 = arith.constant 1 : i32
          %get3A_2230 = arith.index_cast %get3A_2229 : i32 to index
          %get3A_2231 = arith.index_cast %scan3A_2212 : i32 to index
          %get3A_2232 = arith.constant 0 : index
          %get3A_2233 = tpu.vector_load %arg7[%get3A_2230, %get3A_2231, %get3A_2232] {strides = array<i32>} : memref<4x72x128xf32, #tpu.memory_space<vmem>>, vector<1x1x16xf32>,
          %get3A_2234 = vector.shape_cast %get3A_2233 : vector<1x1x16xf32> to vector<16xf32>
          %sub3A_2235 = arith.subf %get3A_2219, %get3A_2234 : vector<16xf32>
          %mul3A_2236 = arith.mulf %sub3A_2235, %sub3A_2235 : vector<16xf32>
          %add3A_2237 = arith.addf %scan3A_2214, %mul3A_2236 : vector<16xf32>
          %get3A_2238 = arith.constant 2 : i32
          %get3A_2239 = arith.index_cast %get3A_2238 : i32 to index
          %get3A_2240 = arith.index_cast %scan3A_2212 : i32 to index
          %get3A_2241 = arith.constant 0 : index
          %get3A_2242 = tpu.vector_load %arg7[%get3A_2239, %get3A_2240, %get3A_2241] {strides = array<i32>} : memref<4x72x128xf32, #tpu.memory_space<vmem>>, vector<1x1x16xf32>,
          %get3A_2243 = vector.shape_cast %get3A_2242 : vector<1x1x16xf32> to vector<16xf32>
          %sub3A_2244 = arith.subf %get3A_2219, %get3A_2243 : vector<16xf32>
          %mul3A_2245 = arith.mulf %sub3A_2244, %sub3A_2244 : vector<16xf32>
          %add3A_2246 = arith.addf %scan3A_2215, %mul3A_2245 : vector<16xf32>
          %get3A_2247 = arith.constant 3 : i32
          %get3A_2248 = arith.index_cast %get3A_2247 : i32 to index
          %get3A_2249 = arith.index_cast %scan3A_2212 : i32 to index
          %get3A_2250 = arith.constant 0 : index
          %get3A_2251 = tpu.vector_load %arg7[%get3A_2248, %get3A_2249, %get3A_2250] {strides = array<i32>} : memref<4x72x128xf32, #tpu.memory_space<vmem>>, vector<1x1x16xf32>,
          %get3A_2252 = vector.shape_cast %get3A_2251 : vector<1x1x16xf32> to vector<16xf32>
          %sub3A_2253 = arith.subf %get3A_2219, %get3A_2252 : vector<16xf32>
          %mul3A_2254 = arith.mulf %sub3A_2253, %sub3A_2253 : vector<16xf32>
          %add3A_2255 = arith.addf %scan3A_2216, %mul3A_2254 : vector<16xf32>
          %get3A_2256 = arith.index_cast %scan3A_2212 : i32 to index
          %get3A_2257 = arith.constant 16 : index
          %get3A_2258 = tpu.vector_load %arg9[%get3A_2256, %get3A_2257] {strides = array<i32>} : memref<72x128xf32, #tpu.memory_space<vmem>>, vector<1x16xf32>,
          %get3A_2259 = vector.shape_cast %get3A_2258 : vector<1x16xf32> to vector<16xf32>
          %get3A_2260 = arith.constant 0 : i32
          %get3A_2261 = arith.index_cast %get3A_2260 : i32 to index
          %get3A_2262 = arith.index_cast %scan3A_2212 : i32 to index
          %get3A_2263 = arith.constant 16 : index
          %get3A_2264 = tpu.vector_load %arg7[%get3A_2261, %get3A_2262, %get3A_2263] {strides = array<i32>} : memref<4x72x128xf32, #tpu.memory_space<vmem>>, vector<1x1x16xf32>,
          %get3A_2265 = vector.shape_cast %get3A_2264 : vector<1x1x16xf32> to vector<16xf32>
          %sub3A_2266 = arith.subf %get3A_2259, %get3A_2265 : vector<16xf32>
          %mul3A_2267 = arith.mulf %sub3A_2266, %sub3A_2266 : vector<16xf32>
          %add3A_2268 = arith.addf %add3A_2228, %mul3A_2267 : vector<16xf32>
          %get3A_2269 = arith.constant 1 : i32
          %get3A_2270 = arith.index_cast %get3A_2269 : i32 to index
          %get3A_2271 = arith.index_cast %scan3A_2212 : i32 to index
          %get3A_2272 = arith.constant 16 : index
          %get3A_2273 = tpu.vector_load %arg7[%get3A_2270, %get3A_2271, %get3A_2272] {strides = array<i32>} : memref<4x72x128xf32, #tpu.memory_space<vmem>>, vector<1x1x16xf32>,
          %get3A_2274 = vector.shape_cast %get3A_2273 : vector<1x1x16xf32> to vector<16xf32>
          %sub3A_2275 = arith.subf %get3A_2259, %get3A_2274 : vector<16xf32>
          %mul3A_2276 = arith.mulf %sub3A_2275, %sub3A_2275 : vector<16xf32>
          %add3A_2277 = arith.addf %add3A_2237, %mul3A_2276 : vector<16xf32>
          %get3A_2278 = arith.constant 2 : i32
          %get3A_2279 = arith.index_cast %get3A_2278 : i32 to index
          %get3A_2280 = arith.index_cast %scan3A_2212 : i32 to index
          %get3A_2281 = arith.constant 16 : index
          %get3A_2282 = tpu.vector_load %arg7[%get3A_2279, %get3A_2280, %get3A_2281] {strides = array<i32>} : memref<4x72x128xf32, #tpu.memory_space<vmem>>, vector<1x1x16xf32>,
          %get3A_2283 = vector.shape_cast %get3A_2282 : vector<1x1x16xf32> to vector<16xf32>
          %sub3A_2284 = arith.subf %get3A_2259, %get3A_2283 : vector<16xf32>
          %mul3A_2285 = arith.mulf %sub3A_2284, %sub3A_2284 : vector<16xf32>
          %add3A_2286 = arith.addf %add3A_2246, %mul3A_2285 : vector<16xf32>
          %get3A_2287 = arith.constant 3 : i32
          %get3A_2288 = arith.index_cast %get3A_2287 : i32 to index
          %get3A_2289 = arith.index_cast %scan3A_2212 : i32 to index
          %get3A_2290 = arith.constant 16 : index
          %get3A_2291 = tpu.vector_load %arg7[%get3A_2288, %get3A_2289, %get3A_2290] {strides = array<i32>} : memref<4x72x128xf32, #tpu.memory_space<vmem>>, vector<1x1x16xf32>,
          %get3A_2292 = vector.shape_cast %get3A_2291 : vector<1x1x16xf32> to vector<16xf32>
          %sub3A_2293 = arith.subf %get3A_2259, %get3A_2292 : vector<16xf32>
          %mul3A_2294 = arith.mulf %sub3A_2293, %sub3A_2293 : vector<16xf32>
          %add3A_2295 = arith.addf %add3A_2255, %mul3A_2294 : vector<16xf32>
          %get3A_2296 = arith.index_cast %scan3A_2212 : i32 to index
          %get3A_2297 = arith.constant 32 : index
          %get3A_2298 = tpu.vector_load %arg9[%get3A_2296, %get3A_2297] {strides = array<i32>} : memref<72x128xf32, #tpu.memory_space<vmem>>, vector<1x16xf32>,
          %get3A_2299 = vector.shape_cast %get3A_2298 : vector<1x16xf32> to vector<16xf32>
          %get3A_2300 = arith.constant 0 : i32
          %get3A_2301 = arith.index_cast %get3A_2300 : i32 to index
          %get3A_2302 = arith.index_cast %scan3A_2212 : i32 to index
          %get3A_2303 = arith.constant 32 : index
          %get3A_2304 = tpu.vector_load %arg7[%get3A_2301, %get3A_2302, %get3A_2303] {strides = array<i32>} : memref<4x72x128xf32, #tpu.memory_space<vmem>>, vector<1x1x16xf32>,
          %get3A_2305 = vector.shape_cast %get3A_2304 : vector<1x1x16xf32> to vector<16xf32>
          %sub3A_2306 = arith.subf %get3A_2299, %get3A_2305 : vector<16xf32>
          %mul3A_2307 = arith.mulf %sub3A_2306, %sub3A_2306 : vector<16xf32>
          %add3A_2308 = arith.addf %add3A_2268, %mul3A_2307 : vector<16xf32>
          %get3A_2309 = arith.constant 1 : i32
          %get3A_2310 = arith.index_cast %get3A_2309 : i32 to index
          %get3A_2311 = arith.index_cast %scan3A_2212 : i32 to index
          %get3A_2312 = arith.constant 32 : index
          %get3A_2313 = tpu.vector_load %arg7[%get3A_2310, %get3A_2311, %get3A_2312] {strides = array<i32>} : memref<4x72x128xf32, #tpu.memory_space<vmem>>, vector<1x1x16xf32>,
          %get3A_2314 = vector.shape_cast %get3A_2313 : vector<1x1x16xf32> to vector<16xf32>
          %sub3A_2315 = arith.subf %get3A_2299, %get3A_2314 : vector<16xf32>
          %mul3A_2316 = arith.mulf %sub3A_2315, %sub3A_2315 : vector<16xf32>
          %add3A_2317 = arith.addf %add3A_2277, %mul3A_2316 : vector<16xf32>
          %get3A_2318 = arith.constant 2 : i32
          %get3A_2319 = arith.index_cast %get3A_2318 : i32 to index
          %get3A_2320 = arith.index_cast %scan3A_2212 : i32 to index
          %get3A_2321 = arith.constant 32 : index
          %get3A_2322 = tpu.vector_load %arg7[%get3A_2319, %get3A_2320, %get3A_2321] {strides = array<i32>} : memref<4x72x128xf32, #tpu.memory_space<vmem>>, vector<1x1x16xf32>,
          %get3A_2323 = vector.shape_cast %get3A_2322 : vector<1x1x16xf32> to vector<16xf32>
          %sub3A_2324 = arith.subf %get3A_2299, %get3A_2323 : vector<16xf32>
          %mul3A_2325 = arith.mulf %sub3A_2324, %sub3A_2324 : vector<16xf32>
          %add3A_2326 = arith.addf %add3A_2286, %mul3A_2325 : vector<16xf32>
          %get3A_2327 = arith.constant 3 : i32
          %get3A_2328 = arith.index_cast %get3A_2327 : i32 to index
          %get3A_2329 = arith.index_cast %scan3A_2212 : i32 to index
          %get3A_2330 = arith.constant 32 : index
          %get3A_2331 = tpu.vector_load %arg7[%get3A_2328, %get3A_2329, %get3A_2330] {strides = array<i32>} : memref<4x72x128xf32, #tpu.memory_space<vmem>>, vector<1x1x16xf32>,
          %get3A_2332 = vector.shape_cast %get3A_2331 : vector<1x1x16xf32> to vector<16xf32>
          %sub3A_2333 = arith.subf %get3A_2299, %get3A_2332 : vector<16xf32>
          %mul3A_2334 = arith.mulf %sub3A_2333, %sub3A_2333 : vector<16xf32>
          %add3A_2335 = arith.addf %add3A_2295, %mul3A_2334 : vector<16xf32>
          %get3A_2336 = arith.index_cast %scan3A_2212 : i32 to index
          %get3A_2337 = arith.constant 48 : index
          %get3A_2338 = tpu.vector_load %arg9[%get3A_2336, %get3A_2337] {strides = array<i32>} : memref<72x128xf32, #tpu.memory_space<vmem>>, vector<1x16xf32>,
          %get3A_2339 = vector.shape_cast %get3A_2338 : vector<1x16xf32> to vector<16xf32>
          %get3A_2340 = arith.constant 0 : i32
          %get3A_2341 = arith.index_cast %get3A_2340 : i32 to index
          %get3A_2342 = arith.index_cast %scan3A_2212 : i32 to index
          %get3A_2343 = arith.constant 48 : index
          %get3A_2344 = tpu.vector_load %arg7[%get3A_2341, %get3A_2342, %get3A_2343] {strides = array<i32>} : memref<4x72x128xf32, #tpu.memory_space<vmem>>, vector<1x1x16xf32>,
          %get3A_2345 = vector.shape_cast %get3A_2344 : vector<1x1x16xf32> to vector<16xf32>
          %sub3A_2346 = arith.subf %get3A_2339, %get3A_2345 : vector<16xf32>
          %mul3A_2347 = arith.mulf %sub3A_2346, %sub3A_2346 : vector<16xf32>
          %add3A_2348 = arith.addf %add3A_2308, %mul3A_2347 : vector<16xf32>
          %get3A_2349 = arith.constant 1 : i32
          %get3A_2350 = arith.index_cast %get3A_2349 : i32 to index
          %get3A_2351 = arith.index_cast %scan3A_2212 : i32 to index
          %get3A_2352 = arith.constant 48 : index
          %get3A_2353 = tpu.vector_load %arg7[%get3A_2350, %get3A_2351, %get3A_2352] {strides = array<i32>} : memref<4x72x128xf32, #tpu.memory_space<vmem>>, vector<1x1x16xf32>,
          %get3A_2354 = vector.shape_cast %get3A_2353 : vector<1x1x16xf32> to vector<16xf32>
          %sub3A_2355 = arith.subf %get3A_2339, %get3A_2354 : vector<16xf32>
          %mul3A_2356 = arith.mulf %sub3A_2355, %sub3A_2355 : vector<16xf32>
          %add3A_2357 = arith.addf %add3A_2317, %mul3A_2356 : vector<16xf32>
          %get3A_2358 = arith.constant 2 : i32
          %get3A_2359 = arith.index_cast %get3A_2358 : i32 to index
          %get3A_2360 = arith.index_cast %scan3A_2212 : i32 to index
          %get3A_2361 = arith.constant 48 : index
          %get3A_2362 = tpu.vector_load %arg7[%get3A_2359, %get3A_2360, %get3A_2361] {strides = array<i32>} : memref<4x72x128xf32, #tpu.memory_space<vmem>>, vector<1x1x16xf32>,
          %get3A_2363 = vector.shape_cast %get3A_2362 : vector<1x1x16xf32> to vector<16xf32>
          %sub3A_2364 = arith.subf %get3A_2339, %get3A_2363 : vector<16xf32>
          %mul3A_2365 = arith.mulf %sub3A_2364, %sub3A_2364 : vector<16xf32>
          %add3A_2366 = arith.addf %add3A_2326, %mul3A_2365 : vector<16xf32>
          %get3A_2367 = arith.constant 3 : i32
          %get3A_2368 = arith.index_cast %get3A_2367 : i32 to index
          %get3A_2369 = arith.index_cast %scan3A_2212 : i32 to index
          %get3A_2370 = arith.constant 48 : index
          %get3A_2371 = tpu.vector_load %arg7[%get3A_2368, %get3A_2369, %get3A_2370] {strides = array<i32>} : memref<4x72x128xf32, #tpu.memory_space<vmem>>, vector<1x1x16xf32>,
          %get3A_2372 = vector.shape_cast %get3A_2371 : vector<1x1x16xf32> to vector<16xf32>
          %sub3A_2373 = arith.subf %get3A_2339, %get3A_2372 : vector<16xf32>
          %mul3A_2374 = arith.mulf %sub3A_2373, %sub3A_2373 : vector<16xf32>
          %add3A_2375 = arith.addf %add3A_2335, %mul3A_2374 : vector<16xf32>
          %get3A_2376 = arith.index_cast %scan3A_2212 : i32 to index
          %get3A_2377 = arith.constant 64 : index
          %get3A_2378 = tpu.vector_load %arg9[%get3A_2376, %get3A_2377] {strides = array<i32>} : memref<72x128xf32, #tpu.memory_space<vmem>>, vector<1x16xf32>,
          %get3A_2379 = vector.shape_cast %get3A_2378 : vector<1x16xf32> to vector<16xf32>
          %get3A_2380 = arith.constant 0 : i32
          %get3A_2381 = arith.index_cast %get3A_2380 : i32 to index
          %get3A_2382 = arith.index_cast %scan3A_2212 : i32 to index
          %get3A_2383 = arith.constant 64 : index
          %get3A_2384 = tpu.vector_load %arg7[%get3A_2381, %get3A_2382, %get3A_2383] {strides = array<i32>} : memref<4x72x128xf32, #tpu.memory_space<vmem>>, vector<1x1x16xf32>,
          %get3A_2385 = vector.shape_cast %get3A_2384 : vector<1x1x16xf32> to vector<16xf32>
          %sub3A_2386 = arith.subf %get3A_2379, %get3A_2385 : vector<16xf32>
          %mul3A_2387 = arith.mulf %sub3A_2386, %sub3A_2386 : vector<16xf32>
          %add3A_2388 = arith.addf %add3A_2348, %mul3A_2387 : vector<16xf32>
          %get3A_2389 = arith.constant 1 : i32
          %get3A_2390 = arith.index_cast %get3A_2389 : i32 to index
          %get3A_2391 = arith.index_cast %scan3A_2212 : i32 to index
          %get3A_2392 = arith.constant 64 : index
          %get3A_2393 = tpu.vector_load %arg7[%get3A_2390, %get3A_2391, %get3A_2392] {strides = array<i32>} : memref<4x72x128xf32, #tpu.memory_space<vmem>>, vector<1x1x16xf32>,
          %get3A_2394 = vector.shape_cast %get3A_2393 : vector<1x1x16xf32> to vector<16xf32>
          %sub3A_2395 = arith.subf %get3A_2379, %get3A_2394 : vector<16xf32>
          %mul3A_2396 = arith.mulf %sub3A_2395, %sub3A_2395 : vector<16xf32>
          %add3A_2397 = arith.addf %add3A_2357, %mul3A_2396 : vector<16xf32>
          %get3A_2398 = arith.constant 2 : i32
          %get3A_2399 = arith.index_cast %get3A_2398 : i32 to index
          %get3A_2400 = arith.index_cast %scan3A_2212 : i32 to index
          %get3A_2401 = arith.constant 64 : index
          %get3A_2402 = tpu.vector_load %arg7[%get3A_2399, %get3A_2400, %get3A_2401] {strides = array<i32>} : memref<4x72x128xf32, #tpu.memory_space<vmem>>, vector<1x1x16xf32>,
          %get3A_2403 = vector.shape_cast %get3A_2402 : vector<1x1x16xf32> to vector<16xf32>
          %sub3A_2404 = arith.subf %get3A_2379, %get3A_2403 : vector<16xf32>
          %mul3A_2405 = arith.mulf %sub3A_2404, %sub3A_2404 : vector<16xf32>
          %add3A_2406 = arith.addf %add3A_2366, %mul3A_2405 : vector<16xf32>
          %get3A_2407 = arith.constant 3 : i32
          %get3A_2408 = arith.index_cast %get3A_2407 : i32 to index
          %get3A_2409 = arith.index_cast %scan3A_2212 : i32 to index
          %get3A_2410 = arith.constant 64 : index
          %get3A_2411 = tpu.vector_load %arg7[%get3A_2408, %get3A_2409, %get3A_2410] {strides = array<i32>} : memref<4x72x128xf32, #tpu.memory_space<vmem>>, vector<1x1x16xf32>,
          %get3A_2412 = vector.shape_cast %get3A_2411 : vector<1x1x16xf32> to vector<16xf32>
          %sub3A_2413 = arith.subf %get3A_2379, %get3A_2412 : vector<16xf32>
          %mul3A_2414 = arith.mulf %sub3A_2413, %sub3A_2413 : vector<16xf32>
          %add3A_2415 = arith.addf %add3A_2375, %mul3A_2414 : vector<16xf32>
          %get3A_2416 = arith.index_cast %scan3A_2212 : i32 to index
          %get3A_2417 = arith.constant 80 : index
          %get3A_2418 = tpu.vector_load %arg9[%get3A_2416, %get3A_2417] {strides = array<i32>} : memref<72x128xf32, #tpu.memory_space<vmem>>, vector<1x16xf32>,
          %get3A_2419 = vector.shape_cast %get3A_2418 : vector<1x16xf32> to vector<16xf32>
          %get3A_2420 = arith.constant 0 : i32
          %get3A_2421 = arith.index_cast %get3A_2420 : i32 to index
          %get3A_2422 = arith.index_cast %scan3A_2212 : i32 to index
          %get3A_2423 = arith.constant 80 : index
          %get3A_2424 = tpu.vector_load %arg7[%get3A_2421, %get3A_2422, %get3A_2423] {strides = array<i32>} : memref<4x72x128xf32, #tpu.memory_space<vmem>>, vector<1x1x16xf32>,
          %get3A_2425 = vector.shape_cast %get3A_2424 : vector<1x1x16xf32> to vector<16xf32>
          %sub3A_2426 = arith.subf %get3A_2419, %get3A_2425 : vector<16xf32>
          %mul3A_2427 = arith.mulf %sub3A_2426, %sub3A_2426 : vector<16xf32>
          %add3A_2428 = arith.addf %add3A_2388, %mul3A_2427 : vector<16xf32>
          %get3A_2429 = arith.constant 1 : i32
          %get3A_2430 = arith.index_cast %get3A_2429 : i32 to index
          %get3A_2431 = arith.index_cast %scan3A_2212 : i32 to index
          %get3A_2432 = arith.constant 80 : index
          %get3A_2433 = tpu.vector_load %arg7[%get3A_2430, %get3A_2431, %get3A_2432] {strides = array<i32>} : memref<4x72x128xf32, #tpu.memory_space<vmem>>, vector<1x1x16xf32>,
          %get3A_2434 = vector.shape_cast %get3A_2433 : vector<1x1x16xf32> to vector<16xf32>
          %sub3A_2435 = arith.subf %get3A_2419, %get3A_2434 : vector<16xf32>
          %mul3A_2436 = arith.mulf %sub3A_2435, %sub3A_2435 : vector<16xf32>
          %add3A_2437 = arith.addf %add3A_2397, %mul3A_2436 : vector<16xf32>
          %get3A_2438 = arith.constant 2 : i32
          %get3A_2439 = arith.index_cast %get3A_2438 : i32 to index
          %get3A_2440 = arith.index_cast %scan3A_2212 : i32 to index
          %get3A_2441 = arith.constant 80 : index
          %get3A_2442 = tpu.vector_load %arg7[%get3A_2439, %get3A_2440, %get3A_2441] {strides = array<i32>} : memref<4x72x128xf32, #tpu.memory_space<vmem>>, vector<1x1x16xf32>,
          %get3A_2443 = vector.shape_cast %get3A_2442 : vector<1x1x16xf32> to vector<16xf32>
          %sub3A_2444 = arith.subf %get3A_2419, %get3A_2443 : vector<16xf32>
          %mul3A_2445 = arith.mulf %sub3A_2444, %sub3A_2444 : vector<16xf32>
          %add3A_2446 = arith.addf %add3A_2406, %mul3A_2445 : vector<16xf32>
          %get3A_2447 = arith.constant 3 : i32
          %get3A_2448 = arith.index_cast %get3A_2447 : i32 to index
          %get3A_2449 = arith.index_cast %scan3A_2212 : i32 to index
          %get3A_2450 = arith.constant 80 : index
          %get3A_2451 = tpu.vector_load %arg7[%get3A_2448, %get3A_2449, %get3A_2450] {strides = array<i32>} : memref<4x72x128xf32, #tpu.memory_space<vmem>>, vector<1x1x16xf32>,
          %get3A_2452 = vector.shape_cast %get3A_2451 : vector<1x1x16xf32> to vector<16xf32>
          %sub3A_2453 = arith.subf %get3A_2419, %get3A_2452 : vector<16xf32>
          %mul3A_2454 = arith.mulf %sub3A_2453, %sub3A_2453 : vector<16xf32>
          %add3A_2455 = arith.addf %add3A_2415, %mul3A_2454 : vector<16xf32>
          %get3A_2456 = arith.index_cast %scan3A_2212 : i32 to index
          %get3A_2457 = arith.constant 96 : index
          %get3A_2458 = tpu.vector_load %arg9[%get3A_2456, %get3A_2457] {strides = array<i32>} : memref<72x128xf32, #tpu.memory_space<vmem>>, vector<1x16xf32>,
          %get3A_2459 = vector.shape_cast %get3A_2458 : vector<1x16xf32> to vector<16xf32>
          %get3A_2460 = arith.constant 0 : i32
          %get3A_2461 = arith.index_cast %get3A_2460 : i32 to index
          %get3A_2462 = arith.index_cast %scan3A_2212 : i32 to index
          %get3A_2463 = arith.constant 96 : index
          %get3A_2464 = tpu.vector_load %arg7[%get3A_2461, %get3A_2462, %get3A_2463] {strides = array<i32>} : memref<4x72x128xf32, #tpu.memory_space<vmem>>, vector<1x1x16xf32>,
          %get3A_2465 = vector.shape_cast %get3A_2464 : vector<1x1x16xf32> to vector<16xf32>
          %sub3A_2466 = arith.subf %get3A_2459, %get3A_2465 : vector<16xf32>
          %mul3A_2467 = arith.mulf %sub3A_2466, %sub3A_2466 : vector<16xf32>
          %add3A_2468 = arith.addf %add3A_2428, %mul3A_2467 : vector<16xf32>
          %get3A_2469 = arith.constant 1 : i32
          %get3A_2470 = arith.index_cast %get3A_2469 : i32 to index
          %get3A_2471 = arith.index_cast %scan3A_2212 : i32 to index
          %get3A_2472 = arith.constant 96 : index
          %get3A_2473 = tpu.vector_load %arg7[%get3A_2470, %get3A_2471, %get3A_2472] {strides = array<i32>} : memref<4x72x128xf32, #tpu.memory_space<vmem>>, vector<1x1x16xf32>,
          %get3A_2474 = vector.shape_cast %get3A_2473 : vector<1x1x16xf32> to vector<16xf32>
          %sub3A_2475 = arith.subf %get3A_2459, %get3A_2474 : vector<16xf32>
          %mul3A_2476 = arith.mulf %sub3A_2475, %sub3A_2475 : vector<16xf32>
          %add3A_2477 = arith.addf %add3A_2437, %mul3A_2476 : vector<16xf32>
          %get3A_2478 = arith.constant 2 : i32
          %get3A_2479 = arith.index_cast %get3A_2478 : i32 to index
          %get3A_2480 = arith.index_cast %scan3A_2212 : i32 to index
          %get3A_2481 = arith.constant 96 : index
          %get3A_2482 = tpu.vector_load %arg7[%get3A_2479, %get3A_2480, %get3A_2481] {strides = array<i32>} : memref<4x72x128xf32, #tpu.memory_space<vmem>>, vector<1x1x16xf32>,
          %get3A_2483 = vector.shape_cast %get3A_2482 : vector<1x1x16xf32> to vector<16xf32>
          %sub3A_2484 = arith.subf %get3A_2459, %get3A_2483 : vector<16xf32>
          %mul3A_2485 = arith.mulf %sub3A_2484, %sub3A_2484 : vector<16xf32>
          %add3A_2486 = arith.addf %add3A_2446, %mul3A_2485 : vector<16xf32>
          %get3A_2487 = arith.constant 3 : i32
          %get3A_2488 = arith.index_cast %get3A_2487 : i32 to index
          %get3A_2489 = arith.index_cast %scan3A_2212 : i32 to index
          %get3A_2490 = arith.constant 96 : index
          %get3A_2491 = tpu.vector_load %arg7[%get3A_2488, %get3A_2489, %get3A_2490] {strides = array<i32>} : memref<4x72x128xf32, #tpu.memory_space<vmem>>, vector<1x1x16xf32>,
          %get3A_2492 = vector.shape_cast %get3A_2491 : vector<1x1x16xf32> to vector<16xf32>
          %sub3A_2493 = arith.subf %get3A_2459, %get3A_2492 : vector<16xf32>
          %mul3A_2494 = arith.mulf %sub3A_2493, %sub3A_2493 : vector<16xf32>
          %add3A_2495 = arith.addf %add3A_2455, %mul3A_2494 : vector<16xf32>
          %get3A_2496 = arith.index_cast %scan3A_2212 : i32 to index
          %get3A_2497 = arith.constant 112 : index
          %get3A_2498 = tpu.vector_load %arg9[%get3A_2496, %get3A_2497] {strides = array<i32>} : memref<72x128xf32, #tpu.memory_space<vmem>>, vector<1x16xf32>,
          %get3A_2499 = vector.shape_cast %get3A_2498 : vector<1x16xf32> to vector<16xf32>
          %get3A_2500 = arith.constant 0 : i32
          %get3A_2501 = arith.index_cast %get3A_2500 : i32 to index
          %get3A_2502 = arith.index_cast %scan3A_2212 : i32 to index
          %get3A_2503 = arith.constant 112 : index
          %get3A_2504 = tpu.vector_load %arg7[%get3A_2501, %get3A_2502, %get3A_2503] {strides = array<i32>} : memref<4x72x128xf32, #tpu.memory_space<vmem>>, vector<1x1x16xf32>,
          %get3A_2505 = vector.shape_cast %get3A_2504 : vector<1x1x16xf32> to vector<16xf32>
          %sub3A_2506 = arith.subf %get3A_2499, %get3A_2505 : vector<16xf32>
          %mul3A_2507 = arith.mulf %sub3A_2506, %sub3A_2506 : vector<16xf32>
          %add3A_2508 = arith.addf %add3A_2468, %mul3A_2507 : vector<16xf32>
          %get3A_2509 = arith.constant 1 : i32
          %get3A_2510 = arith.index_cast %get3A_2509 : i32 to index
          %get3A_2511 = arith.index_cast %scan3A_2212 : i32 to index
          %get3A_2512 = arith.constant 112 : index
          %get3A_2513 = tpu.vector_load %arg7[%get3A_2510, %get3A_2511, %get3A_2512] {strides = array<i32>} : memref<4x72x128xf32, #tpu.memory_space<vmem>>, vector<1x1x16xf32>,
          %get3A_2514 = vector.shape_cast %get3A_2513 : vector<1x1x16xf32> to vector<16xf32>
          %sub3A_2515 = arith.subf %get3A_2499, %get3A_2514 : vector<16xf32>
          %mul3A_2516 = arith.mulf %sub3A_2515, %sub3A_2515 : vector<16xf32>
          %add3A_2517 = arith.addf %add3A_2477, %mul3A_2516 : vector<16xf32>
          %get3A_2518 = arith.constant 2 : i32
          %get3A_2519 = arith.index_cast %get3A_2518 : i32 to index
          %get3A_2520 = arith.index_cast %scan3A_2212 : i32 to index
          %get3A_2521 = arith.constant 112 : index
          %get3A_2522 = tpu.vector_load %arg7[%get3A_2519, %get3A_2520, %get3A_2521] {strides = array<i32>} : memref<4x72x128xf32, #tpu.memory_space<vmem>>, vector<1x1x16xf32>,
          %get3A_2523 = vector.shape_cast %get3A_2522 : vector<1x1x16xf32> to vector<16xf32>
          %sub3A_2524 = arith.subf %get3A_2499, %get3A_2523 : vector<16xf32>
          %mul3A_2525 = arith.mulf %sub3A_2524, %sub3A_2524 : vector<16xf32>
          %add3A_2526 = arith.addf %add3A_2486, %mul3A_2525 : vector<16xf32>
          %get3A_2527 = arith.constant 3 : i32
          %get3A_2528 = arith.index_cast %get3A_2527 : i32 to index
          %get3A_2529 = arith.index_cast %scan3A_2212 : i32 to index
          %get3A_2530 = arith.constant 112 : index
          %get3A_2531 = tpu.vector_load %arg7[%get3A_2528, %get3A_2529, %get3A_2530] {strides = array<i32>} : memref<4x72x128xf32, #tpu.memory_space<vmem>>, vector<1x1x16xf32>,
          %get3A_2532 = vector.shape_cast %get3A_2531 : vector<1x1x16xf32> to vector<16xf32>
          %sub3A_2533 = arith.subf %get3A_2499, %get3A_2532 : vector<16xf32>
          %mul3A_2534 = arith.mulf %sub3A_2533, %sub3A_2533 : vector<16xf32>
          %add3A_2535 = arith.addf %add3A_2495, %mul3A_2534 : vector<16xf32>
          scf.yield %add3A_2508, %add3A_2517, %add3A_2526, %add3A_2535 : vector<16xf32>, vector<16xf32>, vector<16xf32>, vector<16xf32>
        }
        %scan3A_2175 = arith.constant 72 : i32
        %add3A_2176 = arith.constant 0 : i32
        %add3A_2177 = arith.addi %add3A_2176, %scan3A_2113 : i32
        %swap3A_2178 = arith.constant 0 : i32
        %swap3A_2179 = arith.index_cast %swap3A_2178 : i32 to index
        %swap3A_2180 = arith.index_cast %add3A_2177 : i32 to index
        %swap3A_2181 = arith.constant 0 : index
        %swap3A_2182 = tpu.vector_load %arg13[%swap3A_2179, %swap3A_2180, %swap3A_2181] {strides = array<i32>} : memref<4x32x16xf32, #tpu.memory_space<vmem>>, vector<1x1x16xf32>,
        %swap3A_2183 = vector.shape_cast %swap3A_2182 : vector<1x1x16xf32> to vector<16xf32>
        %swap3A_2184 = vector.shape_cast %scan3A_2174#0 : vector<16xf32> to vector<1x1x16xf32>
        tpu.vector_store %arg13[%swap3A_2179, %swap3A_2180, %swap3A_2181], %swap3A_2184 {strides = array<i32>} : memref<4x32x16xf32, #tpu.memory_space<vmem>>, vector<1x1x16xf32>,
        %add3A_2185 = arith.constant 0 : i32
        %add3A_2186 = arith.addi %add3A_2185, %scan3A_2113 : i32
        %swap3A_2187 = arith.constant 1 : i32
        %swap3A_2188 = arith.index_cast %swap3A_2187 : i32 to index
        %swap3A_2189 = arith.index_cast %add3A_2186 : i32 to index
        %swap3A_2190 = arith.constant 0 : index
        %swap3A_2191 = tpu.vector_load %arg13[%swap3A_2188, %swap3A_2189, %swap3A_2190] {strides = array<i32>} : memref<4x32x16xf32, #tpu.memory_space<vmem>>, vector<1x1x16xf32>,
        %swap3A_2192 = vector.shape_cast %swap3A_2191 : vector<1x1x16xf32> to vector<16xf32>
        %swap3A_2193 = vector.shape_cast %scan3A_2174#1 : vector<16xf32> to vector<1x1x16xf32>
        tpu.vector_store %arg13[%swap3A_2188, %swap3A_2189, %swap3A_2190], %swap3A_2193 {strides = array<i32>} : memref<4x32x16xf32, #tpu.memory_space<vmem>>, vector<1x1x16xf32>,
        %add3A_2194 = arith.constant 0 : i32
        %add3A_2195 = arith.addi %add3A_2194, %scan3A_2113 : i32
        %swap3A_2196 = arith.constant 2 : i32
        %swap3A_2197 = arith.index_cast %swap3A_2196 : i32 to index
        %swap3A_2198 = arith.index_cast %add3A_2195 : i32 to index
        %swap3A_2199 = arith.constant 0 : index
        %swap3A_2200 = tpu.vector_load %arg13[%swap3A_2197, %swap3A_2198, %swap3A_2199] {strides = array<i32>} : memref<4x32x16xf32, #tpu.memory_space<vmem>>, vector<1x1x16xf32>,
        %swap3A_2201 = vector.shape_cast %swap3A_2200 : vector<1x1x16xf32> to vector<16xf32>
        %swap3A_2202 = vector.shape_cast %scan3A_2174#2 : vector<16xf32> to vector<1x1x16xf32>
        tpu.vector_store %arg13[%swap3A_2197, %swap3A_2198, %swap3A_2199], %swap3A_2202 {strides = array<i32>} : memref<4x32x16xf32, #tpu.memory_space<vmem>>, vector<1x1x16xf32>,
        %add3A_2203 = arith.constant 0 : i32
        %add3A_2204 = arith.addi %add3A_2203, %scan3A_2113 : i32
        %swap3A_2205 = arith.constant 3 : i32
        %swap3A_2206 = arith.index_cast %swap3A_2205 : i32 to index
        %swap3A_2207 = arith.index_cast %add3A_2204 : i32 to index
        %swap3A_2208 = arith.constant 0 : index
        %swap3A_2209 = tpu.vector_load %arg13[%swap3A_2206, %swap3A_2207, %swap3A_2208] {strides = array<i32>} : memref<4x32x16xf32, #tpu.memory_space<vmem>>, vector<1x1x16xf32>,
        %swap3A_2210 = vector.shape_cast %swap3A_2209 : vector<1x1x16xf32> to vector<16xf32>
        %swap3A_2211 = vector.shape_cast %scan3A_2174#3 : vector<16xf32> to vector<1x1x16xf32>
        tpu.vector_store %arg13[%swap3A_2206, %swap3A_2207, %swap3A_2208], %swap3A_2211 {strides = array<i32>} : memref<4x32x16xf32, #tpu.memory_space<vmem>>, vector<1x1x16xf32>,
      } else {
      }
      %jit3A_2134 = arith.constant 2 : i32
      %eq3A_2135 = arith.constant 0 : i32
      %eq3A_2136 = arith.cmpi eq, %jit3A_2134, %eq3A_2135 : i32
      %jit3A_2137 = arith.constant 1 : i32
      %select_n3A_2138 = arith.select %eq3A_2136, %jit3A_2137, %jit3A_2134 : i32
      %rem3A_2139 = arith.remsi %scan3A_2113, %select_n3A_2138 : i32
      %ne3A_2140 = arith.constant 0 : i32
      %ne3A_2141 = arith.cmpi ne, %rem3A_2139, %ne3A_2140 : i32
      %lt3A_2142 = arith.constant 0 : i32
      %lt3A_2143 = arith.cmpi slt, %rem3A_2139, %lt3A_2142 : i32
      %lt3A_2144 = arith.constant 0 : i32
      %lt3A_2145 = arith.cmpi slt, %select_n3A_2138, %lt3A_2144 : i32
      %ne3A_2146 = arith.xori %lt3A_2143, %lt3A_2145 : i1
      %and3A_2147 = arith.andi %ne3A_2146, %ne3A_2141 : i1
      %add3A_2148 = arith.addi %rem3A_2139, %select_n3A_2138 : i32
      %select_n3A_2149 = arith.select %and3A_2147, %add3A_2148, %rem3A_2139 : i32
      %eq3A_2150 = arith.constant 1 : i32
      %eq3A_2151 = arith.cmpi eq, %select_n3A_2149, %eq3A_2150 : i32
      %convert_element_type3A_2152 = arith.extui %eq3A_2151 : i1 to i32
      %cond3A_2153 = arith.constant 0 : i32
      %cond3A_2154 = arith.cmpi ne, %convert_element_type3A_2152, %cond3A_2153 : i32
      scf.if %cond3A_2154 {
        %add3A_2156 = arith.constant 0 : i32
        %add3A_2157 = arith.addi %add3A_2156, %scan3A_2113 : i32
        %dma_wait3A = arith.constant 0 : i32
        %dma_wait3A_2158 = tpu.memref_slice %arg2[%add3A_2157, %mul3A_2, %dma_wait3A] : memref<30x2304x128xf32, #tpu.memory_space<hbm>> -> memref<1x72x128xf32, #tpu.memory_space<hbm>>
        %dma_wait3A_2159 = tpu.memref_squeeze %dma_wait3A_2158 : memref<1x72x128xf32, #tpu.memory_space<hbm>> -> memref<72x128xf32, #tpu.memory_space<hbm>>
        %dma_wait3A_2160 = arith.constant 0 : i32
        %dma_wait3A_2161 = tpu.memref_slice %arg2[%add3A_2157, %mul3A_2, %dma_wait3A_2160] : memref<30x2304x128xf32, #tpu.memory_space<hbm>> -> memref<1x72x128xf32, #tpu.memory_space<hbm>>
        %dma_wait3A_2162 = tpu.memref_squeeze %dma_wait3A_2161 : memref<1x72x128xf32, #tpu.memory_space<hbm>> -> memref<72x128xf32, #tpu.memory_space<hbm>>
        tpu.wait_dma2 semaphore(%arg15 : memref<!tpu.dma_semaphore, #tpu.memory_space<semaphore_mem>>) src(%dma_wait3A_2162 : memref<72x128xf32, #tpu.memory_space<hbm>>) dst(%arg10 : memref<72x128xf32, #tpu.memory_space<vmem>>)
        %add3A_2163 = arith.constant 1 : i32
        %add3A_2164 = arith.addi %scan3A_2113, %add3A_2163 : i32
        %lt3A_2165 = arith.constant 30 : i32
        %lt3A_2166 = arith.cmpi slt, %add3A_2164, %lt3A_2165 : i32
        %convert_element_type3A_2167 = arith.extui %lt3A_2166 : i1 to i32
        %cond3A_2168 = arith.constant 0 : i32
        %cond3A_2169 = arith.cmpi ne, %convert_element_type3A_2167, %cond3A_2168 : i32
        scf.if %cond3A_2169 {
          %add3A_2212 = arith.constant 0 : i32
          %add3A_2213 = arith.addi %add3A_2212, %scan3A_2113 : i32
          %add3A_2214 = arith.constant 1 : i32
          %add3A_2215 = arith.addi %add3A_2213, %add3A_2214 : i32
          %dma_start3A_2216 = arith.constant 0 : i32
          %dma_start3A_2217 = tpu.memref_slice %arg2[%add3A_2215, %mul3A_2, %dma_start3A_2216] : memref<30x2304x128xf32, #tpu.memory_space<hbm>> -> memref<1x72x128xf32, #tpu.memory_space<hbm>>
          %dma_start3A_2218 = tpu.memref_squeeze %dma_start3A_2217 : memref<1x72x128xf32, #tpu.memory_space<hbm>> -> memref<72x128xf32, #tpu.memory_space<hbm>>
          %dma_start3A_2219 = arith.constant 0 : i32
          %dma_start3A_2220 = tpu.memref_slice %arg2[%add3A_2215, %mul3A_2, %dma_start3A_2219] : memref<30x2304x128xf32, #tpu.memory_space<hbm>> -> memref<1x72x128xf32, #tpu.memory_space<hbm>>
          %dma_start3A_2221 = tpu.memref_squeeze %dma_start3A_2220 : memref<1x72x128xf32, #tpu.memory_space<hbm>> -> memref<72x128xf32, #tpu.memory_space<hbm>>
          tpu.enqueue_dma source(%dma_start3A_2221 : memref<72x128xf32, #tpu.memory_space<hbm>>) target(%arg9 : memref<72x128xf32, #tpu.memory_space<vmem>>) target_semaphore(%arg14 : memref<!tpu.dma_semaphore, #tpu.memory_space<semaphore_mem>>)
        } else {
        }
        %scan3A_2170 = arith.constant 0 : i32
        %scan3A_2171 = arith.constant 72 : i32
        %scan3A_2172 = arith.addi %scan3A_2170, %scan3A_2171 : i32
        %scan3A_2173 = arith.constant 1 : i32
        %scan3A_2174:4 = scf.for %scan3A_2212 = %scan3A_2170 to %scan3A_2172 step %scan3A_2173 iter_args(%scan3A_2213 = %broadcast_in_dim3A_37, %scan3A_2214 = %broadcast_in_dim3A_37, %scan3A_2215 = %broadcast_in_dim3A_37, %scan3A_2216 = %broadcast_in_dim3A_37) -> (vector<16xf32>, vector<16xf32>, vector<16xf32>, vector<16xf32>)  : i32 {
          %get3A = arith.index_cast %scan3A_2212 : i32 to index
          %get3A_2217 = arith.constant 0 : index
          %get3A_2218 = tpu.vector_load %arg10[%get3A, %get3A_2217] {strides = array<i32>} : memref<72x128xf32, #tpu.memory_space<vmem>>, vector<1x16xf32>,
          %get3A_2219 = vector.shape_cast %get3A_2218 : vector<1x16xf32> to vector<16xf32>
          %get3A_2220 = arith.constant 0 : i32
          %get3A_2221 = arith.index_cast %get3A_2220 : i32 to index
          %get3A_2222 = arith.index_cast %scan3A_2212 : i32 to index
          %get3A_2223 = arith.constant 0 : index
          %get3A_2224 = tpu.vector_load %arg7[%get3A_2221, %get3A_2222, %get3A_2223] {strides = array<i32>} : memref<4x72x128xf32, #tpu.memory_space<vmem>>, vector<1x1x16xf32>,
          %get3A_2225 = vector.shape_cast %get3A_2224 : vector<1x1x16xf32> to vector<16xf32>
          %sub3A_2226 = arith.subf %get3A_2219, %get3A_2225 : vector<16xf32>
          %mul3A_2227 = arith.mulf %sub3A_2226, %sub3A_2226 : vector<16xf32>
          %add3A_2228 = arith.addf %scan3A_2213, %mul3A_2227 : vector<16xf32>
          %get3A_2229 = arith.constant 1 : i32
          %get3A_2230 = arith.index_cast %get3A_2229 : i32 to index
          %get3A_2231 = arith.index_cast %scan3A_2212 : i32 to index
          %get3A_2232 = arith.constant 0 : index
          %get3A_2233 = tpu.vector_load %arg7[%get3A_2230, %get3A_2231, %get3A_2232] {strides = array<i32>} : memref<4x72x128xf32, #tpu.memory_space<vmem>>, vector<1x1x16xf32>,
          %get3A_2234 = vector.shape_cast %get3A_2233 : vector<1x1x16xf32> to vector<16xf32>
          %sub3A_2235 = arith.subf %get3A_2219, %get3A_2234 : vector<16xf32>
          %mul3A_2236 = arith.mulf %sub3A_2235, %sub3A_2235 : vector<16xf32>
          %add3A_2237 = arith.addf %scan3A_2214, %mul3A_2236 : vector<16xf32>
          %get3A_2238 = arith.constant 2 : i32
          %get3A_2239 = arith.index_cast %get3A_2238 : i32 to index
          %get3A_2240 = arith.index_cast %scan3A_2212 : i32 to index
          %get3A_2241 = arith.constant 0 : index
          %get3A_2242 = tpu.vector_load %arg7[%get3A_2239, %get3A_2240, %get3A_2241] {strides = array<i32>} : memref<4x72x128xf32, #tpu.memory_space<vmem>>, vector<1x1x16xf32>,
          %get3A_2243 = vector.shape_cast %get3A_2242 : vector<1x1x16xf32> to vector<16xf32>
          %sub3A_2244 = arith.subf %get3A_2219, %get3A_2243 : vector<16xf32>
          %mul3A_2245 = arith.mulf %sub3A_2244, %sub3A_2244 : vector<16xf32>
          %add3A_2246 = arith.addf %scan3A_2215, %mul3A_2245 : vector<16xf32>
          %get3A_2247 = arith.constant 3 : i32
          %get3A_2248 = arith.index_cast %get3A_2247 : i32 to index
          %get3A_2249 = arith.index_cast %scan3A_2212 : i32 to index
          %get3A_2250 = arith.constant 0 : index
          %get3A_2251 = tpu.vector_load %arg7[%get3A_2248, %get3A_2249, %get3A_2250] {strides = array<i32>} : memref<4x72x128xf32, #tpu.memory_space<vmem>>, vector<1x1x16xf32>,
          %get3A_2252 = vector.shape_cast %get3A_2251 : vector<1x1x16xf32> to vector<16xf32>
          %sub3A_2253 = arith.subf %get3A_2219, %get3A_2252 : vector<16xf32>
          %mul3A_2254 = arith.mulf %sub3A_2253, %sub3A_2253 : vector<16xf32>
          %add3A_2255 = arith.addf %scan3A_2216, %mul3A_2254 : vector<16xf32>
          %get3A_2256 = arith.index_cast %scan3A_2212 : i32 to index
          %get3A_2257 = arith.constant 16 : index
          %get3A_2258 = tpu.vector_load %arg10[%get3A_2256, %get3A_2257] {strides = array<i32>} : memref<72x128xf32, #tpu.memory_space<vmem>>, vector<1x16xf32>,
          %get3A_2259 = vector.shape_cast %get3A_2258 : vector<1x16xf32> to vector<16xf32>
          %get3A_2260 = arith.constant 0 : i32
          %get3A_2261 = arith.index_cast %get3A_2260 : i32 to index
          %get3A_2262 = arith.index_cast %scan3A_2212 : i32 to index
          %get3A_2263 = arith.constant 16 : index
          %get3A_2264 = tpu.vector_load %arg7[%get3A_2261, %get3A_2262, %get3A_2263] {strides = array<i32>} : memref<4x72x128xf32, #tpu.memory_space<vmem>>, vector<1x1x16xf32>,
          %get3A_2265 = vector.shape_cast %get3A_2264 : vector<1x1x16xf32> to vector<16xf32>
          %sub3A_2266 = arith.subf %get3A_2259, %get3A_2265 : vector<16xf32>
          %mul3A_2267 = arith.mulf %sub3A_2266, %sub3A_2266 : vector<16xf32>
          %add3A_2268 = arith.addf %add3A_2228, %mul3A_2267 : vector<16xf32>
          %get3A_2269 = arith.constant 1 : i32
          %get3A_2270 = arith.index_cast %get3A_2269 : i32 to index
          %get3A_2271 = arith.index_cast %scan3A_2212 : i32 to index
          %get3A_2272 = arith.constant 16 : index
          %get3A_2273 = tpu.vector_load %arg7[%get3A_2270, %get3A_2271, %get3A_2272] {strides = array<i32>} : memref<4x72x128xf32, #tpu.memory_space<vmem>>, vector<1x1x16xf32>,
          %get3A_2274 = vector.shape_cast %get3A_2273 : vector<1x1x16xf32> to vector<16xf32>
          %sub3A_2275 = arith.subf %get3A_2259, %get3A_2274 : vector<16xf32>
          %mul3A_2276 = arith.mulf %sub3A_2275, %sub3A_2275 : vector<16xf32>
          %add3A_2277 = arith.addf %add3A_2237, %mul3A_2276 : vector<16xf32>
          %get3A_2278 = arith.constant 2 : i32
          %get3A_2279 = arith.index_cast %get3A_2278 : i32 to index
          %get3A_2280 = arith.index_cast %scan3A_2212 : i32 to index
          %get3A_2281 = arith.constant 16 : index
          %get3A_2282 = tpu.vector_load %arg7[%get3A_2279, %get3A_2280, %get3A_2281] {strides = array<i32>} : memref<4x72x128xf32, #tpu.memory_space<vmem>>, vector<1x1x16xf32>,
          %get3A_2283 = vector.shape_cast %get3A_2282 : vector<1x1x16xf32> to vector<16xf32>
          %sub3A_2284 = arith.subf %get3A_2259, %get3A_2283 : vector<16xf32>
          %mul3A_2285 = arith.mulf %sub3A_2284, %sub3A_2284 : vector<16xf32>
          %add3A_2286 = arith.addf %add3A_2246, %mul3A_2285 : vector<16xf32>
          %get3A_2287 = arith.constant 3 : i32
          %get3A_2288 = arith.index_cast %get3A_2287 : i32 to index
          %get3A_2289 = arith.index_cast %scan3A_2212 : i32 to index
          %get3A_2290 = arith.constant 16 : index
          %get3A_2291 = tpu.vector_load %arg7[%get3A_2288, %get3A_2289, %get3A_2290] {strides = array<i32>} : memref<4x72x128xf32, #tpu.memory_space<vmem>>, vector<1x1x16xf32>,
          %get3A_2292 = vector.shape_cast %get3A_2291 : vector<1x1x16xf32> to vector<16xf32>
          %sub3A_2293 = arith.subf %get3A_2259, %get3A_2292 : vector<16xf32>
          %mul3A_2294 = arith.mulf %sub3A_2293, %sub3A_2293 : vector<16xf32>
          %add3A_2295 = arith.addf %add3A_2255, %mul3A_2294 : vector<16xf32>
          %get3A_2296 = arith.index_cast %scan3A_2212 : i32 to index
          %get3A_2297 = arith.constant 32 : index
          %get3A_2298 = tpu.vector_load %arg10[%get3A_2296, %get3A_2297] {strides = array<i32>} : memref<72x128xf32, #tpu.memory_space<vmem>>, vector<1x16xf32>,
          %get3A_2299 = vector.shape_cast %get3A_2298 : vector<1x16xf32> to vector<16xf32>
          %get3A_2300 = arith.constant 0 : i32
          %get3A_2301 = arith.index_cast %get3A_2300 : i32 to index
          %get3A_2302 = arith.index_cast %scan3A_2212 : i32 to index
          %get3A_2303 = arith.constant 32 : index
          %get3A_2304 = tpu.vector_load %arg7[%get3A_2301, %get3A_2302, %get3A_2303] {strides = array<i32>} : memref<4x72x128xf32, #tpu.memory_space<vmem>>, vector<1x1x16xf32>,
          %get3A_2305 = vector.shape_cast %get3A_2304 : vector<1x1x16xf32> to vector<16xf32>
          %sub3A_2306 = arith.subf %get3A_2299, %get3A_2305 : vector<16xf32>
          %mul3A_2307 = arith.mulf %sub3A_2306, %sub3A_2306 : vector<16xf32>
          %add3A_2308 = arith.addf %add3A_2268, %mul3A_2307 : vector<16xf32>
          %get3A_2309 = arith.constant 1 : i32
          %get3A_2310 = arith.index_cast %get3A_2309 : i32 to index
          %get3A_2311 = arith.index_cast %scan3A_2212 : i32 to index
          %get3A_2312 = arith.constant 32 : index
          %get3A_2313 = tpu.vector_load %arg7[%get3A_2310, %get3A_2311, %get3A_2312] {strides = array<i32>} : memref<4x72x128xf32, #tpu.memory_space<vmem>>, vector<1x1x16xf32>,
          %get3A_2314 = vector.shape_cast %get3A_2313 : vector<1x1x16xf32> to vector<16xf32>
          %sub3A_2315 = arith.subf %get3A_2299, %get3A_2314 : vector<16xf32>
          %mul3A_2316 = arith.mulf %sub3A_2315, %sub3A_2315 : vector<16xf32>
          %add3A_2317 = arith.addf %add3A_2277, %mul3A_2316 : vector<16xf32>
          %get3A_2318 = arith.constant 2 : i32
          %get3A_2319 = arith.index_cast %get3A_2318 : i32 to index
          %get3A_2320 = arith.index_cast %scan3A_2212 : i32 to index
          %get3A_2321 = arith.constant 32 : index
          %get3A_2322 = tpu.vector_load %arg7[%get3A_2319, %get3A_2320, %get3A_2321] {strides = array<i32>} : memref<4x72x128xf32, #tpu.memory_space<vmem>>, vector<1x1x16xf32>,
          %get3A_2323 = vector.shape_cast %get3A_2322 : vector<1x1x16xf32> to vector<16xf32>
          %sub3A_2324 = arith.subf %get3A_2299, %get3A_2323 : vector<16xf32>
          %mul3A_2325 = arith.mulf %sub3A_2324, %sub3A_2324 : vector<16xf32>
          %add3A_2326 = arith.addf %add3A_2286, %mul3A_2325 : vector<16xf32>
          %get3A_2327 = arith.constant 3 : i32
          %get3A_2328 = arith.index_cast %get3A_2327 : i32 to index
          %get3A_2329 = arith.index_cast %scan3A_2212 : i32 to index
          %get3A_2330 = arith.constant 32 : index
          %get3A_2331 = tpu.vector_load %arg7[%get3A_2328, %get3A_2329, %get3A_2330] {strides = array<i32>} : memref<4x72x128xf32, #tpu.memory_space<vmem>>, vector<1x1x16xf32>,
          %get3A_2332 = vector.shape_cast %get3A_2331 : vector<1x1x16xf32> to vector<16xf32>
          %sub3A_2333 = arith.subf %get3A_2299, %get3A_2332 : vector<16xf32>
          %mul3A_2334 = arith.mulf %sub3A_2333, %sub3A_2333 : vector<16xf32>
          %add3A_2335 = arith.addf %add3A_2295, %mul3A_2334 : vector<16xf32>
          %get3A_2336 = arith.index_cast %scan3A_2212 : i32 to index
          %get3A_2337 = arith.constant 48 : index
          %get3A_2338 = tpu.vector_load %arg10[%get3A_2336, %get3A_2337] {strides = array<i32>} : memref<72x128xf32, #tpu.memory_space<vmem>>, vector<1x16xf32>,
          %get3A_2339 = vector.shape_cast %get3A_2338 : vector<1x16xf32> to vector<16xf32>
          %get3A_2340 = arith.constant 0 : i32
          %get3A_2341 = arith.index_cast %get3A_2340 : i32 to index
          %get3A_2342 = arith.index_cast %scan3A_2212 : i32 to index
          %get3A_2343 = arith.constant 48 : index
          %get3A_2344 = tpu.vector_load %arg7[%get3A_2341, %get3A_2342, %get3A_2343] {strides = array<i32>} : memref<4x72x128xf32, #tpu.memory_space<vmem>>, vector<1x1x16xf32>,
          %get3A_2345 = vector.shape_cast %get3A_2344 : vector<1x1x16xf32> to vector<16xf32>
          %sub3A_2346 = arith.subf %get3A_2339, %get3A_2345 : vector<16xf32>
          %mul3A_2347 = arith.mulf %sub3A_2346, %sub3A_2346 : vector<16xf32>
          %add3A_2348 = arith.addf %add3A_2308, %mul3A_2347 : vector<16xf32>
          %get3A_2349 = arith.constant 1 : i32
          %get3A_2350 = arith.index_cast %get3A_2349 : i32 to index
          %get3A_2351 = arith.index_cast %scan3A_2212 : i32 to index
          %get3A_2352 = arith.constant 48 : index
          %get3A_2353 = tpu.vector_load %arg7[%get3A_2350, %get3A_2351, %get3A_2352] {strides = array<i32>} : memref<4x72x128xf32, #tpu.memory_space<vmem>>, vector<1x1x16xf32>,
          %get3A_2354 = vector.shape_cast %get3A_2353 : vector<1x1x16xf32> to vector<16xf32>
          %sub3A_2355 = arith.subf %get3A_2339, %get3A_2354 : vector<16xf32>
          %mul3A_2356 = arith.mulf %sub3A_2355, %sub3A_2355 : vector<16xf32>
          %add3A_2357 = arith.addf %add3A_2317, %mul3A_2356 : vector<16xf32>
          %get3A_2358 = arith.constant 2 : i32
          %get3A_2359 = arith.index_cast %get3A_2358 : i32 to index
          %get3A_2360 = arith.index_cast %scan3A_2212 : i32 to index
          %get3A_2361 = arith.constant 48 : index
          %get3A_2362 = tpu.vector_load %arg7[%get3A_2359, %get3A_2360, %get3A_2361] {strides = array<i32>} : memref<4x72x128xf32, #tpu.memory_space<vmem>>, vector<1x1x16xf32>,
          %get3A_2363 = vector.shape_cast %get3A_2362 : vector<1x1x16xf32> to vector<16xf32>
          %sub3A_2364 = arith.subf %get3A_2339, %get3A_2363 : vector<16xf32>
          %mul3A_2365 = arith.mulf %sub3A_2364, %sub3A_2364 : vector<16xf32>
          %add3A_2366 = arith.addf %add3A_2326, %mul3A_2365 : vector<16xf32>
          %get3A_2367 = arith.constant 3 : i32
          %get3A_2368 = arith.index_cast %get3A_2367 : i32 to index
          %get3A_2369 = arith.index_cast %scan3A_2212 : i32 to index
          %get3A_2370 = arith.constant 48 : index
          %get3A_2371 = tpu.vector_load %arg7[%get3A_2368, %get3A_2369, %get3A_2370] {strides = array<i32>} : memref<4x72x128xf32, #tpu.memory_space<vmem>>, vector<1x1x16xf32>,
          %get3A_2372 = vector.shape_cast %get3A_2371 : vector<1x1x16xf32> to vector<16xf32>
          %sub3A_2373 = arith.subf %get3A_2339, %get3A_2372 : vector<16xf32>
          %mul3A_2374 = arith.mulf %sub3A_2373, %sub3A_2373 : vector<16xf32>
          %add3A_2375 = arith.addf %add3A_2335, %mul3A_2374 : vector<16xf32>
          %get3A_2376 = arith.index_cast %scan3A_2212 : i32 to index
          %get3A_2377 = arith.constant 64 : index
          %get3A_2378 = tpu.vector_load %arg10[%get3A_2376, %get3A_2377] {strides = array<i32>} : memref<72x128xf32, #tpu.memory_space<vmem>>, vector<1x16xf32>,
          %get3A_2379 = vector.shape_cast %get3A_2378 : vector<1x16xf32> to vector<16xf32>
          %get3A_2380 = arith.constant 0 : i32
          %get3A_2381 = arith.index_cast %get3A_2380 : i32 to index
          %get3A_2382 = arith.index_cast %scan3A_2212 : i32 to index
          %get3A_2383 = arith.constant 64 : index
          %get3A_2384 = tpu.vector_load %arg7[%get3A_2381, %get3A_2382, %get3A_2383] {strides = array<i32>} : memref<4x72x128xf32, #tpu.memory_space<vmem>>, vector<1x1x16xf32>,
          %get3A_2385 = vector.shape_cast %get3A_2384 : vector<1x1x16xf32> to vector<16xf32>
          %sub3A_2386 = arith.subf %get3A_2379, %get3A_2385 : vector<16xf32>
          %mul3A_2387 = arith.mulf %sub3A_2386, %sub3A_2386 : vector<16xf32>
          %add3A_2388 = arith.addf %add3A_2348, %mul3A_2387 : vector<16xf32>
          %get3A_2389 = arith.constant 1 : i32
          %get3A_2390 = arith.index_cast %get3A_2389 : i32 to index
          %get3A_2391 = arith.index_cast %scan3A_2212 : i32 to index
          %get3A_2392 = arith.constant 64 : index
          %get3A_2393 = tpu.vector_load %arg7[%get3A_2390, %get3A_2391, %get3A_2392] {strides = array<i32>} : memref<4x72x128xf32, #tpu.memory_space<vmem>>, vector<1x1x16xf32>,
          %get3A_2394 = vector.shape_cast %get3A_2393 : vector<1x1x16xf32> to vector<16xf32>
          %sub3A_2395 = arith.subf %get3A_2379, %get3A_2394 : vector<16xf32>
          %mul3A_2396 = arith.mulf %sub3A_2395, %sub3A_2395 : vector<16xf32>
          %add3A_2397 = arith.addf %add3A_2357, %mul3A_2396 : vector<16xf32>
          %get3A_2398 = arith.constant 2 : i32
          %get3A_2399 = arith.index_cast %get3A_2398 : i32 to index
          %get3A_2400 = arith.index_cast %scan3A_2212 : i32 to index
          %get3A_2401 = arith.constant 64 : index
          %get3A_2402 = tpu.vector_load %arg7[%get3A_2399, %get3A_2400, %get3A_2401] {strides = array<i32>} : memref<4x72x128xf32, #tpu.memory_space<vmem>>, vector<1x1x16xf32>,
          %get3A_2403 = vector.shape_cast %get3A_2402 : vector<1x1x16xf32> to vector<16xf32>
          %sub3A_2404 = arith.subf %get3A_2379, %get3A_2403 : vector<16xf32>
          %mul3A_2405 = arith.mulf %sub3A_2404, %sub3A_2404 : vector<16xf32>
          %add3A_2406 = arith.addf %add3A_2366, %mul3A_2405 : vector<16xf32>
          %get3A_2407 = arith.constant 3 : i32
          %get3A_2408 = arith.index_cast %get3A_2407 : i32 to index
          %get3A_2409 = arith.index_cast %scan3A_2212 : i32 to index
          %get3A_2410 = arith.constant 64 : index
          %get3A_2411 = tpu.vector_load %arg7[%get3A_2408, %get3A_2409, %get3A_2410] {strides = array<i32>} : memref<4x72x128xf32, #tpu.memory_space<vmem>>, vector<1x1x16xf32>,
          %get3A_2412 = vector.shape_cast %get3A_2411 : vector<1x1x16xf32> to vector<16xf32>
          %sub3A_2413 = arith.subf %get3A_2379, %get3A_2412 : vector<16xf32>
          %mul3A_2414 = arith.mulf %sub3A_2413, %sub3A_2413 : vector<16xf32>
          %add3A_2415 = arith.addf %add3A_2375, %mul3A_2414 : vector<16xf32>
          %get3A_2416 = arith.index_cast %scan3A_2212 : i32 to index
          %get3A_2417 = arith.constant 80 : index
          %get3A_2418 = tpu.vector_load %arg10[%get3A_2416, %get3A_2417] {strides = array<i32>} : memref<72x128xf32, #tpu.memory_space<vmem>>, vector<1x16xf32>,
          %get3A_2419 = vector.shape_cast %get3A_2418 : vector<1x16xf32> to vector<16xf32>
          %get3A_2420 = arith.constant 0 : i32
          %get3A_2421 = arith.index_cast %get3A_2420 : i32 to index
          %get3A_2422 = arith.index_cast %scan3A_2212 : i32 to index
          %get3A_2423 = arith.constant 80 : index
          %get3A_2424 = tpu.vector_load %arg7[%get3A_2421, %get3A_2422, %get3A_2423] {strides = array<i32>} : memref<4x72x128xf32, #tpu.memory_space<vmem>>, vector<1x1x16xf32>,
          %get3A_2425 = vector.shape_cast %get3A_2424 : vector<1x1x16xf32> to vector<16xf32>
          %sub3A_2426 = arith.subf %get3A_2419, %get3A_2425 : vector<16xf32>
          %mul3A_2427 = arith.mulf %sub3A_2426, %sub3A_2426 : vector<16xf32>
          %add3A_2428 = arith.addf %add3A_2388, %mul3A_2427 : vector<16xf32>
          %get3A_2429 = arith.constant 1 : i32
          %get3A_2430 = arith.index_cast %get3A_2429 : i32 to index
          %get3A_2431 = arith.index_cast %scan3A_2212 : i32 to index
          %get3A_2432 = arith.constant 80 : index
          %get3A_2433 = tpu.vector_load %arg7[%get3A_2430, %get3A_2431, %get3A_2432] {strides = array<i32>} : memref<4x72x128xf32, #tpu.memory_space<vmem>>, vector<1x1x16xf32>,
          %get3A_2434 = vector.shape_cast %get3A_2433 : vector<1x1x16xf32> to vector<16xf32>
          %sub3A_2435 = arith.subf %get3A_2419, %get3A_2434 : vector<16xf32>
          %mul3A_2436 = arith.mulf %sub3A_2435, %sub3A_2435 : vector<16xf32>
          %add3A_2437 = arith.addf %add3A_2397, %mul3A_2436 : vector<16xf32>
          %get3A_2438 = arith.constant 2 : i32
          %get3A_2439 = arith.index_cast %get3A_2438 : i32 to index
          %get3A_2440 = arith.index_cast %scan3A_2212 : i32 to index
          %get3A_2441 = arith.constant 80 : index
          %get3A_2442 = tpu.vector_load %arg7[%get3A_2439, %get3A_2440, %get3A_2441] {strides = array<i32>} : memref<4x72x128xf32, #tpu.memory_space<vmem>>, vector<1x1x16xf32>,
          %get3A_2443 = vector.shape_cast %get3A_2442 : vector<1x1x16xf32> to vector<16xf32>
          %sub3A_2444 = arith.subf %get3A_2419, %get3A_2443 : vector<16xf32>
          %mul3A_2445 = arith.mulf %sub3A_2444, %sub3A_2444 : vector<16xf32>
          %add3A_2446 = arith.addf %add3A_2406, %mul3A_2445 : vector<16xf32>
          %get3A_2447 = arith.constant 3 : i32
          %get3A_2448 = arith.index_cast %get3A_2447 : i32 to index
          %get3A_2449 = arith.index_cast %scan3A_2212 : i32 to index
          %get3A_2450 = arith.constant 80 : index
          %get3A_2451 = tpu.vector_load %arg7[%get3A_2448, %get3A_2449, %get3A_2450] {strides = array<i32>} : memref<4x72x128xf32, #tpu.memory_space<vmem>>, vector<1x1x16xf32>,
          %get3A_2452 = vector.shape_cast %get3A_2451 : vector<1x1x16xf32> to vector<16xf32>
          %sub3A_2453 = arith.subf %get3A_2419, %get3A_2452 : vector<16xf32>
          %mul3A_2454 = arith.mulf %sub3A_2453, %sub3A_2453 : vector<16xf32>
          %add3A_2455 = arith.addf %add3A_2415, %mul3A_2454 : vector<16xf32>
          %get3A_2456 = arith.index_cast %scan3A_2212 : i32 to index
          %get3A_2457 = arith.constant 96 : index
          %get3A_2458 = tpu.vector_load %arg10[%get3A_2456, %get3A_2457] {strides = array<i32>} : memref<72x128xf32, #tpu.memory_space<vmem>>, vector<1x16xf32>,
          %get3A_2459 = vector.shape_cast %get3A_2458 : vector<1x16xf32> to vector<16xf32>
          %get3A_2460 = arith.constant 0 : i32
          %get3A_2461 = arith.index_cast %get3A_2460 : i32 to index
          %get3A_2462 = arith.index_cast %scan3A_2212 : i32 to index
          %get3A_2463 = arith.constant 96 : index
          %get3A_2464 = tpu.vector_load %arg7[%get3A_2461, %get3A_2462, %get3A_2463] {strides = array<i32>} : memref<4x72x128xf32, #tpu.memory_space<vmem>>, vector<1x1x16xf32>,
          %get3A_2465 = vector.shape_cast %get3A_2464 : vector<1x1x16xf32> to vector<16xf32>
          %sub3A_2466 = arith.subf %get3A_2459, %get3A_2465 : vector<16xf32>
          %mul3A_2467 = arith.mulf %sub3A_2466, %sub3A_2466 : vector<16xf32>
          %add3A_2468 = arith.addf %add3A_2428, %mul3A_2467 : vector<16xf32>
          %get3A_2469 = arith.constant 1 : i32
          %get3A_2470 = arith.index_cast %get3A_2469 : i32 to index
          %get3A_2471 = arith.index_cast %scan3A_2212 : i32 to index
          %get3A_2472 = arith.constant 96 : index
          %get3A_2473 = tpu.vector_load %arg7[%get3A_2470, %get3A_2471, %get3A_2472] {strides = array<i32>} : memref<4x72x128xf32, #tpu.memory_space<vmem>>, vector<1x1x16xf32>,
          %get3A_2474 = vector.shape_cast %get3A_2473 : vector<1x1x16xf32> to vector<16xf32>
          %sub3A_2475 = arith.subf %get3A_2459, %get3A_2474 : vector<16xf32>
          %mul3A_2476 = arith.mulf %sub3A_2475, %sub3A_2475 : vector<16xf32>
          %add3A_2477 = arith.addf %add3A_2437, %mul3A_2476 : vector<16xf32>
          %get3A_2478 = arith.constant 2 : i32
          %get3A_2479 = arith.index_cast %get3A_2478 : i32 to index
          %get3A_2480 = arith.index_cast %scan3A_2212 : i32 to index
          %get3A_2481 = arith.constant 96 : index
          %get3A_2482 = tpu.vector_load %arg7[%get3A_2479, %get3A_2480, %get3A_2481] {strides = array<i32>} : memref<4x72x128xf32, #tpu.memory_space<vmem>>, vector<1x1x16xf32>,
          %get3A_2483 = vector.shape_cast %get3A_2482 : vector<1x1x16xf32> to vector<16xf32>
          %sub3A_2484 = arith.subf %get3A_2459, %get3A_2483 : vector<16xf32>
          %mul3A_2485 = arith.mulf %sub3A_2484, %sub3A_2484 : vector<16xf32>
          %add3A_2486 = arith.addf %add3A_2446, %mul3A_2485 : vector<16xf32>
          %get3A_2487 = arith.constant 3 : i32
          %get3A_2488 = arith.index_cast %get3A_2487 : i32 to index
          %get3A_2489 = arith.index_cast %scan3A_2212 : i32 to index
          %get3A_2490 = arith.constant 96 : index
          %get3A_2491 = tpu.vector_load %arg7[%get3A_2488, %get3A_2489, %get3A_2490] {strides = array<i32>} : memref<4x72x128xf32, #tpu.memory_space<vmem>>, vector<1x1x16xf32>,
          %get3A_2492 = vector.shape_cast %get3A_2491 : vector<1x1x16xf32> to vector<16xf32>
          %sub3A_2493 = arith.subf %get3A_2459, %get3A_2492 : vector<16xf32>
          %mul3A_2494 = arith.mulf %sub3A_2493, %sub3A_2493 : vector<16xf32>
          %add3A_2495 = arith.addf %add3A_2455, %mul3A_2494 : vector<16xf32>
          %get3A_2496 = arith.index_cast %scan3A_2212 : i32 to index
          %get3A_2497 = arith.constant 112 : index
          %get3A_2498 = tpu.vector_load %arg10[%get3A_2496, %get3A_2497] {strides = array<i32>} : memref<72x128xf32, #tpu.memory_space<vmem>>, vector<1x16xf32>,
          %get3A_2499 = vector.shape_cast %get3A_2498 : vector<1x16xf32> to vector<16xf32>
          %get3A_2500 = arith.constant 0 : i32
          %get3A_2501 = arith.index_cast %get3A_2500 : i32 to index
          %get3A_2502 = arith.index_cast %scan3A_2212 : i32 to index
          %get3A_2503 = arith.constant 112 : index
          %get3A_2504 = tpu.vector_load %arg7[%get3A_2501, %get3A_2502, %get3A_2503] {strides = array<i32>} : memref<4x72x128xf32, #tpu.memory_space<vmem>>, vector<1x1x16xf32>,
          %get3A_2505 = vector.shape_cast %get3A_2504 : vector<1x1x16xf32> to vector<16xf32>
          %sub3A_2506 = arith.subf %get3A_2499, %get3A_2505 : vector<16xf32>
          %mul3A_2507 = arith.mulf %sub3A_2506, %sub3A_2506 : vector<16xf32>
          %add3A_2508 = arith.addf %add3A_2468, %mul3A_2507 : vector<16xf32>
          %get3A_2509 = arith.constant 1 : i32
          %get3A_2510 = arith.index_cast %get3A_2509 : i32 to index
          %get3A_2511 = arith.index_cast %scan3A_2212 : i32 to index
          %get3A_2512 = arith.constant 112 : index
          %get3A_2513 = tpu.vector_load %arg7[%get3A_2510, %get3A_2511, %get3A_2512] {strides = array<i32>} : memref<4x72x128xf32, #tpu.memory_space<vmem>>, vector<1x1x16xf32>,
          %get3A_2514 = vector.shape_cast %get3A_2513 : vector<1x1x16xf32> to vector<16xf32>
          %sub3A_2515 = arith.subf %get3A_2499, %get3A_2514 : vector<16xf32>
          %mul3A_2516 = arith.mulf %sub3A_2515, %sub3A_2515 : vector<16xf32>
          %add3A_2517 = arith.addf %add3A_2477, %mul3A_2516 : vector<16xf32>
          %get3A_2518 = arith.constant 2 : i32
          %get3A_2519 = arith.index_cast %get3A_2518 : i32 to index
          %get3A_2520 = arith.index_cast %scan3A_2212 : i32 to index
          %get3A_2521 = arith.constant 112 : index
          %get3A_2522 = tpu.vector_load %arg7[%get3A_2519, %get3A_2520, %get3A_2521] {strides = array<i32>} : memref<4x72x128xf32, #tpu.memory_space<vmem>>, vector<1x1x16xf32>,
          %get3A_2523 = vector.shape_cast %get3A_2522 : vector<1x1x16xf32> to vector<16xf32>
          %sub3A_2524 = arith.subf %get3A_2499, %get3A_2523 : vector<16xf32>
          %mul3A_2525 = arith.mulf %sub3A_2524, %sub3A_2524 : vector<16xf32>
          %add3A_2526 = arith.addf %add3A_2486, %mul3A_2525 : vector<16xf32>
          %get3A_2527 = arith.constant 3 : i32
          %get3A_2528 = arith.index_cast %get3A_2527 : i32 to index
          %get3A_2529 = arith.index_cast %scan3A_2212 : i32 to index
          %get3A_2530 = arith.constant 112 : index
          %get3A_2531 = tpu.vector_load %arg7[%get3A_2528, %get3A_2529, %get3A_2530] {strides = array<i32>} : memref<4x72x128xf32, #tpu.memory_space<vmem>>, vector<1x1x16xf32>,
          %get3A_2532 = vector.shape_cast %get3A_2531 : vector<1x1x16xf32> to vector<16xf32>
          %sub3A_2533 = arith.subf %get3A_2499, %get3A_2532 : vector<16xf32>
          %mul3A_2534 = arith.mulf %sub3A_2533, %sub3A_2533 : vector<16xf32>
          %add3A_2535 = arith.addf %add3A_2495, %mul3A_2534 : vector<16xf32>
          scf.yield %add3A_2508, %add3A_2517, %add3A_2526, %add3A_2535 : vector<16xf32>, vector<16xf32>, vector<16xf32>, vector<16xf32>
        }
        %scan3A_2175 = arith.constant 72 : i32
        %add3A_2176 = arith.constant 0 : i32
        %add3A_2177 = arith.addi %add3A_2176, %scan3A_2113 : i32
        %swap3A_2178 = arith.constant 0 : i32
        %swap3A_2179 = arith.index_cast %swap3A_2178 : i32 to index
        %swap3A_2180 = arith.index_cast %add3A_2177 : i32 to index
        %swap3A_2181 = arith.constant 0 : index
        %swap3A_2182 = tpu.vector_load %arg13[%swap3A_2179, %swap3A_2180, %swap3A_2181] {strides = array<i32>} : memref<4x32x16xf32, #tpu.memory_space<vmem>>, vector<1x1x16xf32>,
        %swap3A_2183 = vector.shape_cast %swap3A_2182 : vector<1x1x16xf32> to vector<16xf32>
        %swap3A_2184 = vector.shape_cast %scan3A_2174#0 : vector<16xf32> to vector<1x1x16xf32>
        tpu.vector_store %arg13[%swap3A_2179, %swap3A_2180, %swap3A_2181], %swap3A_2184 {strides = array<i32>} : memref<4x32x16xf32, #tpu.memory_space<vmem>>, vector<1x1x16xf32>,
        %add3A_2185 = arith.constant 0 : i32
        %add3A_2186 = arith.addi %add3A_2185, %scan3A_2113 : i32
        %swap3A_2187 = arith.constant 1 : i32
        %swap3A_2188 = arith.index_cast %swap3A_2187 : i32 to index
        %swap3A_2189 = arith.index_cast %add3A_2186 : i32 to index
        %swap3A_2190 = arith.constant 0 : index
        %swap3A_2191 = tpu.vector_load %arg13[%swap3A_2188, %swap3A_2189, %swap3A_2190] {strides = array<i32>} : memref<4x32x16xf32, #tpu.memory_space<vmem>>, vector<1x1x16xf32>,
        %swap3A_2192 = vector.shape_cast %swap3A_2191 : vector<1x1x16xf32> to vector<16xf32>
        %swap3A_2193 = vector.shape_cast %scan3A_2174#1 : vector<16xf32> to vector<1x1x16xf32>
        tpu.vector_store %arg13[%swap3A_2188, %swap3A_2189, %swap3A_2190], %swap3A_2193 {strides = array<i32>} : memref<4x32x16xf32, #tpu.memory_space<vmem>>, vector<1x1x16xf32>,
        %add3A_2194 = arith.constant 0 : i32
        %add3A_2195 = arith.addi %add3A_2194, %scan3A_2113 : i32
        %swap3A_2196 = arith.constant 2 : i32
        %swap3A_2197 = arith.index_cast %swap3A_2196 : i32 to index
        %swap3A_2198 = arith.index_cast %add3A_2195 : i32 to index
        %swap3A_2199 = arith.constant 0 : index
        %swap3A_2200 = tpu.vector_load %arg13[%swap3A_2197, %swap3A_2198, %swap3A_2199] {strides = array<i32>} : memref<4x32x16xf32, #tpu.memory_space<vmem>>, vector<1x1x16xf32>,
        %swap3A_2201 = vector.shape_cast %swap3A_2200 : vector<1x1x16xf32> to vector<16xf32>
        %swap3A_2202 = vector.shape_cast %scan3A_2174#2 : vector<16xf32> to vector<1x1x16xf32>
        tpu.vector_store %arg13[%swap3A_2197, %swap3A_2198, %swap3A_2199], %swap3A_2202 {strides = array<i32>} : memref<4x32x16xf32, #tpu.memory_space<vmem>>, vector<1x1x16xf32>,
        %add3A_2203 = arith.constant 0 : i32
        %add3A_2204 = arith.addi %add3A_2203, %scan3A_2113 : i32
        %swap3A_2205 = arith.constant 3 : i32
        %swap3A_2206 = arith.index_cast %swap3A_2205 : i32 to index
        %swap3A_2207 = arith.index_cast %add3A_2204 : i32 to index
        %swap3A_2208 = arith.constant 0 : index
        %swap3A_2209 = tpu.vector_load %arg13[%swap3A_2206, %swap3A_2207, %swap3A_2208] {strides = array<i32>} : memref<4x32x16xf32, #tpu.memory_space<vmem>>, vector<1x1x16xf32>,
        %swap3A_2210 = vector.shape_cast %swap3A_2209 : vector<1x1x16xf32> to vector<16xf32>
        %swap3A_2211 = vector.shape_cast %scan3A_2174#3 : vector<16xf32> to vector<1x1x16xf32>
        tpu.vector_store %arg13[%swap3A_2206, %swap3A_2207, %swap3A_2208], %swap3A_2211 {strides = array<i32>} : memref<4x32x16xf32, #tpu.memory_space<vmem>>, vector<1x1x16xf32>,
      } else {
      }
      %scan3A_2155 = arith.constant 0 : i32
      scf.yield %scan3A_2155 : i32
    }
    %scan3A_1072 = arith.constant 30 : i32
    %run_scoped3A = arith.constant 0 : i32
    "tpu.region"() ({
      %run_scoped3A_2113 = tpu.sem_alloc : memref<!tpu.dma_semaphore, #tpu.memory_space<semaphore_mem>>
      %dma_start3A_2114 = arith.constant 0 : i32
      %dma_start3A_2115 = arith.constant 0 : i32
      %dma_start3A_2116 = arith.constant 0 : i32
      %dma_start3A_2117 = tpu.memref_slice %arg6[%run_scoped3A, %add3A, %dma_start3A_2114, %dma_start3A_2115, %dma_start3A_2116] : memref<2x32x4x32x16xf32, #tpu.memory_space<hbm>> -> memref<1x1x4x32x16xf32, #tpu.memory_space<hbm>>
      %dma_start3A_2118 = tpu.memref_squeeze %dma_start3A_2117 : memref<1x1x4x32x16xf32, #tpu.memory_space<hbm>> -> memref<4x32x16xf32, #tpu.memory_space<hbm>>
      %dma_start3A_2119 = arith.constant 0 : i32
      %dma_start3A_2120 = arith.constant 0 : i32
      %dma_start3A_2121 = arith.constant 0 : i32
      %dma_start3A_2122 = tpu.memref_slice %arg6[%run_scoped3A, %add3A, %dma_start3A_2119, %dma_start3A_2120, %dma_start3A_2121] : memref<2x32x4x32x16xf32, #tpu.memory_space<hbm>> -> memref<1x1x4x32x16xf32, #tpu.memory_space<hbm>>
      %dma_start3A_2123 = tpu.memref_squeeze %dma_start3A_2122 : memref<1x1x4x32x16xf32, #tpu.memory_space<hbm>> -> memref<4x32x16xf32, #tpu.memory_space<hbm>>
      tpu.enqueue_dma source(%arg13 : memref<4x32x16xf32, #tpu.memory_space<vmem>>) target(%dma_start3A_2123 : memref<4x32x16xf32, #tpu.memory_space<hbm>>) target_semaphore(%run_scoped3A_2113 : memref<!tpu.dma_semaphore, #tpu.memory_space<semaphore_mem>>)
      %dma_wait3A = arith.constant 0 : i32
      %dma_wait3A_2124 = arith.constant 0 : i32
      %dma_wait3A_2125 = arith.constant 0 : i32
      %dma_wait3A_2126 = tpu.memref_slice %arg6[%run_scoped3A, %add3A, %dma_wait3A, %dma_wait3A_2124, %dma_wait3A_2125] : memref<2x32x4x32x16xf32, #tpu.memory_space<hbm>> -> memref<1x1x4x32x16xf32, #tpu.memory_space<hbm>>
      %dma_wait3A_2127 = tpu.memref_squeeze %dma_wait3A_2126 : memref<1x1x4x32x16xf32, #tpu.memory_space<hbm>> -> memref<4x32x16xf32, #tpu.memory_space<hbm>>
      %dma_wait3A_2128 = arith.constant 0 : i32
      %dma_wait3A_2129 = arith.constant 0 : i32
      %dma_wait3A_2130 = arith.constant 0 : i32
      %dma_wait3A_2131 = tpu.memref_slice %arg6[%run_scoped3A, %add3A, %dma_wait3A_2128, %dma_wait3A_2129, %dma_wait3A_2130] : memref<2x32x4x32x16xf32, #tpu.memory_space<hbm>> -> memref<1x1x4x32x16xf32, #tpu.memory_space<hbm>>
      %dma_wait3A_2132 = tpu.memref_squeeze %dma_wait3A_2131 : memref<1x1x4x32x16xf32, #tpu.memory_space<hbm>> -> memref<4x32x16xf32, #tpu.memory_space<hbm>>
      tpu.wait_dma2 semaphore(%run_scoped3A_2113 : memref<!tpu.dma_semaphore, #tpu.memory_space<semaphore_mem>>) src(%arg13 : memref<4x32x16xf32, #tpu.memory_space<vmem>>) dst(%dma_wait3A_2132 : memref<4x32x16xf32, #tpu.memory_space<hbm>>)
      tpu.yield
    }) : () -> ()
    %broadcast_in_dim3A_1073 = arith.constant 0.000000e+00 : f32
    %broadcast_in_dim3A_1074 = vector.broadcast %broadcast_in_dim3A_1073 : f32 to vector<16xf32>
    %swap3A_1075 = arith.constant 0 : i32
    %swap3A_1076 = arith.constant 0 : i32
    %swap3A_1077 = arith.index_cast %swap3A_1075 : i32 to index
    %swap3A_1078 = arith.index_cast %swap3A_1076 : i32 to index
    %swap3A_1079 = arith.constant 0 : index
    %swap3A_1080 = tpu.vector_load %arg13[%swap3A_1077, %swap3A_1078, %swap3A_1079] {strides = array<i32>} : memref<4x32x16xf32, #tpu.memory_space<vmem>>, vector<1x1x16xf32>,
    %swap3A_1081 = vector.shape_cast %swap3A_1080 : vector<1x1x16xf32> to vector<16xf32>
    %swap3A_1082 = vector.shape_cast %broadcast_in_dim3A_1074 : vector<16xf32> to vector<1x1x16xf32>
    tpu.vector_store %arg13[%swap3A_1077, %swap3A_1078, %swap3A_1079], %swap3A_1082 {strides = array<i32>} : memref<4x32x16xf32, #tpu.memory_space<vmem>>, vector<1x1x16xf32>,
    %swap3A_1083 = arith.constant 0 : i32
    %swap3A_1084 = arith.constant 1 : i32
    %swap3A_1085 = arith.index_cast %swap3A_1083 : i32 to index
    %swap3A_1086 = arith.index_cast %swap3A_1084 : i32 to index
    %swap3A_1087 = arith.constant 0 : index
    %swap3A_1088 = tpu.vector_load %arg13[%swap3A_1085, %swap3A_1086, %swap3A_1087] {strides = array<i32>} : memref<4x32x16xf32, #tpu.memory_space<vmem>>, vector<1x1x16xf32>,
    %swap3A_1089 = vector.shape_cast %swap3A_1088 : vector<1x1x16xf32> to vector<16xf32>
    %swap3A_1090 = vector.shape_cast %broadcast_in_dim3A_1074 : vector<16xf32> to vector<1x1x16xf32>
    tpu.vector_store %arg13[%swap3A_1085, %swap3A_1086, %swap3A_1087], %swap3A_1090 {strides = array<i32>} : memref<4x32x16xf32, #tpu.memory_space<vmem>>, vector<1x1x16xf32>,
    %swap3A_1091 = arith.constant 0 : i32
    %swap3A_1092 = arith.constant 2 : i32
    %swap3A_1093 = arith.index_cast %swap3A_1091 : i32 to index
    %swap3A_1094 = arith.index_cast %swap3A_1092 : i32 to index
    %swap3A_1095 = arith.constant 0 : index
    %swap3A_1096 = tpu.vector_load %arg13[%swap3A_1093, %swap3A_1094, %swap3A_1095] {strides = array<i32>} : memref<4x32x16xf32, #tpu.memory_space<vmem>>, vector<1x1x16xf32>,
    %swap3A_1097 = vector.shape_cast %swap3A_1096 : vector<1x1x16xf32> to vector<16xf32>
    %swap3A_1098 = vector.shape_cast %broadcast_in_dim3A_1074 : vector<16xf32> to vector<1x1x16xf32>
    tpu.vector_store %arg13[%swap3A_1093, %swap3A_1094, %swap3A_1095], %swap3A_1098 {strides = array<i32>} : memref<4x32x16xf32, #tpu.memory_space<vmem>>, vector<1x1x16xf32>,
    %swap3A_1099 = arith.constant 0 : i32
    %swap3A_1100 = arith.constant 3 : i32
    %swap3A_1101 = arith.index_cast %swap3A_1099 : i32 to index
    %swap3A_1102 = arith.index_cast %swap3A_1100 : i32 to index
    %swap3A_1103 = arith.constant 0 : index
    %swap3A_1104 = tpu.vector_load %arg13[%swap3A_1101, %swap3A_1102, %swap3A_1103] {strides = array<i32>} : memref<4x32x16xf32, #tpu.memory_space<vmem>>, vector<1x1x16xf32>,
    %swap3A_1105 = vector.shape_cast %swap3A_1104 : vector<1x1x16xf32> to vector<16xf32>
    %swap3A_1106 = vector.shape_cast %broadcast_in_dim3A_1074 : vector<16xf32> to vector<1x1x16xf32>
    tpu.vector_store %arg13[%swap3A_1101, %swap3A_1102, %swap3A_1103], %swap3A_1106 {strides = array<i32>} : memref<4x32x16xf32, #tpu.memory_space<vmem>>, vector<1x1x16xf32>,
    %swap3A_1107 = arith.constant 0 : i32
    %swap3A_1108 = arith.constant 4 : i32
    %swap3A_1109 = arith.index_cast %swap3A_1107 : i32 to index
    %swap3A_1110 = arith.index_cast %swap3A_1108 : i32 to index
    %swap3A_1111 = arith.constant 0 : index
    %swap3A_1112 = tpu.vector_load %arg13[%swap3A_1109, %swap3A_1110, %swap3A_1111] {strides = array<i32>} : memref<4x32x16xf32, #tpu.memory_space<vmem>>, vector<1x1x16xf32>,
    %swap3A_1113 = vector.shape_cast %swap3A_1112 : vector<1x1x16xf32> to vector<16xf32>
    %swap3A_1114 = vector.shape_cast %broadcast_in_dim3A_1074 : vector<16xf32> to vector<1x1x16xf32>
    tpu.vector_store %arg13[%swap3A_1109, %swap3A_1110, %swap3A_1111], %swap3A_1114 {strides = array<i32>} : memref<4x32x16xf32, #tpu.memory_space<vmem>>, vector<1x1x16xf32>,
    %swap3A_1115 = arith.constant 0 : i32
    %swap3A_1116 = arith.constant 5 : i32
    %swap3A_1117 = arith.index_cast %swap3A_1115 : i32 to index
    %swap3A_1118 = arith.index_cast %swap3A_1116 : i32 to index
    %swap3A_1119 = arith.constant 0 : index
    %swap3A_1120 = tpu.vector_load %arg13[%swap3A_1117, %swap3A_1118, %swap3A_1119] {strides = array<i32>} : memref<4x32x16xf32, #tpu.memory_space<vmem>>, vector<1x1x16xf32>,
    %swap3A_1121 = vector.shape_cast %swap3A_1120 : vector<1x1x16xf32> to vector<16xf32>
    %swap3A_1122 = vector.shape_cast %broadcast_in_dim3A_1074 : vector<16xf32> to vector<1x1x16xf32>
    tpu.vector_store %arg13[%swap3A_1117, %swap3A_1118, %swap3A_1119], %swap3A_1122 {strides = array<i32>} : memref<4x32x16xf32, #tpu.memory_space<vmem>>, vector<1x1x16xf32>,
    %swap3A_1123 = arith.constant 0 : i32
    %swap3A_1124 = arith.constant 6 : i32
    %swap3A_1125 = arith.index_cast %swap3A_1123 : i32 to index
    %swap3A_1126 = arith.index_cast %swap3A_1124 : i32 to index
    %swap3A_1127 = arith.constant 0 : index
    %swap3A_1128 = tpu.vector_load %arg13[%swap3A_1125, %swap3A_1126, %swap3A_1127] {strides = array<i32>} : memref<4x32x16xf32, #tpu.memory_space<vmem>>, vector<1x1x16xf32>,
    %swap3A_1129 = vector.shape_cast %swap3A_1128 : vector<1x1x16xf32> to vector<16xf32>
    %swap3A_1130 = vector.shape_cast %broadcast_in_dim3A_1074 : vector<16xf32> to vector<1x1x16xf32>
    tpu.vector_store %arg13[%swap3A_1125, %swap3A_1126, %swap3A_1127], %swap3A_1130 {strides = array<i32>} : memref<4x32x16xf32, #tpu.memory_space<vmem>>, vector<1x1x16xf32>,
    %swap3A_1131 = arith.constant 0 : i32
    %swap3A_1132 = arith.constant 7 : i32
    %swap3A_1133 = arith.index_cast %swap3A_1131 : i32 to index
    %swap3A_1134 = arith.index_cast %swap3A_1132 : i32 to index
    %swap3A_1135 = arith.constant 0 : index
    %swap3A_1136 = tpu.vector_load %arg13[%swap3A_1133, %swap3A_1134, %swap3A_1135] {strides = array<i32>} : memref<4x32x16xf32, #tpu.memory_space<vmem>>, vector<1x1x16xf32>,
    %swap3A_1137 = vector.shape_cast %swap3A_1136 : vector<1x1x16xf32> to vector<16xf32>
    %swap3A_1138 = vector.shape_cast %broadcast_in_dim3A_1074 : vector<16xf32> to vector<1x1x16xf32>
    tpu.vector_store %arg13[%swap3A_1133, %swap3A_1134, %swap3A_1135], %swap3A_1138 {strides = array<i32>} : memref<4x32x16xf32, #tpu.memory_space<vmem>>, vector<1x1x16xf32>,
    %swap3A_1139 = arith.constant 0 : i32
    %swap3A_1140 = arith.constant 8 : i32
    %swap3A_1141 = arith.index_cast %swap3A_1139 : i32 to index
    %swap3A_1142 = arith.index_cast %swap3A_1140 : i32 to index
    %swap3A_1143 = arith.constant 0 : index
    %swap3A_1144 = tpu.vector_load %arg13[%swap3A_1141, %swap3A_1142, %swap3A_1143] {strides = array<i32>} : memref<4x32x16xf32, #tpu.memory_space<vmem>>, vector<1x1x16xf32>,
    %swap3A_1145 = vector.shape_cast %swap3A_1144 : vector<1x1x16xf32> to vector<16xf32>
    %swap3A_1146 = vector.shape_cast %broadcast_in_dim3A_1074 : vector<16xf32> to vector<1x1x16xf32>
    tpu.vector_store %arg13[%swap3A_1141, %swap3A_1142, %swap3A_1143], %swap3A_1146 {strides = array<i32>} : memref<4x32x16xf32, #tpu.memory_space<vmem>>, vector<1x1x16xf32>,
    %swap3A_1147 = arith.constant 0 : i32
    %swap3A_1148 = arith.constant 9 : i32
    %swap3A_1149 = arith.index_cast %swap3A_1147 : i32 to index
    %swap3A_1150 = arith.index_cast %swap3A_1148 : i32 to index
    %swap3A_1151 = arith.constant 0 : index
    %swap3A_1152 = tpu.vector_load %arg13[%swap3A_1149, %swap3A_1150, %swap3A_1151] {strides = array<i32>} : memref<4x32x16xf32, #tpu.memory_space<vmem>>, vector<1x1x16xf32>,
    %swap3A_1153 = vector.shape_cast %swap3A_1152 : vector<1x1x16xf32> to vector<16xf32>
    %swap3A_1154 = vector.shape_cast %broadcast_in_dim3A_1074 : vector<16xf32> to vector<1x1x16xf32>
    tpu.vector_store %arg13[%swap3A_1149, %swap3A_1150, %swap3A_1151], %swap3A_1154 {strides = array<i32>} : memref<4x32x16xf32, #tpu.memory_space<vmem>>, vector<1x1x16xf32>,
    %swap3A_1155 = arith.constant 0 : i32
    %swap3A_1156 = arith.constant 10 : i32
    %swap3A_1157 = arith.index_cast %swap3A_1155 : i32 to index
    %swap3A_1158 = arith.index_cast %swap3A_1156 : i32 to index
    %swap3A_1159 = arith.constant 0 : index
    %swap3A_1160 = tpu.vector_load %arg13[%swap3A_1157, %swap3A_1158, %swap3A_1159] {strides = array<i32>} : memref<4x32x16xf32, #tpu.memory_space<vmem>>, vector<1x1x16xf32>,
    %swap3A_1161 = vector.shape_cast %swap3A_1160 : vector<1x1x16xf32> to vector<16xf32>
    %swap3A_1162 = vector.shape_cast %broadcast_in_dim3A_1074 : vector<16xf32> to vector<1x1x16xf32>
    tpu.vector_store %arg13[%swap3A_1157, %swap3A_1158, %swap3A_1159], %swap3A_1162 {strides = array<i32>} : memref<4x32x16xf32, #tpu.memory_space<vmem>>, vector<1x1x16xf32>,
    %swap3A_1163 = arith.constant 0 : i32
    %swap3A_1164 = arith.constant 11 : i32
    %swap3A_1165 = arith.index_cast %swap3A_1163 : i32 to index
    %swap3A_1166 = arith.index_cast %swap3A_1164 : i32 to index
    %swap3A_1167 = arith.constant 0 : index
    %swap3A_1168 = tpu.vector_load %arg13[%swap3A_1165, %swap3A_1166, %swap3A_1167] {strides = array<i32>} : memref<4x32x16xf32, #tpu.memory_space<vmem>>, vector<1x1x16xf32>,
    %swap3A_1169 = vector.shape_cast %swap3A_1168 : vector<1x1x16xf32> to vector<16xf32>
    %swap3A_1170 = vector.shape_cast %broadcast_in_dim3A_1074 : vector<16xf32> to vector<1x1x16xf32>
    tpu.vector_store %arg13[%swap3A_1165, %swap3A_1166, %swap3A_1167], %swap3A_1170 {strides = array<i32>} : memref<4x32x16xf32, #tpu.memory_space<vmem>>, vector<1x1x16xf32>,
    %swap3A_1171 = arith.constant 0 : i32
    %swap3A_1172 = arith.constant 12 : i32
    %swap3A_1173 = arith.index_cast %swap3A_1171 : i32 to index
    %swap3A_1174 = arith.index_cast %swap3A_1172 : i32 to index
    %swap3A_1175 = arith.constant 0 : index
    %swap3A_1176 = tpu.vector_load %arg13[%swap3A_1173, %swap3A_1174, %swap3A_1175] {strides = array<i32>} : memref<4x32x16xf32, #tpu.memory_space<vmem>>, vector<1x1x16xf32>,
    %swap3A_1177 = vector.shape_cast %swap3A_1176 : vector<1x1x16xf32> to vector<16xf32>
    %swap3A_1178 = vector.shape_cast %broadcast_in_dim3A_1074 : vector<16xf32> to vector<1x1x16xf32>
    tpu.vector_store %arg13[%swap3A_1173, %swap3A_1174, %swap3A_1175], %swap3A_1178 {strides = array<i32>} : memref<4x32x16xf32, #tpu.memory_space<vmem>>, vector<1x1x16xf32>,
    %swap3A_1179 = arith.constant 0 : i32
    %swap3A_1180 = arith.constant 13 : i32
    %swap3A_1181 = arith.index_cast %swap3A_1179 : i32 to index
    %swap3A_1182 = arith.index_cast %swap3A_1180 : i32 to index
    %swap3A_1183 = arith.constant 0 : index
    %swap3A_1184 = tpu.vector_load %arg13[%swap3A_1181, %swap3A_1182, %swap3A_1183] {strides = array<i32>} : memref<4x32x16xf32, #tpu.memory_space<vmem>>, vector<1x1x16xf32>,
    %swap3A_1185 = vector.shape_cast %swap3A_1184 : vector<1x1x16xf32> to vector<16xf32>
    %swap3A_1186 = vector.shape_cast %broadcast_in_dim3A_1074 : vector<16xf32> to vector<1x1x16xf32>
    tpu.vector_store %arg13[%swap3A_1181, %swap3A_1182, %swap3A_1183], %swap3A_1186 {strides = array<i32>} : memref<4x32x16xf32, #tpu.memory_space<vmem>>, vector<1x1x16xf32>,
    %swap3A_1187 = arith.constant 0 : i32
    %swap3A_1188 = arith.constant 14 : i32
    %swap3A_1189 = arith.index_cast %swap3A_1187 : i32 to index
    %swap3A_1190 = arith.index_cast %swap3A_1188 : i32 to index
    %swap3A_1191 = arith.constant 0 : index
    %swap3A_1192 = tpu.vector_load %arg13[%swap3A_1189, %swap3A_1190, %swap3A_1191] {strides = array<i32>} : memref<4x32x16xf32, #tpu.memory_space<vmem>>, vector<1x1x16xf32>,
    %swap3A_1193 = vector.shape_cast %swap3A_1192 : vector<1x1x16xf32> to vector<16xf32>
    %swap3A_1194 = vector.shape_cast %broadcast_in_dim3A_1074 : vector<16xf32> to vector<1x1x16xf32>
    tpu.vector_store %arg13[%swap3A_1189, %swap3A_1190, %swap3A_1191], %swap3A_1194 {strides = array<i32>} : memref<4x32x16xf32, #tpu.memory_space<vmem>>, vector<1x1x16xf32>,
    %swap3A_1195 = arith.constant 0 : i32
    %swap3A_1196 = arith.constant 15 : i32
    %swap3A_1197 = arith.index_cast %swap3A_1195 : i32 to index
    %swap3A_1198 = arith.index_cast %swap3A_1196 : i32 to index
    %swap3A_1199 = arith.constant 0 : index
    %swap3A_1200 = tpu.vector_load %arg13[%swap3A_1197, %swap3A_1198, %swap3A_1199] {strides = array<i32>} : memref<4x32x16xf32, #tpu.memory_space<vmem>>, vector<1x1x16xf32>,
    %swap3A_1201 = vector.shape_cast %swap3A_1200 : vector<1x1x16xf32> to vector<16xf32>
    %swap3A_1202 = vector.shape_cast %broadcast_in_dim3A_1074 : vector<16xf32> to vector<1x1x16xf32>
    tpu.vector_store %arg13[%swap3A_1197, %swap3A_1198, %swap3A_1199], %swap3A_1202 {strides = array<i32>} : memref<4x32x16xf32, #tpu.memory_space<vmem>>, vector<1x1x16xf32>,
    %swap3A_1203 = arith.constant 0 : i32
    %swap3A_1204 = arith.constant 16 : i32
    %swap3A_1205 = arith.index_cast %swap3A_1203 : i32 to index
    %swap3A_1206 = arith.index_cast %swap3A_1204 : i32 to index
    %swap3A_1207 = arith.constant 0 : index
    %swap3A_1208 = tpu.vector_load %arg13[%swap3A_1205, %swap3A_1206, %swap3A_1207] {strides = array<i32>} : memref<4x32x16xf32, #tpu.memory_space<vmem>>, vector<1x1x16xf32>,
    %swap3A_1209 = vector.shape_cast %swap3A_1208 : vector<1x1x16xf32> to vector<16xf32>
    %swap3A_1210 = vector.shape_cast %broadcast_in_dim3A_1074 : vector<16xf32> to vector<1x1x16xf32>
    tpu.vector_store %arg13[%swap3A_1205, %swap3A_1206, %swap3A_1207], %swap3A_1210 {strides = array<i32>} : memref<4x32x16xf32, #tpu.memory_space<vmem>>, vector<1x1x16xf32>,
    %swap3A_1211 = arith.constant 0 : i32
    %swap3A_1212 = arith.constant 17 : i32
    %swap3A_1213 = arith.index_cast %swap3A_1211 : i32 to index
    %swap3A_1214 = arith.index_cast %swap3A_1212 : i32 to index
    %swap3A_1215 = arith.constant 0 : index
    %swap3A_1216 = tpu.vector_load %arg13[%swap3A_1213, %swap3A_1214, %swap3A_1215] {strides = array<i32>} : memref<4x32x16xf32, #tpu.memory_space<vmem>>, vector<1x1x16xf32>,
    %swap3A_1217 = vector.shape_cast %swap3A_1216 : vector<1x1x16xf32> to vector<16xf32>
    %swap3A_1218 = vector.shape_cast %broadcast_in_dim3A_1074 : vector<16xf32> to vector<1x1x16xf32>
    tpu.vector_store %arg13[%swap3A_1213, %swap3A_1214, %swap3A_1215], %swap3A_1218 {strides = array<i32>} : memref<4x32x16xf32, #tpu.memory_space<vmem>>, vector<1x1x16xf32>,
    %swap3A_1219 = arith.constant 0 : i32
    %swap3A_1220 = arith.constant 18 : i32
    %swap3A_1221 = arith.index_cast %swap3A_1219 : i32 to index
    %swap3A_1222 = arith.index_cast %swap3A_1220 : i32 to index
    %swap3A_1223 = arith.constant 0 : index
    %swap3A_1224 = tpu.vector_load %arg13[%swap3A_1221, %swap3A_1222, %swap3A_1223] {strides = array<i32>} : memref<4x32x16xf32, #tpu.memory_space<vmem>>, vector<1x1x16xf32>,
    %swap3A_1225 = vector.shape_cast %swap3A_1224 : vector<1x1x16xf32> to vector<16xf32>
    %swap3A_1226 = vector.shape_cast %broadcast_in_dim3A_1074 : vector<16xf32> to vector<1x1x16xf32>
    tpu.vector_store %arg13[%swap3A_1221, %swap3A_1222, %swap3A_1223], %swap3A_1226 {strides = array<i32>} : memref<4x32x16xf32, #tpu.memory_space<vmem>>, vector<1x1x16xf32>,
    %swap3A_1227 = arith.constant 0 : i32
    %swap3A_1228 = arith.constant 19 : i32
    %swap3A_1229 = arith.index_cast %swap3A_1227 : i32 to index
    %swap3A_1230 = arith.index_cast %swap3A_1228 : i32 to index
    %swap3A_1231 = arith.constant 0 : index
    %swap3A_1232 = tpu.vector_load %arg13[%swap3A_1229, %swap3A_1230, %swap3A_1231] {strides = array<i32>} : memref<4x32x16xf32, #tpu.memory_space<vmem>>, vector<1x1x16xf32>,
    %swap3A_1233 = vector.shape_cast %swap3A_1232 : vector<1x1x16xf32> to vector<16xf32>
    %swap3A_1234 = vector.shape_cast %broadcast_in_dim3A_1074 : vector<16xf32> to vector<1x1x16xf32>
    tpu.vector_store %arg13[%swap3A_1229, %swap3A_1230, %swap3A_1231], %swap3A_1234 {strides = array<i32>} : memref<4x32x16xf32, #tpu.memory_space<vmem>>, vector<1x1x16xf32>,
    %swap3A_1235 = arith.constant 0 : i32
    %swap3A_1236 = arith.constant 20 : i32
    %swap3A_1237 = arith.index_cast %swap3A_1235 : i32 to index
    %swap3A_1238 = arith.index_cast %swap3A_1236 : i32 to index
    %swap3A_1239 = arith.constant 0 : index
    %swap3A_1240 = tpu.vector_load %arg13[%swap3A_1237, %swap3A_1238, %swap3A_1239] {strides = array<i32>} : memref<4x32x16xf32, #tpu.memory_space<vmem>>, vector<1x1x16xf32>,
    %swap3A_1241 = vector.shape_cast %swap3A_1240 : vector<1x1x16xf32> to vector<16xf32>
    %swap3A_1242 = vector.shape_cast %broadcast_in_dim3A_1074 : vector<16xf32> to vector<1x1x16xf32>
    tpu.vector_store %arg13[%swap3A_1237, %swap3A_1238, %swap3A_1239], %swap3A_1242 {strides = array<i32>} : memref<4x32x16xf32, #tpu.memory_space<vmem>>, vector<1x1x16xf32>,
    %swap3A_1243 = arith.constant 0 : i32
    %swap3A_1244 = arith.constant 21 : i32
    %swap3A_1245 = arith.index_cast %swap3A_1243 : i32 to index
    %swap3A_1246 = arith.index_cast %swap3A_1244 : i32 to index
    %swap3A_1247 = arith.constant 0 : index
    %swap3A_1248 = tpu.vector_load %arg13[%swap3A_1245, %swap3A_1246, %swap3A_1247] {strides = array<i32>} : memref<4x32x16xf32, #tpu.memory_space<vmem>>, vector<1x1x16xf32>,
    %swap3A_1249 = vector.shape_cast %swap3A_1248 : vector<1x1x16xf32> to vector<16xf32>
    %swap3A_1250 = vector.shape_cast %broadcast_in_dim3A_1074 : vector<16xf32> to vector<1x1x16xf32>
    tpu.vector_store %arg13[%swap3A_1245, %swap3A_1246, %swap3A_1247], %swap3A_1250 {strides = array<i32>} : memref<4x32x16xf32, #tpu.memory_space<vmem>>, vector<1x1x16xf32>,
    %swap3A_1251 = arith.constant 0 : i32
    %swap3A_1252 = arith.constant 22 : i32
    %swap3A_1253 = arith.index_cast %swap3A_1251 : i32 to index
    %swap3A_1254 = arith.index_cast %swap3A_1252 : i32 to index
    %swap3A_1255 = arith.constant 0 : index
    %swap3A_1256 = tpu.vector_load %arg13[%swap3A_1253, %swap3A_1254, %swap3A_1255] {strides = array<i32>} : memref<4x32x16xf32, #tpu.memory_space<vmem>>, vector<1x1x16xf32>,
    %swap3A_1257 = vector.shape_cast %swap3A_1256 : vector<1x1x16xf32> to vector<16xf32>
    %swap3A_1258 = vector.shape_cast %broadcast_in_dim3A_1074 : vector<16xf32> to vector<1x1x16xf32>
    tpu.vector_store %arg13[%swap3A_1253, %swap3A_1254, %swap3A_1255], %swap3A_1258 {strides = array<i32>} : memref<4x32x16xf32, #tpu.memory_space<vmem>>, vector<1x1x16xf32>,
    %swap3A_1259 = arith.constant 0 : i32
    %swap3A_1260 = arith.constant 23 : i32
    %swap3A_1261 = arith.index_cast %swap3A_1259 : i32 to index
    %swap3A_1262 = arith.index_cast %swap3A_1260 : i32 to index
    %swap3A_1263 = arith.constant 0 : index
    %swap3A_1264 = tpu.vector_load %arg13[%swap3A_1261, %swap3A_1262, %swap3A_1263] {strides = array<i32>} : memref<4x32x16xf32, #tpu.memory_space<vmem>>, vector<1x1x16xf32>,
    %swap3A_1265 = vector.shape_cast %swap3A_1264 : vector<1x1x16xf32> to vector<16xf32>
    %swap3A_1266 = vector.shape_cast %broadcast_in_dim3A_1074 : vector<16xf32> to vector<1x1x16xf32>
    tpu.vector_store %arg13[%swap3A_1261, %swap3A_1262, %swap3A_1263], %swap3A_1266 {strides = array<i32>} : memref<4x32x16xf32, #tpu.memory_space<vmem>>, vector<1x1x16xf32>,
    %swap3A_1267 = arith.constant 0 : i32
    %swap3A_1268 = arith.constant 24 : i32
    %swap3A_1269 = arith.index_cast %swap3A_1267 : i32 to index
    %swap3A_1270 = arith.index_cast %swap3A_1268 : i32 to index
    %swap3A_1271 = arith.constant 0 : index
    %swap3A_1272 = tpu.vector_load %arg13[%swap3A_1269, %swap3A_1270, %swap3A_1271] {strides = array<i32>} : memref<4x32x16xf32, #tpu.memory_space<vmem>>, vector<1x1x16xf32>,
    %swap3A_1273 = vector.shape_cast %swap3A_1272 : vector<1x1x16xf32> to vector<16xf32>
    %swap3A_1274 = vector.shape_cast %broadcast_in_dim3A_1074 : vector<16xf32> to vector<1x1x16xf32>
    tpu.vector_store %arg13[%swap3A_1269, %swap3A_1270, %swap3A_1271], %swap3A_1274 {strides = array<i32>} : memref<4x32x16xf32, #tpu.memory_space<vmem>>, vector<1x1x16xf32>,
    %swap3A_1275 = arith.constant 0 : i32
    %swap3A_1276 = arith.constant 25 : i32
    %swap3A_1277 = arith.index_cast %swap3A_1275 : i32 to index
    %swap3A_1278 = arith.index_cast %swap3A_1276 : i32 to index
    %swap3A_1279 = arith.constant 0 : index
    %swap3A_1280 = tpu.vector_load %arg13[%swap3A_1277, %swap3A_1278, %swap3A_1279] {strides = array<i32>} : memref<4x32x16xf32, #tpu.memory_space<vmem>>, vector<1x1x16xf32>,
    %swap3A_1281 = vector.shape_cast %swap3A_1280 : vector<1x1x16xf32> to vector<16xf32>
    %swap3A_1282 = vector.shape_cast %broadcast_in_dim3A_1074 : vector<16xf32> to vector<1x1x16xf32>
    tpu.vector_store %arg13[%swap3A_1277, %swap3A_1278, %swap3A_1279], %swap3A_1282 {strides = array<i32>} : memref<4x32x16xf32, #tpu.memory_space<vmem>>, vector<1x1x16xf32>,
    %swap3A_1283 = arith.constant 0 : i32
    %swap3A_1284 = arith.constant 26 : i32
    %swap3A_1285 = arith.index_cast %swap3A_1283 : i32 to index
    %swap3A_1286 = arith.index_cast %swap3A_1284 : i32 to index
    %swap3A_1287 = arith.constant 0 : index
    %swap3A_1288 = tpu.vector_load %arg13[%swap3A_1285, %swap3A_1286, %swap3A_1287] {strides = array<i32>} : memref<4x32x16xf32, #tpu.memory_space<vmem>>, vector<1x1x16xf32>,
    %swap3A_1289 = vector.shape_cast %swap3A_1288 : vector<1x1x16xf32> to vector<16xf32>
    %swap3A_1290 = vector.shape_cast %broadcast_in_dim3A_1074 : vector<16xf32> to vector<1x1x16xf32>
    tpu.vector_store %arg13[%swap3A_1285, %swap3A_1286, %swap3A_1287], %swap3A_1290 {strides = array<i32>} : memref<4x32x16xf32, #tpu.memory_space<vmem>>, vector<1x1x16xf32>,
    %swap3A_1291 = arith.constant 0 : i32
    %swap3A_1292 = arith.constant 27 : i32
    %swap3A_1293 = arith.index_cast %swap3A_1291 : i32 to index
    %swap3A_1294 = arith.index_cast %swap3A_1292 : i32 to index
    %swap3A_1295 = arith.constant 0 : index
    %swap3A_1296 = tpu.vector_load %arg13[%swap3A_1293, %swap3A_1294, %swap3A_1295] {strides = array<i32>} : memref<4x32x16xf32, #tpu.memory_space<vmem>>, vector<1x1x16xf32>,
    %swap3A_1297 = vector.shape_cast %swap3A_1296 : vector<1x1x16xf32> to vector<16xf32>
    %swap3A_1298 = vector.shape_cast %broadcast_in_dim3A_1074 : vector<16xf32> to vector<1x1x16xf32>
    tpu.vector_store %arg13[%swap3A_1293, %swap3A_1294, %swap3A_1295], %swap3A_1298 {strides = array<i32>} : memref<4x32x16xf32, #tpu.memory_space<vmem>>, vector<1x1x16xf32>,
    %swap3A_1299 = arith.constant 0 : i32
    %swap3A_1300 = arith.constant 28 : i32
    %swap3A_1301 = arith.index_cast %swap3A_1299 : i32 to index
    %swap3A_1302 = arith.index_cast %swap3A_1300 : i32 to index
    %swap3A_1303 = arith.constant 0 : index
    %swap3A_1304 = tpu.vector_load %arg13[%swap3A_1301, %swap3A_1302, %swap3A_1303] {strides = array<i32>} : memref<4x32x16xf32, #tpu.memory_space<vmem>>, vector<1x1x16xf32>,
    %swap3A_1305 = vector.shape_cast %swap3A_1304 : vector<1x1x16xf32> to vector<16xf32>
    %swap3A_1306 = vector.shape_cast %broadcast_in_dim3A_1074 : vector<16xf32> to vector<1x1x16xf32>
    tpu.vector_store %arg13[%swap3A_1301, %swap3A_1302, %swap3A_1303], %swap3A_1306 {strides = array<i32>} : memref<4x32x16xf32, #tpu.memory_space<vmem>>, vector<1x1x16xf32>,
    %swap3A_1307 = arith.constant 0 : i32
    %swap3A_1308 = arith.constant 29 : i32
    %swap3A_1309 = arith.index_cast %swap3A_1307 : i32 to index
    %swap3A_1310 = arith.index_cast %swap3A_1308 : i32 to index
    %swap3A_1311 = arith.constant 0 : index
    %swap3A_1312 = tpu.vector_load %arg13[%swap3A_1309, %swap3A_1310, %swap3A_1311] {strides = array<i32>} : memref<4x32x16xf32, #tpu.memory_space<vmem>>, vector<1x1x16xf32>,
    %swap3A_1313 = vector.shape_cast %swap3A_1312 : vector<1x1x16xf32> to vector<16xf32>
    %swap3A_1314 = vector.shape_cast %broadcast_in_dim3A_1074 : vector<16xf32> to vector<1x1x16xf32>
    tpu.vector_store %arg13[%swap3A_1309, %swap3A_1310, %swap3A_1311], %swap3A_1314 {strides = array<i32>} : memref<4x32x16xf32, #tpu.memory_space<vmem>>, vector<1x1x16xf32>,
    %swap3A_1315 = arith.constant 0 : i32
    %swap3A_1316 = arith.constant 30 : i32
    %swap3A_1317 = arith.index_cast %swap3A_1315 : i32 to index
    %swap3A_1318 = arith.index_cast %swap3A_1316 : i32 to index
    %swap3A_1319 = arith.constant 0 : index
    %swap3A_1320 = tpu.vector_load %arg13[%swap3A_1317, %swap3A_1318, %swap3A_1319] {strides = array<i32>} : memref<4x32x16xf32, #tpu.memory_space<vmem>>, vector<1x1x16xf32>,
    %swap3A_1321 = vector.shape_cast %swap3A_1320 : vector<1x1x16xf32> to vector<16xf32>
    %swap3A_1322 = vector.shape_cast %broadcast_in_dim3A_1074 : vector<16xf32> to vector<1x1x16xf32>
    tpu.vector_store %arg13[%swap3A_1317, %swap3A_1318, %swap3A_1319], %swap3A_1322 {strides = array<i32>} : memref<4x32x16xf32, #tpu.memory_space<vmem>>, vector<1x1x16xf32>,
    %swap3A_1323 = arith.constant 0 : i32
    %swap3A_1324 = arith.constant 31 : i32
    %swap3A_1325 = arith.index_cast %swap3A_1323 : i32 to index
    %swap3A_1326 = arith.index_cast %swap3A_1324 : i32 to index
    %swap3A_1327 = arith.constant 0 : index
    %swap3A_1328 = tpu.vector_load %arg13[%swap3A_1325, %swap3A_1326, %swap3A_1327] {strides = array<i32>} : memref<4x32x16xf32, #tpu.memory_space<vmem>>, vector<1x1x16xf32>,
    %swap3A_1329 = vector.shape_cast %swap3A_1328 : vector<1x1x16xf32> to vector<16xf32>
    %swap3A_1330 = vector.shape_cast %broadcast_in_dim3A_1074 : vector<16xf32> to vector<1x1x16xf32>
    tpu.vector_store %arg13[%swap3A_1325, %swap3A_1326, %swap3A_1327], %swap3A_1330 {strides = array<i32>} : memref<4x32x16xf32, #tpu.memory_space<vmem>>, vector<1x1x16xf32>,
    %swap3A_1331 = arith.constant 1 : i32
    %swap3A_1332 = arith.constant 0 : i32
    %swap3A_1333 = arith.index_cast %swap3A_1331 : i32 to index
    %swap3A_1334 = arith.index_cast %swap3A_1332 : i32 to index
    %swap3A_1335 = arith.constant 0 : index
    %swap3A_1336 = tpu.vector_load %arg13[%swap3A_1333, %swap3A_1334, %swap3A_1335] {strides = array<i32>} : memref<4x32x16xf32, #tpu.memory_space<vmem>>, vector<1x1x16xf32>,
    %swap3A_1337 = vector.shape_cast %swap3A_1336 : vector<1x1x16xf32> to vector<16xf32>
    %swap3A_1338 = vector.shape_cast %broadcast_in_dim3A_1074 : vector<16xf32> to vector<1x1x16xf32>
    tpu.vector_store %arg13[%swap3A_1333, %swap3A_1334, %swap3A_1335], %swap3A_1338 {strides = array<i32>} : memref<4x32x16xf32, #tpu.memory_space<vmem>>, vector<1x1x16xf32>,
    %swap3A_1339 = arith.constant 1 : i32
    %swap3A_1340 = arith.constant 1 : i32
    %swap3A_1341 = arith.index_cast %swap3A_1339 : i32 to index
    %swap3A_1342 = arith.index_cast %swap3A_1340 : i32 to index
    %swap3A_1343 = arith.constant 0 : index
    %swap3A_1344 = tpu.vector_load %arg13[%swap3A_1341, %swap3A_1342, %swap3A_1343] {strides = array<i32>} : memref<4x32x16xf32, #tpu.memory_space<vmem>>, vector<1x1x16xf32>,
    %swap3A_1345 = vector.shape_cast %swap3A_1344 : vector<1x1x16xf32> to vector<16xf32>
    %swap3A_1346 = vector.shape_cast %broadcast_in_dim3A_1074 : vector<16xf32> to vector<1x1x16xf32>
    tpu.vector_store %arg13[%swap3A_1341, %swap3A_1342, %swap3A_1343], %swap3A_1346 {strides = array<i32>} : memref<4x32x16xf32, #tpu.memory_space<vmem>>, vector<1x1x16xf32>,
    %swap3A_1347 = arith.constant 1 : i32
    %swap3A_1348 = arith.constant 2 : i32
    %swap3A_1349 = arith.index_cast %swap3A_1347 : i32 to index
    %swap3A_1350 = arith.index_cast %swap3A_1348 : i32 to index
    %swap3A_1351 = arith.constant 0 : index
    %swap3A_1352 = tpu.vector_load %arg13[%swap3A_1349, %swap3A_1350, %swap3A_1351] {strides = array<i32>} : memref<4x32x16xf32, #tpu.memory_space<vmem>>, vector<1x1x16xf32>,
    %swap3A_1353 = vector.shape_cast %swap3A_1352 : vector<1x1x16xf32> to vector<16xf32>
    %swap3A_1354 = vector.shape_cast %broadcast_in_dim3A_1074 : vector<16xf32> to vector<1x1x16xf32>
    tpu.vector_store %arg13[%swap3A_1349, %swap3A_1350, %swap3A_1351], %swap3A_1354 {strides = array<i32>} : memref<4x32x16xf32, #tpu.memory_space<vmem>>, vector<1x1x16xf32>,
    %swap3A_1355 = arith.constant 1 : i32
    %swap3A_1356 = arith.constant 3 : i32
    %swap3A_1357 = arith.index_cast %swap3A_1355 : i32 to index
    %swap3A_1358 = arith.index_cast %swap3A_1356 : i32 to index
    %swap3A_1359 = arith.constant 0 : index
    %swap3A_1360 = tpu.vector_load %arg13[%swap3A_1357, %swap3A_1358, %swap3A_1359] {strides = array<i32>} : memref<4x32x16xf32, #tpu.memory_space<vmem>>, vector<1x1x16xf32>,
    %swap3A_1361 = vector.shape_cast %swap3A_1360 : vector<1x1x16xf32> to vector<16xf32>
    %swap3A_1362 = vector.shape_cast %broadcast_in_dim3A_1074 : vector<16xf32> to vector<1x1x16xf32>
    tpu.vector_store %arg13[%swap3A_1357, %swap3A_1358, %swap3A_1359], %swap3A_1362 {strides = array<i32>} : memref<4x32x16xf32, #tpu.memory_space<vmem>>, vector<1x1x16xf32>,
    %swap3A_1363 = arith.constant 1 : i32
    %swap3A_1364 = arith.constant 4 : i32
    %swap3A_1365 = arith.index_cast %swap3A_1363 : i32 to index
    %swap3A_1366 = arith.index_cast %swap3A_1364 : i32 to index
    %swap3A_1367 = arith.constant 0 : index
    %swap3A_1368 = tpu.vector_load %arg13[%swap3A_1365, %swap3A_1366, %swap3A_1367] {strides = array<i32>} : memref<4x32x16xf32, #tpu.memory_space<vmem>>, vector<1x1x16xf32>,
    %swap3A_1369 = vector.shape_cast %swap3A_1368 : vector<1x1x16xf32> to vector<16xf32>
    %swap3A_1370 = vector.shape_cast %broadcast_in_dim3A_1074 : vector<16xf32> to vector<1x1x16xf32>
    tpu.vector_store %arg13[%swap3A_1365, %swap3A_1366, %swap3A_1367], %swap3A_1370 {strides = array<i32>} : memref<4x32x16xf32, #tpu.memory_space<vmem>>, vector<1x1x16xf32>,
    %swap3A_1371 = arith.constant 1 : i32
    %swap3A_1372 = arith.constant 5 : i32
    %swap3A_1373 = arith.index_cast %swap3A_1371 : i32 to index
    %swap3A_1374 = arith.index_cast %swap3A_1372 : i32 to index
    %swap3A_1375 = arith.constant 0 : index
    %swap3A_1376 = tpu.vector_load %arg13[%swap3A_1373, %swap3A_1374, %swap3A_1375] {strides = array<i32>} : memref<4x32x16xf32, #tpu.memory_space<vmem>>, vector<1x1x16xf32>,
    %swap3A_1377 = vector.shape_cast %swap3A_1376 : vector<1x1x16xf32> to vector<16xf32>
    %swap3A_1378 = vector.shape_cast %broadcast_in_dim3A_1074 : vector<16xf32> to vector<1x1x16xf32>
    tpu.vector_store %arg13[%swap3A_1373, %swap3A_1374, %swap3A_1375], %swap3A_1378 {strides = array<i32>} : memref<4x32x16xf32, #tpu.memory_space<vmem>>, vector<1x1x16xf32>,
    %swap3A_1379 = arith.constant 1 : i32
    %swap3A_1380 = arith.constant 6 : i32
    %swap3A_1381 = arith.index_cast %swap3A_1379 : i32 to index
    %swap3A_1382 = arith.index_cast %swap3A_1380 : i32 to index
    %swap3A_1383 = arith.constant 0 : index
    %swap3A_1384 = tpu.vector_load %arg13[%swap3A_1381, %swap3A_1382, %swap3A_1383] {strides = array<i32>} : memref<4x32x16xf32, #tpu.memory_space<vmem>>, vector<1x1x16xf32>,
    %swap3A_1385 = vector.shape_cast %swap3A_1384 : vector<1x1x16xf32> to vector<16xf32>
    %swap3A_1386 = vector.shape_cast %broadcast_in_dim3A_1074 : vector<16xf32> to vector<1x1x16xf32>
    tpu.vector_store %arg13[%swap3A_1381, %swap3A_1382, %swap3A_1383], %swap3A_1386 {strides = array<i32>} : memref<4x32x16xf32, #tpu.memory_space<vmem>>, vector<1x1x16xf32>,
    %swap3A_1387 = arith.constant 1 : i32
    %swap3A_1388 = arith.constant 7 : i32
    %swap3A_1389 = arith.index_cast %swap3A_1387 : i32 to index
    %swap3A_1390 = arith.index_cast %swap3A_1388 : i32 to index
    %swap3A_1391 = arith.constant 0 : index
    %swap3A_1392 = tpu.vector_load %arg13[%swap3A_1389, %swap3A_1390, %swap3A_1391] {strides = array<i32>} : memref<4x32x16xf32, #tpu.memory_space<vmem>>, vector<1x1x16xf32>,
    %swap3A_1393 = vector.shape_cast %swap3A_1392 : vector<1x1x16xf32> to vector<16xf32>
    %swap3A_1394 = vector.shape_cast %broadcast_in_dim3A_1074 : vector<16xf32> to vector<1x1x16xf32>
    tpu.vector_store %arg13[%swap3A_1389, %swap3A_1390, %swap3A_1391], %swap3A_1394 {strides = array<i32>} : memref<4x32x16xf32, #tpu.memory_space<vmem>>, vector<1x1x16xf32>,
    %swap3A_1395 = arith.constant 1 : i32
    %swap3A_1396 = arith.constant 8 : i32
    %swap3A_1397 = arith.index_cast %swap3A_1395 : i32 to index
    %swap3A_1398 = arith.index_cast %swap3A_1396 : i32 to index
    %swap3A_1399 = arith.constant 0 : index
    %swap3A_1400 = tpu.vector_load %arg13[%swap3A_1397, %swap3A_1398, %swap3A_1399] {strides = array<i32>} : memref<4x32x16xf32, #tpu.memory_space<vmem>>, vector<1x1x16xf32>,
    %swap3A_1401 = vector.shape_cast %swap3A_1400 : vector<1x1x16xf32> to vector<16xf32>
    %swap3A_1402 = vector.shape_cast %broadcast_in_dim3A_1074 : vector<16xf32> to vector<1x1x16xf32>
    tpu.vector_store %arg13[%swap3A_1397, %swap3A_1398, %swap3A_1399], %swap3A_1402 {strides = array<i32>} : memref<4x32x16xf32, #tpu.memory_space<vmem>>, vector<1x1x16xf32>,
    %swap3A_1403 = arith.constant 1 : i32
    %swap3A_1404 = arith.constant 9 : i32
    %swap3A_1405 = arith.index_cast %swap3A_1403 : i32 to index
    %swap3A_1406 = arith.index_cast %swap3A_1404 : i32 to index
    %swap3A_1407 = arith.constant 0 : index
    %swap3A_1408 = tpu.vector_load %arg13[%swap3A_1405, %swap3A_1406, %swap3A_1407] {strides = array<i32>} : memref<4x32x16xf32, #tpu.memory_space<vmem>>, vector<1x1x16xf32>,
    %swap3A_1409 = vector.shape_cast %swap3A_1408 : vector<1x1x16xf32> to vector<16xf32>
    %swap3A_1410 = vector.shape_cast %broadcast_in_dim3A_1074 : vector<16xf32> to vector<1x1x16xf32>
    tpu.vector_store %arg13[%swap3A_1405, %swap3A_1406, %swap3A_1407], %swap3A_1410 {strides = array<i32>} : memref<4x32x16xf32, #tpu.memory_space<vmem>>, vector<1x1x16xf32>,
    %swap3A_1411 = arith.constant 1 : i32
    %swap3A_1412 = arith.constant 10 : i32
    %swap3A_1413 = arith.index_cast %swap3A_1411 : i32 to index
    %swap3A_1414 = arith.index_cast %swap3A_1412 : i32 to index
    %swap3A_1415 = arith.constant 0 : index
    %swap3A_1416 = tpu.vector_load %arg13[%swap3A_1413, %swap3A_1414, %swap3A_1415] {strides = array<i32>} : memref<4x32x16xf32, #tpu.memory_space<vmem>>, vector<1x1x16xf32>,
    %swap3A_1417 = vector.shape_cast %swap3A_1416 : vector<1x1x16xf32> to vector<16xf32>
    %swap3A_1418 = vector.shape_cast %broadcast_in_dim3A_1074 : vector<16xf32> to vector<1x1x16xf32>
    tpu.vector_store %arg13[%swap3A_1413, %swap3A_1414, %swap3A_1415], %swap3A_1418 {strides = array<i32>} : memref<4x32x16xf32, #tpu.memory_space<vmem>>, vector<1x1x16xf32>,
    %swap3A_1419 = arith.constant 1 : i32
    %swap3A_1420 = arith.constant 11 : i32
    %swap3A_1421 = arith.index_cast %swap3A_1419 : i32 to index
    %swap3A_1422 = arith.index_cast %swap3A_1420 : i32 to index
    %swap3A_1423 = arith.constant 0 : index
    %swap3A_1424 = tpu.vector_load %arg13[%swap3A_1421, %swap3A_1422, %swap3A_1423] {strides = array<i32>} : memref<4x32x16xf32, #tpu.memory_space<vmem>>, vector<1x1x16xf32>,
    %swap3A_1425 = vector.shape_cast %swap3A_1424 : vector<1x1x16xf32> to vector<16xf32>
    %swap3A_1426 = vector.shape_cast %broadcast_in_dim3A_1074 : vector<16xf32> to vector<1x1x16xf32>
    tpu.vector_store %arg13[%swap3A_1421, %swap3A_1422, %swap3A_1423], %swap3A_1426 {strides = array<i32>} : memref<4x32x16xf32, #tpu.memory_space<vmem>>, vector<1x1x16xf32>,
    %swap3A_1427 = arith.constant 1 : i32
    %swap3A_1428 = arith.constant 12 : i32
    %swap3A_1429 = arith.index_cast %swap3A_1427 : i32 to index
    %swap3A_1430 = arith.index_cast %swap3A_1428 : i32 to index
    %swap3A_1431 = arith.constant 0 : index
    %swap3A_1432 = tpu.vector_load %arg13[%swap3A_1429, %swap3A_1430, %swap3A_1431] {strides = array<i32>} : memref<4x32x16xf32, #tpu.memory_space<vmem>>, vector<1x1x16xf32>,
    %swap3A_1433 = vector.shape_cast %swap3A_1432 : vector<1x1x16xf32> to vector<16xf32>
    %swap3A_1434 = vector.shape_cast %broadcast_in_dim3A_1074 : vector<16xf32> to vector<1x1x16xf32>
    tpu.vector_store %arg13[%swap3A_1429, %swap3A_1430, %swap3A_1431], %swap3A_1434 {strides = array<i32>} : memref<4x32x16xf32, #tpu.memory_space<vmem>>, vector<1x1x16xf32>,
    %swap3A_1435 = arith.constant 1 : i32
    %swap3A_1436 = arith.constant 13 : i32
    %swap3A_1437 = arith.index_cast %swap3A_1435 : i32 to index
    %swap3A_1438 = arith.index_cast %swap3A_1436 : i32 to index
    %swap3A_1439 = arith.constant 0 : index
    %swap3A_1440 = tpu.vector_load %arg13[%swap3A_1437, %swap3A_1438, %swap3A_1439] {strides = array<i32>} : memref<4x32x16xf32, #tpu.memory_space<vmem>>, vector<1x1x16xf32>,
    %swap3A_1441 = vector.shape_cast %swap3A_1440 : vector<1x1x16xf32> to vector<16xf32>
    %swap3A_1442 = vector.shape_cast %broadcast_in_dim3A_1074 : vector<16xf32> to vector<1x1x16xf32>
    tpu.vector_store %arg13[%swap3A_1437, %swap3A_1438, %swap3A_1439], %swap3A_1442 {strides = array<i32>} : memref<4x32x16xf32, #tpu.memory_space<vmem>>, vector<1x1x16xf32>,
    %swap3A_1443 = arith.constant 1 : i32
    %swap3A_1444 = arith.constant 14 : i32
    %swap3A_1445 = arith.index_cast %swap3A_1443 : i32 to index
    %swap3A_1446 = arith.index_cast %swap3A_1444 : i32 to index
    %swap3A_1447 = arith.constant 0 : index
    %swap3A_1448 = tpu.vector_load %arg13[%swap3A_1445, %swap3A_1446, %swap3A_1447] {strides = array<i32>} : memref<4x32x16xf32, #tpu.memory_space<vmem>>, vector<1x1x16xf32>,
    %swap3A_1449 = vector.shape_cast %swap3A_1448 : vector<1x1x16xf32> to vector<16xf32>
    %swap3A_1450 = vector.shape_cast %broadcast_in_dim3A_1074 : vector<16xf32> to vector<1x1x16xf32>
    tpu.vector_store %arg13[%swap3A_1445, %swap3A_1446, %swap3A_1447], %swap3A_1450 {strides = array<i32>} : memref<4x32x16xf32, #tpu.memory_space<vmem>>, vector<1x1x16xf32>,
    %swap3A_1451 = arith.constant 1 : i32
    %swap3A_1452 = arith.constant 15 : i32
    %swap3A_1453 = arith.index_cast %swap3A_1451 : i32 to index
    %swap3A_1454 = arith.index_cast %swap3A_1452 : i32 to index
    %swap3A_1455 = arith.constant 0 : index
    %swap3A_1456 = tpu.vector_load %arg13[%swap3A_1453, %swap3A_1454, %swap3A_1455] {strides = array<i32>} : memref<4x32x16xf32, #tpu.memory_space<vmem>>, vector<1x1x16xf32>,
    %swap3A_1457 = vector.shape_cast %swap3A_1456 : vector<1x1x16xf32> to vector<16xf32>
    %swap3A_1458 = vector.shape_cast %broadcast_in_dim3A_1074 : vector<16xf32> to vector<1x1x16xf32>
    tpu.vector_store %arg13[%swap3A_1453, %swap3A_1454, %swap3A_1455], %swap3A_1458 {strides = array<i32>} : memref<4x32x16xf32, #tpu.memory_space<vmem>>, vector<1x1x16xf32>,
    %swap3A_1459 = arith.constant 1 : i32
    %swap3A_1460 = arith.constant 16 : i32
    %swap3A_1461 = arith.index_cast %swap3A_1459 : i32 to index
    %swap3A_1462 = arith.index_cast %swap3A_1460 : i32 to index
    %swap3A_1463 = arith.constant 0 : index
    %swap3A_1464 = tpu.vector_load %arg13[%swap3A_1461, %swap3A_1462, %swap3A_1463] {strides = array<i32>} : memref<4x32x16xf32, #tpu.memory_space<vmem>>, vector<1x1x16xf32>,
    %swap3A_1465 = vector.shape_cast %swap3A_1464 : vector<1x1x16xf32> to vector<16xf32>
    %swap3A_1466 = vector.shape_cast %broadcast_in_dim3A_1074 : vector<16xf32> to vector<1x1x16xf32>
    tpu.vector_store %arg13[%swap3A_1461, %swap3A_1462, %swap3A_1463], %swap3A_1466 {strides = array<i32>} : memref<4x32x16xf32, #tpu.memory_space<vmem>>, vector<1x1x16xf32>,
    %swap3A_1467 = arith.constant 1 : i32
    %swap3A_1468 = arith.constant 17 : i32
    %swap3A_1469 = arith.index_cast %swap3A_1467 : i32 to index
    %swap3A_1470 = arith.index_cast %swap3A_1468 : i32 to index
    %swap3A_1471 = arith.constant 0 : index
    %swap3A_1472 = tpu.vector_load %arg13[%swap3A_1469, %swap3A_1470, %swap3A_1471] {strides = array<i32>} : memref<4x32x16xf32, #tpu.memory_space<vmem>>, vector<1x1x16xf32>,
    %swap3A_1473 = vector.shape_cast %swap3A_1472 : vector<1x1x16xf32> to vector<16xf32>
    %swap3A_1474 = vector.shape_cast %broadcast_in_dim3A_1074 : vector<16xf32> to vector<1x1x16xf32>
    tpu.vector_store %arg13[%swap3A_1469, %swap3A_1470, %swap3A_1471], %swap3A_1474 {strides = array<i32>} : memref<4x32x16xf32, #tpu.memory_space<vmem>>, vector<1x1x16xf32>,
    %swap3A_1475 = arith.constant 1 : i32
    %swap3A_1476 = arith.constant 18 : i32
    %swap3A_1477 = arith.index_cast %swap3A_1475 : i32 to index
    %swap3A_1478 = arith.index_cast %swap3A_1476 : i32 to index
    %swap3A_1479 = arith.constant 0 : index
    %swap3A_1480 = tpu.vector_load %arg13[%swap3A_1477, %swap3A_1478, %swap3A_1479] {strides = array<i32>} : memref<4x32x16xf32, #tpu.memory_space<vmem>>, vector<1x1x16xf32>,
    %swap3A_1481 = vector.shape_cast %swap3A_1480 : vector<1x1x16xf32> to vector<16xf32>
    %swap3A_1482 = vector.shape_cast %broadcast_in_dim3A_1074 : vector<16xf32> to vector<1x1x16xf32>
    tpu.vector_store %arg13[%swap3A_1477, %swap3A_1478, %swap3A_1479], %swap3A_1482 {strides = array<i32>} : memref<4x32x16xf32, #tpu.memory_space<vmem>>, vector<1x1x16xf32>,
    %swap3A_1483 = arith.constant 1 : i32
    %swap3A_1484 = arith.constant 19 : i32
    %swap3A_1485 = arith.index_cast %swap3A_1483 : i32 to index
    %swap3A_1486 = arith.index_cast %swap3A_1484 : i32 to index
    %swap3A_1487 = arith.constant 0 : index
    %swap3A_1488 = tpu.vector_load %arg13[%swap3A_1485, %swap3A_1486, %swap3A_1487] {strides = array<i32>} : memref<4x32x16xf32, #tpu.memory_space<vmem>>, vector<1x1x16xf32>,
    %swap3A_1489 = vector.shape_cast %swap3A_1488 : vector<1x1x16xf32> to vector<16xf32>
    %swap3A_1490 = vector.shape_cast %broadcast_in_dim3A_1074 : vector<16xf32> to vector<1x1x16xf32>
    tpu.vector_store %arg13[%swap3A_1485, %swap3A_1486, %swap3A_1487], %swap3A_1490 {strides = array<i32>} : memref<4x32x16xf32, #tpu.memory_space<vmem>>, vector<1x1x16xf32>,
    %swap3A_1491 = arith.constant 1 : i32
    %swap3A_1492 = arith.constant 20 : i32
    %swap3A_1493 = arith.index_cast %swap3A_1491 : i32 to index
    %swap3A_1494 = arith.index_cast %swap3A_1492 : i32 to index
    %swap3A_1495 = arith.constant 0 : index
    %swap3A_1496 = tpu.vector_load %arg13[%swap3A_1493, %swap3A_1494, %swap3A_1495] {strides = array<i32>} : memref<4x32x16xf32, #tpu.memory_space<vmem>>, vector<1x1x16xf32>,
    %swap3A_1497 = vector.shape_cast %swap3A_1496 : vector<1x1x16xf32> to vector<16xf32>
    %swap3A_1498 = vector.shape_cast %broadcast_in_dim3A_1074 : vector<16xf32> to vector<1x1x16xf32>
    tpu.vector_store %arg13[%swap3A_1493, %swap3A_1494, %swap3A_1495], %swap3A_1498 {strides = array<i32>} : memref<4x32x16xf32, #tpu.memory_space<vmem>>, vector<1x1x16xf32>,
    %swap3A_1499 = arith.constant 1 : i32
    %swap3A_1500 = arith.constant 21 : i32
    %swap3A_1501 = arith.index_cast %swap3A_1499 : i32 to index
    %swap3A_1502 = arith.index_cast %swap3A_1500 : i32 to index
    %swap3A_1503 = arith.constant 0 : index
    %swap3A_1504 = tpu.vector_load %arg13[%swap3A_1501, %swap3A_1502, %swap3A_1503] {strides = array<i32>} : memref<4x32x16xf32, #tpu.memory_space<vmem>>, vector<1x1x16xf32>,
    %swap3A_1505 = vector.shape_cast %swap3A_1504 : vector<1x1x16xf32> to vector<16xf32>
    %swap3A_1506 = vector.shape_cast %broadcast_in_dim3A_1074 : vector<16xf32> to vector<1x1x16xf32>
    tpu.vector_store %arg13[%swap3A_1501, %swap3A_1502, %swap3A_1503], %swap3A_1506 {strides = array<i32>} : memref<4x32x16xf32, #tpu.memory_space<vmem>>, vector<1x1x16xf32>,
    %swap3A_1507 = arith.constant 1 : i32
    %swap3A_1508 = arith.constant 22 : i32
    %swap3A_1509 = arith.index_cast %swap3A_1507 : i32 to index
    %swap3A_1510 = arith.index_cast %swap3A_1508 : i32 to index
    %swap3A_1511 = arith.constant 0 : index
    %swap3A_1512 = tpu.vector_load %arg13[%swap3A_1509, %swap3A_1510, %swap3A_1511] {strides = array<i32>} : memref<4x32x16xf32, #tpu.memory_space<vmem>>, vector<1x1x16xf32>,
    %swap3A_1513 = vector.shape_cast %swap3A_1512 : vector<1x1x16xf32> to vector<16xf32>
    %swap3A_1514 = vector.shape_cast %broadcast_in_dim3A_1074 : vector<16xf32> to vector<1x1x16xf32>
    tpu.vector_store %arg13[%swap3A_1509, %swap3A_1510, %swap3A_1511], %swap3A_1514 {strides = array<i32>} : memref<4x32x16xf32, #tpu.memory_space<vmem>>, vector<1x1x16xf32>,
    %swap3A_1515 = arith.constant 1 : i32
    %swap3A_1516 = arith.constant 23 : i32
    %swap3A_1517 = arith.index_cast %swap3A_1515 : i32 to index
    %swap3A_1518 = arith.index_cast %swap3A_1516 : i32 to index
    %swap3A_1519 = arith.constant 0 : index
    %swap3A_1520 = tpu.vector_load %arg13[%swap3A_1517, %swap3A_1518, %swap3A_1519] {strides = array<i32>} : memref<4x32x16xf32, #tpu.memory_space<vmem>>, vector<1x1x16xf32>,
    %swap3A_1521 = vector.shape_cast %swap3A_1520 : vector<1x1x16xf32> to vector<16xf32>
    %swap3A_1522 = vector.shape_cast %broadcast_in_dim3A_1074 : vector<16xf32> to vector<1x1x16xf32>
    tpu.vector_store %arg13[%swap3A_1517, %swap3A_1518, %swap3A_1519], %swap3A_1522 {strides = array<i32>} : memref<4x32x16xf32, #tpu.memory_space<vmem>>, vector<1x1x16xf32>,
    %swap3A_1523 = arith.constant 1 : i32
    %swap3A_1524 = arith.constant 24 : i32
    %swap3A_1525 = arith.index_cast %swap3A_1523 : i32 to index
    %swap3A_1526 = arith.index_cast %swap3A_1524 : i32 to index
    %swap3A_1527 = arith.constant 0 : index
    %swap3A_1528 = tpu.vector_load %arg13[%swap3A_1525, %swap3A_1526, %swap3A_1527] {strides = array<i32>} : memref<4x32x16xf32, #tpu.memory_space<vmem>>, vector<1x1x16xf32>,
    %swap3A_1529 = vector.shape_cast %swap3A_1528 : vector<1x1x16xf32> to vector<16xf32>
    %swap3A_1530 = vector.shape_cast %broadcast_in_dim3A_1074 : vector<16xf32> to vector<1x1x16xf32>
    tpu.vector_store %arg13[%swap3A_1525, %swap3A_1526, %swap3A_1527], %swap3A_1530 {strides = array<i32>} : memref<4x32x16xf32, #tpu.memory_space<vmem>>, vector<1x1x16xf32>,
    %swap3A_1531 = arith.constant 1 : i32
    %swap3A_1532 = arith.constant 25 : i32
    %swap3A_1533 = arith.index_cast %swap3A_1531 : i32 to index
    %swap3A_1534 = arith.index_cast %swap3A_1532 : i32 to index
    %swap3A_1535 = arith.constant 0 : index
    %swap3A_1536 = tpu.vector_load %arg13[%swap3A_1533, %swap3A_1534, %swap3A_1535] {strides = array<i32>} : memref<4x32x16xf32, #tpu.memory_space<vmem>>, vector<1x1x16xf32>,
    %swap3A_1537 = vector.shape_cast %swap3A_1536 : vector<1x1x16xf32> to vector<16xf32>
    %swap3A_1538 = vector.shape_cast %broadcast_in_dim3A_1074 : vector<16xf32> to vector<1x1x16xf32>
    tpu.vector_store %arg13[%swap3A_1533, %swap3A_1534, %swap3A_1535], %swap3A_1538 {strides = array<i32>} : memref<4x32x16xf32, #tpu.memory_space<vmem>>, vector<1x1x16xf32>,
    %swap3A_1539 = arith.constant 1 : i32
    %swap3A_1540 = arith.constant 26 : i32
    %swap3A_1541 = arith.index_cast %swap3A_1539 : i32 to index
    %swap3A_1542 = arith.index_cast %swap3A_1540 : i32 to index
    %swap3A_1543 = arith.constant 0 : index
    %swap3A_1544 = tpu.vector_load %arg13[%swap3A_1541, %swap3A_1542, %swap3A_1543] {strides = array<i32>} : memref<4x32x16xf32, #tpu.memory_space<vmem>>, vector<1x1x16xf32>,
    %swap3A_1545 = vector.shape_cast %swap3A_1544 : vector<1x1x16xf32> to vector<16xf32>
    %swap3A_1546 = vector.shape_cast %broadcast_in_dim3A_1074 : vector<16xf32> to vector<1x1x16xf32>
    tpu.vector_store %arg13[%swap3A_1541, %swap3A_1542, %swap3A_1543], %swap3A_1546 {strides = array<i32>} : memref<4x32x16xf32, #tpu.memory_space<vmem>>, vector<1x1x16xf32>,
    %swap3A_1547 = arith.constant 1 : i32
    %swap3A_1548 = arith.constant 27 : i32
    %swap3A_1549 = arith.index_cast %swap3A_1547 : i32 to index
    %swap3A_1550 = arith.index_cast %swap3A_1548 : i32 to index
    %swap3A_1551 = arith.constant 0 : index
    %swap3A_1552 = tpu.vector_load %arg13[%swap3A_1549, %swap3A_1550, %swap3A_1551] {strides = array<i32>} : memref<4x32x16xf32, #tpu.memory_space<vmem>>, vector<1x1x16xf32>,
    %swap3A_1553 = vector.shape_cast %swap3A_1552 : vector<1x1x16xf32> to vector<16xf32>
    %swap3A_1554 = vector.shape_cast %broadcast_in_dim3A_1074 : vector<16xf32> to vector<1x1x16xf32>
    tpu.vector_store %arg13[%swap3A_1549, %swap3A_1550, %swap3A_1551], %swap3A_1554 {strides = array<i32>} : memref<4x32x16xf32, #tpu.memory_space<vmem>>, vector<1x1x16xf32>,
    %swap3A_1555 = arith.constant 1 : i32
    %swap3A_1556 = arith.constant 28 : i32
    %swap3A_1557 = arith.index_cast %swap3A_1555 : i32 to index
    %swap3A_1558 = arith.index_cast %swap3A_1556 : i32 to index
    %swap3A_1559 = arith.constant 0 : index
    %swap3A_1560 = tpu.vector_load %arg13[%swap3A_1557, %swap3A_1558, %swap3A_1559] {strides = array<i32>} : memref<4x32x16xf32, #tpu.memory_space<vmem>>, vector<1x1x16xf32>,
    %swap3A_1561 = vector.shape_cast %swap3A_1560 : vector<1x1x16xf32> to vector<16xf32>
    %swap3A_1562 = vector.shape_cast %broadcast_in_dim3A_1074 : vector<16xf32> to vector<1x1x16xf32>
    tpu.vector_store %arg13[%swap3A_1557, %swap3A_1558, %swap3A_1559], %swap3A_1562 {strides = array<i32>} : memref<4x32x16xf32, #tpu.memory_space<vmem>>, vector<1x1x16xf32>,
    %swap3A_1563 = arith.constant 1 : i32
    %swap3A_1564 = arith.constant 29 : i32
    %swap3A_1565 = arith.index_cast %swap3A_1563 : i32 to index
    %swap3A_1566 = arith.index_cast %swap3A_1564 : i32 to index
    %swap3A_1567 = arith.constant 0 : index
    %swap3A_1568 = tpu.vector_load %arg13[%swap3A_1565, %swap3A_1566, %swap3A_1567] {strides = array<i32>} : memref<4x32x16xf32, #tpu.memory_space<vmem>>, vector<1x1x16xf32>,
    %swap3A_1569 = vector.shape_cast %swap3A_1568 : vector<1x1x16xf32> to vector<16xf32>
    %swap3A_1570 = vector.shape_cast %broadcast_in_dim3A_1074 : vector<16xf32> to vector<1x1x16xf32>
    tpu.vector_store %arg13[%swap3A_1565, %swap3A_1566, %swap3A_1567], %swap3A_1570 {strides = array<i32>} : memref<4x32x16xf32, #tpu.memory_space<vmem>>, vector<1x1x16xf32>,
    %swap3A_1571 = arith.constant 1 : i32
    %swap3A_1572 = arith.constant 30 : i32
    %swap3A_1573 = arith.index_cast %swap3A_1571 : i32 to index
    %swap3A_1574 = arith.index_cast %swap3A_1572 : i32 to index
    %swap3A_1575 = arith.constant 0 : index
    %swap3A_1576 = tpu.vector_load %arg13[%swap3A_1573, %swap3A_1574, %swap3A_1575] {strides = array<i32>} : memref<4x32x16xf32, #tpu.memory_space<vmem>>, vector<1x1x16xf32>,
    %swap3A_1577 = vector.shape_cast %swap3A_1576 : vector<1x1x16xf32> to vector<16xf32>
    %swap3A_1578 = vector.shape_cast %broadcast_in_dim3A_1074 : vector<16xf32> to vector<1x1x16xf32>
    tpu.vector_store %arg13[%swap3A_1573, %swap3A_1574, %swap3A_1575], %swap3A_1578 {strides = array<i32>} : memref<4x32x16xf32, #tpu.memory_space<vmem>>, vector<1x1x16xf32>,
    %swap3A_1579 = arith.constant 1 : i32
    %swap3A_1580 = arith.constant 31 : i32
    %swap3A_1581 = arith.index_cast %swap3A_1579 : i32 to index
    %swap3A_1582 = arith.index_cast %swap3A_1580 : i32 to index
    %swap3A_1583 = arith.constant 0 : index
    %swap3A_1584 = tpu.vector_load %arg13[%swap3A_1581, %swap3A_1582, %swap3A_1583] {strides = array<i32>} : memref<4x32x16xf32, #tpu.memory_space<vmem>>, vector<1x1x16xf32>,
    %swap3A_1585 = vector.shape_cast %swap3A_1584 : vector<1x1x16xf32> to vector<16xf32>
    %swap3A_1586 = vector.shape_cast %broadcast_in_dim3A_1074 : vector<16xf32> to vector<1x1x16xf32>
    tpu.vector_store %arg13[%swap3A_1581, %swap3A_1582, %swap3A_1583], %swap3A_1586 {strides = array<i32>} : memref<4x32x16xf32, #tpu.memory_space<vmem>>, vector<1x1x16xf32>,
    %swap3A_1587 = arith.constant 2 : i32
    %swap3A_1588 = arith.constant 0 : i32
    %swap3A_1589 = arith.index_cast %swap3A_1587 : i32 to index
    %swap3A_1590 = arith.index_cast %swap3A_1588 : i32 to index
    %swap3A_1591 = arith.constant 0 : index
    %swap3A_1592 = tpu.vector_load %arg13[%swap3A_1589, %swap3A_1590, %swap3A_1591] {strides = array<i32>} : memref<4x32x16xf32, #tpu.memory_space<vmem>>, vector<1x1x16xf32>,
    %swap3A_1593 = vector.shape_cast %swap3A_1592 : vector<1x1x16xf32> to vector<16xf32>
    %swap3A_1594 = vector.shape_cast %broadcast_in_dim3A_1074 : vector<16xf32> to vector<1x1x16xf32>
    tpu.vector_store %arg13[%swap3A_1589, %swap3A_1590, %swap3A_1591], %swap3A_1594 {strides = array<i32>} : memref<4x32x16xf32, #tpu.memory_space<vmem>>, vector<1x1x16xf32>,
    %swap3A_1595 = arith.constant 2 : i32
    %swap3A_1596 = arith.constant 1 : i32
    %swap3A_1597 = arith.index_cast %swap3A_1595 : i32 to index
    %swap3A_1598 = arith.index_cast %swap3A_1596 : i32 to index
    %swap3A_1599 = arith.constant 0 : index
    %swap3A_1600 = tpu.vector_load %arg13[%swap3A_1597, %swap3A_1598, %swap3A_1599] {strides = array<i32>} : memref<4x32x16xf32, #tpu.memory_space<vmem>>, vector<1x1x16xf32>,
    %swap3A_1601 = vector.shape_cast %swap3A_1600 : vector<1x1x16xf32> to vector<16xf32>
    %swap3A_1602 = vector.shape_cast %broadcast_in_dim3A_1074 : vector<16xf32> to vector<1x1x16xf32>
    tpu.vector_store %arg13[%swap3A_1597, %swap3A_1598, %swap3A_1599], %swap3A_1602 {strides = array<i32>} : memref<4x32x16xf32, #tpu.memory_space<vmem>>, vector<1x1x16xf32>,
    %swap3A_1603 = arith.constant 2 : i32
    %swap3A_1604 = arith.constant 2 : i32
    %swap3A_1605 = arith.index_cast %swap3A_1603 : i32 to index
    %swap3A_1606 = arith.index_cast %swap3A_1604 : i32 to index
    %swap3A_1607 = arith.constant 0 : index
    %swap3A_1608 = tpu.vector_load %arg13[%swap3A_1605, %swap3A_1606, %swap3A_1607] {strides = array<i32>} : memref<4x32x16xf32, #tpu.memory_space<vmem>>, vector<1x1x16xf32>,
    %swap3A_1609 = vector.shape_cast %swap3A_1608 : vector<1x1x16xf32> to vector<16xf32>
    %swap3A_1610 = vector.shape_cast %broadcast_in_dim3A_1074 : vector<16xf32> to vector<1x1x16xf32>
    tpu.vector_store %arg13[%swap3A_1605, %swap3A_1606, %swap3A_1607], %swap3A_1610 {strides = array<i32>} : memref<4x32x16xf32, #tpu.memory_space<vmem>>, vector<1x1x16xf32>,
    %swap3A_1611 = arith.constant 2 : i32
    %swap3A_1612 = arith.constant 3 : i32
    %swap3A_1613 = arith.index_cast %swap3A_1611 : i32 to index
    %swap3A_1614 = arith.index_cast %swap3A_1612 : i32 to index
    %swap3A_1615 = arith.constant 0 : index
    %swap3A_1616 = tpu.vector_load %arg13[%swap3A_1613, %swap3A_1614, %swap3A_1615] {strides = array<i32>} : memref<4x32x16xf32, #tpu.memory_space<vmem>>, vector<1x1x16xf32>,
    %swap3A_1617 = vector.shape_cast %swap3A_1616 : vector<1x1x16xf32> to vector<16xf32>
    %swap3A_1618 = vector.shape_cast %broadcast_in_dim3A_1074 : vector<16xf32> to vector<1x1x16xf32>
    tpu.vector_store %arg13[%swap3A_1613, %swap3A_1614, %swap3A_1615], %swap3A_1618 {strides = array<i32>} : memref<4x32x16xf32, #tpu.memory_space<vmem>>, vector<1x1x16xf32>,
    %swap3A_1619 = arith.constant 2 : i32
    %swap3A_1620 = arith.constant 4 : i32
    %swap3A_1621 = arith.index_cast %swap3A_1619 : i32 to index
    %swap3A_1622 = arith.index_cast %swap3A_1620 : i32 to index
    %swap3A_1623 = arith.constant 0 : index
    %swap3A_1624 = tpu.vector_load %arg13[%swap3A_1621, %swap3A_1622, %swap3A_1623] {strides = array<i32>} : memref<4x32x16xf32, #tpu.memory_space<vmem>>, vector<1x1x16xf32>,
    %swap3A_1625 = vector.shape_cast %swap3A_1624 : vector<1x1x16xf32> to vector<16xf32>
    %swap3A_1626 = vector.shape_cast %broadcast_in_dim3A_1074 : vector<16xf32> to vector<1x1x16xf32>
    tpu.vector_store %arg13[%swap3A_1621, %swap3A_1622, %swap3A_1623], %swap3A_1626 {strides = array<i32>} : memref<4x32x16xf32, #tpu.memory_space<vmem>>, vector<1x1x16xf32>,
    %swap3A_1627 = arith.constant 2 : i32
    %swap3A_1628 = arith.constant 5 : i32
    %swap3A_1629 = arith.index_cast %swap3A_1627 : i32 to index
    %swap3A_1630 = arith.index_cast %swap3A_1628 : i32 to index
    %swap3A_1631 = arith.constant 0 : index
    %swap3A_1632 = tpu.vector_load %arg13[%swap3A_1629, %swap3A_1630, %swap3A_1631] {strides = array<i32>} : memref<4x32x16xf32, #tpu.memory_space<vmem>>, vector<1x1x16xf32>,
    %swap3A_1633 = vector.shape_cast %swap3A_1632 : vector<1x1x16xf32> to vector<16xf32>
    %swap3A_1634 = vector.shape_cast %broadcast_in_dim3A_1074 : vector<16xf32> to vector<1x1x16xf32>
    tpu.vector_store %arg13[%swap3A_1629, %swap3A_1630, %swap3A_1631], %swap3A_1634 {strides = array<i32>} : memref<4x32x16xf32, #tpu.memory_space<vmem>>, vector<1x1x16xf32>,
    %swap3A_1635 = arith.constant 2 : i32
    %swap3A_1636 = arith.constant 6 : i32
    %swap3A_1637 = arith.index_cast %swap3A_1635 : i32 to index
    %swap3A_1638 = arith.index_cast %swap3A_1636 : i32 to index
    %swap3A_1639 = arith.constant 0 : index
    %swap3A_1640 = tpu.vector_load %arg13[%swap3A_1637, %swap3A_1638, %swap3A_1639] {strides = array<i32>} : memref<4x32x16xf32, #tpu.memory_space<vmem>>, vector<1x1x16xf32>,
    %swap3A_1641 = vector.shape_cast %swap3A_1640 : vector<1x1x16xf32> to vector<16xf32>
    %swap3A_1642 = vector.shape_cast %broadcast_in_dim3A_1074 : vector<16xf32> to vector<1x1x16xf32>
    tpu.vector_store %arg13[%swap3A_1637, %swap3A_1638, %swap3A_1639], %swap3A_1642 {strides = array<i32>} : memref<4x32x16xf32, #tpu.memory_space<vmem>>, vector<1x1x16xf32>,
    %swap3A_1643 = arith.constant 2 : i32
    %swap3A_1644 = arith.constant 7 : i32
    %swap3A_1645 = arith.index_cast %swap3A_1643 : i32 to index
    %swap3A_1646 = arith.index_cast %swap3A_1644 : i32 to index
    %swap3A_1647 = arith.constant 0 : index
    %swap3A_1648 = tpu.vector_load %arg13[%swap3A_1645, %swap3A_1646, %swap3A_1647] {strides = array<i32>} : memref<4x32x16xf32, #tpu.memory_space<vmem>>, vector<1x1x16xf32>,
    %swap3A_1649 = vector.shape_cast %swap3A_1648 : vector<1x1x16xf32> to vector<16xf32>
    %swap3A_1650 = vector.shape_cast %broadcast_in_dim3A_1074 : vector<16xf32> to vector<1x1x16xf32>
    tpu.vector_store %arg13[%swap3A_1645, %swap3A_1646, %swap3A_1647], %swap3A_1650 {strides = array<i32>} : memref<4x32x16xf32, #tpu.memory_space<vmem>>, vector<1x1x16xf32>,
    %swap3A_1651 = arith.constant 2 : i32
    %swap3A_1652 = arith.constant 8 : i32
    %swap3A_1653 = arith.index_cast %swap3A_1651 : i32 to index
    %swap3A_1654 = arith.index_cast %swap3A_1652 : i32 to index
    %swap3A_1655 = arith.constant 0 : index
    %swap3A_1656 = tpu.vector_load %arg13[%swap3A_1653, %swap3A_1654, %swap3A_1655] {strides = array<i32>} : memref<4x32x16xf32, #tpu.memory_space<vmem>>, vector<1x1x16xf32>,
    %swap3A_1657 = vector.shape_cast %swap3A_1656 : vector<1x1x16xf32> to vector<16xf32>
    %swap3A_1658 = vector.shape_cast %broadcast_in_dim3A_1074 : vector<16xf32> to vector<1x1x16xf32>
    tpu.vector_store %arg13[%swap3A_1653, %swap3A_1654, %swap3A_1655], %swap3A_1658 {strides = array<i32>} : memref<4x32x16xf32, #tpu.memory_space<vmem>>, vector<1x1x16xf32>,
    %swap3A_1659 = arith.constant 2 : i32
    %swap3A_1660 = arith.constant 9 : i32
    %swap3A_1661 = arith.index_cast %swap3A_1659 : i32 to index
    %swap3A_1662 = arith.index_cast %swap3A_1660 : i32 to index
    %swap3A_1663 = arith.constant 0 : index
    %swap3A_1664 = tpu.vector_load %arg13[%swap3A_1661, %swap3A_1662, %swap3A_1663] {strides = array<i32>} : memref<4x32x16xf32, #tpu.memory_space<vmem>>, vector<1x1x16xf32>,
    %swap3A_1665 = vector.shape_cast %swap3A_1664 : vector<1x1x16xf32> to vector<16xf32>
    %swap3A_1666 = vector.shape_cast %broadcast_in_dim3A_1074 : vector<16xf32> to vector<1x1x16xf32>
    tpu.vector_store %arg13[%swap3A_1661, %swap3A_1662, %swap3A_1663], %swap3A_1666 {strides = array<i32>} : memref<4x32x16xf32, #tpu.memory_space<vmem>>, vector<1x1x16xf32>,
    %swap3A_1667 = arith.constant 2 : i32
    %swap3A_1668 = arith.constant 10 : i32
    %swap3A_1669 = arith.index_cast %swap3A_1667 : i32 to index
    %swap3A_1670 = arith.index_cast %swap3A_1668 : i32 to index
    %swap3A_1671 = arith.constant 0 : index
    %swap3A_1672 = tpu.vector_load %arg13[%swap3A_1669, %swap3A_1670, %swap3A_1671] {strides = array<i32>} : memref<4x32x16xf32, #tpu.memory_space<vmem>>, vector<1x1x16xf32>,
    %swap3A_1673 = vector.shape_cast %swap3A_1672 : vector<1x1x16xf32> to vector<16xf32>
    %swap3A_1674 = vector.shape_cast %broadcast_in_dim3A_1074 : vector<16xf32> to vector<1x1x16xf32>
    tpu.vector_store %arg13[%swap3A_1669, %swap3A_1670, %swap3A_1671], %swap3A_1674 {strides = array<i32>} : memref<4x32x16xf32, #tpu.memory_space<vmem>>, vector<1x1x16xf32>,
    %swap3A_1675 = arith.constant 2 : i32
    %swap3A_1676 = arith.constant 11 : i32
    %swap3A_1677 = arith.index_cast %swap3A_1675 : i32 to index
    %swap3A_1678 = arith.index_cast %swap3A_1676 : i32 to index
    %swap3A_1679 = arith.constant 0 : index
    %swap3A_1680 = tpu.vector_load %arg13[%swap3A_1677, %swap3A_1678, %swap3A_1679] {strides = array<i32>} : memref<4x32x16xf32, #tpu.memory_space<vmem>>, vector<1x1x16xf32>,
    %swap3A_1681 = vector.shape_cast %swap3A_1680 : vector<1x1x16xf32> to vector<16xf32>
    %swap3A_1682 = vector.shape_cast %broadcast_in_dim3A_1074 : vector<16xf32> to vector<1x1x16xf32>
    tpu.vector_store %arg13[%swap3A_1677, %swap3A_1678, %swap3A_1679], %swap3A_1682 {strides = array<i32>} : memref<4x32x16xf32, #tpu.memory_space<vmem>>, vector<1x1x16xf32>,
    %swap3A_1683 = arith.constant 2 : i32
    %swap3A_1684 = arith.constant 12 : i32
    %swap3A_1685 = arith.index_cast %swap3A_1683 : i32 to index
    %swap3A_1686 = arith.index_cast %swap3A_1684 : i32 to index
    %swap3A_1687 = arith.constant 0 : index
    %swap3A_1688 = tpu.vector_load %arg13[%swap3A_1685, %swap3A_1686, %swap3A_1687] {strides = array<i32>} : memref<4x32x16xf32, #tpu.memory_space<vmem>>, vector<1x1x16xf32>,
    %swap3A_1689 = vector.shape_cast %swap3A_1688 : vector<1x1x16xf32> to vector<16xf32>
    %swap3A_1690 = vector.shape_cast %broadcast_in_dim3A_1074 : vector<16xf32> to vector<1x1x16xf32>
    tpu.vector_store %arg13[%swap3A_1685, %swap3A_1686, %swap3A_1687], %swap3A_1690 {strides = array<i32>} : memref<4x32x16xf32, #tpu.memory_space<vmem>>, vector<1x1x16xf32>,
    %swap3A_1691 = arith.constant 2 : i32
    %swap3A_1692 = arith.constant 13 : i32
    %swap3A_1693 = arith.index_cast %swap3A_1691 : i32 to index
    %swap3A_1694 = arith.index_cast %swap3A_1692 : i32 to index
    %swap3A_1695 = arith.constant 0 : index
    %swap3A_1696 = tpu.vector_load %arg13[%swap3A_1693, %swap3A_1694, %swap3A_1695] {strides = array<i32>} : memref<4x32x16xf32, #tpu.memory_space<vmem>>, vector<1x1x16xf32>,
    %swap3A_1697 = vector.shape_cast %swap3A_1696 : vector<1x1x16xf32> to vector<16xf32>
    %swap3A_1698 = vector.shape_cast %broadcast_in_dim3A_1074 : vector<16xf32> to vector<1x1x16xf32>
    tpu.vector_store %arg13[%swap3A_1693, %swap3A_1694, %swap3A_1695], %swap3A_1698 {strides = array<i32>} : memref<4x32x16xf32, #tpu.memory_space<vmem>>, vector<1x1x16xf32>,
    %swap3A_1699 = arith.constant 2 : i32
    %swap3A_1700 = arith.constant 14 : i32
    %swap3A_1701 = arith.index_cast %swap3A_1699 : i32 to index
    %swap3A_1702 = arith.index_cast %swap3A_1700 : i32 to index
    %swap3A_1703 = arith.constant 0 : index
    %swap3A_1704 = tpu.vector_load %arg13[%swap3A_1701, %swap3A_1702, %swap3A_1703] {strides = array<i32>} : memref<4x32x16xf32, #tpu.memory_space<vmem>>, vector<1x1x16xf32>,
    %swap3A_1705 = vector.shape_cast %swap3A_1704 : vector<1x1x16xf32> to vector<16xf32>
    %swap3A_1706 = vector.shape_cast %broadcast_in_dim3A_1074 : vector<16xf32> to vector<1x1x16xf32>
    tpu.vector_store %arg13[%swap3A_1701, %swap3A_1702, %swap3A_1703], %swap3A_1706 {strides = array<i32>} : memref<4x32x16xf32, #tpu.memory_space<vmem>>, vector<1x1x16xf32>,
    %swap3A_1707 = arith.constant 2 : i32
    %swap3A_1708 = arith.constant 15 : i32
    %swap3A_1709 = arith.index_cast %swap3A_1707 : i32 to index
    %swap3A_1710 = arith.index_cast %swap3A_1708 : i32 to index
    %swap3A_1711 = arith.constant 0 : index
    %swap3A_1712 = tpu.vector_load %arg13[%swap3A_1709, %swap3A_1710, %swap3A_1711] {strides = array<i32>} : memref<4x32x16xf32, #tpu.memory_space<vmem>>, vector<1x1x16xf32>,
    %swap3A_1713 = vector.shape_cast %swap3A_1712 : vector<1x1x16xf32> to vector<16xf32>
    %swap3A_1714 = vector.shape_cast %broadcast_in_dim3A_1074 : vector<16xf32> to vector<1x1x16xf32>
    tpu.vector_store %arg13[%swap3A_1709, %swap3A_1710, %swap3A_1711], %swap3A_1714 {strides = array<i32>} : memref<4x32x16xf32, #tpu.memory_space<vmem>>, vector<1x1x16xf32>,
    %swap3A_1715 = arith.constant 2 : i32
    %swap3A_1716 = arith.constant 16 : i32
    %swap3A_1717 = arith.index_cast %swap3A_1715 : i32 to index
    %swap3A_1718 = arith.index_cast %swap3A_1716 : i32 to index
    %swap3A_1719 = arith.constant 0 : index
    %swap3A_1720 = tpu.vector_load %arg13[%swap3A_1717, %swap3A_1718, %swap3A_1719] {strides = array<i32>} : memref<4x32x16xf32, #tpu.memory_space<vmem>>, vector<1x1x16xf32>,
    %swap3A_1721 = vector.shape_cast %swap3A_1720 : vector<1x1x16xf32> to vector<16xf32>
    %swap3A_1722 = vector.shape_cast %broadcast_in_dim3A_1074 : vector<16xf32> to vector<1x1x16xf32>
    tpu.vector_store %arg13[%swap3A_1717, %swap3A_1718, %swap3A_1719], %swap3A_1722 {strides = array<i32>} : memref<4x32x16xf32, #tpu.memory_space<vmem>>, vector<1x1x16xf32>,
    %swap3A_1723 = arith.constant 2 : i32
    %swap3A_1724 = arith.constant 17 : i32
    %swap3A_1725 = arith.index_cast %swap3A_1723 : i32 to index
    %swap3A_1726 = arith.index_cast %swap3A_1724 : i32 to index
    %swap3A_1727 = arith.constant 0 : index
    %swap3A_1728 = tpu.vector_load %arg13[%swap3A_1725, %swap3A_1726, %swap3A_1727] {strides = array<i32>} : memref<4x32x16xf32, #tpu.memory_space<vmem>>, vector<1x1x16xf32>,
    %swap3A_1729 = vector.shape_cast %swap3A_1728 : vector<1x1x16xf32> to vector<16xf32>
    %swap3A_1730 = vector.shape_cast %broadcast_in_dim3A_1074 : vector<16xf32> to vector<1x1x16xf32>
    tpu.vector_store %arg13[%swap3A_1725, %swap3A_1726, %swap3A_1727], %swap3A_1730 {strides = array<i32>} : memref<4x32x16xf32, #tpu.memory_space<vmem>>, vector<1x1x16xf32>,
    %swap3A_1731 = arith.constant 2 : i32
    %swap3A_1732 = arith.constant 18 : i32
    %swap3A_1733 = arith.index_cast %swap3A_1731 : i32 to index
    %swap3A_1734 = arith.index_cast %swap3A_1732 : i32 to index
    %swap3A_1735 = arith.constant 0 : index
    %swap3A_1736 = tpu.vector_load %arg13[%swap3A_1733, %swap3A_1734, %swap3A_1735] {strides = array<i32>} : memref<4x32x16xf32, #tpu.memory_space<vmem>>, vector<1x1x16xf32>,
    %swap3A_1737 = vector.shape_cast %swap3A_1736 : vector<1x1x16xf32> to vector<16xf32>
    %swap3A_1738 = vector.shape_cast %broadcast_in_dim3A_1074 : vector<16xf32> to vector<1x1x16xf32>
    tpu.vector_store %arg13[%swap3A_1733, %swap3A_1734, %swap3A_1735], %swap3A_1738 {strides = array<i32>} : memref<4x32x16xf32, #tpu.memory_space<vmem>>, vector<1x1x16xf32>,
    %swap3A_1739 = arith.constant 2 : i32
    %swap3A_1740 = arith.constant 19 : i32
    %swap3A_1741 = arith.index_cast %swap3A_1739 : i32 to index
    %swap3A_1742 = arith.index_cast %swap3A_1740 : i32 to index
    %swap3A_1743 = arith.constant 0 : index
    %swap3A_1744 = tpu.vector_load %arg13[%swap3A_1741, %swap3A_1742, %swap3A_1743] {strides = array<i32>} : memref<4x32x16xf32, #tpu.memory_space<vmem>>, vector<1x1x16xf32>,
    %swap3A_1745 = vector.shape_cast %swap3A_1744 : vector<1x1x16xf32> to vector<16xf32>
    %swap3A_1746 = vector.shape_cast %broadcast_in_dim3A_1074 : vector<16xf32> to vector<1x1x16xf32>
    tpu.vector_store %arg13[%swap3A_1741, %swap3A_1742, %swap3A_1743], %swap3A_1746 {strides = array<i32>} : memref<4x32x16xf32, #tpu.memory_space<vmem>>, vector<1x1x16xf32>,
    %swap3A_1747 = arith.constant 2 : i32
    %swap3A_1748 = arith.constant 20 : i32
    %swap3A_1749 = arith.index_cast %swap3A_1747 : i32 to index
    %swap3A_1750 = arith.index_cast %swap3A_1748 : i32 to index
    %swap3A_1751 = arith.constant 0 : index
    %swap3A_1752 = tpu.vector_load %arg13[%swap3A_1749, %swap3A_1750, %swap3A_1751] {strides = array<i32>} : memref<4x32x16xf32, #tpu.memory_space<vmem>>, vector<1x1x16xf32>,
    %swap3A_1753 = vector.shape_cast %swap3A_1752 : vector<1x1x16xf32> to vector<16xf32>
    %swap3A_1754 = vector.shape_cast %broadcast_in_dim3A_1074 : vector<16xf32> to vector<1x1x16xf32>
    tpu.vector_store %arg13[%swap3A_1749, %swap3A_1750, %swap3A_1751], %swap3A_1754 {strides = array<i32>} : memref<4x32x16xf32, #tpu.memory_space<vmem>>, vector<1x1x16xf32>,
    %swap3A_1755 = arith.constant 2 : i32
    %swap3A_1756 = arith.constant 21 : i32
    %swap3A_1757 = arith.index_cast %swap3A_1755 : i32 to index
    %swap3A_1758 = arith.index_cast %swap3A_1756 : i32 to index
    %swap3A_1759 = arith.constant 0 : index
    %swap3A_1760 = tpu.vector_load %arg13[%swap3A_1757, %swap3A_1758, %swap3A_1759] {strides = array<i32>} : memref<4x32x16xf32, #tpu.memory_space<vmem>>, vector<1x1x16xf32>,
    %swap3A_1761 = vector.shape_cast %swap3A_1760 : vector<1x1x16xf32> to vector<16xf32>
    %swap3A_1762 = vector.shape_cast %broadcast_in_dim3A_1074 : vector<16xf32> to vector<1x1x16xf32>
    tpu.vector_store %arg13[%swap3A_1757, %swap3A_1758, %swap3A_1759], %swap3A_1762 {strides = array<i32>} : memref<4x32x16xf32, #tpu.memory_space<vmem>>, vector<1x1x16xf32>,
    %swap3A_1763 = arith.constant 2 : i32
    %swap3A_1764 = arith.constant 22 : i32
    %swap3A_1765 = arith.index_cast %swap3A_1763 : i32 to index
    %swap3A_1766 = arith.index_cast %swap3A_1764 : i32 to index
    %swap3A_1767 = arith.constant 0 : index
    %swap3A_1768 = tpu.vector_load %arg13[%swap3A_1765, %swap3A_1766, %swap3A_1767] {strides = array<i32>} : memref<4x32x16xf32, #tpu.memory_space<vmem>>, vector<1x1x16xf32>,
    %swap3A_1769 = vector.shape_cast %swap3A_1768 : vector<1x1x16xf32> to vector<16xf32>
    %swap3A_1770 = vector.shape_cast %broadcast_in_dim3A_1074 : vector<16xf32> to vector<1x1x16xf32>
    tpu.vector_store %arg13[%swap3A_1765, %swap3A_1766, %swap3A_1767], %swap3A_1770 {strides = array<i32>} : memref<4x32x16xf32, #tpu.memory_space<vmem>>, vector<1x1x16xf32>,
    %swap3A_1771 = arith.constant 2 : i32
    %swap3A_1772 = arith.constant 23 : i32
    %swap3A_1773 = arith.index_cast %swap3A_1771 : i32 to index
    %swap3A_1774 = arith.index_cast %swap3A_1772 : i32 to index
    %swap3A_1775 = arith.constant 0 : index
    %swap3A_1776 = tpu.vector_load %arg13[%swap3A_1773, %swap3A_1774, %swap3A_1775] {strides = array<i32>} : memref<4x32x16xf32, #tpu.memory_space<vmem>>, vector<1x1x16xf32>,
    %swap3A_1777 = vector.shape_cast %swap3A_1776 : vector<1x1x16xf32> to vector<16xf32>
    %swap3A_1778 = vector.shape_cast %broadcast_in_dim3A_1074 : vector<16xf32> to vector<1x1x16xf32>
    tpu.vector_store %arg13[%swap3A_1773, %swap3A_1774, %swap3A_1775], %swap3A_1778 {strides = array<i32>} : memref<4x32x16xf32, #tpu.memory_space<vmem>>, vector<1x1x16xf32>,
    %swap3A_1779 = arith.constant 2 : i32
    %swap3A_1780 = arith.constant 24 : i32
    %swap3A_1781 = arith.index_cast %swap3A_1779 : i32 to index
    %swap3A_1782 = arith.index_cast %swap3A_1780 : i32 to index
    %swap3A_1783 = arith.constant 0 : index
    %swap3A_1784 = tpu.vector_load %arg13[%swap3A_1781, %swap3A_1782, %swap3A_1783] {strides = array<i32>} : memref<4x32x16xf32, #tpu.memory_space<vmem>>, vector<1x1x16xf32>,
    %swap3A_1785 = vector.shape_cast %swap3A_1784 : vector<1x1x16xf32> to vector<16xf32>
    %swap3A_1786 = vector.shape_cast %broadcast_in_dim3A_1074 : vector<16xf32> to vector<1x1x16xf32>
    tpu.vector_store %arg13[%swap3A_1781, %swap3A_1782, %swap3A_1783], %swap3A_1786 {strides = array<i32>} : memref<4x32x16xf32, #tpu.memory_space<vmem>>, vector<1x1x16xf32>,
    %swap3A_1787 = arith.constant 2 : i32
    %swap3A_1788 = arith.constant 25 : i32
    %swap3A_1789 = arith.index_cast %swap3A_1787 : i32 to index
    %swap3A_1790 = arith.index_cast %swap3A_1788 : i32 to index
    %swap3A_1791 = arith.constant 0 : index
    %swap3A_1792 = tpu.vector_load %arg13[%swap3A_1789, %swap3A_1790, %swap3A_1791] {strides = array<i32>} : memref<4x32x16xf32, #tpu.memory_space<vmem>>, vector<1x1x16xf32>,
    %swap3A_1793 = vector.shape_cast %swap3A_1792 : vector<1x1x16xf32> to vector<16xf32>
    %swap3A_1794 = vector.shape_cast %broadcast_in_dim3A_1074 : vector<16xf32> to vector<1x1x16xf32>
    tpu.vector_store %arg13[%swap3A_1789, %swap3A_1790, %swap3A_1791], %swap3A_1794 {strides = array<i32>} : memref<4x32x16xf32, #tpu.memory_space<vmem>>, vector<1x1x16xf32>,
    %swap3A_1795 = arith.constant 2 : i32
    %swap3A_1796 = arith.constant 26 : i32
    %swap3A_1797 = arith.index_cast %swap3A_1795 : i32 to index
    %swap3A_1798 = arith.index_cast %swap3A_1796 : i32 to index
    %swap3A_1799 = arith.constant 0 : index
    %swap3A_1800 = tpu.vector_load %arg13[%swap3A_1797, %swap3A_1798, %swap3A_1799] {strides = array<i32>} : memref<4x32x16xf32, #tpu.memory_space<vmem>>, vector<1x1x16xf32>,
    %swap3A_1801 = vector.shape_cast %swap3A_1800 : vector<1x1x16xf32> to vector<16xf32>
    %swap3A_1802 = vector.shape_cast %broadcast_in_dim3A_1074 : vector<16xf32> to vector<1x1x16xf32>
    tpu.vector_store %arg13[%swap3A_1797, %swap3A_1798, %swap3A_1799], %swap3A_1802 {strides = array<i32>} : memref<4x32x16xf32, #tpu.memory_space<vmem>>, vector<1x1x16xf32>,
    %swap3A_1803 = arith.constant 2 : i32
    %swap3A_1804 = arith.constant 27 : i32
    %swap3A_1805 = arith.index_cast %swap3A_1803 : i32 to index
    %swap3A_1806 = arith.index_cast %swap3A_1804 : i32 to index
    %swap3A_1807 = arith.constant 0 : index
    %swap3A_1808 = tpu.vector_load %arg13[%swap3A_1805, %swap3A_1806, %swap3A_1807] {strides = array<i32>} : memref<4x32x16xf32, #tpu.memory_space<vmem>>, vector<1x1x16xf32>,
    %swap3A_1809 = vector.shape_cast %swap3A_1808 : vector<1x1x16xf32> to vector<16xf32>
    %swap3A_1810 = vector.shape_cast %broadcast_in_dim3A_1074 : vector<16xf32> to vector<1x1x16xf32>
    tpu.vector_store %arg13[%swap3A_1805, %swap3A_1806, %swap3A_1807], %swap3A_1810 {strides = array<i32>} : memref<4x32x16xf32, #tpu.memory_space<vmem>>, vector<1x1x16xf32>,
    %swap3A_1811 = arith.constant 2 : i32
    %swap3A_1812 = arith.constant 28 : i32
    %swap3A_1813 = arith.index_cast %swap3A_1811 : i32 to index
    %swap3A_1814 = arith.index_cast %swap3A_1812 : i32 to index
    %swap3A_1815 = arith.constant 0 : index
    %swap3A_1816 = tpu.vector_load %arg13[%swap3A_1813, %swap3A_1814, %swap3A_1815] {strides = array<i32>} : memref<4x32x16xf32, #tpu.memory_space<vmem>>, vector<1x1x16xf32>,
    %swap3A_1817 = vector.shape_cast %swap3A_1816 : vector<1x1x16xf32> to vector<16xf32>
    %swap3A_1818 = vector.shape_cast %broadcast_in_dim3A_1074 : vector<16xf32> to vector<1x1x16xf32>
    tpu.vector_store %arg13[%swap3A_1813, %swap3A_1814, %swap3A_1815], %swap3A_1818 {strides = array<i32>} : memref<4x32x16xf32, #tpu.memory_space<vmem>>, vector<1x1x16xf32>,
    %swap3A_1819 = arith.constant 2 : i32
    %swap3A_1820 = arith.constant 29 : i32
    %swap3A_1821 = arith.index_cast %swap3A_1819 : i32 to index
    %swap3A_1822 = arith.index_cast %swap3A_1820 : i32 to index
    %swap3A_1823 = arith.constant 0 : index
    %swap3A_1824 = tpu.vector_load %arg13[%swap3A_1821, %swap3A_1822, %swap3A_1823] {strides = array<i32>} : memref<4x32x16xf32, #tpu.memory_space<vmem>>, vector<1x1x16xf32>,
    %swap3A_1825 = vector.shape_cast %swap3A_1824 : vector<1x1x16xf32> to vector<16xf32>
    %swap3A_1826 = vector.shape_cast %broadcast_in_dim3A_1074 : vector<16xf32> to vector<1x1x16xf32>
    tpu.vector_store %arg13[%swap3A_1821, %swap3A_1822, %swap3A_1823], %swap3A_1826 {strides = array<i32>} : memref<4x32x16xf32, #tpu.memory_space<vmem>>, vector<1x1x16xf32>,
    %swap3A_1827 = arith.constant 2 : i32
    %swap3A_1828 = arith.constant 30 : i32
    %swap3A_1829 = arith.index_cast %swap3A_1827 : i32 to index
    %swap3A_1830 = arith.index_cast %swap3A_1828 : i32 to index
    %swap3A_1831 = arith.constant 0 : index
    %swap3A_1832 = tpu.vector_load %arg13[%swap3A_1829, %swap3A_1830, %swap3A_1831] {strides = array<i32>} : memref<4x32x16xf32, #tpu.memory_space<vmem>>, vector<1x1x16xf32>,
    %swap3A_1833 = vector.shape_cast %swap3A_1832 : vector<1x1x16xf32> to vector<16xf32>
    %swap3A_1834 = vector.shape_cast %broadcast_in_dim3A_1074 : vector<16xf32> to vector<1x1x16xf32>
    tpu.vector_store %arg13[%swap3A_1829, %swap3A_1830, %swap3A_1831], %swap3A_1834 {strides = array<i32>} : memref<4x32x16xf32, #tpu.memory_space<vmem>>, vector<1x1x16xf32>,
    %swap3A_1835 = arith.constant 2 : i32
    %swap3A_1836 = arith.constant 31 : i32
    %swap3A_1837 = arith.index_cast %swap3A_1835 : i32 to index
    %swap3A_1838 = arith.index_cast %swap3A_1836 : i32 to index
    %swap3A_1839 = arith.constant 0 : index
    %swap3A_1840 = tpu.vector_load %arg13[%swap3A_1837, %swap3A_1838, %swap3A_1839] {strides = array<i32>} : memref<4x32x16xf32, #tpu.memory_space<vmem>>, vector<1x1x16xf32>,
    %swap3A_1841 = vector.shape_cast %swap3A_1840 : vector<1x1x16xf32> to vector<16xf32>
    %swap3A_1842 = vector.shape_cast %broadcast_in_dim3A_1074 : vector<16xf32> to vector<1x1x16xf32>
    tpu.vector_store %arg13[%swap3A_1837, %swap3A_1838, %swap3A_1839], %swap3A_1842 {strides = array<i32>} : memref<4x32x16xf32, #tpu.memory_space<vmem>>, vector<1x1x16xf32>,
    %swap3A_1843 = arith.constant 3 : i32
    %swap3A_1844 = arith.constant 0 : i32
    %swap3A_1845 = arith.index_cast %swap3A_1843 : i32 to index
    %swap3A_1846 = arith.index_cast %swap3A_1844 : i32 to index
    %swap3A_1847 = arith.constant 0 : index
    %swap3A_1848 = tpu.vector_load %arg13[%swap3A_1845, %swap3A_1846, %swap3A_1847] {strides = array<i32>} : memref<4x32x16xf32, #tpu.memory_space<vmem>>, vector<1x1x16xf32>,
    %swap3A_1849 = vector.shape_cast %swap3A_1848 : vector<1x1x16xf32> to vector<16xf32>
    %swap3A_1850 = vector.shape_cast %broadcast_in_dim3A_1074 : vector<16xf32> to vector<1x1x16xf32>
    tpu.vector_store %arg13[%swap3A_1845, %swap3A_1846, %swap3A_1847], %swap3A_1850 {strides = array<i32>} : memref<4x32x16xf32, #tpu.memory_space<vmem>>, vector<1x1x16xf32>,
    %swap3A_1851 = arith.constant 3 : i32
    %swap3A_1852 = arith.constant 1 : i32
    %swap3A_1853 = arith.index_cast %swap3A_1851 : i32 to index
    %swap3A_1854 = arith.index_cast %swap3A_1852 : i32 to index
    %swap3A_1855 = arith.constant 0 : index
    %swap3A_1856 = tpu.vector_load %arg13[%swap3A_1853, %swap3A_1854, %swap3A_1855] {strides = array<i32>} : memref<4x32x16xf32, #tpu.memory_space<vmem>>, vector<1x1x16xf32>,
    %swap3A_1857 = vector.shape_cast %swap3A_1856 : vector<1x1x16xf32> to vector<16xf32>
    %swap3A_1858 = vector.shape_cast %broadcast_in_dim3A_1074 : vector<16xf32> to vector<1x1x16xf32>
    tpu.vector_store %arg13[%swap3A_1853, %swap3A_1854, %swap3A_1855], %swap3A_1858 {strides = array<i32>} : memref<4x32x16xf32, #tpu.memory_space<vmem>>, vector<1x1x16xf32>,
    %swap3A_1859 = arith.constant 3 : i32
    %swap3A_1860 = arith.constant 2 : i32
    %swap3A_1861 = arith.index_cast %swap3A_1859 : i32 to index
    %swap3A_1862 = arith.index_cast %swap3A_1860 : i32 to index
    %swap3A_1863 = arith.constant 0 : index
    %swap3A_1864 = tpu.vector_load %arg13[%swap3A_1861, %swap3A_1862, %swap3A_1863] {strides = array<i32>} : memref<4x32x16xf32, #tpu.memory_space<vmem>>, vector<1x1x16xf32>,
    %swap3A_1865 = vector.shape_cast %swap3A_1864 : vector<1x1x16xf32> to vector<16xf32>
    %swap3A_1866 = vector.shape_cast %broadcast_in_dim3A_1074 : vector<16xf32> to vector<1x1x16xf32>
    tpu.vector_store %arg13[%swap3A_1861, %swap3A_1862, %swap3A_1863], %swap3A_1866 {strides = array<i32>} : memref<4x32x16xf32, #tpu.memory_space<vmem>>, vector<1x1x16xf32>,
    %swap3A_1867 = arith.constant 3 : i32
    %swap3A_1868 = arith.constant 3 : i32
    %swap3A_1869 = arith.index_cast %swap3A_1867 : i32 to index
    %swap3A_1870 = arith.index_cast %swap3A_1868 : i32 to index
    %swap3A_1871 = arith.constant 0 : index
    %swap3A_1872 = tpu.vector_load %arg13[%swap3A_1869, %swap3A_1870, %swap3A_1871] {strides = array<i32>} : memref<4x32x16xf32, #tpu.memory_space<vmem>>, vector<1x1x16xf32>,
    %swap3A_1873 = vector.shape_cast %swap3A_1872 : vector<1x1x16xf32> to vector<16xf32>
    %swap3A_1874 = vector.shape_cast %broadcast_in_dim3A_1074 : vector<16xf32> to vector<1x1x16xf32>
    tpu.vector_store %arg13[%swap3A_1869, %swap3A_1870, %swap3A_1871], %swap3A_1874 {strides = array<i32>} : memref<4x32x16xf32, #tpu.memory_space<vmem>>, vector<1x1x16xf32>,
    %swap3A_1875 = arith.constant 3 : i32
    %swap3A_1876 = arith.constant 4 : i32
    %swap3A_1877 = arith.index_cast %swap3A_1875 : i32 to index
    %swap3A_1878 = arith.index_cast %swap3A_1876 : i32 to index
    %swap3A_1879 = arith.constant 0 : index
    %swap3A_1880 = tpu.vector_load %arg13[%swap3A_1877, %swap3A_1878, %swap3A_1879] {strides = array<i32>} : memref<4x32x16xf32, #tpu.memory_space<vmem>>, vector<1x1x16xf32>,
    %swap3A_1881 = vector.shape_cast %swap3A_1880 : vector<1x1x16xf32> to vector<16xf32>
    %swap3A_1882 = vector.shape_cast %broadcast_in_dim3A_1074 : vector<16xf32> to vector<1x1x16xf32>
    tpu.vector_store %arg13[%swap3A_1877, %swap3A_1878, %swap3A_1879], %swap3A_1882 {strides = array<i32>} : memref<4x32x16xf32, #tpu.memory_space<vmem>>, vector<1x1x16xf32>,
    %swap3A_1883 = arith.constant 3 : i32
    %swap3A_1884 = arith.constant 5 : i32
    %swap3A_1885 = arith.index_cast %swap3A_1883 : i32 to index
    %swap3A_1886 = arith.index_cast %swap3A_1884 : i32 to index
    %swap3A_1887 = arith.constant 0 : index
    %swap3A_1888 = tpu.vector_load %arg13[%swap3A_1885, %swap3A_1886, %swap3A_1887] {strides = array<i32>} : memref<4x32x16xf32, #tpu.memory_space<vmem>>, vector<1x1x16xf32>,
    %swap3A_1889 = vector.shape_cast %swap3A_1888 : vector<1x1x16xf32> to vector<16xf32>
    %swap3A_1890 = vector.shape_cast %broadcast_in_dim3A_1074 : vector<16xf32> to vector<1x1x16xf32>
    tpu.vector_store %arg13[%swap3A_1885, %swap3A_1886, %swap3A_1887], %swap3A_1890 {strides = array<i32>} : memref<4x32x16xf32, #tpu.memory_space<vmem>>, vector<1x1x16xf32>,
    %swap3A_1891 = arith.constant 3 : i32
    %swap3A_1892 = arith.constant 6 : i32
    %swap3A_1893 = arith.index_cast %swap3A_1891 : i32 to index
    %swap3A_1894 = arith.index_cast %swap3A_1892 : i32 to index
    %swap3A_1895 = arith.constant 0 : index
    %swap3A_1896 = tpu.vector_load %arg13[%swap3A_1893, %swap3A_1894, %swap3A_1895] {strides = array<i32>} : memref<4x32x16xf32, #tpu.memory_space<vmem>>, vector<1x1x16xf32>,
    %swap3A_1897 = vector.shape_cast %swap3A_1896 : vector<1x1x16xf32> to vector<16xf32>
    %swap3A_1898 = vector.shape_cast %broadcast_in_dim3A_1074 : vector<16xf32> to vector<1x1x16xf32>
    tpu.vector_store %arg13[%swap3A_1893, %swap3A_1894, %swap3A_1895], %swap3A_1898 {strides = array<i32>} : memref<4x32x16xf32, #tpu.memory_space<vmem>>, vector<1x1x16xf32>,
    %swap3A_1899 = arith.constant 3 : i32
    %swap3A_1900 = arith.constant 7 : i32
    %swap3A_1901 = arith.index_cast %swap3A_1899 : i32 to index
    %swap3A_1902 = arith.index_cast %swap3A_1900 : i32 to index
    %swap3A_1903 = arith.constant 0 : index
    %swap3A_1904 = tpu.vector_load %arg13[%swap3A_1901, %swap3A_1902, %swap3A_1903] {strides = array<i32>} : memref<4x32x16xf32, #tpu.memory_space<vmem>>, vector<1x1x16xf32>,
    %swap3A_1905 = vector.shape_cast %swap3A_1904 : vector<1x1x16xf32> to vector<16xf32>
    %swap3A_1906 = vector.shape_cast %broadcast_in_dim3A_1074 : vector<16xf32> to vector<1x1x16xf32>
    tpu.vector_store %arg13[%swap3A_1901, %swap3A_1902, %swap3A_1903], %swap3A_1906 {strides = array<i32>} : memref<4x32x16xf32, #tpu.memory_space<vmem>>, vector<1x1x16xf32>,
    %swap3A_1907 = arith.constant 3 : i32
    %swap3A_1908 = arith.constant 8 : i32
    %swap3A_1909 = arith.index_cast %swap3A_1907 : i32 to index
    %swap3A_1910 = arith.index_cast %swap3A_1908 : i32 to index
    %swap3A_1911 = arith.constant 0 : index
    %swap3A_1912 = tpu.vector_load %arg13[%swap3A_1909, %swap3A_1910, %swap3A_1911] {strides = array<i32>} : memref<4x32x16xf32, #tpu.memory_space<vmem>>, vector<1x1x16xf32>,
    %swap3A_1913 = vector.shape_cast %swap3A_1912 : vector<1x1x16xf32> to vector<16xf32>
    %swap3A_1914 = vector.shape_cast %broadcast_in_dim3A_1074 : vector<16xf32> to vector<1x1x16xf32>
    tpu.vector_store %arg13[%swap3A_1909, %swap3A_1910, %swap3A_1911], %swap3A_1914 {strides = array<i32>} : memref<4x32x16xf32, #tpu.memory_space<vmem>>, vector<1x1x16xf32>,
    %swap3A_1915 = arith.constant 3 : i32
    %swap3A_1916 = arith.constant 9 : i32
    %swap3A_1917 = arith.index_cast %swap3A_1915 : i32 to index
    %swap3A_1918 = arith.index_cast %swap3A_1916 : i32 to index
    %swap3A_1919 = arith.constant 0 : index
    %swap3A_1920 = tpu.vector_load %arg13[%swap3A_1917, %swap3A_1918, %swap3A_1919] {strides = array<i32>} : memref<4x32x16xf32, #tpu.memory_space<vmem>>, vector<1x1x16xf32>,
    %swap3A_1921 = vector.shape_cast %swap3A_1920 : vector<1x1x16xf32> to vector<16xf32>
    %swap3A_1922 = vector.shape_cast %broadcast_in_dim3A_1074 : vector<16xf32> to vector<1x1x16xf32>
    tpu.vector_store %arg13[%swap3A_1917, %swap3A_1918, %swap3A_1919], %swap3A_1922 {strides = array<i32>} : memref<4x32x16xf32, #tpu.memory_space<vmem>>, vector<1x1x16xf32>,
    %swap3A_1923 = arith.constant 3 : i32
    %swap3A_1924 = arith.constant 10 : i32
    %swap3A_1925 = arith.index_cast %swap3A_1923 : i32 to index
    %swap3A_1926 = arith.index_cast %swap3A_1924 : i32 to index
    %swap3A_1927 = arith.constant 0 : index
    %swap3A_1928 = tpu.vector_load %arg13[%swap3A_1925, %swap3A_1926, %swap3A_1927] {strides = array<i32>} : memref<4x32x16xf32, #tpu.memory_space<vmem>>, vector<1x1x16xf32>,
    %swap3A_1929 = vector.shape_cast %swap3A_1928 : vector<1x1x16xf32> to vector<16xf32>
    %swap3A_1930 = vector.shape_cast %broadcast_in_dim3A_1074 : vector<16xf32> to vector<1x1x16xf32>
    tpu.vector_store %arg13[%swap3A_1925, %swap3A_1926, %swap3A_1927], %swap3A_1930 {strides = array<i32>} : memref<4x32x16xf32, #tpu.memory_space<vmem>>, vector<1x1x16xf32>,
    %swap3A_1931 = arith.constant 3 : i32
    %swap3A_1932 = arith.constant 11 : i32
    %swap3A_1933 = arith.index_cast %swap3A_1931 : i32 to index
    %swap3A_1934 = arith.index_cast %swap3A_1932 : i32 to index
    %swap3A_1935 = arith.constant 0 : index
    %swap3A_1936 = tpu.vector_load %arg13[%swap3A_1933, %swap3A_1934, %swap3A_1935] {strides = array<i32>} : memref<4x32x16xf32, #tpu.memory_space<vmem>>, vector<1x1x16xf32>,
    %swap3A_1937 = vector.shape_cast %swap3A_1936 : vector<1x1x16xf32> to vector<16xf32>
    %swap3A_1938 = vector.shape_cast %broadcast_in_dim3A_1074 : vector<16xf32> to vector<1x1x16xf32>
    tpu.vector_store %arg13[%swap3A_1933, %swap3A_1934, %swap3A_1935], %swap3A_1938 {strides = array<i32>} : memref<4x32x16xf32, #tpu.memory_space<vmem>>, vector<1x1x16xf32>,
    %swap3A_1939 = arith.constant 3 : i32
    %swap3A_1940 = arith.constant 12 : i32
    %swap3A_1941 = arith.index_cast %swap3A_1939 : i32 to index
    %swap3A_1942 = arith.index_cast %swap3A_1940 : i32 to index
    %swap3A_1943 = arith.constant 0 : index
    %swap3A_1944 = tpu.vector_load %arg13[%swap3A_1941, %swap3A_1942, %swap3A_1943] {strides = array<i32>} : memref<4x32x16xf32, #tpu.memory_space<vmem>>, vector<1x1x16xf32>,
    %swap3A_1945 = vector.shape_cast %swap3A_1944 : vector<1x1x16xf32> to vector<16xf32>
    %swap3A_1946 = vector.shape_cast %broadcast_in_dim3A_1074 : vector<16xf32> to vector<1x1x16xf32>
    tpu.vector_store %arg13[%swap3A_1941, %swap3A_1942, %swap3A_1943], %swap3A_1946 {strides = array<i32>} : memref<4x32x16xf32, #tpu.memory_space<vmem>>, vector<1x1x16xf32>,
    %swap3A_1947 = arith.constant 3 : i32
    %swap3A_1948 = arith.constant 13 : i32
    %swap3A_1949 = arith.index_cast %swap3A_1947 : i32 to index
    %swap3A_1950 = arith.index_cast %swap3A_1948 : i32 to index
    %swap3A_1951 = arith.constant 0 : index
    %swap3A_1952 = tpu.vector_load %arg13[%swap3A_1949, %swap3A_1950, %swap3A_1951] {strides = array<i32>} : memref<4x32x16xf32, #tpu.memory_space<vmem>>, vector<1x1x16xf32>,
    %swap3A_1953 = vector.shape_cast %swap3A_1952 : vector<1x1x16xf32> to vector<16xf32>
    %swap3A_1954 = vector.shape_cast %broadcast_in_dim3A_1074 : vector<16xf32> to vector<1x1x16xf32>
    tpu.vector_store %arg13[%swap3A_1949, %swap3A_1950, %swap3A_1951], %swap3A_1954 {strides = array<i32>} : memref<4x32x16xf32, #tpu.memory_space<vmem>>, vector<1x1x16xf32>,
    %swap3A_1955 = arith.constant 3 : i32
    %swap3A_1956 = arith.constant 14 : i32
    %swap3A_1957 = arith.index_cast %swap3A_1955 : i32 to index
    %swap3A_1958 = arith.index_cast %swap3A_1956 : i32 to index
    %swap3A_1959 = arith.constant 0 : index
    %swap3A_1960 = tpu.vector_load %arg13[%swap3A_1957, %swap3A_1958, %swap3A_1959] {strides = array<i32>} : memref<4x32x16xf32, #tpu.memory_space<vmem>>, vector<1x1x16xf32>,
    %swap3A_1961 = vector.shape_cast %swap3A_1960 : vector<1x1x16xf32> to vector<16xf32>
    %swap3A_1962 = vector.shape_cast %broadcast_in_dim3A_1074 : vector<16xf32> to vector<1x1x16xf32>
    tpu.vector_store %arg13[%swap3A_1957, %swap3A_1958, %swap3A_1959], %swap3A_1962 {strides = array<i32>} : memref<4x32x16xf32, #tpu.memory_space<vmem>>, vector<1x1x16xf32>,
    %swap3A_1963 = arith.constant 3 : i32
    %swap3A_1964 = arith.constant 15 : i32
    %swap3A_1965 = arith.index_cast %swap3A_1963 : i32 to index
    %swap3A_1966 = arith.index_cast %swap3A_1964 : i32 to index
    %swap3A_1967 = arith.constant 0 : index
    %swap3A_1968 = tpu.vector_load %arg13[%swap3A_1965, %swap3A_1966, %swap3A_1967] {strides = array<i32>} : memref<4x32x16xf32, #tpu.memory_space<vmem>>, vector<1x1x16xf32>,
    %swap3A_1969 = vector.shape_cast %swap3A_1968 : vector<1x1x16xf32> to vector<16xf32>
    %swap3A_1970 = vector.shape_cast %broadcast_in_dim3A_1074 : vector<16xf32> to vector<1x1x16xf32>
    tpu.vector_store %arg13[%swap3A_1965, %swap3A_1966, %swap3A_1967], %swap3A_1970 {strides = array<i32>} : memref<4x32x16xf32, #tpu.memory_space<vmem>>, vector<1x1x16xf32>,
    %swap3A_1971 = arith.constant 3 : i32
    %swap3A_1972 = arith.constant 16 : i32
    %swap3A_1973 = arith.index_cast %swap3A_1971 : i32 to index
    %swap3A_1974 = arith.index_cast %swap3A_1972 : i32 to index
    %swap3A_1975 = arith.constant 0 : index
    %swap3A_1976 = tpu.vector_load %arg13[%swap3A_1973, %swap3A_1974, %swap3A_1975] {strides = array<i32>} : memref<4x32x16xf32, #tpu.memory_space<vmem>>, vector<1x1x16xf32>,
    %swap3A_1977 = vector.shape_cast %swap3A_1976 : vector<1x1x16xf32> to vector<16xf32>
    %swap3A_1978 = vector.shape_cast %broadcast_in_dim3A_1074 : vector<16xf32> to vector<1x1x16xf32>
    tpu.vector_store %arg13[%swap3A_1973, %swap3A_1974, %swap3A_1975], %swap3A_1978 {strides = array<i32>} : memref<4x32x16xf32, #tpu.memory_space<vmem>>, vector<1x1x16xf32>,
    %swap3A_1979 = arith.constant 3 : i32
    %swap3A_1980 = arith.constant 17 : i32
    %swap3A_1981 = arith.index_cast %swap3A_1979 : i32 to index
    %swap3A_1982 = arith.index_cast %swap3A_1980 : i32 to index
    %swap3A_1983 = arith.constant 0 : index
    %swap3A_1984 = tpu.vector_load %arg13[%swap3A_1981, %swap3A_1982, %swap3A_1983] {strides = array<i32>} : memref<4x32x16xf32, #tpu.memory_space<vmem>>, vector<1x1x16xf32>,
    %swap3A_1985 = vector.shape_cast %swap3A_1984 : vector<1x1x16xf32> to vector<16xf32>
    %swap3A_1986 = vector.shape_cast %broadcast_in_dim3A_1074 : vector<16xf32> to vector<1x1x16xf32>
    tpu.vector_store %arg13[%swap3A_1981, %swap3A_1982, %swap3A_1983], %swap3A_1986 {strides = array<i32>} : memref<4x32x16xf32, #tpu.memory_space<vmem>>, vector<1x1x16xf32>,
    %swap3A_1987 = arith.constant 3 : i32
    %swap3A_1988 = arith.constant 18 : i32
    %swap3A_1989 = arith.index_cast %swap3A_1987 : i32 to index
    %swap3A_1990 = arith.index_cast %swap3A_1988 : i32 to index
    %swap3A_1991 = arith.constant 0 : index
    %swap3A_1992 = tpu.vector_load %arg13[%swap3A_1989, %swap3A_1990, %swap3A_1991] {strides = array<i32>} : memref<4x32x16xf32, #tpu.memory_space<vmem>>, vector<1x1x16xf32>,
    %swap3A_1993 = vector.shape_cast %swap3A_1992 : vector<1x1x16xf32> to vector<16xf32>
    %swap3A_1994 = vector.shape_cast %broadcast_in_dim3A_1074 : vector<16xf32> to vector<1x1x16xf32>
    tpu.vector_store %arg13[%swap3A_1989, %swap3A_1990, %swap3A_1991], %swap3A_1994 {strides = array<i32>} : memref<4x32x16xf32, #tpu.memory_space<vmem>>, vector<1x1x16xf32>,
    %swap3A_1995 = arith.constant 3 : i32
    %swap3A_1996 = arith.constant 19 : i32
    %swap3A_1997 = arith.index_cast %swap3A_1995 : i32 to index
    %swap3A_1998 = arith.index_cast %swap3A_1996 : i32 to index
    %swap3A_1999 = arith.constant 0 : index
    %swap3A_2000 = tpu.vector_load %arg13[%swap3A_1997, %swap3A_1998, %swap3A_1999] {strides = array<i32>} : memref<4x32x16xf32, #tpu.memory_space<vmem>>, vector<1x1x16xf32>,
    %swap3A_2001 = vector.shape_cast %swap3A_2000 : vector<1x1x16xf32> to vector<16xf32>
    %swap3A_2002 = vector.shape_cast %broadcast_in_dim3A_1074 : vector<16xf32> to vector<1x1x16xf32>
    tpu.vector_store %arg13[%swap3A_1997, %swap3A_1998, %swap3A_1999], %swap3A_2002 {strides = array<i32>} : memref<4x32x16xf32, #tpu.memory_space<vmem>>, vector<1x1x16xf32>,
    %swap3A_2003 = arith.constant 3 : i32
    %swap3A_2004 = arith.constant 20 : i32
    %swap3A_2005 = arith.index_cast %swap3A_2003 : i32 to index
    %swap3A_2006 = arith.index_cast %swap3A_2004 : i32 to index
    %swap3A_2007 = arith.constant 0 : index
    %swap3A_2008 = tpu.vector_load %arg13[%swap3A_2005, %swap3A_2006, %swap3A_2007] {strides = array<i32>} : memref<4x32x16xf32, #tpu.memory_space<vmem>>, vector<1x1x16xf32>,
    %swap3A_2009 = vector.shape_cast %swap3A_2008 : vector<1x1x16xf32> to vector<16xf32>
    %swap3A_2010 = vector.shape_cast %broadcast_in_dim3A_1074 : vector<16xf32> to vector<1x1x16xf32>
    tpu.vector_store %arg13[%swap3A_2005, %swap3A_2006, %swap3A_2007], %swap3A_2010 {strides = array<i32>} : memref<4x32x16xf32, #tpu.memory_space<vmem>>, vector<1x1x16xf32>,
    %swap3A_2011 = arith.constant 3 : i32
    %swap3A_2012 = arith.constant 21 : i32
    %swap3A_2013 = arith.index_cast %swap3A_2011 : i32 to index
    %swap3A_2014 = arith.index_cast %swap3A_2012 : i32 to index
    %swap3A_2015 = arith.constant 0 : index
    %swap3A_2016 = tpu.vector_load %arg13[%swap3A_2013, %swap3A_2014, %swap3A_2015] {strides = array<i32>} : memref<4x32x16xf32, #tpu.memory_space<vmem>>, vector<1x1x16xf32>,
    %swap3A_2017 = vector.shape_cast %swap3A_2016 : vector<1x1x16xf32> to vector<16xf32>
    %swap3A_2018 = vector.shape_cast %broadcast_in_dim3A_1074 : vector<16xf32> to vector<1x1x16xf32>
    tpu.vector_store %arg13[%swap3A_2013, %swap3A_2014, %swap3A_2015], %swap3A_2018 {strides = array<i32>} : memref<4x32x16xf32, #tpu.memory_space<vmem>>, vector<1x1x16xf32>,
    %swap3A_2019 = arith.constant 3 : i32
    %swap3A_2020 = arith.constant 22 : i32
    %swap3A_2021 = arith.index_cast %swap3A_2019 : i32 to index
    %swap3A_2022 = arith.index_cast %swap3A_2020 : i32 to index
    %swap3A_2023 = arith.constant 0 : index
    %swap3A_2024 = tpu.vector_load %arg13[%swap3A_2021, %swap3A_2022, %swap3A_2023] {strides = array<i32>} : memref<4x32x16xf32, #tpu.memory_space<vmem>>, vector<1x1x16xf32>,
    %swap3A_2025 = vector.shape_cast %swap3A_2024 : vector<1x1x16xf32> to vector<16xf32>
    %swap3A_2026 = vector.shape_cast %broadcast_in_dim3A_1074 : vector<16xf32> to vector<1x1x16xf32>
    tpu.vector_store %arg13[%swap3A_2021, %swap3A_2022, %swap3A_2023], %swap3A_2026 {strides = array<i32>} : memref<4x32x16xf32, #tpu.memory_space<vmem>>, vector<1x1x16xf32>,
    %swap3A_2027 = arith.constant 3 : i32
    %swap3A_2028 = arith.constant 23 : i32
    %swap3A_2029 = arith.index_cast %swap3A_2027 : i32 to index
    %swap3A_2030 = arith.index_cast %swap3A_2028 : i32 to index
    %swap3A_2031 = arith.constant 0 : index
    %swap3A_2032 = tpu.vector_load %arg13[%swap3A_2029, %swap3A_2030, %swap3A_2031] {strides = array<i32>} : memref<4x32x16xf32, #tpu.memory_space<vmem>>, vector<1x1x16xf32>,
    %swap3A_2033 = vector.shape_cast %swap3A_2032 : vector<1x1x16xf32> to vector<16xf32>
    %swap3A_2034 = vector.shape_cast %broadcast_in_dim3A_1074 : vector<16xf32> to vector<1x1x16xf32>
    tpu.vector_store %arg13[%swap3A_2029, %swap3A_2030, %swap3A_2031], %swap3A_2034 {strides = array<i32>} : memref<4x32x16xf32, #tpu.memory_space<vmem>>, vector<1x1x16xf32>,
    %swap3A_2035 = arith.constant 3 : i32
    %swap3A_2036 = arith.constant 24 : i32
    %swap3A_2037 = arith.index_cast %swap3A_2035 : i32 to index
    %swap3A_2038 = arith.index_cast %swap3A_2036 : i32 to index
    %swap3A_2039 = arith.constant 0 : index
    %swap3A_2040 = tpu.vector_load %arg13[%swap3A_2037, %swap3A_2038, %swap3A_2039] {strides = array<i32>} : memref<4x32x16xf32, #tpu.memory_space<vmem>>, vector<1x1x16xf32>,
    %swap3A_2041 = vector.shape_cast %swap3A_2040 : vector<1x1x16xf32> to vector<16xf32>
    %swap3A_2042 = vector.shape_cast %broadcast_in_dim3A_1074 : vector<16xf32> to vector<1x1x16xf32>
    tpu.vector_store %arg13[%swap3A_2037, %swap3A_2038, %swap3A_2039], %swap3A_2042 {strides = array<i32>} : memref<4x32x16xf32, #tpu.memory_space<vmem>>, vector<1x1x16xf32>,
    %swap3A_2043 = arith.constant 3 : i32
    %swap3A_2044 = arith.constant 25 : i32
    %swap3A_2045 = arith.index_cast %swap3A_2043 : i32 to index
    %swap3A_2046 = arith.index_cast %swap3A_2044 : i32 to index
    %swap3A_2047 = arith.constant 0 : index
    %swap3A_2048 = tpu.vector_load %arg13[%swap3A_2045, %swap3A_2046, %swap3A_2047] {strides = array<i32>} : memref<4x32x16xf32, #tpu.memory_space<vmem>>, vector<1x1x16xf32>,
    %swap3A_2049 = vector.shape_cast %swap3A_2048 : vector<1x1x16xf32> to vector<16xf32>
    %swap3A_2050 = vector.shape_cast %broadcast_in_dim3A_1074 : vector<16xf32> to vector<1x1x16xf32>
    tpu.vector_store %arg13[%swap3A_2045, %swap3A_2046, %swap3A_2047], %swap3A_2050 {strides = array<i32>} : memref<4x32x16xf32, #tpu.memory_space<vmem>>, vector<1x1x16xf32>,
    %swap3A_2051 = arith.constant 3 : i32
    %swap3A_2052 = arith.constant 26 : i32
    %swap3A_2053 = arith.index_cast %swap3A_2051 : i32 to index
    %swap3A_2054 = arith.index_cast %swap3A_2052 : i32 to index
    %swap3A_2055 = arith.constant 0 : index
    %swap3A_2056 = tpu.vector_load %arg13[%swap3A_2053, %swap3A_2054, %swap3A_2055] {strides = array<i32>} : memref<4x32x16xf32, #tpu.memory_space<vmem>>, vector<1x1x16xf32>,
    %swap3A_2057 = vector.shape_cast %swap3A_2056 : vector<1x1x16xf32> to vector<16xf32>
    %swap3A_2058 = vector.shape_cast %broadcast_in_dim3A_1074 : vector<16xf32> to vector<1x1x16xf32>
    tpu.vector_store %arg13[%swap3A_2053, %swap3A_2054, %swap3A_2055], %swap3A_2058 {strides = array<i32>} : memref<4x32x16xf32, #tpu.memory_space<vmem>>, vector<1x1x16xf32>,
    %swap3A_2059 = arith.constant 3 : i32
    %swap3A_2060 = arith.constant 27 : i32
    %swap3A_2061 = arith.index_cast %swap3A_2059 : i32 to index
    %swap3A_2062 = arith.index_cast %swap3A_2060 : i32 to index
    %swap3A_2063 = arith.constant 0 : index
    %swap3A_2064 = tpu.vector_load %arg13[%swap3A_2061, %swap3A_2062, %swap3A_2063] {strides = array<i32>} : memref<4x32x16xf32, #tpu.memory_space<vmem>>, vector<1x1x16xf32>,
    %swap3A_2065 = vector.shape_cast %swap3A_2064 : vector<1x1x16xf32> to vector<16xf32>
    %swap3A_2066 = vector.shape_cast %broadcast_in_dim3A_1074 : vector<16xf32> to vector<1x1x16xf32>
    tpu.vector_store %arg13[%swap3A_2061, %swap3A_2062, %swap3A_2063], %swap3A_2066 {strides = array<i32>} : memref<4x32x16xf32, #tpu.memory_space<vmem>>, vector<1x1x16xf32>,
    %swap3A_2067 = arith.constant 3 : i32
    %swap3A_2068 = arith.constant 28 : i32
    %swap3A_2069 = arith.index_cast %swap3A_2067 : i32 to index
    %swap3A_2070 = arith.index_cast %swap3A_2068 : i32 to index
    %swap3A_2071 = arith.constant 0 : index
    %swap3A_2072 = tpu.vector_load %arg13[%swap3A_2069, %swap3A_2070, %swap3A_2071] {strides = array<i32>} : memref<4x32x16xf32, #tpu.memory_space<vmem>>, vector<1x1x16xf32>,
    %swap3A_2073 = vector.shape_cast %swap3A_2072 : vector<1x1x16xf32> to vector<16xf32>
    %swap3A_2074 = vector.shape_cast %broadcast_in_dim3A_1074 : vector<16xf32> to vector<1x1x16xf32>
    tpu.vector_store %arg13[%swap3A_2069, %swap3A_2070, %swap3A_2071], %swap3A_2074 {strides = array<i32>} : memref<4x32x16xf32, #tpu.memory_space<vmem>>, vector<1x1x16xf32>,
    %swap3A_2075 = arith.constant 3 : i32
    %swap3A_2076 = arith.constant 29 : i32
    %swap3A_2077 = arith.index_cast %swap3A_2075 : i32 to index
    %swap3A_2078 = arith.index_cast %swap3A_2076 : i32 to index
    %swap3A_2079 = arith.constant 0 : index
    %swap3A_2080 = tpu.vector_load %arg13[%swap3A_2077, %swap3A_2078, %swap3A_2079] {strides = array<i32>} : memref<4x32x16xf32, #tpu.memory_space<vmem>>, vector<1x1x16xf32>,
    %swap3A_2081 = vector.shape_cast %swap3A_2080 : vector<1x1x16xf32> to vector<16xf32>
    %swap3A_2082 = vector.shape_cast %broadcast_in_dim3A_1074 : vector<16xf32> to vector<1x1x16xf32>
    tpu.vector_store %arg13[%swap3A_2077, %swap3A_2078, %swap3A_2079], %swap3A_2082 {strides = array<i32>} : memref<4x32x16xf32, #tpu.memory_space<vmem>>, vector<1x1x16xf32>,
    %swap3A_2083 = arith.constant 3 : i32
    %swap3A_2084 = arith.constant 30 : i32
    %swap3A_2085 = arith.index_cast %swap3A_2083 : i32 to index
    %swap3A_2086 = arith.index_cast %swap3A_2084 : i32 to index
    %swap3A_2087 = arith.constant 0 : index
    %swap3A_2088 = tpu.vector_load %arg13[%swap3A_2085, %swap3A_2086, %swap3A_2087] {strides = array<i32>} : memref<4x32x16xf32, #tpu.memory_space<vmem>>, vector<1x1x16xf32>,
    %swap3A_2089 = vector.shape_cast %swap3A_2088 : vector<1x1x16xf32> to vector<16xf32>
    %swap3A_2090 = vector.shape_cast %broadcast_in_dim3A_1074 : vector<16xf32> to vector<1x1x16xf32>
    tpu.vector_store %arg13[%swap3A_2085, %swap3A_2086, %swap3A_2087], %swap3A_2090 {strides = array<i32>} : memref<4x32x16xf32, #tpu.memory_space<vmem>>, vector<1x1x16xf32>,
    %swap3A_2091 = arith.constant 3 : i32
    %swap3A_2092 = arith.constant 31 : i32
    %swap3A_2093 = arith.index_cast %swap3A_2091 : i32 to index
    %swap3A_2094 = arith.index_cast %swap3A_2092 : i32 to index
    %swap3A_2095 = arith.constant 0 : index
    %swap3A_2096 = tpu.vector_load %arg13[%swap3A_2093, %swap3A_2094, %swap3A_2095] {strides = array<i32>} : memref<4x32x16xf32, #tpu.memory_space<vmem>>, vector<1x1x16xf32>,
    %swap3A_2097 = vector.shape_cast %swap3A_2096 : vector<1x1x16xf32> to vector<16xf32>
    %swap3A_2098 = vector.shape_cast %broadcast_in_dim3A_1074 : vector<16xf32> to vector<1x1x16xf32>
    tpu.vector_store %arg13[%swap3A_2093, %swap3A_2094, %swap3A_2095], %swap3A_2098 {strides = array<i32>} : memref<4x32x16xf32, #tpu.memory_space<vmem>>, vector<1x1x16xf32>,
    %dma_start3A_2099 = arith.constant 0 : i32
    %dma_start3A_2100 = tpu.memref_slice %arg4[%mul3A_36, %mul3A_20, %dma_start3A_2099] : memref<30x1152x128xf32, #tpu.memory_space<hbm>> -> memref<1x72x128xf32, #tpu.memory_space<hbm>>
    %dma_start3A_2101 = tpu.memref_squeeze %dma_start3A_2100 : memref<1x72x128xf32, #tpu.memory_space<hbm>> -> memref<72x128xf32, #tpu.memory_space<hbm>>
    %dma_start3A_2102 = arith.constant 0 : i32
    %dma_start3A_2103 = tpu.memref_slice %arg4[%mul3A_36, %mul3A_20, %dma_start3A_2102] : memref<30x1152x128xf32, #tpu.memory_space<hbm>> -> memref<1x72x128xf32, #tpu.memory_space<hbm>>
    %dma_start3A_2104 = tpu.memref_squeeze %dma_start3A_2103 : memref<1x72x128xf32, #tpu.memory_space<hbm>> -> memref<72x128xf32, #tpu.memory_space<hbm>>
    tpu.enqueue_dma source(%dma_start3A_2104 : memref<72x128xf32, #tpu.memory_space<hbm>>) target(%arg11 : memref<72x128xf32, #tpu.memory_space<vmem>>) target_semaphore(%arg16 : memref<!tpu.dma_semaphore, #tpu.memory_space<semaphore_mem>>)
    %scan3A_2105 = arith.constant 0 : i32
    %scan3A_2106 = arith.constant 0 : i32
    %scan3A_2107 = arith.constant 15 : i32
    %scan3A_2108 = arith.addi %scan3A_2106, %scan3A_2107 : i32
    %scan3A_2109 = arith.constant 1 : i32
    %scan3A_2110 = scf.for %scan3A_2113 = %scan3A_2106 to %scan3A_2108 step %scan3A_2109 iter_args(%scan3A_2114 = %scan3A_2105) -> (i32)  : i32 {
      %jit3A_2115 = arith.constant 2 : i32
      %eq3A_2116 = arith.constant 0 : i32
      %eq3A_2117 = arith.cmpi eq, %jit3A_2115, %eq3A_2116 : i32
      %jit3A_2118 = arith.constant 1 : i32
      %select_n3A_2119 = arith.select %eq3A_2117, %jit3A_2118, %jit3A_2115 : i32
      %rem3A_2120 = arith.remsi %scan3A_2113, %select_n3A_2119 : i32
      %ne3A_2121 = arith.constant 0 : i32
      %ne3A_2122 = arith.cmpi ne, %rem3A_2120, %ne3A_2121 : i32
      %lt3A_2123 = arith.constant 0 : i32
      %lt3A_2124 = arith.cmpi slt, %rem3A_2120, %lt3A_2123 : i32
      %lt3A_2125 = arith.constant 0 : i32
      %lt3A_2126 = arith.cmpi slt, %select_n3A_2119, %lt3A_2125 : i32
      %ne3A_2127 = arith.xori %lt3A_2124, %lt3A_2126 : i1
      %and3A_2128 = arith.andi %ne3A_2127, %ne3A_2122 : i1
      %add3A_2129 = arith.addi %rem3A_2120, %select_n3A_2119 : i32
      %select_n3A_2130 = arith.select %and3A_2128, %add3A_2129, %rem3A_2120 : i32
      %eq3A_2131 = arith.constant 0 : i32
      %eq3A_2132 = arith.cmpi eq, %select_n3A_2130, %eq3A_2131 : i32
      %convert_element_type3A = arith.extui %eq3A_2132 : i1 to i32
      %cond3A = arith.constant 0 : i32
      %cond3A_2133 = arith.cmpi ne, %convert_element_type3A, %cond3A : i32
      scf.if %cond3A_2133 {
        %add3A_2156 = arith.addi %mul3A_36, %scan3A_2113 : i32
        %dma_wait3A = arith.constant 0 : i32
        %dma_wait3A_2157 = tpu.memref_slice %arg4[%add3A_2156, %mul3A_20, %dma_wait3A] : memref<30x1152x128xf32, #tpu.memory_space<hbm>> -> memref<1x72x128xf32, #tpu.memory_space<hbm>>
        %dma_wait3A_2158 = tpu.memref_squeeze %dma_wait3A_2157 : memref<1x72x128xf32, #tpu.memory_space<hbm>> -> memref<72x128xf32, #tpu.memory_space<hbm>>
        %dma_wait3A_2159 = arith.constant 0 : i32
        %dma_wait3A_2160 = tpu.memref_slice %arg4[%add3A_2156, %mul3A_20, %dma_wait3A_2159] : memref<30x1152x128xf32, #tpu.memory_space<hbm>> -> memref<1x72x128xf32, #tpu.memory_space<hbm>>
        %dma_wait3A_2161 = tpu.memref_squeeze %dma_wait3A_2160 : memref<1x72x128xf32, #tpu.memory_space<hbm>> -> memref<72x128xf32, #tpu.memory_space<hbm>>
        tpu.wait_dma2 semaphore(%arg16 : memref<!tpu.dma_semaphore, #tpu.memory_space<semaphore_mem>>) src(%dma_wait3A_2161 : memref<72x128xf32, #tpu.memory_space<hbm>>) dst(%arg11 : memref<72x128xf32, #tpu.memory_space<vmem>>)
        %add3A_2162 = arith.constant 1 : i32
        %add3A_2163 = arith.addi %scan3A_2113, %add3A_2162 : i32
        %lt3A_2164 = arith.constant 15 : i32
        %lt3A_2165 = arith.cmpi slt, %add3A_2163, %lt3A_2164 : i32
        %convert_element_type3A_2166 = arith.extui %lt3A_2165 : i1 to i32
        %cond3A_2167 = arith.constant 0 : i32
        %cond3A_2168 = arith.cmpi ne, %convert_element_type3A_2166, %cond3A_2167 : i32
        scf.if %cond3A_2168 {
          %add3A_2207 = arith.addi %mul3A_36, %scan3A_2113 : i32
          %add3A_2208 = arith.constant 1 : i32
          %add3A_2209 = arith.addi %add3A_2207, %add3A_2208 : i32
          %dma_start3A_2210 = arith.constant 0 : i32
          %dma_start3A_2211 = tpu.memref_slice %arg4[%add3A_2209, %mul3A_20, %dma_start3A_2210] : memref<30x1152x128xf32, #tpu.memory_space<hbm>> -> memref<1x72x128xf32, #tpu.memory_space<hbm>>
          %dma_start3A_2212 = tpu.memref_squeeze %dma_start3A_2211 : memref<1x72x128xf32, #tpu.memory_space<hbm>> -> memref<72x128xf32, #tpu.memory_space<hbm>>
          %dma_start3A_2213 = arith.constant 0 : i32
          %dma_start3A_2214 = tpu.memref_slice %arg4[%add3A_2209, %mul3A_20, %dma_start3A_2213] : memref<30x1152x128xf32, #tpu.memory_space<hbm>> -> memref<1x72x128xf32, #tpu.memory_space<hbm>>
          %dma_start3A_2215 = tpu.memref_squeeze %dma_start3A_2214 : memref<1x72x128xf32, #tpu.memory_space<hbm>> -> memref<72x128xf32, #tpu.memory_space<hbm>>
          tpu.enqueue_dma source(%dma_start3A_2215 : memref<72x128xf32, #tpu.memory_space<hbm>>) target(%arg12 : memref<72x128xf32, #tpu.memory_space<vmem>>) target_semaphore(%arg17 : memref<!tpu.dma_semaphore, #tpu.memory_space<semaphore_mem>>)
        } else {
        }
        %scan3A_2169 = arith.constant 0 : i32
        %scan3A_2170 = arith.constant 72 : i32
        %scan3A_2171 = arith.addi %scan3A_2169, %scan3A_2170 : i32
        %scan3A_2172 = arith.constant 1 : i32
        %scan3A_2173:4 = scf.for %scan3A_2207 = %scan3A_2169 to %scan3A_2171 step %scan3A_2172 iter_args(%scan3A_2208 = %broadcast_in_dim3A_1074, %scan3A_2209 = %broadcast_in_dim3A_1074, %scan3A_2210 = %broadcast_in_dim3A_1074, %scan3A_2211 = %broadcast_in_dim3A_1074) -> (vector<16xf32>, vector<16xf32>, vector<16xf32>, vector<16xf32>)  : i32 {
          %get3A = arith.index_cast %scan3A_2207 : i32 to index
          %get3A_2212 = arith.constant 0 : index
          %get3A_2213 = tpu.vector_load %arg11[%get3A, %get3A_2212] {strides = array<i32>} : memref<72x128xf32, #tpu.memory_space<vmem>>, vector<1x16xf32>,
          %get3A_2214 = vector.shape_cast %get3A_2213 : vector<1x16xf32> to vector<16xf32>
          %get3A_2215 = arith.constant 0 : i32
          %get3A_2216 = arith.index_cast %get3A_2215 : i32 to index
          %get3A_2217 = arith.index_cast %scan3A_2207 : i32 to index
          %get3A_2218 = arith.constant 0 : index
          %get3A_2219 = tpu.vector_load %arg8[%get3A_2216, %get3A_2217, %get3A_2218] {strides = array<i32>} : memref<4x72x128xf32, #tpu.memory_space<vmem>>, vector<1x1x16xf32>,
          %get3A_2220 = vector.shape_cast %get3A_2219 : vector<1x1x16xf32> to vector<16xf32>
          %sub3A_2221 = arith.subf %get3A_2214, %get3A_2220 : vector<16xf32>
          %mul3A_2222 = arith.mulf %sub3A_2221, %sub3A_2221 : vector<16xf32>
          %add3A_2223 = arith.addf %scan3A_2208, %mul3A_2222 : vector<16xf32>
          %get3A_2224 = arith.constant 1 : i32
          %get3A_2225 = arith.index_cast %get3A_2224 : i32 to index
          %get3A_2226 = arith.index_cast %scan3A_2207 : i32 to index
          %get3A_2227 = arith.constant 0 : index
          %get3A_2228 = tpu.vector_load %arg8[%get3A_2225, %get3A_2226, %get3A_2227] {strides = array<i32>} : memref<4x72x128xf32, #tpu.memory_space<vmem>>, vector<1x1x16xf32>,
          %get3A_2229 = vector.shape_cast %get3A_2228 : vector<1x1x16xf32> to vector<16xf32>
          %sub3A_2230 = arith.subf %get3A_2214, %get3A_2229 : vector<16xf32>
          %mul3A_2231 = arith.mulf %sub3A_2230, %sub3A_2230 : vector<16xf32>
          %add3A_2232 = arith.addf %scan3A_2209, %mul3A_2231 : vector<16xf32>
          %get3A_2233 = arith.constant 2 : i32
          %get3A_2234 = arith.index_cast %get3A_2233 : i32 to index
          %get3A_2235 = arith.index_cast %scan3A_2207 : i32 to index
          %get3A_2236 = arith.constant 0 : index
          %get3A_2237 = tpu.vector_load %arg8[%get3A_2234, %get3A_2235, %get3A_2236] {strides = array<i32>} : memref<4x72x128xf32, #tpu.memory_space<vmem>>, vector<1x1x16xf32>,
          %get3A_2238 = vector.shape_cast %get3A_2237 : vector<1x1x16xf32> to vector<16xf32>
          %sub3A_2239 = arith.subf %get3A_2214, %get3A_2238 : vector<16xf32>
          %mul3A_2240 = arith.mulf %sub3A_2239, %sub3A_2239 : vector<16xf32>
          %add3A_2241 = arith.addf %scan3A_2210, %mul3A_2240 : vector<16xf32>
          %get3A_2242 = arith.constant 3 : i32
          %get3A_2243 = arith.index_cast %get3A_2242 : i32 to index
          %get3A_2244 = arith.index_cast %scan3A_2207 : i32 to index
          %get3A_2245 = arith.constant 0 : index
          %get3A_2246 = tpu.vector_load %arg8[%get3A_2243, %get3A_2244, %get3A_2245] {strides = array<i32>} : memref<4x72x128xf32, #tpu.memory_space<vmem>>, vector<1x1x16xf32>,
          %get3A_2247 = vector.shape_cast %get3A_2246 : vector<1x1x16xf32> to vector<16xf32>
          %sub3A_2248 = arith.subf %get3A_2214, %get3A_2247 : vector<16xf32>
          %mul3A_2249 = arith.mulf %sub3A_2248, %sub3A_2248 : vector<16xf32>
          %add3A_2250 = arith.addf %scan3A_2211, %mul3A_2249 : vector<16xf32>
          %get3A_2251 = arith.index_cast %scan3A_2207 : i32 to index
          %get3A_2252 = arith.constant 16 : index
          %get3A_2253 = tpu.vector_load %arg11[%get3A_2251, %get3A_2252] {strides = array<i32>} : memref<72x128xf32, #tpu.memory_space<vmem>>, vector<1x16xf32>,
          %get3A_2254 = vector.shape_cast %get3A_2253 : vector<1x16xf32> to vector<16xf32>
          %get3A_2255 = arith.constant 0 : i32
          %get3A_2256 = arith.index_cast %get3A_2255 : i32 to index
          %get3A_2257 = arith.index_cast %scan3A_2207 : i32 to index
          %get3A_2258 = arith.constant 16 : index
          %get3A_2259 = tpu.vector_load %arg8[%get3A_2256, %get3A_2257, %get3A_2258] {strides = array<i32>} : memref<4x72x128xf32, #tpu.memory_space<vmem>>, vector<1x1x16xf32>,
          %get3A_2260 = vector.shape_cast %get3A_2259 : vector<1x1x16xf32> to vector<16xf32>
          %sub3A_2261 = arith.subf %get3A_2254, %get3A_2260 : vector<16xf32>
          %mul3A_2262 = arith.mulf %sub3A_2261, %sub3A_2261 : vector<16xf32>
          %add3A_2263 = arith.addf %add3A_2223, %mul3A_2262 : vector<16xf32>
          %get3A_2264 = arith.constant 1 : i32
          %get3A_2265 = arith.index_cast %get3A_2264 : i32 to index
          %get3A_2266 = arith.index_cast %scan3A_2207 : i32 to index
          %get3A_2267 = arith.constant 16 : index
          %get3A_2268 = tpu.vector_load %arg8[%get3A_2265, %get3A_2266, %get3A_2267] {strides = array<i32>} : memref<4x72x128xf32, #tpu.memory_space<vmem>>, vector<1x1x16xf32>,
          %get3A_2269 = vector.shape_cast %get3A_2268 : vector<1x1x16xf32> to vector<16xf32>
          %sub3A_2270 = arith.subf %get3A_2254, %get3A_2269 : vector<16xf32>
          %mul3A_2271 = arith.mulf %sub3A_2270, %sub3A_2270 : vector<16xf32>
          %add3A_2272 = arith.addf %add3A_2232, %mul3A_2271 : vector<16xf32>
          %get3A_2273 = arith.constant 2 : i32
          %get3A_2274 = arith.index_cast %get3A_2273 : i32 to index
          %get3A_2275 = arith.index_cast %scan3A_2207 : i32 to index
          %get3A_2276 = arith.constant 16 : index
          %get3A_2277 = tpu.vector_load %arg8[%get3A_2274, %get3A_2275, %get3A_2276] {strides = array<i32>} : memref<4x72x128xf32, #tpu.memory_space<vmem>>, vector<1x1x16xf32>,
          %get3A_2278 = vector.shape_cast %get3A_2277 : vector<1x1x16xf32> to vector<16xf32>
          %sub3A_2279 = arith.subf %get3A_2254, %get3A_2278 : vector<16xf32>
          %mul3A_2280 = arith.mulf %sub3A_2279, %sub3A_2279 : vector<16xf32>
          %add3A_2281 = arith.addf %add3A_2241, %mul3A_2280 : vector<16xf32>
          %get3A_2282 = arith.constant 3 : i32
          %get3A_2283 = arith.index_cast %get3A_2282 : i32 to index
          %get3A_2284 = arith.index_cast %scan3A_2207 : i32 to index
          %get3A_2285 = arith.constant 16 : index
          %get3A_2286 = tpu.vector_load %arg8[%get3A_2283, %get3A_2284, %get3A_2285] {strides = array<i32>} : memref<4x72x128xf32, #tpu.memory_space<vmem>>, vector<1x1x16xf32>,
          %get3A_2287 = vector.shape_cast %get3A_2286 : vector<1x1x16xf32> to vector<16xf32>
          %sub3A_2288 = arith.subf %get3A_2254, %get3A_2287 : vector<16xf32>
          %mul3A_2289 = arith.mulf %sub3A_2288, %sub3A_2288 : vector<16xf32>
          %add3A_2290 = arith.addf %add3A_2250, %mul3A_2289 : vector<16xf32>
          %get3A_2291 = arith.index_cast %scan3A_2207 : i32 to index
          %get3A_2292 = arith.constant 32 : index
          %get3A_2293 = tpu.vector_load %arg11[%get3A_2291, %get3A_2292] {strides = array<i32>} : memref<72x128xf32, #tpu.memory_space<vmem>>, vector<1x16xf32>,
          %get3A_2294 = vector.shape_cast %get3A_2293 : vector<1x16xf32> to vector<16xf32>
          %get3A_2295 = arith.constant 0 : i32
          %get3A_2296 = arith.index_cast %get3A_2295 : i32 to index
          %get3A_2297 = arith.index_cast %scan3A_2207 : i32 to index
          %get3A_2298 = arith.constant 32 : index
          %get3A_2299 = tpu.vector_load %arg8[%get3A_2296, %get3A_2297, %get3A_2298] {strides = array<i32>} : memref<4x72x128xf32, #tpu.memory_space<vmem>>, vector<1x1x16xf32>,
          %get3A_2300 = vector.shape_cast %get3A_2299 : vector<1x1x16xf32> to vector<16xf32>
          %sub3A_2301 = arith.subf %get3A_2294, %get3A_2300 : vector<16xf32>
          %mul3A_2302 = arith.mulf %sub3A_2301, %sub3A_2301 : vector<16xf32>
          %add3A_2303 = arith.addf %add3A_2263, %mul3A_2302 : vector<16xf32>
          %get3A_2304 = arith.constant 1 : i32
          %get3A_2305 = arith.index_cast %get3A_2304 : i32 to index
          %get3A_2306 = arith.index_cast %scan3A_2207 : i32 to index
          %get3A_2307 = arith.constant 32 : index
          %get3A_2308 = tpu.vector_load %arg8[%get3A_2305, %get3A_2306, %get3A_2307] {strides = array<i32>} : memref<4x72x128xf32, #tpu.memory_space<vmem>>, vector<1x1x16xf32>,
          %get3A_2309 = vector.shape_cast %get3A_2308 : vector<1x1x16xf32> to vector<16xf32>
          %sub3A_2310 = arith.subf %get3A_2294, %get3A_2309 : vector<16xf32>
          %mul3A_2311 = arith.mulf %sub3A_2310, %sub3A_2310 : vector<16xf32>
          %add3A_2312 = arith.addf %add3A_2272, %mul3A_2311 : vector<16xf32>
          %get3A_2313 = arith.constant 2 : i32
          %get3A_2314 = arith.index_cast %get3A_2313 : i32 to index
          %get3A_2315 = arith.index_cast %scan3A_2207 : i32 to index
          %get3A_2316 = arith.constant 32 : index
          %get3A_2317 = tpu.vector_load %arg8[%get3A_2314, %get3A_2315, %get3A_2316] {strides = array<i32>} : memref<4x72x128xf32, #tpu.memory_space<vmem>>, vector<1x1x16xf32>,
          %get3A_2318 = vector.shape_cast %get3A_2317 : vector<1x1x16xf32> to vector<16xf32>
          %sub3A_2319 = arith.subf %get3A_2294, %get3A_2318 : vector<16xf32>
          %mul3A_2320 = arith.mulf %sub3A_2319, %sub3A_2319 : vector<16xf32>
          %add3A_2321 = arith.addf %add3A_2281, %mul3A_2320 : vector<16xf32>
          %get3A_2322 = arith.constant 3 : i32
          %get3A_2323 = arith.index_cast %get3A_2322 : i32 to index
          %get3A_2324 = arith.index_cast %scan3A_2207 : i32 to index
          %get3A_2325 = arith.constant 32 : index
          %get3A_2326 = tpu.vector_load %arg8[%get3A_2323, %get3A_2324, %get3A_2325] {strides = array<i32>} : memref<4x72x128xf32, #tpu.memory_space<vmem>>, vector<1x1x16xf32>,
          %get3A_2327 = vector.shape_cast %get3A_2326 : vector<1x1x16xf32> to vector<16xf32>
          %sub3A_2328 = arith.subf %get3A_2294, %get3A_2327 : vector<16xf32>
          %mul3A_2329 = arith.mulf %sub3A_2328, %sub3A_2328 : vector<16xf32>
          %add3A_2330 = arith.addf %add3A_2290, %mul3A_2329 : vector<16xf32>
          %get3A_2331 = arith.index_cast %scan3A_2207 : i32 to index
          %get3A_2332 = arith.constant 48 : index
          %get3A_2333 = tpu.vector_load %arg11[%get3A_2331, %get3A_2332] {strides = array<i32>} : memref<72x128xf32, #tpu.memory_space<vmem>>, vector<1x16xf32>,
          %get3A_2334 = vector.shape_cast %get3A_2333 : vector<1x16xf32> to vector<16xf32>
          %get3A_2335 = arith.constant 0 : i32
          %get3A_2336 = arith.index_cast %get3A_2335 : i32 to index
          %get3A_2337 = arith.index_cast %scan3A_2207 : i32 to index
          %get3A_2338 = arith.constant 48 : index
          %get3A_2339 = tpu.vector_load %arg8[%get3A_2336, %get3A_2337, %get3A_2338] {strides = array<i32>} : memref<4x72x128xf32, #tpu.memory_space<vmem>>, vector<1x1x16xf32>,
          %get3A_2340 = vector.shape_cast %get3A_2339 : vector<1x1x16xf32> to vector<16xf32>
          %sub3A_2341 = arith.subf %get3A_2334, %get3A_2340 : vector<16xf32>
          %mul3A_2342 = arith.mulf %sub3A_2341, %sub3A_2341 : vector<16xf32>
          %add3A_2343 = arith.addf %add3A_2303, %mul3A_2342 : vector<16xf32>
          %get3A_2344 = arith.constant 1 : i32
          %get3A_2345 = arith.index_cast %get3A_2344 : i32 to index
          %get3A_2346 = arith.index_cast %scan3A_2207 : i32 to index
          %get3A_2347 = arith.constant 48 : index
          %get3A_2348 = tpu.vector_load %arg8[%get3A_2345, %get3A_2346, %get3A_2347] {strides = array<i32>} : memref<4x72x128xf32, #tpu.memory_space<vmem>>, vector<1x1x16xf32>,
          %get3A_2349 = vector.shape_cast %get3A_2348 : vector<1x1x16xf32> to vector<16xf32>
          %sub3A_2350 = arith.subf %get3A_2334, %get3A_2349 : vector<16xf32>
          %mul3A_2351 = arith.mulf %sub3A_2350, %sub3A_2350 : vector<16xf32>
          %add3A_2352 = arith.addf %add3A_2312, %mul3A_2351 : vector<16xf32>
          %get3A_2353 = arith.constant 2 : i32
          %get3A_2354 = arith.index_cast %get3A_2353 : i32 to index
          %get3A_2355 = arith.index_cast %scan3A_2207 : i32 to index
          %get3A_2356 = arith.constant 48 : index
          %get3A_2357 = tpu.vector_load %arg8[%get3A_2354, %get3A_2355, %get3A_2356] {strides = array<i32>} : memref<4x72x128xf32, #tpu.memory_space<vmem>>, vector<1x1x16xf32>,
          %get3A_2358 = vector.shape_cast %get3A_2357 : vector<1x1x16xf32> to vector<16xf32>
          %sub3A_2359 = arith.subf %get3A_2334, %get3A_2358 : vector<16xf32>
          %mul3A_2360 = arith.mulf %sub3A_2359, %sub3A_2359 : vector<16xf32>
          %add3A_2361 = arith.addf %add3A_2321, %mul3A_2360 : vector<16xf32>
          %get3A_2362 = arith.constant 3 : i32
          %get3A_2363 = arith.index_cast %get3A_2362 : i32 to index
          %get3A_2364 = arith.index_cast %scan3A_2207 : i32 to index
          %get3A_2365 = arith.constant 48 : index
          %get3A_2366 = tpu.vector_load %arg8[%get3A_2363, %get3A_2364, %get3A_2365] {strides = array<i32>} : memref<4x72x128xf32, #tpu.memory_space<vmem>>, vector<1x1x16xf32>,
          %get3A_2367 = vector.shape_cast %get3A_2366 : vector<1x1x16xf32> to vector<16xf32>
          %sub3A_2368 = arith.subf %get3A_2334, %get3A_2367 : vector<16xf32>
          %mul3A_2369 = arith.mulf %sub3A_2368, %sub3A_2368 : vector<16xf32>
          %add3A_2370 = arith.addf %add3A_2330, %mul3A_2369 : vector<16xf32>
          %get3A_2371 = arith.index_cast %scan3A_2207 : i32 to index
          %get3A_2372 = arith.constant 64 : index
          %get3A_2373 = tpu.vector_load %arg11[%get3A_2371, %get3A_2372] {strides = array<i32>} : memref<72x128xf32, #tpu.memory_space<vmem>>, vector<1x16xf32>,
          %get3A_2374 = vector.shape_cast %get3A_2373 : vector<1x16xf32> to vector<16xf32>
          %get3A_2375 = arith.constant 0 : i32
          %get3A_2376 = arith.index_cast %get3A_2375 : i32 to index
          %get3A_2377 = arith.index_cast %scan3A_2207 : i32 to index
          %get3A_2378 = arith.constant 64 : index
          %get3A_2379 = tpu.vector_load %arg8[%get3A_2376, %get3A_2377, %get3A_2378] {strides = array<i32>} : memref<4x72x128xf32, #tpu.memory_space<vmem>>, vector<1x1x16xf32>,
          %get3A_2380 = vector.shape_cast %get3A_2379 : vector<1x1x16xf32> to vector<16xf32>
          %sub3A_2381 = arith.subf %get3A_2374, %get3A_2380 : vector<16xf32>
          %mul3A_2382 = arith.mulf %sub3A_2381, %sub3A_2381 : vector<16xf32>
          %add3A_2383 = arith.addf %add3A_2343, %mul3A_2382 : vector<16xf32>
          %get3A_2384 = arith.constant 1 : i32
          %get3A_2385 = arith.index_cast %get3A_2384 : i32 to index
          %get3A_2386 = arith.index_cast %scan3A_2207 : i32 to index
          %get3A_2387 = arith.constant 64 : index
          %get3A_2388 = tpu.vector_load %arg8[%get3A_2385, %get3A_2386, %get3A_2387] {strides = array<i32>} : memref<4x72x128xf32, #tpu.memory_space<vmem>>, vector<1x1x16xf32>,
          %get3A_2389 = vector.shape_cast %get3A_2388 : vector<1x1x16xf32> to vector<16xf32>
          %sub3A_2390 = arith.subf %get3A_2374, %get3A_2389 : vector<16xf32>
          %mul3A_2391 = arith.mulf %sub3A_2390, %sub3A_2390 : vector<16xf32>
          %add3A_2392 = arith.addf %add3A_2352, %mul3A_2391 : vector<16xf32>
          %get3A_2393 = arith.constant 2 : i32
          %get3A_2394 = arith.index_cast %get3A_2393 : i32 to index
          %get3A_2395 = arith.index_cast %scan3A_2207 : i32 to index
          %get3A_2396 = arith.constant 64 : index
          %get3A_2397 = tpu.vector_load %arg8[%get3A_2394, %get3A_2395, %get3A_2396] {strides = array<i32>} : memref<4x72x128xf32, #tpu.memory_space<vmem>>, vector<1x1x16xf32>,
          %get3A_2398 = vector.shape_cast %get3A_2397 : vector<1x1x16xf32> to vector<16xf32>
          %sub3A_2399 = arith.subf %get3A_2374, %get3A_2398 : vector<16xf32>
          %mul3A_2400 = arith.mulf %sub3A_2399, %sub3A_2399 : vector<16xf32>
          %add3A_2401 = arith.addf %add3A_2361, %mul3A_2400 : vector<16xf32>
          %get3A_2402 = arith.constant 3 : i32
          %get3A_2403 = arith.index_cast %get3A_2402 : i32 to index
          %get3A_2404 = arith.index_cast %scan3A_2207 : i32 to index
          %get3A_2405 = arith.constant 64 : index
          %get3A_2406 = tpu.vector_load %arg8[%get3A_2403, %get3A_2404, %get3A_2405] {strides = array<i32>} : memref<4x72x128xf32, #tpu.memory_space<vmem>>, vector<1x1x16xf32>,
          %get3A_2407 = vector.shape_cast %get3A_2406 : vector<1x1x16xf32> to vector<16xf32>
          %sub3A_2408 = arith.subf %get3A_2374, %get3A_2407 : vector<16xf32>
          %mul3A_2409 = arith.mulf %sub3A_2408, %sub3A_2408 : vector<16xf32>
          %add3A_2410 = arith.addf %add3A_2370, %mul3A_2409 : vector<16xf32>
          %get3A_2411 = arith.index_cast %scan3A_2207 : i32 to index
          %get3A_2412 = arith.constant 80 : index
          %get3A_2413 = tpu.vector_load %arg11[%get3A_2411, %get3A_2412] {strides = array<i32>} : memref<72x128xf32, #tpu.memory_space<vmem>>, vector<1x16xf32>,
          %get3A_2414 = vector.shape_cast %get3A_2413 : vector<1x16xf32> to vector<16xf32>
          %get3A_2415 = arith.constant 0 : i32
          %get3A_2416 = arith.index_cast %get3A_2415 : i32 to index
          %get3A_2417 = arith.index_cast %scan3A_2207 : i32 to index
          %get3A_2418 = arith.constant 80 : index
          %get3A_2419 = tpu.vector_load %arg8[%get3A_2416, %get3A_2417, %get3A_2418] {strides = array<i32>} : memref<4x72x128xf32, #tpu.memory_space<vmem>>, vector<1x1x16xf32>,
          %get3A_2420 = vector.shape_cast %get3A_2419 : vector<1x1x16xf32> to vector<16xf32>
          %sub3A_2421 = arith.subf %get3A_2414, %get3A_2420 : vector<16xf32>
          %mul3A_2422 = arith.mulf %sub3A_2421, %sub3A_2421 : vector<16xf32>
          %add3A_2423 = arith.addf %add3A_2383, %mul3A_2422 : vector<16xf32>
          %get3A_2424 = arith.constant 1 : i32
          %get3A_2425 = arith.index_cast %get3A_2424 : i32 to index
          %get3A_2426 = arith.index_cast %scan3A_2207 : i32 to index
          %get3A_2427 = arith.constant 80 : index
          %get3A_2428 = tpu.vector_load %arg8[%get3A_2425, %get3A_2426, %get3A_2427] {strides = array<i32>} : memref<4x72x128xf32, #tpu.memory_space<vmem>>, vector<1x1x16xf32>,
          %get3A_2429 = vector.shape_cast %get3A_2428 : vector<1x1x16xf32> to vector<16xf32>
          %sub3A_2430 = arith.subf %get3A_2414, %get3A_2429 : vector<16xf32>
          %mul3A_2431 = arith.mulf %sub3A_2430, %sub3A_2430 : vector<16xf32>
          %add3A_2432 = arith.addf %add3A_2392, %mul3A_2431 : vector<16xf32>
          %get3A_2433 = arith.constant 2 : i32
          %get3A_2434 = arith.index_cast %get3A_2433 : i32 to index
          %get3A_2435 = arith.index_cast %scan3A_2207 : i32 to index
          %get3A_2436 = arith.constant 80 : index
          %get3A_2437 = tpu.vector_load %arg8[%get3A_2434, %get3A_2435, %get3A_2436] {strides = array<i32>} : memref<4x72x128xf32, #tpu.memory_space<vmem>>, vector<1x1x16xf32>,
          %get3A_2438 = vector.shape_cast %get3A_2437 : vector<1x1x16xf32> to vector<16xf32>
          %sub3A_2439 = arith.subf %get3A_2414, %get3A_2438 : vector<16xf32>
          %mul3A_2440 = arith.mulf %sub3A_2439, %sub3A_2439 : vector<16xf32>
          %add3A_2441 = arith.addf %add3A_2401, %mul3A_2440 : vector<16xf32>
          %get3A_2442 = arith.constant 3 : i32
          %get3A_2443 = arith.index_cast %get3A_2442 : i32 to index
          %get3A_2444 = arith.index_cast %scan3A_2207 : i32 to index
          %get3A_2445 = arith.constant 80 : index
          %get3A_2446 = tpu.vector_load %arg8[%get3A_2443, %get3A_2444, %get3A_2445] {strides = array<i32>} : memref<4x72x128xf32, #tpu.memory_space<vmem>>, vector<1x1x16xf32>,
          %get3A_2447 = vector.shape_cast %get3A_2446 : vector<1x1x16xf32> to vector<16xf32>
          %sub3A_2448 = arith.subf %get3A_2414, %get3A_2447 : vector<16xf32>
          %mul3A_2449 = arith.mulf %sub3A_2448, %sub3A_2448 : vector<16xf32>
          %add3A_2450 = arith.addf %add3A_2410, %mul3A_2449 : vector<16xf32>
          %get3A_2451 = arith.index_cast %scan3A_2207 : i32 to index
          %get3A_2452 = arith.constant 96 : index
          %get3A_2453 = tpu.vector_load %arg11[%get3A_2451, %get3A_2452] {strides = array<i32>} : memref<72x128xf32, #tpu.memory_space<vmem>>, vector<1x16xf32>,
          %get3A_2454 = vector.shape_cast %get3A_2453 : vector<1x16xf32> to vector<16xf32>
          %get3A_2455 = arith.constant 0 : i32
          %get3A_2456 = arith.index_cast %get3A_2455 : i32 to index
          %get3A_2457 = arith.index_cast %scan3A_2207 : i32 to index
          %get3A_2458 = arith.constant 96 : index
          %get3A_2459 = tpu.vector_load %arg8[%get3A_2456, %get3A_2457, %get3A_2458] {strides = array<i32>} : memref<4x72x128xf32, #tpu.memory_space<vmem>>, vector<1x1x16xf32>,
          %get3A_2460 = vector.shape_cast %get3A_2459 : vector<1x1x16xf32> to vector<16xf32>
          %sub3A_2461 = arith.subf %get3A_2454, %get3A_2460 : vector<16xf32>
          %mul3A_2462 = arith.mulf %sub3A_2461, %sub3A_2461 : vector<16xf32>
          %add3A_2463 = arith.addf %add3A_2423, %mul3A_2462 : vector<16xf32>
          %get3A_2464 = arith.constant 1 : i32
          %get3A_2465 = arith.index_cast %get3A_2464 : i32 to index
          %get3A_2466 = arith.index_cast %scan3A_2207 : i32 to index
          %get3A_2467 = arith.constant 96 : index
          %get3A_2468 = tpu.vector_load %arg8[%get3A_2465, %get3A_2466, %get3A_2467] {strides = array<i32>} : memref<4x72x128xf32, #tpu.memory_space<vmem>>, vector<1x1x16xf32>,
          %get3A_2469 = vector.shape_cast %get3A_2468 : vector<1x1x16xf32> to vector<16xf32>
          %sub3A_2470 = arith.subf %get3A_2454, %get3A_2469 : vector<16xf32>
          %mul3A_2471 = arith.mulf %sub3A_2470, %sub3A_2470 : vector<16xf32>
          %add3A_2472 = arith.addf %add3A_2432, %mul3A_2471 : vector<16xf32>
          %get3A_2473 = arith.constant 2 : i32
          %get3A_2474 = arith.index_cast %get3A_2473 : i32 to index
          %get3A_2475 = arith.index_cast %scan3A_2207 : i32 to index
          %get3A_2476 = arith.constant 96 : index
          %get3A_2477 = tpu.vector_load %arg8[%get3A_2474, %get3A_2475, %get3A_2476] {strides = array<i32>} : memref<4x72x128xf32, #tpu.memory_space<vmem>>, vector<1x1x16xf32>,
          %get3A_2478 = vector.shape_cast %get3A_2477 : vector<1x1x16xf32> to vector<16xf32>
          %sub3A_2479 = arith.subf %get3A_2454, %get3A_2478 : vector<16xf32>
          %mul3A_2480 = arith.mulf %sub3A_2479, %sub3A_2479 : vector<16xf32>
          %add3A_2481 = arith.addf %add3A_2441, %mul3A_2480 : vector<16xf32>
          %get3A_2482 = arith.constant 3 : i32
          %get3A_2483 = arith.index_cast %get3A_2482 : i32 to index
          %get3A_2484 = arith.index_cast %scan3A_2207 : i32 to index
          %get3A_2485 = arith.constant 96 : index
          %get3A_2486 = tpu.vector_load %arg8[%get3A_2483, %get3A_2484, %get3A_2485] {strides = array<i32>} : memref<4x72x128xf32, #tpu.memory_space<vmem>>, vector<1x1x16xf32>,
          %get3A_2487 = vector.shape_cast %get3A_2486 : vector<1x1x16xf32> to vector<16xf32>
          %sub3A_2488 = arith.subf %get3A_2454, %get3A_2487 : vector<16xf32>
          %mul3A_2489 = arith.mulf %sub3A_2488, %sub3A_2488 : vector<16xf32>
          %add3A_2490 = arith.addf %add3A_2450, %mul3A_2489 : vector<16xf32>
          %get3A_2491 = arith.index_cast %scan3A_2207 : i32 to index
          %get3A_2492 = arith.constant 112 : index
          %get3A_2493 = tpu.vector_load %arg11[%get3A_2491, %get3A_2492] {strides = array<i32>} : memref<72x128xf32, #tpu.memory_space<vmem>>, vector<1x16xf32>,
          %get3A_2494 = vector.shape_cast %get3A_2493 : vector<1x16xf32> to vector<16xf32>
          %get3A_2495 = arith.constant 0 : i32
          %get3A_2496 = arith.index_cast %get3A_2495 : i32 to index
          %get3A_2497 = arith.index_cast %scan3A_2207 : i32 to index
          %get3A_2498 = arith.constant 112 : index
          %get3A_2499 = tpu.vector_load %arg8[%get3A_2496, %get3A_2497, %get3A_2498] {strides = array<i32>} : memref<4x72x128xf32, #tpu.memory_space<vmem>>, vector<1x1x16xf32>,
          %get3A_2500 = vector.shape_cast %get3A_2499 : vector<1x1x16xf32> to vector<16xf32>
          %sub3A_2501 = arith.subf %get3A_2494, %get3A_2500 : vector<16xf32>
          %mul3A_2502 = arith.mulf %sub3A_2501, %sub3A_2501 : vector<16xf32>
          %add3A_2503 = arith.addf %add3A_2463, %mul3A_2502 : vector<16xf32>
          %get3A_2504 = arith.constant 1 : i32
          %get3A_2505 = arith.index_cast %get3A_2504 : i32 to index
          %get3A_2506 = arith.index_cast %scan3A_2207 : i32 to index
          %get3A_2507 = arith.constant 112 : index
          %get3A_2508 = tpu.vector_load %arg8[%get3A_2505, %get3A_2506, %get3A_2507] {strides = array<i32>} : memref<4x72x128xf32, #tpu.memory_space<vmem>>, vector<1x1x16xf32>,
          %get3A_2509 = vector.shape_cast %get3A_2508 : vector<1x1x16xf32> to vector<16xf32>
          %sub3A_2510 = arith.subf %get3A_2494, %get3A_2509 : vector<16xf32>
          %mul3A_2511 = arith.mulf %sub3A_2510, %sub3A_2510 : vector<16xf32>
          %add3A_2512 = arith.addf %add3A_2472, %mul3A_2511 : vector<16xf32>
          %get3A_2513 = arith.constant 2 : i32
          %get3A_2514 = arith.index_cast %get3A_2513 : i32 to index
          %get3A_2515 = arith.index_cast %scan3A_2207 : i32 to index
          %get3A_2516 = arith.constant 112 : index
          %get3A_2517 = tpu.vector_load %arg8[%get3A_2514, %get3A_2515, %get3A_2516] {strides = array<i32>} : memref<4x72x128xf32, #tpu.memory_space<vmem>>, vector<1x1x16xf32>,
          %get3A_2518 = vector.shape_cast %get3A_2517 : vector<1x1x16xf32> to vector<16xf32>
          %sub3A_2519 = arith.subf %get3A_2494, %get3A_2518 : vector<16xf32>
          %mul3A_2520 = arith.mulf %sub3A_2519, %sub3A_2519 : vector<16xf32>
          %add3A_2521 = arith.addf %add3A_2481, %mul3A_2520 : vector<16xf32>
          %get3A_2522 = arith.constant 3 : i32
          %get3A_2523 = arith.index_cast %get3A_2522 : i32 to index
          %get3A_2524 = arith.index_cast %scan3A_2207 : i32 to index
          %get3A_2525 = arith.constant 112 : index
          %get3A_2526 = tpu.vector_load %arg8[%get3A_2523, %get3A_2524, %get3A_2525] {strides = array<i32>} : memref<4x72x128xf32, #tpu.memory_space<vmem>>, vector<1x1x16xf32>,
          %get3A_2527 = vector.shape_cast %get3A_2526 : vector<1x1x16xf32> to vector<16xf32>
          %sub3A_2528 = arith.subf %get3A_2494, %get3A_2527 : vector<16xf32>
          %mul3A_2529 = arith.mulf %sub3A_2528, %sub3A_2528 : vector<16xf32>
          %add3A_2530 = arith.addf %add3A_2490, %mul3A_2529 : vector<16xf32>
          scf.yield %add3A_2503, %add3A_2512, %add3A_2521, %add3A_2530 : vector<16xf32>, vector<16xf32>, vector<16xf32>, vector<16xf32>
        }
        %scan3A_2174 = arith.constant 72 : i32
        %add3A_2175 = arith.addi %mul3A_36, %scan3A_2113 : i32
        %swap3A_2176 = arith.constant 0 : i32
        %swap3A_2177 = arith.index_cast %swap3A_2176 : i32 to index
        %swap3A_2178 = arith.index_cast %add3A_2175 : i32 to index
        %swap3A_2179 = arith.constant 0 : index
        %swap3A_2180 = tpu.vector_load %arg13[%swap3A_2177, %swap3A_2178, %swap3A_2179] {strides = array<i32>} : memref<4x32x16xf32, #tpu.memory_space<vmem>>, vector<1x1x16xf32>,
        %swap3A_2181 = vector.shape_cast %swap3A_2180 : vector<1x1x16xf32> to vector<16xf32>
        %swap3A_2182 = vector.shape_cast %scan3A_2173#0 : vector<16xf32> to vector<1x1x16xf32>
        tpu.vector_store %arg13[%swap3A_2177, %swap3A_2178, %swap3A_2179], %swap3A_2182 {strides = array<i32>} : memref<4x32x16xf32, #tpu.memory_space<vmem>>, vector<1x1x16xf32>,
        %add3A_2183 = arith.addi %mul3A_36, %scan3A_2113 : i32
        %swap3A_2184 = arith.constant 1 : i32
        %swap3A_2185 = arith.index_cast %swap3A_2184 : i32 to index
        %swap3A_2186 = arith.index_cast %add3A_2183 : i32 to index
        %swap3A_2187 = arith.constant 0 : index
        %swap3A_2188 = tpu.vector_load %arg13[%swap3A_2185, %swap3A_2186, %swap3A_2187] {strides = array<i32>} : memref<4x32x16xf32, #tpu.memory_space<vmem>>, vector<1x1x16xf32>,
        %swap3A_2189 = vector.shape_cast %swap3A_2188 : vector<1x1x16xf32> to vector<16xf32>
        %swap3A_2190 = vector.shape_cast %scan3A_2173#1 : vector<16xf32> to vector<1x1x16xf32>
        tpu.vector_store %arg13[%swap3A_2185, %swap3A_2186, %swap3A_2187], %swap3A_2190 {strides = array<i32>} : memref<4x32x16xf32, #tpu.memory_space<vmem>>, vector<1x1x16xf32>,
        %add3A_2191 = arith.addi %mul3A_36, %scan3A_2113 : i32
        %swap3A_2192 = arith.constant 2 : i32
        %swap3A_2193 = arith.index_cast %swap3A_2192 : i32 to index
        %swap3A_2194 = arith.index_cast %add3A_2191 : i32 to index
        %swap3A_2195 = arith.constant 0 : index
        %swap3A_2196 = tpu.vector_load %arg13[%swap3A_2193, %swap3A_2194, %swap3A_2195] {strides = array<i32>} : memref<4x32x16xf32, #tpu.memory_space<vmem>>, vector<1x1x16xf32>,
        %swap3A_2197 = vector.shape_cast %swap3A_2196 : vector<1x1x16xf32> to vector<16xf32>
        %swap3A_2198 = vector.shape_cast %scan3A_2173#2 : vector<16xf32> to vector<1x1x16xf32>
        tpu.vector_store %arg13[%swap3A_2193, %swap3A_2194, %swap3A_2195], %swap3A_2198 {strides = array<i32>} : memref<4x32x16xf32, #tpu.memory_space<vmem>>, vector<1x1x16xf32>,
        %add3A_2199 = arith.addi %mul3A_36, %scan3A_2113 : i32
        %swap3A_2200 = arith.constant 3 : i32
        %swap3A_2201 = arith.index_cast %swap3A_2200 : i32 to index
        %swap3A_2202 = arith.index_cast %add3A_2199 : i32 to index
        %swap3A_2203 = arith.constant 0 : index
        %swap3A_2204 = tpu.vector_load %arg13[%swap3A_2201, %swap3A_2202, %swap3A_2203] {strides = array<i32>} : memref<4x32x16xf32, #tpu.memory_space<vmem>>, vector<1x1x16xf32>,
        %swap3A_2205 = vector.shape_cast %swap3A_2204 : vector<1x1x16xf32> to vector<16xf32>
        %swap3A_2206 = vector.shape_cast %scan3A_2173#3 : vector<16xf32> to vector<1x1x16xf32>
        tpu.vector_store %arg13[%swap3A_2201, %swap3A_2202, %swap3A_2203], %swap3A_2206 {strides = array<i32>} : memref<4x32x16xf32, #tpu.memory_space<vmem>>, vector<1x1x16xf32>,
      } else {
      }
      %jit3A_2134 = arith.constant 2 : i32
      %eq3A_2135 = arith.constant 0 : i32
      %eq3A_2136 = arith.cmpi eq, %jit3A_2134, %eq3A_2135 : i32
      %jit3A_2137 = arith.constant 1 : i32
      %select_n3A_2138 = arith.select %eq3A_2136, %jit3A_2137, %jit3A_2134 : i32
      %rem3A_2139 = arith.remsi %scan3A_2113, %select_n3A_2138 : i32
      %ne3A_2140 = arith.constant 0 : i32
      %ne3A_2141 = arith.cmpi ne, %rem3A_2139, %ne3A_2140 : i32
      %lt3A_2142 = arith.constant 0 : i32
      %lt3A_2143 = arith.cmpi slt, %rem3A_2139, %lt3A_2142 : i32
      %lt3A_2144 = arith.constant 0 : i32
      %lt3A_2145 = arith.cmpi slt, %select_n3A_2138, %lt3A_2144 : i32
      %ne3A_2146 = arith.xori %lt3A_2143, %lt3A_2145 : i1
      %and3A_2147 = arith.andi %ne3A_2146, %ne3A_2141 : i1
      %add3A_2148 = arith.addi %rem3A_2139, %select_n3A_2138 : i32
      %select_n3A_2149 = arith.select %and3A_2147, %add3A_2148, %rem3A_2139 : i32
      %eq3A_2150 = arith.constant 1 : i32
      %eq3A_2151 = arith.cmpi eq, %select_n3A_2149, %eq3A_2150 : i32
      %convert_element_type3A_2152 = arith.extui %eq3A_2151 : i1 to i32
      %cond3A_2153 = arith.constant 0 : i32
      %cond3A_2154 = arith.cmpi ne, %convert_element_type3A_2152, %cond3A_2153 : i32
      scf.if %cond3A_2154 {
        %add3A_2156 = arith.addi %mul3A_36, %scan3A_2113 : i32
        %dma_wait3A = arith.constant 0 : i32
        %dma_wait3A_2157 = tpu.memref_slice %arg4[%add3A_2156, %mul3A_20, %dma_wait3A] : memref<30x1152x128xf32, #tpu.memory_space<hbm>> -> memref<1x72x128xf32, #tpu.memory_space<hbm>>
        %dma_wait3A_2158 = tpu.memref_squeeze %dma_wait3A_2157 : memref<1x72x128xf32, #tpu.memory_space<hbm>> -> memref<72x128xf32, #tpu.memory_space<hbm>>
        %dma_wait3A_2159 = arith.constant 0 : i32
        %dma_wait3A_2160 = tpu.memref_slice %arg4[%add3A_2156, %mul3A_20, %dma_wait3A_2159] : memref<30x1152x128xf32, #tpu.memory_space<hbm>> -> memref<1x72x128xf32, #tpu.memory_space<hbm>>
        %dma_wait3A_2161 = tpu.memref_squeeze %dma_wait3A_2160 : memref<1x72x128xf32, #tpu.memory_space<hbm>> -> memref<72x128xf32, #tpu.memory_space<hbm>>
        tpu.wait_dma2 semaphore(%arg17 : memref<!tpu.dma_semaphore, #tpu.memory_space<semaphore_mem>>) src(%dma_wait3A_2161 : memref<72x128xf32, #tpu.memory_space<hbm>>) dst(%arg12 : memref<72x128xf32, #tpu.memory_space<vmem>>)
        %add3A_2162 = arith.constant 1 : i32
        %add3A_2163 = arith.addi %scan3A_2113, %add3A_2162 : i32
        %lt3A_2164 = arith.constant 15 : i32
        %lt3A_2165 = arith.cmpi slt, %add3A_2163, %lt3A_2164 : i32
        %convert_element_type3A_2166 = arith.extui %lt3A_2165 : i1 to i32
        %cond3A_2167 = arith.constant 0 : i32
        %cond3A_2168 = arith.cmpi ne, %convert_element_type3A_2166, %cond3A_2167 : i32
        scf.if %cond3A_2168 {
          %add3A_2207 = arith.addi %mul3A_36, %scan3A_2113 : i32
          %add3A_2208 = arith.constant 1 : i32
          %add3A_2209 = arith.addi %add3A_2207, %add3A_2208 : i32
          %dma_start3A_2210 = arith.constant 0 : i32
          %dma_start3A_2211 = tpu.memref_slice %arg4[%add3A_2209, %mul3A_20, %dma_start3A_2210] : memref<30x1152x128xf32, #tpu.memory_space<hbm>> -> memref<1x72x128xf32, #tpu.memory_space<hbm>>
          %dma_start3A_2212 = tpu.memref_squeeze %dma_start3A_2211 : memref<1x72x128xf32, #tpu.memory_space<hbm>> -> memref<72x128xf32, #tpu.memory_space<hbm>>
          %dma_start3A_2213 = arith.constant 0 : i32
          %dma_start3A_2214 = tpu.memref_slice %arg4[%add3A_2209, %mul3A_20, %dma_start3A_2213] : memref<30x1152x128xf32, #tpu.memory_space<hbm>> -> memref<1x72x128xf32, #tpu.memory_space<hbm>>
          %dma_start3A_2215 = tpu.memref_squeeze %dma_start3A_2214 : memref<1x72x128xf32, #tpu.memory_space<hbm>> -> memref<72x128xf32, #tpu.memory_space<hbm>>
          tpu.enqueue_dma source(%dma_start3A_2215 : memref<72x128xf32, #tpu.memory_space<hbm>>) target(%arg11 : memref<72x128xf32, #tpu.memory_space<vmem>>) target_semaphore(%arg16 : memref<!tpu.dma_semaphore, #tpu.memory_space<semaphore_mem>>)
        } else {
        }
        %scan3A_2169 = arith.constant 0 : i32
        %scan3A_2170 = arith.constant 72 : i32
        %scan3A_2171 = arith.addi %scan3A_2169, %scan3A_2170 : i32
        %scan3A_2172 = arith.constant 1 : i32
        %scan3A_2173:4 = scf.for %scan3A_2207 = %scan3A_2169 to %scan3A_2171 step %scan3A_2172 iter_args(%scan3A_2208 = %broadcast_in_dim3A_1074, %scan3A_2209 = %broadcast_in_dim3A_1074, %scan3A_2210 = %broadcast_in_dim3A_1074, %scan3A_2211 = %broadcast_in_dim3A_1074) -> (vector<16xf32>, vector<16xf32>, vector<16xf32>, vector<16xf32>)  : i32 {
          %get3A = arith.index_cast %scan3A_2207 : i32 to index
          %get3A_2212 = arith.constant 0 : index
          %get3A_2213 = tpu.vector_load %arg12[%get3A, %get3A_2212] {strides = array<i32>} : memref<72x128xf32, #tpu.memory_space<vmem>>, vector<1x16xf32>,
          %get3A_2214 = vector.shape_cast %get3A_2213 : vector<1x16xf32> to vector<16xf32>
          %get3A_2215 = arith.constant 0 : i32
          %get3A_2216 = arith.index_cast %get3A_2215 : i32 to index
          %get3A_2217 = arith.index_cast %scan3A_2207 : i32 to index
          %get3A_2218 = arith.constant 0 : index
          %get3A_2219 = tpu.vector_load %arg8[%get3A_2216, %get3A_2217, %get3A_2218] {strides = array<i32>} : memref<4x72x128xf32, #tpu.memory_space<vmem>>, vector<1x1x16xf32>,
          %get3A_2220 = vector.shape_cast %get3A_2219 : vector<1x1x16xf32> to vector<16xf32>
          %sub3A_2221 = arith.subf %get3A_2214, %get3A_2220 : vector<16xf32>
          %mul3A_2222 = arith.mulf %sub3A_2221, %sub3A_2221 : vector<16xf32>
          %add3A_2223 = arith.addf %scan3A_2208, %mul3A_2222 : vector<16xf32>
          %get3A_2224 = arith.constant 1 : i32
          %get3A_2225 = arith.index_cast %get3A_2224 : i32 to index
          %get3A_2226 = arith.index_cast %scan3A_2207 : i32 to index
          %get3A_2227 = arith.constant 0 : index
          %get3A_2228 = tpu.vector_load %arg8[%get3A_2225, %get3A_2226, %get3A_2227] {strides = array<i32>} : memref<4x72x128xf32, #tpu.memory_space<vmem>>, vector<1x1x16xf32>,
          %get3A_2229 = vector.shape_cast %get3A_2228 : vector<1x1x16xf32> to vector<16xf32>
          %sub3A_2230 = arith.subf %get3A_2214, %get3A_2229 : vector<16xf32>
          %mul3A_2231 = arith.mulf %sub3A_2230, %sub3A_2230 : vector<16xf32>
          %add3A_2232 = arith.addf %scan3A_2209, %mul3A_2231 : vector<16xf32>
          %get3A_2233 = arith.constant 2 : i32
          %get3A_2234 = arith.index_cast %get3A_2233 : i32 to index
          %get3A_2235 = arith.index_cast %scan3A_2207 : i32 to index
          %get3A_2236 = arith.constant 0 : index
          %get3A_2237 = tpu.vector_load %arg8[%get3A_2234, %get3A_2235, %get3A_2236] {strides = array<i32>} : memref<4x72x128xf32, #tpu.memory_space<vmem>>, vector<1x1x16xf32>,
          %get3A_2238 = vector.shape_cast %get3A_2237 : vector<1x1x16xf32> to vector<16xf32>
          %sub3A_2239 = arith.subf %get3A_2214, %get3A_2238 : vector<16xf32>
          %mul3A_2240 = arith.mulf %sub3A_2239, %sub3A_2239 : vector<16xf32>
          %add3A_2241 = arith.addf %scan3A_2210, %mul3A_2240 : vector<16xf32>
          %get3A_2242 = arith.constant 3 : i32
          %get3A_2243 = arith.index_cast %get3A_2242 : i32 to index
          %get3A_2244 = arith.index_cast %scan3A_2207 : i32 to index
          %get3A_2245 = arith.constant 0 : index
          %get3A_2246 = tpu.vector_load %arg8[%get3A_2243, %get3A_2244, %get3A_2245] {strides = array<i32>} : memref<4x72x128xf32, #tpu.memory_space<vmem>>, vector<1x1x16xf32>,
          %get3A_2247 = vector.shape_cast %get3A_2246 : vector<1x1x16xf32> to vector<16xf32>
          %sub3A_2248 = arith.subf %get3A_2214, %get3A_2247 : vector<16xf32>
          %mul3A_2249 = arith.mulf %sub3A_2248, %sub3A_2248 : vector<16xf32>
          %add3A_2250 = arith.addf %scan3A_2211, %mul3A_2249 : vector<16xf32>
          %get3A_2251 = arith.index_cast %scan3A_2207 : i32 to index
          %get3A_2252 = arith.constant 16 : index
          %get3A_2253 = tpu.vector_load %arg12[%get3A_2251, %get3A_2252] {strides = array<i32>} : memref<72x128xf32, #tpu.memory_space<vmem>>, vector<1x16xf32>,
          %get3A_2254 = vector.shape_cast %get3A_2253 : vector<1x16xf32> to vector<16xf32>
          %get3A_2255 = arith.constant 0 : i32
          %get3A_2256 = arith.index_cast %get3A_2255 : i32 to index
          %get3A_2257 = arith.index_cast %scan3A_2207 : i32 to index
          %get3A_2258 = arith.constant 16 : index
          %get3A_2259 = tpu.vector_load %arg8[%get3A_2256, %get3A_2257, %get3A_2258] {strides = array<i32>} : memref<4x72x128xf32, #tpu.memory_space<vmem>>, vector<1x1x16xf32>,
          %get3A_2260 = vector.shape_cast %get3A_2259 : vector<1x1x16xf32> to vector<16xf32>
          %sub3A_2261 = arith.subf %get3A_2254, %get3A_2260 : vector<16xf32>
          %mul3A_2262 = arith.mulf %sub3A_2261, %sub3A_2261 : vector<16xf32>
          %add3A_2263 = arith.addf %add3A_2223, %mul3A_2262 : vector<16xf32>
          %get3A_2264 = arith.constant 1 : i32
          %get3A_2265 = arith.index_cast %get3A_2264 : i32 to index
          %get3A_2266 = arith.index_cast %scan3A_2207 : i32 to index
          %get3A_2267 = arith.constant 16 : index
          %get3A_2268 = tpu.vector_load %arg8[%get3A_2265, %get3A_2266, %get3A_2267] {strides = array<i32>} : memref<4x72x128xf32, #tpu.memory_space<vmem>>, vector<1x1x16xf32>,
          %get3A_2269 = vector.shape_cast %get3A_2268 : vector<1x1x16xf32> to vector<16xf32>
          %sub3A_2270 = arith.subf %get3A_2254, %get3A_2269 : vector<16xf32>
          %mul3A_2271 = arith.mulf %sub3A_2270, %sub3A_2270 : vector<16xf32>
          %add3A_2272 = arith.addf %add3A_2232, %mul3A_2271 : vector<16xf32>
          %get3A_2273 = arith.constant 2 : i32
          %get3A_2274 = arith.index_cast %get3A_2273 : i32 to index
          %get3A_2275 = arith.index_cast %scan3A_2207 : i32 to index
          %get3A_2276 = arith.constant 16 : index
          %get3A_2277 = tpu.vector_load %arg8[%get3A_2274, %get3A_2275, %get3A_2276] {strides = array<i32>} : memref<4x72x128xf32, #tpu.memory_space<vmem>>, vector<1x1x16xf32>,
          %get3A_2278 = vector.shape_cast %get3A_2277 : vector<1x1x16xf32> to vector<16xf32>
          %sub3A_2279 = arith.subf %get3A_2254, %get3A_2278 : vector<16xf32>
          %mul3A_2280 = arith.mulf %sub3A_2279, %sub3A_2279 : vector<16xf32>
          %add3A_2281 = arith.addf %add3A_2241, %mul3A_2280 : vector<16xf32>
          %get3A_2282 = arith.constant 3 : i32
          %get3A_2283 = arith.index_cast %get3A_2282 : i32 to index
          %get3A_2284 = arith.index_cast %scan3A_2207 : i32 to index
          %get3A_2285 = arith.constant 16 : index
          %get3A_2286 = tpu.vector_load %arg8[%get3A_2283, %get3A_2284, %get3A_2285] {strides = array<i32>} : memref<4x72x128xf32, #tpu.memory_space<vmem>>, vector<1x1x16xf32>,
          %get3A_2287 = vector.shape_cast %get3A_2286 : vector<1x1x16xf32> to vector<16xf32>
          %sub3A_2288 = arith.subf %get3A_2254, %get3A_2287 : vector<16xf32>
          %mul3A_2289 = arith.mulf %sub3A_2288, %sub3A_2288 : vector<16xf32>
          %add3A_2290 = arith.addf %add3A_2250, %mul3A_2289 : vector<16xf32>
          %get3A_2291 = arith.index_cast %scan3A_2207 : i32 to index
          %get3A_2292 = arith.constant 32 : index
          %get3A_2293 = tpu.vector_load %arg12[%get3A_2291, %get3A_2292] {strides = array<i32>} : memref<72x128xf32, #tpu.memory_space<vmem>>, vector<1x16xf32>,
          %get3A_2294 = vector.shape_cast %get3A_2293 : vector<1x16xf32> to vector<16xf32>
          %get3A_2295 = arith.constant 0 : i32
          %get3A_2296 = arith.index_cast %get3A_2295 : i32 to index
          %get3A_2297 = arith.index_cast %scan3A_2207 : i32 to index
          %get3A_2298 = arith.constant 32 : index
          %get3A_2299 = tpu.vector_load %arg8[%get3A_2296, %get3A_2297, %get3A_2298] {strides = array<i32>} : memref<4x72x128xf32, #tpu.memory_space<vmem>>, vector<1x1x16xf32>,
          %get3A_2300 = vector.shape_cast %get3A_2299 : vector<1x1x16xf32> to vector<16xf32>
          %sub3A_2301 = arith.subf %get3A_2294, %get3A_2300 : vector<16xf32>
          %mul3A_2302 = arith.mulf %sub3A_2301, %sub3A_2301 : vector<16xf32>
          %add3A_2303 = arith.addf %add3A_2263, %mul3A_2302 : vector<16xf32>
          %get3A_2304 = arith.constant 1 : i32
          %get3A_2305 = arith.index_cast %get3A_2304 : i32 to index
          %get3A_2306 = arith.index_cast %scan3A_2207 : i32 to index
          %get3A_2307 = arith.constant 32 : index
          %get3A_2308 = tpu.vector_load %arg8[%get3A_2305, %get3A_2306, %get3A_2307] {strides = array<i32>} : memref<4x72x128xf32, #tpu.memory_space<vmem>>, vector<1x1x16xf32>,
          %get3A_2309 = vector.shape_cast %get3A_2308 : vector<1x1x16xf32> to vector<16xf32>
          %sub3A_2310 = arith.subf %get3A_2294, %get3A_2309 : vector<16xf32>
          %mul3A_2311 = arith.mulf %sub3A_2310, %sub3A_2310 : vector<16xf32>
          %add3A_2312 = arith.addf %add3A_2272, %mul3A_2311 : vector<16xf32>
          %get3A_2313 = arith.constant 2 : i32
          %get3A_2314 = arith.index_cast %get3A_2313 : i32 to index
          %get3A_2315 = arith.index_cast %scan3A_2207 : i32 to index
          %get3A_2316 = arith.constant 32 : index
          %get3A_2317 = tpu.vector_load %arg8[%get3A_2314, %get3A_2315, %get3A_2316] {strides = array<i32>} : memref<4x72x128xf32, #tpu.memory_space<vmem>>, vector<1x1x16xf32>,
          %get3A_2318 = vector.shape_cast %get3A_2317 : vector<1x1x16xf32> to vector<16xf32>
          %sub3A_2319 = arith.subf %get3A_2294, %get3A_2318 : vector<16xf32>
          %mul3A_2320 = arith.mulf %sub3A_2319, %sub3A_2319 : vector<16xf32>
          %add3A_2321 = arith.addf %add3A_2281, %mul3A_2320 : vector<16xf32>
          %get3A_2322 = arith.constant 3 : i32
          %get3A_2323 = arith.index_cast %get3A_2322 : i32 to index
          %get3A_2324 = arith.index_cast %scan3A_2207 : i32 to index
          %get3A_2325 = arith.constant 32 : index
          %get3A_2326 = tpu.vector_load %arg8[%get3A_2323, %get3A_2324, %get3A_2325] {strides = array<i32>} : memref<4x72x128xf32, #tpu.memory_space<vmem>>, vector<1x1x16xf32>,
          %get3A_2327 = vector.shape_cast %get3A_2326 : vector<1x1x16xf32> to vector<16xf32>
          %sub3A_2328 = arith.subf %get3A_2294, %get3A_2327 : vector<16xf32>
          %mul3A_2329 = arith.mulf %sub3A_2328, %sub3A_2328 : vector<16xf32>
          %add3A_2330 = arith.addf %add3A_2290, %mul3A_2329 : vector<16xf32>
          %get3A_2331 = arith.index_cast %scan3A_2207 : i32 to index
          %get3A_2332 = arith.constant 48 : index
          %get3A_2333 = tpu.vector_load %arg12[%get3A_2331, %get3A_2332] {strides = array<i32>} : memref<72x128xf32, #tpu.memory_space<vmem>>, vector<1x16xf32>,
          %get3A_2334 = vector.shape_cast %get3A_2333 : vector<1x16xf32> to vector<16xf32>
          %get3A_2335 = arith.constant 0 : i32
          %get3A_2336 = arith.index_cast %get3A_2335 : i32 to index
          %get3A_2337 = arith.index_cast %scan3A_2207 : i32 to index
          %get3A_2338 = arith.constant 48 : index
          %get3A_2339 = tpu.vector_load %arg8[%get3A_2336, %get3A_2337, %get3A_2338] {strides = array<i32>} : memref<4x72x128xf32, #tpu.memory_space<vmem>>, vector<1x1x16xf32>,
          %get3A_2340 = vector.shape_cast %get3A_2339 : vector<1x1x16xf32> to vector<16xf32>
          %sub3A_2341 = arith.subf %get3A_2334, %get3A_2340 : vector<16xf32>
          %mul3A_2342 = arith.mulf %sub3A_2341, %sub3A_2341 : vector<16xf32>
          %add3A_2343 = arith.addf %add3A_2303, %mul3A_2342 : vector<16xf32>
          %get3A_2344 = arith.constant 1 : i32
          %get3A_2345 = arith.index_cast %get3A_2344 : i32 to index
          %get3A_2346 = arith.index_cast %scan3A_2207 : i32 to index
          %get3A_2347 = arith.constant 48 : index
          %get3A_2348 = tpu.vector_load %arg8[%get3A_2345, %get3A_2346, %get3A_2347] {strides = array<i32>} : memref<4x72x128xf32, #tpu.memory_space<vmem>>, vector<1x1x16xf32>,
          %get3A_2349 = vector.shape_cast %get3A_2348 : vector<1x1x16xf32> to vector<16xf32>
          %sub3A_2350 = arith.subf %get3A_2334, %get3A_2349 : vector<16xf32>
          %mul3A_2351 = arith.mulf %sub3A_2350, %sub3A_2350 : vector<16xf32>
          %add3A_2352 = arith.addf %add3A_2312, %mul3A_2351 : vector<16xf32>
          %get3A_2353 = arith.constant 2 : i32
          %get3A_2354 = arith.index_cast %get3A_2353 : i32 to index
          %get3A_2355 = arith.index_cast %scan3A_2207 : i32 to index
          %get3A_2356 = arith.constant 48 : index
          %get3A_2357 = tpu.vector_load %arg8[%get3A_2354, %get3A_2355, %get3A_2356] {strides = array<i32>} : memref<4x72x128xf32, #tpu.memory_space<vmem>>, vector<1x1x16xf32>,
          %get3A_2358 = vector.shape_cast %get3A_2357 : vector<1x1x16xf32> to vector<16xf32>
          %sub3A_2359 = arith.subf %get3A_2334, %get3A_2358 : vector<16xf32>
          %mul3A_2360 = arith.mulf %sub3A_2359, %sub3A_2359 : vector<16xf32>
          %add3A_2361 = arith.addf %add3A_2321, %mul3A_2360 : vector<16xf32>
          %get3A_2362 = arith.constant 3 : i32
          %get3A_2363 = arith.index_cast %get3A_2362 : i32 to index
          %get3A_2364 = arith.index_cast %scan3A_2207 : i32 to index
          %get3A_2365 = arith.constant 48 : index
          %get3A_2366 = tpu.vector_load %arg8[%get3A_2363, %get3A_2364, %get3A_2365] {strides = array<i32>} : memref<4x72x128xf32, #tpu.memory_space<vmem>>, vector<1x1x16xf32>,
          %get3A_2367 = vector.shape_cast %get3A_2366 : vector<1x1x16xf32> to vector<16xf32>
          %sub3A_2368 = arith.subf %get3A_2334, %get3A_2367 : vector<16xf32>
          %mul3A_2369 = arith.mulf %sub3A_2368, %sub3A_2368 : vector<16xf32>
          %add3A_2370 = arith.addf %add3A_2330, %mul3A_2369 : vector<16xf32>
          %get3A_2371 = arith.index_cast %scan3A_2207 : i32 to index
          %get3A_2372 = arith.constant 64 : index
          %get3A_2373 = tpu.vector_load %arg12[%get3A_2371, %get3A_2372] {strides = array<i32>} : memref<72x128xf32, #tpu.memory_space<vmem>>, vector<1x16xf32>,
          %get3A_2374 = vector.shape_cast %get3A_2373 : vector<1x16xf32> to vector<16xf32>
          %get3A_2375 = arith.constant 0 : i32
          %get3A_2376 = arith.index_cast %get3A_2375 : i32 to index
          %get3A_2377 = arith.index_cast %scan3A_2207 : i32 to index
          %get3A_2378 = arith.constant 64 : index
          %get3A_2379 = tpu.vector_load %arg8[%get3A_2376, %get3A_2377, %get3A_2378] {strides = array<i32>} : memref<4x72x128xf32, #tpu.memory_space<vmem>>, vector<1x1x16xf32>,
          %get3A_2380 = vector.shape_cast %get3A_2379 : vector<1x1x16xf32> to vector<16xf32>
          %sub3A_2381 = arith.subf %get3A_2374, %get3A_2380 : vector<16xf32>
          %mul3A_2382 = arith.mulf %sub3A_2381, %sub3A_2381 : vector<16xf32>
          %add3A_2383 = arith.addf %add3A_2343, %mul3A_2382 : vector<16xf32>
          %get3A_2384 = arith.constant 1 : i32
          %get3A_2385 = arith.index_cast %get3A_2384 : i32 to index
          %get3A_2386 = arith.index_cast %scan3A_2207 : i32 to index
          %get3A_2387 = arith.constant 64 : index
          %get3A_2388 = tpu.vector_load %arg8[%get3A_2385, %get3A_2386, %get3A_2387] {strides = array<i32>} : memref<4x72x128xf32, #tpu.memory_space<vmem>>, vector<1x1x16xf32>,
          %get3A_2389 = vector.shape_cast %get3A_2388 : vector<1x1x16xf32> to vector<16xf32>
          %sub3A_2390 = arith.subf %get3A_2374, %get3A_2389 : vector<16xf32>
          %mul3A_2391 = arith.mulf %sub3A_2390, %sub3A_2390 : vector<16xf32>
          %add3A_2392 = arith.addf %add3A_2352, %mul3A_2391 : vector<16xf32>
          %get3A_2393 = arith.constant 2 : i32
          %get3A_2394 = arith.index_cast %get3A_2393 : i32 to index
          %get3A_2395 = arith.index_cast %scan3A_2207 : i32 to index
          %get3A_2396 = arith.constant 64 : index
          %get3A_2397 = tpu.vector_load %arg8[%get3A_2394, %get3A_2395, %get3A_2396] {strides = array<i32>} : memref<4x72x128xf32, #tpu.memory_space<vmem>>, vector<1x1x16xf32>,
          %get3A_2398 = vector.shape_cast %get3A_2397 : vector<1x1x16xf32> to vector<16xf32>
          %sub3A_2399 = arith.subf %get3A_2374, %get3A_2398 : vector<16xf32>
          %mul3A_2400 = arith.mulf %sub3A_2399, %sub3A_2399 : vector<16xf32>
          %add3A_2401 = arith.addf %add3A_2361, %mul3A_2400 : vector<16xf32>
          %get3A_2402 = arith.constant 3 : i32
          %get3A_2403 = arith.index_cast %get3A_2402 : i32 to index
          %get3A_2404 = arith.index_cast %scan3A_2207 : i32 to index
          %get3A_2405 = arith.constant 64 : index
          %get3A_2406 = tpu.vector_load %arg8[%get3A_2403, %get3A_2404, %get3A_2405] {strides = array<i32>} : memref<4x72x128xf32, #tpu.memory_space<vmem>>, vector<1x1x16xf32>,
          %get3A_2407 = vector.shape_cast %get3A_2406 : vector<1x1x16xf32> to vector<16xf32>
          %sub3A_2408 = arith.subf %get3A_2374, %get3A_2407 : vector<16xf32>
          %mul3A_2409 = arith.mulf %sub3A_2408, %sub3A_2408 : vector<16xf32>
          %add3A_2410 = arith.addf %add3A_2370, %mul3A_2409 : vector<16xf32>
          %get3A_2411 = arith.index_cast %scan3A_2207 : i32 to index
          %get3A_2412 = arith.constant 80 : index
          %get3A_2413 = tpu.vector_load %arg12[%get3A_2411, %get3A_2412] {strides = array<i32>} : memref<72x128xf32, #tpu.memory_space<vmem>>, vector<1x16xf32>,
          %get3A_2414 = vector.shape_cast %get3A_2413 : vector<1x16xf32> to vector<16xf32>
          %get3A_2415 = arith.constant 0 : i32
          %get3A_2416 = arith.index_cast %get3A_2415 : i32 to index
          %get3A_2417 = arith.index_cast %scan3A_2207 : i32 to index
          %get3A_2418 = arith.constant 80 : index
          %get3A_2419 = tpu.vector_load %arg8[%get3A_2416, %get3A_2417, %get3A_2418] {strides = array<i32>} : memref<4x72x128xf32, #tpu.memory_space<vmem>>, vector<1x1x16xf32>,
          %get3A_2420 = vector.shape_cast %get3A_2419 : vector<1x1x16xf32> to vector<16xf32>
          %sub3A_2421 = arith.subf %get3A_2414, %get3A_2420 : vector<16xf32>
          %mul3A_2422 = arith.mulf %sub3A_2421, %sub3A_2421 : vector<16xf32>
          %add3A_2423 = arith.addf %add3A_2383, %mul3A_2422 : vector<16xf32>
          %get3A_2424 = arith.constant 1 : i32
          %get3A_2425 = arith.index_cast %get3A_2424 : i32 to index
          %get3A_2426 = arith.index_cast %scan3A_2207 : i32 to index
          %get3A_2427 = arith.constant 80 : index
          %get3A_2428 = tpu.vector_load %arg8[%get3A_2425, %get3A_2426, %get3A_2427] {strides = array<i32>} : memref<4x72x128xf32, #tpu.memory_space<vmem>>, vector<1x1x16xf32>,
          %get3A_2429 = vector.shape_cast %get3A_2428 : vector<1x1x16xf32> to vector<16xf32>
          %sub3A_2430 = arith.subf %get3A_2414, %get3A_2429 : vector<16xf32>
          %mul3A_2431 = arith.mulf %sub3A_2430, %sub3A_2430 : vector<16xf32>
          %add3A_2432 = arith.addf %add3A_2392, %mul3A_2431 : vector<16xf32>
          %get3A_2433 = arith.constant 2 : i32
          %get3A_2434 = arith.index_cast %get3A_2433 : i32 to index
          %get3A_2435 = arith.index_cast %scan3A_2207 : i32 to index
          %get3A_2436 = arith.constant 80 : index
          %get3A_2437 = tpu.vector_load %arg8[%get3A_2434, %get3A_2435, %get3A_2436] {strides = array<i32>} : memref<4x72x128xf32, #tpu.memory_space<vmem>>, vector<1x1x16xf32>,
          %get3A_2438 = vector.shape_cast %get3A_2437 : vector<1x1x16xf32> to vector<16xf32>
          %sub3A_2439 = arith.subf %get3A_2414, %get3A_2438 : vector<16xf32>
          %mul3A_2440 = arith.mulf %sub3A_2439, %sub3A_2439 : vector<16xf32>
          %add3A_2441 = arith.addf %add3A_2401, %mul3A_2440 : vector<16xf32>
          %get3A_2442 = arith.constant 3 : i32
          %get3A_2443 = arith.index_cast %get3A_2442 : i32 to index
          %get3A_2444 = arith.index_cast %scan3A_2207 : i32 to index
          %get3A_2445 = arith.constant 80 : index
          %get3A_2446 = tpu.vector_load %arg8[%get3A_2443, %get3A_2444, %get3A_2445] {strides = array<i32>} : memref<4x72x128xf32, #tpu.memory_space<vmem>>, vector<1x1x16xf32>,
          %get3A_2447 = vector.shape_cast %get3A_2446 : vector<1x1x16xf32> to vector<16xf32>
          %sub3A_2448 = arith.subf %get3A_2414, %get3A_2447 : vector<16xf32>
          %mul3A_2449 = arith.mulf %sub3A_2448, %sub3A_2448 : vector<16xf32>
          %add3A_2450 = arith.addf %add3A_2410, %mul3A_2449 : vector<16xf32>
          %get3A_2451 = arith.index_cast %scan3A_2207 : i32 to index
          %get3A_2452 = arith.constant 96 : index
          %get3A_2453 = tpu.vector_load %arg12[%get3A_2451, %get3A_2452] {strides = array<i32>} : memref<72x128xf32, #tpu.memory_space<vmem>>, vector<1x16xf32>,
          %get3A_2454 = vector.shape_cast %get3A_2453 : vector<1x16xf32> to vector<16xf32>
          %get3A_2455 = arith.constant 0 : i32
          %get3A_2456 = arith.index_cast %get3A_2455 : i32 to index
          %get3A_2457 = arith.index_cast %scan3A_2207 : i32 to index
          %get3A_2458 = arith.constant 96 : index
          %get3A_2459 = tpu.vector_load %arg8[%get3A_2456, %get3A_2457, %get3A_2458] {strides = array<i32>} : memref<4x72x128xf32, #tpu.memory_space<vmem>>, vector<1x1x16xf32>,
          %get3A_2460 = vector.shape_cast %get3A_2459 : vector<1x1x16xf32> to vector<16xf32>
          %sub3A_2461 = arith.subf %get3A_2454, %get3A_2460 : vector<16xf32>
          %mul3A_2462 = arith.mulf %sub3A_2461, %sub3A_2461 : vector<16xf32>
          %add3A_2463 = arith.addf %add3A_2423, %mul3A_2462 : vector<16xf32>
          %get3A_2464 = arith.constant 1 : i32
          %get3A_2465 = arith.index_cast %get3A_2464 : i32 to index
          %get3A_2466 = arith.index_cast %scan3A_2207 : i32 to index
          %get3A_2467 = arith.constant 96 : index
          %get3A_2468 = tpu.vector_load %arg8[%get3A_2465, %get3A_2466, %get3A_2467] {strides = array<i32>} : memref<4x72x128xf32, #tpu.memory_space<vmem>>, vector<1x1x16xf32>,
          %get3A_2469 = vector.shape_cast %get3A_2468 : vector<1x1x16xf32> to vector<16xf32>
          %sub3A_2470 = arith.subf %get3A_2454, %get3A_2469 : vector<16xf32>
          %mul3A_2471 = arith.mulf %sub3A_2470, %sub3A_2470 : vector<16xf32>
          %add3A_2472 = arith.addf %add3A_2432, %mul3A_2471 : vector<16xf32>
          %get3A_2473 = arith.constant 2 : i32
          %get3A_2474 = arith.index_cast %get3A_2473 : i32 to index
          %get3A_2475 = arith.index_cast %scan3A_2207 : i32 to index
          %get3A_2476 = arith.constant 96 : index
          %get3A_2477 = tpu.vector_load %arg8[%get3A_2474, %get3A_2475, %get3A_2476] {strides = array<i32>} : memref<4x72x128xf32, #tpu.memory_space<vmem>>, vector<1x1x16xf32>,
          %get3A_2478 = vector.shape_cast %get3A_2477 : vector<1x1x16xf32> to vector<16xf32>
          %sub3A_2479 = arith.subf %get3A_2454, %get3A_2478 : vector<16xf32>
          %mul3A_2480 = arith.mulf %sub3A_2479, %sub3A_2479 : vector<16xf32>
          %add3A_2481 = arith.addf %add3A_2441, %mul3A_2480 : vector<16xf32>
          %get3A_2482 = arith.constant 3 : i32
          %get3A_2483 = arith.index_cast %get3A_2482 : i32 to index
          %get3A_2484 = arith.index_cast %scan3A_2207 : i32 to index
          %get3A_2485 = arith.constant 96 : index
          %get3A_2486 = tpu.vector_load %arg8[%get3A_2483, %get3A_2484, %get3A_2485] {strides = array<i32>} : memref<4x72x128xf32, #tpu.memory_space<vmem>>, vector<1x1x16xf32>,
          %get3A_2487 = vector.shape_cast %get3A_2486 : vector<1x1x16xf32> to vector<16xf32>
          %sub3A_2488 = arith.subf %get3A_2454, %get3A_2487 : vector<16xf32>
          %mul3A_2489 = arith.mulf %sub3A_2488, %sub3A_2488 : vector<16xf32>
          %add3A_2490 = arith.addf %add3A_2450, %mul3A_2489 : vector<16xf32>
          %get3A_2491 = arith.index_cast %scan3A_2207 : i32 to index
          %get3A_2492 = arith.constant 112 : index
          %get3A_2493 = tpu.vector_load %arg12[%get3A_2491, %get3A_2492] {strides = array<i32>} : memref<72x128xf32, #tpu.memory_space<vmem>>, vector<1x16xf32>,
          %get3A_2494 = vector.shape_cast %get3A_2493 : vector<1x16xf32> to vector<16xf32>
          %get3A_2495 = arith.constant 0 : i32
          %get3A_2496 = arith.index_cast %get3A_2495 : i32 to index
          %get3A_2497 = arith.index_cast %scan3A_2207 : i32 to index
          %get3A_2498 = arith.constant 112 : index
          %get3A_2499 = tpu.vector_load %arg8[%get3A_2496, %get3A_2497, %get3A_2498] {strides = array<i32>} : memref<4x72x128xf32, #tpu.memory_space<vmem>>, vector<1x1x16xf32>,
          %get3A_2500 = vector.shape_cast %get3A_2499 : vector<1x1x16xf32> to vector<16xf32>
          %sub3A_2501 = arith.subf %get3A_2494, %get3A_2500 : vector<16xf32>
          %mul3A_2502 = arith.mulf %sub3A_2501, %sub3A_2501 : vector<16xf32>
          %add3A_2503 = arith.addf %add3A_2463, %mul3A_2502 : vector<16xf32>
          %get3A_2504 = arith.constant 1 : i32
          %get3A_2505 = arith.index_cast %get3A_2504 : i32 to index
          %get3A_2506 = arith.index_cast %scan3A_2207 : i32 to index
          %get3A_2507 = arith.constant 112 : index
          %get3A_2508 = tpu.vector_load %arg8[%get3A_2505, %get3A_2506, %get3A_2507] {strides = array<i32>} : memref<4x72x128xf32, #tpu.memory_space<vmem>>, vector<1x1x16xf32>,
          %get3A_2509 = vector.shape_cast %get3A_2508 : vector<1x1x16xf32> to vector<16xf32>
          %sub3A_2510 = arith.subf %get3A_2494, %get3A_2509 : vector<16xf32>
          %mul3A_2511 = arith.mulf %sub3A_2510, %sub3A_2510 : vector<16xf32>
          %add3A_2512 = arith.addf %add3A_2472, %mul3A_2511 : vector<16xf32>
          %get3A_2513 = arith.constant 2 : i32
          %get3A_2514 = arith.index_cast %get3A_2513 : i32 to index
          %get3A_2515 = arith.index_cast %scan3A_2207 : i32 to index
          %get3A_2516 = arith.constant 112 : index
          %get3A_2517 = tpu.vector_load %arg8[%get3A_2514, %get3A_2515, %get3A_2516] {strides = array<i32>} : memref<4x72x128xf32, #tpu.memory_space<vmem>>, vector<1x1x16xf32>,
          %get3A_2518 = vector.shape_cast %get3A_2517 : vector<1x1x16xf32> to vector<16xf32>
          %sub3A_2519 = arith.subf %get3A_2494, %get3A_2518 : vector<16xf32>
          %mul3A_2520 = arith.mulf %sub3A_2519, %sub3A_2519 : vector<16xf32>
          %add3A_2521 = arith.addf %add3A_2481, %mul3A_2520 : vector<16xf32>
          %get3A_2522 = arith.constant 3 : i32
          %get3A_2523 = arith.index_cast %get3A_2522 : i32 to index
          %get3A_2524 = arith.index_cast %scan3A_2207 : i32 to index
          %get3A_2525 = arith.constant 112 : index
          %get3A_2526 = tpu.vector_load %arg8[%get3A_2523, %get3A_2524, %get3A_2525] {strides = array<i32>} : memref<4x72x128xf32, #tpu.memory_space<vmem>>, vector<1x1x16xf32>,
          %get3A_2527 = vector.shape_cast %get3A_2526 : vector<1x1x16xf32> to vector<16xf32>
          %sub3A_2528 = arith.subf %get3A_2494, %get3A_2527 : vector<16xf32>
          %mul3A_2529 = arith.mulf %sub3A_2528, %sub3A_2528 : vector<16xf32>
          %add3A_2530 = arith.addf %add3A_2490, %mul3A_2529 : vector<16xf32>
          scf.yield %add3A_2503, %add3A_2512, %add3A_2521, %add3A_2530 : vector<16xf32>, vector<16xf32>, vector<16xf32>, vector<16xf32>
        }
        %scan3A_2174 = arith.constant 72 : i32
        %add3A_2175 = arith.addi %mul3A_36, %scan3A_2113 : i32
        %swap3A_2176 = arith.constant 0 : i32
        %swap3A_2177 = arith.index_cast %swap3A_2176 : i32 to index
        %swap3A_2178 = arith.index_cast %add3A_2175 : i32 to index
        %swap3A_2179 = arith.constant 0 : index
        %swap3A_2180 = tpu.vector_load %arg13[%swap3A_2177, %swap3A_2178, %swap3A_2179] {strides = array<i32>} : memref<4x32x16xf32, #tpu.memory_space<vmem>>, vector<1x1x16xf32>,
        %swap3A_2181 = vector.shape_cast %swap3A_2180 : vector<1x1x16xf32> to vector<16xf32>
        %swap3A_2182 = vector.shape_cast %scan3A_2173#0 : vector<16xf32> to vector<1x1x16xf32>
        tpu.vector_store %arg13[%swap3A_2177, %swap3A_2178, %swap3A_2179], %swap3A_2182 {strides = array<i32>} : memref<4x32x16xf32, #tpu.memory_space<vmem>>, vector<1x1x16xf32>,
        %add3A_2183 = arith.addi %mul3A_36, %scan3A_2113 : i32
        %swap3A_2184 = arith.constant 1 : i32
        %swap3A_2185 = arith.index_cast %swap3A_2184 : i32 to index
        %swap3A_2186 = arith.index_cast %add3A_2183 : i32 to index
        %swap3A_2187 = arith.constant 0 : index
        %swap3A_2188 = tpu.vector_load %arg13[%swap3A_2185, %swap3A_2186, %swap3A_2187] {strides = array<i32>} : memref<4x32x16xf32, #tpu.memory_space<vmem>>, vector<1x1x16xf32>,
        %swap3A_2189 = vector.shape_cast %swap3A_2188 : vector<1x1x16xf32> to vector<16xf32>
        %swap3A_2190 = vector.shape_cast %scan3A_2173#1 : vector<16xf32> to vector<1x1x16xf32>
        tpu.vector_store %arg13[%swap3A_2185, %swap3A_2186, %swap3A_2187], %swap3A_2190 {strides = array<i32>} : memref<4x32x16xf32, #tpu.memory_space<vmem>>, vector<1x1x16xf32>,
        %add3A_2191 = arith.addi %mul3A_36, %scan3A_2113 : i32
        %swap3A_2192 = arith.constant 2 : i32
        %swap3A_2193 = arith.index_cast %swap3A_2192 : i32 to index
        %swap3A_2194 = arith.index_cast %add3A_2191 : i32 to index
        %swap3A_2195 = arith.constant 0 : index
        %swap3A_2196 = tpu.vector_load %arg13[%swap3A_2193, %swap3A_2194, %swap3A_2195] {strides = array<i32>} : memref<4x32x16xf32, #tpu.memory_space<vmem>>, vector<1x1x16xf32>,
        %swap3A_2197 = vector.shape_cast %swap3A_2196 : vector<1x1x16xf32> to vector<16xf32>
        %swap3A_2198 = vector.shape_cast %scan3A_2173#2 : vector<16xf32> to vector<1x1x16xf32>
        tpu.vector_store %arg13[%swap3A_2193, %swap3A_2194, %swap3A_2195], %swap3A_2198 {strides = array<i32>} : memref<4x32x16xf32, #tpu.memory_space<vmem>>, vector<1x1x16xf32>,
        %add3A_2199 = arith.addi %mul3A_36, %scan3A_2113 : i32
        %swap3A_2200 = arith.constant 3 : i32
        %swap3A_2201 = arith.index_cast %swap3A_2200 : i32 to index
        %swap3A_2202 = arith.index_cast %add3A_2199 : i32 to index
        %swap3A_2203 = arith.constant 0 : index
        %swap3A_2204 = tpu.vector_load %arg13[%swap3A_2201, %swap3A_2202, %swap3A_2203] {strides = array<i32>} : memref<4x32x16xf32, #tpu.memory_space<vmem>>, vector<1x1x16xf32>,
        %swap3A_2205 = vector.shape_cast %swap3A_2204 : vector<1x1x16xf32> to vector<16xf32>
        %swap3A_2206 = vector.shape_cast %scan3A_2173#3 : vector<16xf32> to vector<1x1x16xf32>
        tpu.vector_store %arg13[%swap3A_2201, %swap3A_2202, %swap3A_2203], %swap3A_2206 {strides = array<i32>} : memref<4x32x16xf32, #tpu.memory_space<vmem>>, vector<1x1x16xf32>,
      } else {
      }
      %scan3A_2155 = arith.constant 0 : i32
      scf.yield %scan3A_2155 : i32
    }
    %scan3A_2111 = arith.constant 15 : i32
    %run_scoped3A_2112 = arith.constant 1 : i32
    "tpu.region"() ({
      %run_scoped3A_2113 = tpu.sem_alloc : memref<!tpu.dma_semaphore, #tpu.memory_space<semaphore_mem>>
      %dma_start3A_2114 = arith.constant 0 : i32
      %dma_start3A_2115 = arith.constant 0 : i32
      %dma_start3A_2116 = arith.constant 0 : i32
      %dma_start3A_2117 = tpu.memref_slice %arg6[%run_scoped3A_2112, %add3A, %dma_start3A_2114, %dma_start3A_2115, %dma_start3A_2116] : memref<2x32x4x32x16xf32, #tpu.memory_space<hbm>> -> memref<1x1x4x32x16xf32, #tpu.memory_space<hbm>>
      %dma_start3A_2118 = tpu.memref_squeeze %dma_start3A_2117 : memref<1x1x4x32x16xf32, #tpu.memory_space<hbm>> -> memref<4x32x16xf32, #tpu.memory_space<hbm>>
      %dma_start3A_2119 = arith.constant 0 : i32
      %dma_start3A_2120 = arith.constant 0 : i32
      %dma_start3A_2121 = arith.constant 0 : i32
      %dma_start3A_2122 = tpu.memref_slice %arg6[%run_scoped3A_2112, %add3A, %dma_start3A_2119, %dma_start3A_2120, %dma_start3A_2121] : memref<2x32x4x32x16xf32, #tpu.memory_space<hbm>> -> memref<1x1x4x32x16xf32, #tpu.memory_space<hbm>>
      %dma_start3A_2123 = tpu.memref_squeeze %dma_start3A_2122 : memref<1x1x4x32x16xf32, #tpu.memory_space<hbm>> -> memref<4x32x16xf32, #tpu.memory_space<hbm>>
      tpu.enqueue_dma source(%arg13 : memref<4x32x16xf32, #tpu.memory_space<vmem>>) target(%dma_start3A_2123 : memref<4x32x16xf32, #tpu.memory_space<hbm>>) target_semaphore(%run_scoped3A_2113 : memref<!tpu.dma_semaphore, #tpu.memory_space<semaphore_mem>>)
      %dma_wait3A = arith.constant 0 : i32
      %dma_wait3A_2124 = arith.constant 0 : i32
      %dma_wait3A_2125 = arith.constant 0 : i32
      %dma_wait3A_2126 = tpu.memref_slice %arg6[%run_scoped3A_2112, %add3A, %dma_wait3A, %dma_wait3A_2124, %dma_wait3A_2125] : memref<2x32x4x32x16xf32, #tpu.memory_space<hbm>> -> memref<1x1x4x32x16xf32, #tpu.memory_space<hbm>>
      %dma_wait3A_2127 = tpu.memref_squeeze %dma_wait3A_2126 : memref<1x1x4x32x16xf32, #tpu.memory_space<hbm>> -> memref<4x32x16xf32, #tpu.memory_space<hbm>>
      %dma_wait3A_2128 = arith.constant 0 : i32
      %dma_wait3A_2129 = arith.constant 0 : i32
      %dma_wait3A_2130 = arith.constant 0 : i32
      %dma_wait3A_2131 = tpu.memref_slice %arg6[%run_scoped3A_2112, %add3A, %dma_wait3A_2128, %dma_wait3A_2129, %dma_wait3A_2130] : memref<2x32x4x32x16xf32, #tpu.memory_space<hbm>> -> memref<1x1x4x32x16xf32, #tpu.memory_space<hbm>>
      %dma_wait3A_2132 = tpu.memref_squeeze %dma_wait3A_2131 : memref<1x1x4x32x16xf32, #tpu.memory_space<hbm>> -> memref<4x32x16xf32, #tpu.memory_space<hbm>>
      tpu.wait_dma2 semaphore(%run_scoped3A_2113 : memref<!tpu.dma_semaphore, #tpu.memory_space<semaphore_mem>>) src(%arg13 : memref<4x32x16xf32, #tpu.memory_space<vmem>>) dst(%dma_wait3A_2132 : memref<4x32x16xf32, #tpu.memory_space<hbm>>)
      tpu.yield
    }) : () -> ()
    return
  }
}

module attributes {stable_mosaic.version = 14 : i64} {
  func.func @_dist_body(%arg0: i32, %arg1: memref<4x4x96x96xf32, #tpu.memory_space<vmem>>, %arg2: memref<30x4x96x96xf32, #tpu.memory_space<vmem>>, %arg3: memref<4x30xf32, #tpu.memory_space<vmem>>) attributes {dimension_semantics = [#tpu.dimension_semantics<arbitrary>], iteration_bounds = array<i64: 16>, scalar_prefetch = 0 : i64, scratch_operands = 0 : i64, tpu.core_type = #tpu.core_type<tc>, window_params = [{transform_indices = @transform_0, window_bounds = array<i64: 4, 4, 96, 96>}, {transform_indices = @transform_1, window_bounds = array<i64: 30, 4, 96, 96>}, {pipeline_mode = #tpu.pipeline_mode<synchronous>, transform_indices = @transform_2, window_bounds = array<i64: 4, 30>}]} {
    %eq3A = arith.constant 0 : i32
    %eq3A_0 = arith.cmpi eq, %arg0, %eq3A : i32
    %convert_element_type3A = arith.extui %eq3A_0 : i1 to i32
    %cond3A = arith.constant 0 : i32
    %cond3A_1 = arith.cmpi ne, %convert_element_type3A, %cond3A : i32
    scf.if %cond3A_1 {
      %broadcast_in_dim3A = arith.constant 0.000000e+00 : f32
      %broadcast_in_dim3A_81 = vector.broadcast %broadcast_in_dim3A : f32 to vector<4x30xf32>
      %swap3A_82 = arith.constant 0 : index
      %swap3A_83 = arith.constant 0 : index
      %swap3A_84 = vector.load %arg3[%swap3A_82, %swap3A_83] : memref<4x30xf32, #tpu.memory_space<vmem>>, vector<4x30xf32>
      tpu.vector_store %arg3[%swap3A_82, %swap3A_83], %broadcast_in_dim3A_81 {strides = array<i32>} : memref<4x30xf32, #tpu.memory_space<vmem>>, vector<4x30xf32>,
    } else {
    }
    %get3A = arith.constant 0 : index
    %get3A_2 = arith.constant 0 : index
    %get3A_3 = arith.constant 0 : index
    %get3A_4 = arith.constant 0 : index
    %get3A_5 = vector.load %arg2[%get3A, %get3A_2, %get3A_3, %get3A_4] : memref<30x4x96x96xf32, #tpu.memory_space<vmem>>, vector<30x4x96x96xf32>
    %get3A_6 = arith.constant 0 : index
    %get3A_7 = arith.constant 0 : index
    %get3A_8 = arith.constant 0 : index
    %get3A_9 = arith.constant 0 : index
    %get3A_10 = vector.load %arg1[%get3A_6, %get3A_7, %get3A_8, %get3A_9] : memref<4x4x96x96xf32, #tpu.memory_space<vmem>>, vector<1x4x96x96xf32>
    %sub3A = vector.broadcast %get3A_10 : vector<1x4x96x96xf32> to vector<30x4x96x96xf32>
    %sub3A_11 = arith.subf %get3A_5, %sub3A : vector<30x4x96x96xf32>
    %get3A_12 = arith.constant 0 : index
    %get3A_13 = arith.constant 0 : index
    %get3A_14 = vector.load %arg3[%get3A_12, %get3A_13] : memref<4x30xf32, #tpu.memory_space<vmem>>, vector<1x30xf32>
    %get3A_15 = vector.shape_cast %get3A_14 : vector<1x30xf32> to vector<30xf32>
    %mul3A = arith.mulf %sub3A_11, %sub3A_11 : vector<30x4x96x96xf32>
    %reduce_sum3A = arith.constant dense<0.000000e+00> : vector<30xf32>
    %reduce_sum3A_16 = vector.multi_reduction <add>, %mul3A, %reduce_sum3A [1, 2, 3] : vector<30x4x96x96xf32> to vector<30xf32>
    %add3A = arith.addf %get3A_15, %reduce_sum3A_16 : vector<30xf32>
    %swap3A = arith.constant 0 : index
    %swap3A_17 = arith.constant 0 : index
    %swap3A_18 = vector.load %arg3[%swap3A, %swap3A_17] : memref<4x30xf32, #tpu.memory_space<vmem>>, vector<1x30xf32>
    %swap3A_19 = vector.shape_cast %swap3A_18 : vector<1x30xf32> to vector<30xf32>
    %swap3A_20 = vector.shape_cast %add3A : vector<30xf32> to vector<1x30xf32>
    tpu.vector_store %arg3[%swap3A, %swap3A_17], %swap3A_20 {strides = array<i32>} : memref<4x30xf32, #tpu.memory_space<vmem>>, vector<1x30xf32>,
    %get3A_21 = arith.constant 1 : index
    %get3A_22 = arith.constant 0 : index
    %get3A_23 = arith.constant 0 : index
    %get3A_24 = arith.constant 0 : index
    %get3A_25 = vector.load %arg1[%get3A_21, %get3A_22, %get3A_23, %get3A_24] : memref<4x4x96x96xf32, #tpu.memory_space<vmem>>, vector<1x4x96x96xf32>
    %sub3A_26 = vector.broadcast %get3A_25 : vector<1x4x96x96xf32> to vector<30x4x96x96xf32>
    %sub3A_27 = arith.subf %get3A_5, %sub3A_26 : vector<30x4x96x96xf32>
    %get3A_28 = arith.constant 1 : index
    %get3A_29 = arith.constant 0 : index
    %get3A_30 = vector.load %arg3[%get3A_28, %get3A_29] : memref<4x30xf32, #tpu.memory_space<vmem>>, vector<1x30xf32>
    %get3A_31 = vector.shape_cast %get3A_30 : vector<1x30xf32> to vector<30xf32>
    %mul3A_32 = arith.mulf %sub3A_27, %sub3A_27 : vector<30x4x96x96xf32>
    %reduce_sum3A_33 = arith.constant dense<0.000000e+00> : vector<30xf32>
    %reduce_sum3A_34 = vector.multi_reduction <add>, %mul3A_32, %reduce_sum3A_33 [1, 2, 3] : vector<30x4x96x96xf32> to vector<30xf32>
    %add3A_35 = arith.addf %get3A_31, %reduce_sum3A_34 : vector<30xf32>
    %swap3A_36 = arith.constant 1 : index
    %swap3A_37 = arith.constant 0 : index
    %swap3A_38 = vector.load %arg3[%swap3A_36, %swap3A_37] : memref<4x30xf32, #tpu.memory_space<vmem>>, vector<1x30xf32>
    %swap3A_39 = vector.shape_cast %swap3A_38 : vector<1x30xf32> to vector<30xf32>
    %swap3A_40 = vector.shape_cast %add3A_35 : vector<30xf32> to vector<1x30xf32>
    tpu.vector_store %arg3[%swap3A_36, %swap3A_37], %swap3A_40 {strides = array<i32>} : memref<4x30xf32, #tpu.memory_space<vmem>>, vector<1x30xf32>,
    %get3A_41 = arith.constant 2 : index
    %get3A_42 = arith.constant 0 : index
    %get3A_43 = arith.constant 0 : index
    %get3A_44 = arith.constant 0 : index
    %get3A_45 = vector.load %arg1[%get3A_41, %get3A_42, %get3A_43, %get3A_44] : memref<4x4x96x96xf32, #tpu.memory_space<vmem>>, vector<1x4x96x96xf32>
    %sub3A_46 = vector.broadcast %get3A_45 : vector<1x4x96x96xf32> to vector<30x4x96x96xf32>
    %sub3A_47 = arith.subf %get3A_5, %sub3A_46 : vector<30x4x96x96xf32>
    %get3A_48 = arith.constant 2 : index
    %get3A_49 = arith.constant 0 : index
    %get3A_50 = vector.load %arg3[%get3A_48, %get3A_49] : memref<4x30xf32, #tpu.memory_space<vmem>>, vector<1x30xf32>
    %get3A_51 = vector.shape_cast %get3A_50 : vector<1x30xf32> to vector<30xf32>
    %mul3A_52 = arith.mulf %sub3A_47, %sub3A_47 : vector<30x4x96x96xf32>
    %reduce_sum3A_53 = arith.constant dense<0.000000e+00> : vector<30xf32>
    %reduce_sum3A_54 = vector.multi_reduction <add>, %mul3A_52, %reduce_sum3A_53 [1, 2, 3] : vector<30x4x96x96xf32> to vector<30xf32>
    %add3A_55 = arith.addf %get3A_51, %reduce_sum3A_54 : vector<30xf32>
    %swap3A_56 = arith.constant 2 : index
    %swap3A_57 = arith.constant 0 : index
    %swap3A_58 = vector.load %arg3[%swap3A_56, %swap3A_57] : memref<4x30xf32, #tpu.memory_space<vmem>>, vector<1x30xf32>
    %swap3A_59 = vector.shape_cast %swap3A_58 : vector<1x30xf32> to vector<30xf32>
    %swap3A_60 = vector.shape_cast %add3A_55 : vector<30xf32> to vector<1x30xf32>
    tpu.vector_store %arg3[%swap3A_56, %swap3A_57], %swap3A_60 {strides = array<i32>} : memref<4x30xf32, #tpu.memory_space<vmem>>, vector<1x30xf32>,
    %get3A_61 = arith.constant 3 : index
    %get3A_62 = arith.constant 0 : index
    %get3A_63 = arith.constant 0 : index
    %get3A_64 = arith.constant 0 : index
    %get3A_65 = vector.load %arg1[%get3A_61, %get3A_62, %get3A_63, %get3A_64] : memref<4x4x96x96xf32, #tpu.memory_space<vmem>>, vector<1x4x96x96xf32>
    %sub3A_66 = vector.broadcast %get3A_65 : vector<1x4x96x96xf32> to vector<30x4x96x96xf32>
    %sub3A_67 = arith.subf %get3A_5, %sub3A_66 : vector<30x4x96x96xf32>
    %get3A_68 = arith.constant 3 : index
    %get3A_69 = arith.constant 0 : index
    %get3A_70 = vector.load %arg3[%get3A_68, %get3A_69] : memref<4x30xf32, #tpu.memory_space<vmem>>, vector<1x30xf32>
    %get3A_71 = vector.shape_cast %get3A_70 : vector<1x30xf32> to vector<30xf32>
    %mul3A_72 = arith.mulf %sub3A_67, %sub3A_67 : vector<30x4x96x96xf32>
    %reduce_sum3A_73 = arith.constant dense<0.000000e+00> : vector<30xf32>
    %reduce_sum3A_74 = vector.multi_reduction <add>, %mul3A_72, %reduce_sum3A_73 [1, 2, 3] : vector<30x4x96x96xf32> to vector<30xf32>
    %add3A_75 = arith.addf %get3A_71, %reduce_sum3A_74 : vector<30xf32>
    %swap3A_76 = arith.constant 3 : index
    %swap3A_77 = arith.constant 0 : index
    %swap3A_78 = vector.load %arg3[%swap3A_76, %swap3A_77] : memref<4x30xf32, #tpu.memory_space<vmem>>, vector<1x30xf32>
    %swap3A_79 = vector.shape_cast %swap3A_78 : vector<1x30xf32> to vector<30xf32>
    %swap3A_80 = vector.shape_cast %add3A_75 : vector<30xf32> to vector<1x30xf32>
    tpu.vector_store %arg3[%swap3A_76, %swap3A_77], %swap3A_80 {strides = array<i32>} : memref<4x30xf32, #tpu.memory_space<vmem>>, vector<1x30xf32>,
    return
  }
  func.func @transform_0(%arg0: i32) -> (i32, i32, i32, i32) {
    %c0_i32 = arith.constant 0 : i32
    %c0_i32_0 = arith.constant 0 : i32
    %c0_i32_1 = arith.constant 0 : i32
    %c0_i32_2 = arith.constant 0 : i32
    return %c0_i32, %arg0, %c0_i32_0, %c0_i32_1 : i32, i32, i32, i32
  }
  func.func @transform_1(%arg0: i32) -> (i32, i32, i32, i32) {
    %c0_i32 = arith.constant 0 : i32
    %c0_i32_0 = arith.constant 0 : i32
    %c0_i32_1 = arith.constant 0 : i32
    %c0_i32_2 = arith.constant 0 : i32
    return %c0_i32, %arg0, %c0_i32_0, %c0_i32_1 : i32, i32, i32, i32
  }
  func.func @transform_2(%arg0: i32) -> (i32, i32) {
    %c0_i32 = arith.constant 0 : i32
    %c0_i32_0 = arith.constant 0 : i32
    %c0_i32_1 = arith.constant 0 : i32
    return %c0_i32, %c0_i32_0 : i32, i32
  }
}

module attributes {stable_mosaic.version = 14 : i64} {
  func.func @_argmin_body(%arg0: memref<4x30xf32, #tpu.memory_space<vmem>>, %arg1: memref<2x32x4x32x16xf32, #tpu.memory_space<vmem>>, %arg2: memref<4x1xi32, #tpu.memory_space<vmem>>) attributes {dimension_semantics = [], scalar_prefetch = 0 : i64, scratch_operands = 0 : i64, tpu.core_type = #tpu.core_type<tc>} {
    %get3A = arith.constant 0 : index
    %get3A_0 = arith.constant 0 : index
    %get3A_1 = vector.load %arg0[%get3A, %get3A_0] : memref<4x30xf32, #tpu.memory_space<vmem>>, vector<4x30xf32>
    %get3A_2 = arith.constant 0 : index
    %get3A_3 = arith.constant 0 : index
    %get3A_4 = arith.constant 0 : index
    %get3A_5 = arith.constant 0 : index
    %get3A_6 = arith.constant 0 : index
    %get3A_7 = vector.load %arg1[%get3A_2, %get3A_3, %get3A_4, %get3A_5, %get3A_6] : memref<2x32x4x32x16xf32, #tpu.memory_space<vmem>>, vector<2x32x4x32x16xf32>
    %reduce_sum3A = arith.constant dense<0.000000e+00> : vector<2x4x32xf32>
    %reduce_sum3A_8 = vector.multi_reduction <add>, %get3A_7, %reduce_sum3A [1, 4] : vector<2x32x4x32x16xf32> to vector<2x4x32xf32>
    %mul3A = arith.constant 1.69542102E-6 : f32
    %mul3A_9 = vector.broadcast %mul3A : f32 to vector<4x30xf32>
    %mul3A_10 = arith.mulf %get3A_1, %mul3A_9 : vector<4x30xf32>
    %slice3A = vector.extract_strided_slice %reduce_sum3A_8 {offsets = [0, 0, 0], sizes = [1, 4, 32], strides = [1, 1, 1]} : vector<2x4x32xf32> to vector<1x4x32xf32>
    %squeeze3A = vector.shape_cast %slice3A : vector<1x4x32xf32> to vector<4x32xf32>
    %slice3A_11 = vector.extract_strided_slice %squeeze3A {offsets = [0, 0], sizes = [4, 30], strides = [1, 1]} : vector<4x32xf32> to vector<4x30xf32>
    %mul3A_12 = arith.constant 3.39084204E-6 : f32
    %mul3A_13 = vector.broadcast %mul3A_12 : f32 to vector<4x30xf32>
    %mul3A_14 = arith.mulf %slice3A_11, %mul3A_13 : vector<4x30xf32>
    %add3A = arith.addf %mul3A_10, %mul3A_14 : vector<4x30xf32>
    %slice3A_15 = vector.extract_strided_slice %reduce_sum3A_8 {offsets = [1, 0, 0], sizes = [1, 4, 32], strides = [1, 1, 1]} : vector<2x4x32xf32> to vector<1x4x32xf32>
    %squeeze3A_16 = vector.shape_cast %slice3A_15 : vector<1x4x32xf32> to vector<4x32xf32>
    %slice3A_17 = vector.extract_strided_slice %squeeze3A_16 {offsets = [0, 0], sizes = [4, 30], strides = [1, 1]} : vector<4x32xf32> to vector<4x30xf32>
    %mul3A_18 = arith.constant 6.78168407E-6 : f32
    %mul3A_19 = vector.broadcast %mul3A_18 : f32 to vector<4x30xf32>
    %mul3A_20 = arith.mulf %slice3A_17, %mul3A_19 : vector<4x30xf32>
    %add3A_21 = arith.addf %add3A, %mul3A_20 : vector<4x30xf32>
    %reduce_min3A = arith.constant dense<0x7F800000> : vector<4xf32>
    %reduce_min3A_22 = vector.multi_reduction <minimumf>, %add3A_21, %reduce_min3A [1] : vector<4x30xf32> to vector<4xf32>
    %broadcast_in_dim3A = vector.shape_cast %reduce_min3A_22 : vector<4xf32> to vector<4x1xf32>
    %iota3A = tpu.iota {dimensions = array<i32: 1>} : vector<4x30xi32>
    %eq3A = vector.broadcast %broadcast_in_dim3A : vector<4x1xf32> to vector<4x30xf32>
    %eq3A_23 = arith.cmpf oeq, %add3A_21, %eq3A : vector<4x30xf32>
    %jit3A = arith.constant 30 : i32
    %broadcast_in_dim3A_24 = vector.broadcast %jit3A : i32 to vector<4x30xi32>
    %select_n3A = arith.select %eq3A_23, %iota3A, %broadcast_in_dim3A_24 : vector<4x30xi1>, vector<4x30xi32>
    %reduce_min3A_25 = arith.constant dense<2147483647> : vector<4xi32>
    %reduce_min3A_26 = vector.multi_reduction <minsi>, %select_n3A, %reduce_min3A_25 [1] : vector<4x30xi32> to vector<4xi32>
    %broadcast_in_dim3A_27 = vector.shape_cast %reduce_min3A_26 : vector<4xi32> to vector<4x1xi32>
    %swap3A = arith.constant 0 : index
    %swap3A_28 = arith.constant 0 : index
    %swap3A_29 = vector.load %arg2[%swap3A, %swap3A_28] : memref<4x1xi32, #tpu.memory_space<vmem>>, vector<4x1xi32>
    tpu.vector_store %arg2[%swap3A, %swap3A_28], %broadcast_in_dim3A_27 {strides = array<i32>} : memref<4x1xi32, #tpu.memory_space<vmem>>, vector<4x1xi32>,
    return
  }
}

module attributes {stable_mosaic.version = 14 : i64} {
  func.func @_gather_cfirst_body(%arg0: i32, %arg1: i32, %arg2: memref<4xi32, #tpu.memory_space<smem>>, %arg3: memref<1x16x96x96xf32, #tpu.memory_space<vmem>>, %arg4: memref<1x16x96x96xf32, #tpu.memory_space<vmem>>, %arg5: memref<1x2x16x96x96xf32, #tpu.memory_space<vmem>>) attributes {dimension_semantics = [#tpu.dimension_semantics<arbitrary>, #tpu.dimension_semantics<arbitrary>], iteration_bounds = array<i64: 4, 4>, scalar_prefetch = 1 : i64, scratch_operands = 0 : i64, tpu.core_type = #tpu.core_type<tc>, window_params = [{transform_indices = @transform_0, window_bounds = array<i64: 1, 16, 96, 96>}, {transform_indices = @transform_1, window_bounds = array<i64: 1, 16, 96, 96>}, {transform_indices = @transform_2, window_bounds = array<i64: 1, 2, 16, 96, 96>}]} {
    %get3A = arith.constant 0 : index
    %get3A_0 = arith.constant 0 : index
    %get3A_1 = arith.constant 0 : index
    %get3A_2 = arith.constant 0 : index
    %get3A_3 = vector.load %arg3[%get3A, %get3A_0, %get3A_1, %get3A_2] : memref<1x16x96x96xf32, #tpu.memory_space<vmem>>, vector<1x16x96x96xf32>
    %get3A_4 = vector.shape_cast %get3A_3 : vector<1x16x96x96xf32> to vector<16x96x96xf32>
    %get3A_5 = arith.constant 0 : index
    %get3A_6 = arith.constant 0 : index
    %get3A_7 = arith.constant 0 : index
    %get3A_8 = arith.constant 0 : index
    %get3A_9 = vector.load %arg4[%get3A_5, %get3A_6, %get3A_7, %get3A_8] : memref<1x16x96x96xf32, #tpu.memory_space<vmem>>, vector<1x16x96x96xf32>
    %get3A_10 = vector.shape_cast %get3A_9 : vector<1x16x96x96xf32> to vector<16x96x96xf32>
    %swap3A = arith.constant 0 : index
    %swap3A_11 = arith.constant 0 : index
    %swap3A_12 = arith.constant 0 : index
    %swap3A_13 = arith.constant 0 : index
    %swap3A_14 = arith.constant 0 : index
    %swap3A_15 = vector.load %arg5[%swap3A, %swap3A_11, %swap3A_12, %swap3A_13, %swap3A_14] : memref<1x2x16x96x96xf32, #tpu.memory_space<vmem>>, vector<1x1x16x96x96xf32>
    %swap3A_16 = vector.shape_cast %swap3A_15 : vector<1x1x16x96x96xf32> to vector<16x96x96xf32>
    %swap3A_17 = vector.shape_cast %get3A_4 : vector<16x96x96xf32> to vector<1x1x16x96x96xf32>
    tpu.vector_store %arg5[%swap3A, %swap3A_11, %swap3A_12, %swap3A_13, %swap3A_14], %swap3A_17 {strides = array<i32>} : memref<1x2x16x96x96xf32, #tpu.memory_space<vmem>>, vector<1x1x16x96x96xf32>,
    %sub3A = arith.subf %get3A_10, %get3A_4 : vector<16x96x96xf32>
    %mul3A = arith.mulf %sub3A, %sub3A : vector<16x96x96xf32>
    %swap3A_18 = arith.constant 0 : index
    %swap3A_19 = arith.constant 1 : index
    %swap3A_20 = arith.constant 0 : index
    %swap3A_21 = arith.constant 0 : index
    %swap3A_22 = arith.constant 0 : index
    %swap3A_23 = vector.load %arg5[%swap3A_18, %swap3A_19, %swap3A_20, %swap3A_21, %swap3A_22] : memref<1x2x16x96x96xf32, #tpu.memory_space<vmem>>, vector<1x1x16x96x96xf32>
    %swap3A_24 = vector.shape_cast %swap3A_23 : vector<1x1x16x96x96xf32> to vector<16x96x96xf32>
    %swap3A_25 = vector.shape_cast %mul3A : vector<16x96x96xf32> to vector<1x1x16x96x96xf32>
    tpu.vector_store %arg5[%swap3A_18, %swap3A_19, %swap3A_20, %swap3A_21, %swap3A_22], %swap3A_25 {strides = array<i32>} : memref<1x2x16x96x96xf32, #tpu.memory_space<vmem>>, vector<1x1x16x96x96xf32>,
    return
  }
  func.func @transform_0(%arg0: i32, %arg1: i32, %arg2: memref<4xi32, #tpu.memory_space<smem>>) -> (i32, i32, i32, i32) {
    %c0_i32 = arith.constant 0 : i32
    %c0_i32_0 = arith.constant 0 : i32
    %c0_i32_1 = arith.constant 0 : i32
    return %arg0, %arg1, %c0_i32, %c0_i32_0 : i32, i32, i32, i32
  }
  func.func @transform_1(%arg0: i32, %arg1: i32, %arg2: memref<4xi32, #tpu.memory_space<smem>>) -> (i32, i32, i32, i32) {
    %get3A = arith.index_cast %arg0 : i32 to index
    %get3A_0 = memref.load %arg2[%get3A] : memref<4xi32, #tpu.memory_space<smem>>
    %c0_i32 = arith.constant 0 : i32
    %c0_i32_1 = arith.constant 0 : i32
    %c0_i32_2 = arith.constant 0 : i32
    return %get3A_0, %arg1, %c0_i32, %c0_i32_1 : i32, i32, i32, i32
  }
  func.func @transform_2(%arg0: i32, %arg1: i32, %arg2: memref<4xi32, #tpu.memory_space<smem>>) -> (i32, i32, i32, i32, i32) {
    %c0_i32 = arith.constant 0 : i32
    %c0_i32_0 = arith.constant 0 : i32
    %c0_i32_1 = arith.constant 0 : i32
    %c0_i32_2 = arith.constant 0 : i32
    return %arg0, %c0_i32, %arg1, %c0_i32_0, %c0_i32_1 : i32, i32, i32, i32, i32
  }
}

module attributes {stable_mosaic.version = 14 : i64} {
  func.func @_gather_clast_body(%arg0: i32, %arg1: i32, %arg2: memref<4xi32, #tpu.memory_space<smem>>, %arg3: memref<1x12x24x256xf32, #tpu.memory_space<vmem>>, %arg4: memref<1x12x24x256xf32, #tpu.memory_space<vmem>>, %arg5: memref<1x12x3x4x8x128xf32, #tpu.memory_space<vmem>>) attributes {dimension_semantics = [#tpu.dimension_semantics<arbitrary>, #tpu.dimension_semantics<arbitrary>], iteration_bounds = array<i64: 4, 2>, scalar_prefetch = 1 : i64, scratch_operands = 0 : i64, tpu.core_type = #tpu.core_type<tc>, window_params = [{transform_indices = @transform_0, window_bounds = array<i64: 1, 12, 24, 256>}, {transform_indices = @transform_1, window_bounds = array<i64: 1, 12, 24, 256>}, {transform_indices = @transform_2, window_bounds = array<i64: 1, 12, 3, 4, 8, 128>}]} {
    %get3A = arith.constant 0 : index
    %get3A_0 = arith.constant 0 : index
    %get3A_1 = arith.constant 0 : index
    %get3A_2 = arith.constant 0 : index
    %get3A_3 = vector.load %arg3[%get3A, %get3A_0, %get3A_1, %get3A_2] : memref<1x12x24x256xf32, #tpu.memory_space<vmem>>, vector<1x12x24x256xf32>
    %get3A_4 = vector.shape_cast %get3A_3 : vector<1x12x24x256xf32> to vector<12x24x256xf32>
    %get3A_5 = arith.constant 0 : index
    %get3A_6 = arith.constant 0 : index
    %get3A_7 = arith.constant 0 : index
    %get3A_8 = arith.constant 0 : index
    %get3A_9 = vector.load %arg4[%get3A_5, %get3A_6, %get3A_7, %get3A_8] : memref<1x12x24x256xf32, #tpu.memory_space<vmem>>, vector<1x12x24x256xf32>
    %get3A_10 = vector.shape_cast %get3A_9 : vector<1x12x24x256xf32> to vector<12x24x256xf32>
    %reshape3A = vector.shape_cast %get3A_4 : vector<12x24x256xf32> to vector<12x3x8x256xf32>
    %sub3A = arith.subf %get3A_10, %get3A_4 : vector<12x24x256xf32>
    %mul3A = arith.mulf %sub3A, %sub3A : vector<12x24x256xf32>
    %reshape3A_11 = vector.shape_cast %mul3A : vector<12x24x256xf32> to vector<12x3x8x256xf32>
    %slice3A = vector.extract_strided_slice %reshape3A {offsets = [0, 0, 0, 0], sizes = [12, 3, 8, 128], strides = [1, 1, 1, 1]} : vector<12x3x8x256xf32> to vector<12x3x8x128xf32>
    %swap3A = arith.constant 0 : index
    %swap3A_12 = arith.constant 0 : index
    %swap3A_13 = arith.constant 0 : index
    %swap3A_14 = arith.constant 0 : index
    %swap3A_15 = arith.constant 0 : index
    %swap3A_16 = arith.constant 0 : index
    %swap3A_17 = vector.load %arg5[%swap3A, %swap3A_12, %swap3A_13, %swap3A_14, %swap3A_15, %swap3A_16] : memref<1x12x3x4x8x128xf32, #tpu.memory_space<vmem>>, vector<1x12x3x1x8x128xf32>
    %swap3A_18 = vector.shape_cast %swap3A_17 : vector<1x12x3x1x8x128xf32> to vector<12x3x8x128xf32>
    %swap3A_19 = vector.shape_cast %slice3A : vector<12x3x8x128xf32> to vector<1x12x3x1x8x128xf32>
    tpu.vector_store %arg5[%swap3A, %swap3A_12, %swap3A_13, %swap3A_14, %swap3A_15, %swap3A_16], %swap3A_19 {strides = array<i32>} : memref<1x12x3x4x8x128xf32, #tpu.memory_space<vmem>>, vector<1x12x3x1x8x128xf32>,
    %slice3A_20 = vector.extract_strided_slice %reshape3A_11 {offsets = [0, 0, 0, 0], sizes = [12, 3, 8, 128], strides = [1, 1, 1, 1]} : vector<12x3x8x256xf32> to vector<12x3x8x128xf32>
    %swap3A_21 = arith.constant 0 : index
    %swap3A_22 = arith.constant 0 : index
    %swap3A_23 = arith.constant 0 : index
    %swap3A_24 = arith.constant 2 : index
    %swap3A_25 = arith.constant 0 : index
    %swap3A_26 = arith.constant 0 : index
    %swap3A_27 = vector.load %arg5[%swap3A_21, %swap3A_22, %swap3A_23, %swap3A_24, %swap3A_25, %swap3A_26] : memref<1x12x3x4x8x128xf32, #tpu.memory_space<vmem>>, vector<1x12x3x1x8x128xf32>
    %swap3A_28 = vector.shape_cast %swap3A_27 : vector<1x12x3x1x8x128xf32> to vector<12x3x8x128xf32>
    %swap3A_29 = vector.shape_cast %slice3A_20 : vector<12x3x8x128xf32> to vector<1x12x3x1x8x128xf32>
    tpu.vector_store %arg5[%swap3A_21, %swap3A_22, %swap3A_23, %swap3A_24, %swap3A_25, %swap3A_26], %swap3A_29 {strides = array<i32>} : memref<1x12x3x4x8x128xf32, #tpu.memory_space<vmem>>, vector<1x12x3x1x8x128xf32>,
    %slice3A_30 = vector.extract_strided_slice %reshape3A {offsets = [0, 0, 0, 128], sizes = [12, 3, 8, 128], strides = [1, 1, 1, 1]} : vector<12x3x8x256xf32> to vector<12x3x8x128xf32>
    %swap3A_31 = arith.constant 0 : index
    %swap3A_32 = arith.constant 0 : index
    %swap3A_33 = arith.constant 0 : index
    %swap3A_34 = arith.constant 1 : index
    %swap3A_35 = arith.constant 0 : index
    %swap3A_36 = arith.constant 0 : index
    %swap3A_37 = vector.load %arg5[%swap3A_31, %swap3A_32, %swap3A_33, %swap3A_34, %swap3A_35, %swap3A_36] : memref<1x12x3x4x8x128xf32, #tpu.memory_space<vmem>>, vector<1x12x3x1x8x128xf32>
    %swap3A_38 = vector.shape_cast %swap3A_37 : vector<1x12x3x1x8x128xf32> to vector<12x3x8x128xf32>
    %swap3A_39 = vector.shape_cast %slice3A_30 : vector<12x3x8x128xf32> to vector<1x12x3x1x8x128xf32>
    tpu.vector_store %arg5[%swap3A_31, %swap3A_32, %swap3A_33, %swap3A_34, %swap3A_35, %swap3A_36], %swap3A_39 {strides = array<i32>} : memref<1x12x3x4x8x128xf32, #tpu.memory_space<vmem>>, vector<1x12x3x1x8x128xf32>,
    %slice3A_40 = vector.extract_strided_slice %reshape3A_11 {offsets = [0, 0, 0, 128], sizes = [12, 3, 8, 128], strides = [1, 1, 1, 1]} : vector<12x3x8x256xf32> to vector<12x3x8x128xf32>
    %swap3A_41 = arith.constant 0 : index
    %swap3A_42 = arith.constant 0 : index
    %swap3A_43 = arith.constant 0 : index
    %swap3A_44 = arith.constant 3 : index
    %swap3A_45 = arith.constant 0 : index
    %swap3A_46 = arith.constant 0 : index
    %swap3A_47 = vector.load %arg5[%swap3A_41, %swap3A_42, %swap3A_43, %swap3A_44, %swap3A_45, %swap3A_46] : memref<1x12x3x4x8x128xf32, #tpu.memory_space<vmem>>, vector<1x12x3x1x8x128xf32>
    %swap3A_48 = vector.shape_cast %swap3A_47 : vector<1x12x3x1x8x128xf32> to vector<12x3x8x128xf32>
    %swap3A_49 = vector.shape_cast %slice3A_40 : vector<12x3x8x128xf32> to vector<1x12x3x1x8x128xf32>
    tpu.vector_store %arg5[%swap3A_41, %swap3A_42, %swap3A_43, %swap3A_44, %swap3A_45, %swap3A_46], %swap3A_49 {strides = array<i32>} : memref<1x12x3x4x8x128xf32, #tpu.memory_space<vmem>>, vector<1x12x3x1x8x128xf32>,
    return
  }
  func.func @transform_0(%arg0: i32, %arg1: i32, %arg2: memref<4xi32, #tpu.memory_space<smem>>) -> (i32, i32, i32, i32) {
    %c0_i32 = arith.constant 0 : i32
    %c0_i32_0 = arith.constant 0 : i32
    %c0_i32_1 = arith.constant 0 : i32
    return %arg0, %arg1, %c0_i32, %c0_i32_0 : i32, i32, i32, i32
  }
  func.func @transform_1(%arg0: i32, %arg1: i32, %arg2: memref<4xi32, #tpu.memory_space<smem>>) -> (i32, i32, i32, i32) {
    %get3A = arith.index_cast %arg0 : i32 to index
    %get3A_0 = memref.load %arg2[%get3A] : memref<4xi32, #tpu.memory_space<smem>>
    %c0_i32 = arith.constant 0 : i32
    %c0_i32_1 = arith.constant 0 : i32
    %c0_i32_2 = arith.constant 0 : i32
    return %get3A_0, %arg1, %c0_i32, %c0_i32_1 : i32, i32, i32, i32
  }
  func.func @transform_2(%arg0: i32, %arg1: i32, %arg2: memref<4xi32, #tpu.memory_space<smem>>) -> (i32, i32, i32, i32, i32, i32) {
    %c0_i32 = arith.constant 0 : i32
    %c0_i32_0 = arith.constant 0 : i32
    %c0_i32_1 = arith.constant 0 : i32
    %c0_i32_2 = arith.constant 0 : i32
    %c0_i32_3 = arith.constant 0 : i32
    return %arg0, %arg1, %c0_i32, %c0_i32_0, %c0_i32_1, %c0_i32_2 : i32, i32, i32, i32, i32, i32
  }
}

module attributes {stable_mosaic.version = 14 : i64} {
  func.func @_gather_clast_body(%arg0: i32, %arg1: i32, %arg2: memref<4xi32, #tpu.memory_space<smem>>, %arg3: memref<1x12x48x128xf32, #tpu.memory_space<vmem>>, %arg4: memref<1x12x48x128xf32, #tpu.memory_space<vmem>>, %arg5: memref<1x12x6x2x8x128xf32, #tpu.memory_space<vmem>>) attributes {dimension_semantics = [#tpu.dimension_semantics<arbitrary>, #tpu.dimension_semantics<arbitrary>], iteration_bounds = array<i64: 4, 4>, scalar_prefetch = 1 : i64, scratch_operands = 0 : i64, tpu.core_type = #tpu.core_type<tc>, window_params = [{transform_indices = @transform_0, window_bounds = array<i64: 1, 12, 48, 128>}, {transform_indices = @transform_1, window_bounds = array<i64: 1, 12, 48, 128>}, {transform_indices = @transform_2, window_bounds = array<i64: 1, 12, 6, 2, 8, 128>}]} {
    %get3A = arith.constant 0 : index
    %get3A_0 = arith.constant 0 : index
    %get3A_1 = arith.constant 0 : index
    %get3A_2 = arith.constant 0 : index
    %get3A_3 = vector.load %arg3[%get3A, %get3A_0, %get3A_1, %get3A_2] : memref<1x12x48x128xf32, #tpu.memory_space<vmem>>, vector<1x12x48x128xf32>
    %get3A_4 = vector.shape_cast %get3A_3 : vector<1x12x48x128xf32> to vector<12x48x128xf32>
    %get3A_5 = arith.constant 0 : index
    %get3A_6 = arith.constant 0 : index
    %get3A_7 = arith.constant 0 : index
    %get3A_8 = arith.constant 0 : index
    %get3A_9 = vector.load %arg4[%get3A_5, %get3A_6, %get3A_7, %get3A_8] : memref<1x12x48x128xf32, #tpu.memory_space<vmem>>, vector<1x12x48x128xf32>
    %get3A_10 = vector.shape_cast %get3A_9 : vector<1x12x48x128xf32> to vector<12x48x128xf32>
    %reshape3A = vector.shape_cast %get3A_4 : vector<12x48x128xf32> to vector<12x6x8x128xf32>
    %sub3A = arith.subf %get3A_10, %get3A_4 : vector<12x48x128xf32>
    %mul3A = arith.mulf %sub3A, %sub3A : vector<12x48x128xf32>
    %reshape3A_11 = vector.shape_cast %mul3A : vector<12x48x128xf32> to vector<12x6x8x128xf32>
    %swap3A = arith.constant 0 : index
    %swap3A_12 = arith.constant 0 : index
    %swap3A_13 = arith.constant 0 : index
    %swap3A_14 = arith.constant 0 : index
    %swap3A_15 = arith.constant 0 : index
    %swap3A_16 = arith.constant 0 : index
    %swap3A_17 = vector.load %arg5[%swap3A, %swap3A_12, %swap3A_13, %swap3A_14, %swap3A_15, %swap3A_16] : memref<1x12x6x2x8x128xf32, #tpu.memory_space<vmem>>, vector<1x12x6x1x8x128xf32>
    %swap3A_18 = vector.shape_cast %swap3A_17 : vector<1x12x6x1x8x128xf32> to vector<12x6x8x128xf32>
    %swap3A_19 = vector.shape_cast %reshape3A : vector<12x6x8x128xf32> to vector<1x12x6x1x8x128xf32>
    tpu.vector_store %arg5[%swap3A, %swap3A_12, %swap3A_13, %swap3A_14, %swap3A_15, %swap3A_16], %swap3A_19 {strides = array<i32>} : memref<1x12x6x2x8x128xf32, #tpu.memory_space<vmem>>, vector<1x12x6x1x8x128xf32>,
    %swap3A_20 = arith.constant 0 : index
    %swap3A_21 = arith.constant 0 : index
    %swap3A_22 = arith.constant 0 : index
    %swap3A_23 = arith.constant 1 : index
    %swap3A_24 = arith.constant 0 : index
    %swap3A_25 = arith.constant 0 : index
    %swap3A_26 = vector.load %arg5[%swap3A_20, %swap3A_21, %swap3A_22, %swap3A_23, %swap3A_24, %swap3A_25] : memref<1x12x6x2x8x128xf32, #tpu.memory_space<vmem>>, vector<1x12x6x1x8x128xf32>
    %swap3A_27 = vector.shape_cast %swap3A_26 : vector<1x12x6x1x8x128xf32> to vector<12x6x8x128xf32>
    %swap3A_28 = vector.shape_cast %reshape3A_11 : vector<12x6x8x128xf32> to vector<1x12x6x1x8x128xf32>
    tpu.vector_store %arg5[%swap3A_20, %swap3A_21, %swap3A_22, %swap3A_23, %swap3A_24, %swap3A_25], %swap3A_28 {strides = array<i32>} : memref<1x12x6x2x8x128xf32, #tpu.memory_space<vmem>>, vector<1x12x6x1x8x128xf32>,
    return
  }
  func.func @transform_0(%arg0: i32, %arg1: i32, %arg2: memref<4xi32, #tpu.memory_space<smem>>) -> (i32, i32, i32, i32) {
    %c0_i32 = arith.constant 0 : i32
    %c0_i32_0 = arith.constant 0 : i32
    %c0_i32_1 = arith.constant 0 : i32
    return %arg0, %arg1, %c0_i32, %c0_i32_0 : i32, i32, i32, i32
  }
  func.func @transform_1(%arg0: i32, %arg1: i32, %arg2: memref<4xi32, #tpu.memory_space<smem>>) -> (i32, i32, i32, i32) {
    %get3A = arith.index_cast %arg0 : i32 to index
    %get3A_0 = memref.load %arg2[%get3A] : memref<4xi32, #tpu.memory_space<smem>>
    %c0_i32 = arith.constant 0 : i32
    %c0_i32_1 = arith.constant 0 : i32
    %c0_i32_2 = arith.constant 0 : i32
    return %get3A_0, %arg1, %c0_i32, %c0_i32_1 : i32, i32, i32, i32
  }
  func.func @transform_2(%arg0: i32, %arg1: i32, %arg2: memref<4xi32, #tpu.memory_space<smem>>) -> (i32, i32, i32, i32, i32, i32) {
    %c0_i32 = arith.constant 0 : i32
    %c0_i32_0 = arith.constant 0 : i32
    %c0_i32_1 = arith.constant 0 : i32
    %c0_i32_2 = arith.constant 0 : i32
    %c0_i32_3 = arith.constant 0 : i32
    return %arg0, %arg1, %c0_i32, %c0_i32_0, %c0_i32_1, %c0_i32_2 : i32, i32, i32, i32, i32, i32
  }
}

</mosaic_0001>

<sc_bundles>
// kernel: kernel.8.cloned.1.call-start
scs
__scs_entry_jumppad:
0x0: {  	(pc) =	sbr.rel $0x88, $3  }
0x1: {  	(tag) =	ssettag $0x0;
	lr =	simm.s32 $0x1  }
0x2: {  	[smem:$0x3F9B] =	sst lr;
	_ =	strace $0xD0000000  }
0x3: {  	_ = 	snop  }
0x4: {  	_ = 	snop  }
0x5: {  	_ = 	snop  }
0x6: {  	_ = 	snop  }
0x7: {  	_ = 	snop  }
__scs_overlays_trampoline_lowered:
0x8: {  	[smem:$0x3FAA] =	sst s0  }
0x9: {  	[smem:$0x3FAB] =	sst s1  }
0xa: {  	[smem:$0x3FAC] =	sst s2  }
0xb: {  	[smem:$0x3FAD] =	sst s3  }
0xc: {  	[smem:$0x3FAE] =	sst s4  }
0xd: {  	[smem:$0x3FAF] =	sst s5  }
0xe: {  	[smem:$0x3FB0] =	sst s6  }
0xf: {  	[smem:$0x3FB1] =	sst s7  }
0x10: {  	[smem:$0x3FB2] =	sst s8  }
0x11: {  	[smem:$0x3FB3] =	sst s9;
	s0 =	simm.s32 @!p0 $0x0  }
0x12: {  	s1 =	sld [smem:$0x3F99];
	s0 =	simm.s32 @p0 $0x1  }
0x13: {  	[smem:$0x3FB4] =	sst s0;
	s0 =	simm.s32 @!p1 $0x0  }
0x14: {  	s2 =	sld [smem:$0x3F98];
	s0 =	simm.s32 @p1 $0x1  }
0x15: {  	[smem:$0x3FB5] =	sst s0;
	s0 =	simm.s32 @!p2 $0x0  }
0x16: {  	s3 =	sld [smem:$0x3FDB];
	s0 =	simm.s32 @p2 $0x1  }
0x17: {  	s4 =	simm.s32 $0x1BF5;
	[smem:$0x3FB7] =	sst s0  }
0x18: {  	s0 =	sld [smem:$0x3F9A];
	_ =	swait.ge [sflag:s4], $0x0  }
0x19: {  	s7 =	sld [smem:$0x3F9B]  }
0x1a: {  	s8 =	sadd.s32 $0xFFFFE003, lr  }
0x1b: {  	s9 =	sadd.s32 $0xFFFFFEF7, lr;
	s5 =	simm.s32 $0xFFFFFFFF;
	p2 =	slt.u32 s8, $0xFFFFF086  }
0x1c: {  	p1 =	slt.u32 s9, $0xF7A;
	s5 =	simm.s32 @!p2 $0x0  }
0x1d: {  	s5 =	simm.s32 @p1 $0x1;
	p0 =	seq.s32 s7, s2  }
0x1e: {  	s7 =	smul.u32 @!p0 $0xF7A, s2;
	p2 =	seq.s32 @!p0 s5, $0x0  }
0x1f: {  	s9 =	smul.u32 $0xF7A, s1;
	s8 =	simm.s32 @!p0 $0x1BF5;
	p2 =	por !p2, p0  }
0x20: {  	[sflag:s8] =	ssyncset.s32 @!p0 $0xFFFFF086;
	s6 =	sadd.s32 @!p0 s3, s7;
	s7 =	simm.s32 @!p0 $0x108  }
0x21: {  	s3 =	sadd.s32 s3, s9;
	s6 =	sadd.s32 @!p0 $0x88, s6;
	s7 =	simm.s32 @p2 $0x1082  }
0x22: {  	[simem:s7], [sflag:s8] =	dma.local @!p0 [hbm:s6], $0xF7A  }
0x23: {  	s9 =	sor.u32 $0xD0000000, s2;
	s6 =	simm.s32 $0x108;
	_ =	swait.ge @!p0 [sflag:s8], $0x0  }
0x24: {  	s3 =	sadd.s32 $0x88, s3;
	s6 =	simm.s32 @!p1 $0x1082;
	[sflag:s4] =	ssyncset.s32 $0xFFFFF086  }
0x25: {  	[simem:s6], [sflag:s4] =	dma.local [hbm:s3], $0xF7A  }
0x26: {  	[smem:$0x3F9B] =	sst s1;
	(tag) =	ssettag s2;
	_ =	strace s9  }
0x27: {  	s1 =	sld [smem:$0x3FAB]  }
0x28: {  	s2 =	sld [smem:$0x3FAC]  }
0x29: {  	s4 =	sld [smem:$0x3FAE]  }
0x2a: {  	p0 =	seq.s32 s5, $0x0;
	s5 =	sld [smem:$0x3FAF]  }
0x2b: {  	s6 =	sld [smem:$0x3FB0]  }
0x2c: {  	s7 =	sld [smem:$0x3FB1]  }
0x2d: {  	s3 =	simm.s32 $0x108;
	s8 =	sld [smem:$0x3FB2]  }
0x2e: {  	s3 =	simm.s32 @!p0 $0x1082;
	s9 =	sld [smem:$0x3FB3]  }
0x2f: {  	lr =	sadd.s32 s0, s3;
	s0 =	sld [smem:$0x3FAA]  }
0x30: {  	s3 =	sld [smem:$0x3FAD]  }
0x31: {  	[smem:$0x3FB6] =	sst s10  }
0x32: {  	s10 =	sld [smem:$0x3FB4];
	_ =	sdelay $0x3  }
0x33: {  	p0 =	seq.s32 s10, $0x1;
	s10 =	sld [smem:$0x3FB6];
	_ =	sdelay $0x3  }
0x34: {  	[smem:$0x3FB6] =	sst s10  }
0x35: {  	s10 =	sld [smem:$0x3FB5];
	_ =	sdelay $0x3  }
0x36: {  	p1 =	seq.s32 s10, $0x1;
	s10 =	sld [smem:$0x3FB6];
	_ =	sdelay $0x3  }
0x37: {  	[smem:$0x3FB6] =	sst s10  }
0x38: {  	s10 =	sld [smem:$0x3FB7]  }
0x39: {  	_ = 	snop;
	(pc) =	sbr.ind lr, $3  }
0x3a: {  	_ = 	snop  }
0x3b: {  	_ = 	snop  }
0x3c: {  	p2 =	seq.s32 s10, $0x1;
	s10 =	sld [smem:$0x3FB6]  }
0x3d: {  	_ =	shalt  }
0x3e: {  	_ =	shalt  }
0x3f: {  	_ =	shalt  }
0x40: {  	_ =	shalt  }
0x41: {  	_ =	shalt  }
0x42: {  	_ =	shalt  }
0x43: {  	_ =	shalt  }
0x44: {  	_ =	shalt  }
0x45: {  	_ =	shalt  }
0x46: {  	_ =	shalt  }
0x47: {  	_ =	shalt  }
0x48: {  	_ =	shalt  }
0x49: {  	_ =	shalt  }
0x4a: {  	_ =	shalt  }
0x4b: {  	_ =	shalt  }
0x4c: {  	_ =	shalt  }
0x4d: {  	_ =	shalt  }
0x4e: {  	_ =	shalt  }
0x4f: {  	_ =	shalt  }
0x50: {  	_ =	shalt  }
0x51: {  	_ =	shalt  }
0x52: {  	_ =	shalt  }
0x53: {  	_ =	shalt  }
0x54: {  	_ =	shalt  }
0x55: {  	_ =	shalt  }
0x56: {  	_ =	shalt  }
0x57: {  	_ =	shalt  }
0x58: {  	_ =	shalt  }
0x59: {  	_ =	shalt  }
0x5a: {  	_ =	shalt  }
0x5b: {  	_ =	shalt  }
0x5c: {  	_ =	shalt  }
0x5d: {  	_ =	shalt  }
0x5e: {  	_ =	shalt  }
0x5f: {  	_ =	shalt  }
0x60: {  	_ =	shalt  }
0x61: {  	_ =	shalt  }
0x62: {  	_ =	shalt  }
0x63: {  	_ =	shalt  }
0x64: {  	_ =	shalt  }
0x65: {  	_ =	shalt  }
0x66: {  	_ =	shalt  }
0x67: {  	_ =	shalt  }
0x68: {  	_ =	shalt  }
0x69: {  	_ =	shalt  }
0x6a: {  	_ =	shalt  }
0x6b: {  	_ =	shalt  }
0x6c: {  	_ =	shalt  }
0x6d: {  	_ =	shalt  }
0x6e: {  	_ =	shalt  }
0x6f: {  	_ =	shalt  }
0x70: {  	_ =	shalt  }
0x71: {  	_ =	shalt  }
0x72: {  	_ =	shalt  }
0x73: {  	_ =	shalt  }
0x74: {  	_ =	shalt  }
0x75: {  	_ =	shalt  }
0x76: {  	_ =	shalt  }
0x77: {  	_ =	shalt  }
0x78: {  	_ =	shalt  }
0x79: {  	_ =	shalt  }
0x7a: {  	_ =	shalt  }
0x7b: {  	_ =	shalt  }
0x7c: {  	_ =	shalt  }
0x7d: {  	_ =	shalt  }
0x7e: {  	_ =	shalt  }
0x7f: {  	_ =	shalt  }
0x80: {  	_ =	shalt  }
0x81: {  	_ =	shalt  }
0x82: {  	_ =	shalt  }
0x83: {  	_ =	shalt  }
0x84: {  	_ =	shalt  }
0x85: {  	_ =	shalt  }
0x86: {  	_ =	shalt  }
0x87: {  	_ =	shalt  }
.Lfunc_end0:
.L_simem_size_0:
called_computation_lowered:
.L_overlay_start_0:
0x88: {  	s2 =	sld [smem:$0x3FD9]  }
0x89: {  	s3 =	sld [smem:$0x3FFE];
	_ =	sdelay $0x1  }
0x8a: {  	s1 =	srdreg.scid  }
0x8b: {  	s0 =	sand.u32 $0x1, s1  }
0x8c: {  	s15 =	sshll.u32 s0, $0xA;
	s2 =	sadd.s32 s3, s2  }
0x8d: {  	s2 =	sadd.s32 s2, s15  }
0x8e: {  	[smem:$0x3FC2] =	sst s2  }
0x8f: {  	_ = 	snop  }
0x90: {  	s2 =	sld [smem:$0x3FD0];
	_ =	sdelay $0x1  }
0x91: {  	s16 =	sld [smem:$0x3FC8]  }
0x92: {  	s5 =	simm.s32 $0xA;
	s6 =	simm.s32 $0x10;
	s4 =	sld [smem:$0x3FC5]  }
0x93: {  	[smem:s6], [sflag:s5] =	dma.local [hbm:s2], $0x1  }
0x94: {  	_ =	swait.eq [sflag:s5], $0x1  }
0x95: {  	s17 =	sld [smem:$0x10];
	[sflag:s5] =	ssyncset.done $0x0  }
0x96: {  	s18 =	sld [smem:$0x11];
	[sflag:s5] =	ssyncadd.s32 $0xFFFFFFFF  }
0x97: {  	s19 =	sld [smem:$0x12];
	(tm) =	ssettm $0x1  }
0x98: {  	s7 =	sld [smem:$0x3FFB];
	_ =	sdelay $0x3  }
0x99: {  	_ =	strace s7  }
0x9a: {  	s7 =	sld [smem:$0x3FFC];
	_ =	sdelay $0x3  }
0x9b: {  	_ =	strace s7  }
0x9c: {  	s7 =	sld [smem:$0x3FFD];
	_ =	sdelay $0x3  }
0x9d: {  	_ =	strace s7  }
0x9e: {  	_ =	strace $0x8FFFFFFF  }
0x9f: {  	s20 =	sld [smem:$0x3FDB];
	_ =	sdelay $0x1  }
0xa0: {  	s8 =	simm.s32 $_scs_section_size  }
0xa1: {  	s9 =	simm.s32 $_size__tile_overlayer_lowered;
	s10 =	simm.s32 $_tile_overlayer_lowered  }
0xa2: {  	s23 =	simm.s32 $0x1BFF;
	s22 =	sshll.u32 s10, $0x1;
	s7 =	sadd.s32 s8, s20  }
0xa3: {  	s11 =	simm.s32 $0x0;
	s21 =	sshll.u32 s9, $0x1;
	s9 =	sadd.s32 s22, s7  }
0xa4: {  	[timem:s11], [sflag:s23] =	dma.local [hbm:s9], s21  }
0xa5: {  	_ =	swait.ge [sflag:s23], s21  }
0xa6: {  	s8 =	ssub.s32 $0x0, s21;
	[sflag:s23] =	ssyncset.done $0x0  }
0xa7: {  	[sflag:s23] =	ssyncadd.s32 s8;
	_ =	sdelay $0x1  }
0xa8: {  	s24 =	simm.s32 $0x1B8B  }
0xa9: {  	_ =	swait.ge [sflag:s24], $0x1  }
0xaa: {  	[sflag:s24] =	ssyncset.done $0x0  }
0xab: {  	s25 =	simm.s32 $0x1B8E;
	[sflag:s24] =	ssyncadd.s32 $0xFFFFFFFF  }
0xac: {  	s26 =	simm.s32 $execute0_lowered;
	[smem:$0x3FD2] =	sst s25  }
0xad: {  	s8 =	sshll.u32 s26, $0x1;
	_ =	strace $0x80000046;
	[dreg:$0x1] =	wrdreg $0xFFFFFFFF  }
0xae: {  	s28 =	simm.s32 $_size_execute0_lowered;
	s7 =	sadd.s32 s7, s8;
	[dreg:$0x0] =	wrdreg $0x0  }
0xaf: {  	s8 =	sshll.u32 s28, $0x1;
	[dreg:$0x2] =	wrdreg s7  }
0xb0: {  	[dreg:$0x3] =	wrdreg s8  }
0xb1: {  	[dreg:$0x4] =	wrdreg $0xC0  }
0xb2: {  	_ =	task [dreg:s11], $0x5FFFF  }
0xb3: {  	[dreg:$0x1] =	wrdreg $0xFFFFFFFF  }
0xb4: {  	[dreg:$0x0] =	wrdreg $0x60  }
0xb5: {  	[dreg:$0x2] =	wrdreg s4  }
0xb6: {  	[dreg:$0x3] =	wrdreg s16  }
0xb7: {  	[dreg:$0x4] =	wrdreg s17  }
0xb8: {  	[dreg:$0x5] =	wrdreg s18  }
0xb9: {  	[dreg:$0x6] =	wrdreg s19  }
0xba: {  	[dreg:$0x7] =	wrdreg $0x9  }
0xbb: {  	_ =	task.clear_ibuf [dreg:s11], $0x8FFFF;
	_ =	strace $0x90000046  }
0xbc: {  	s29 =	simm.s32 $0x9;
	_ =	strace $0x80000048  }
0xbd: {  	_ =	swait.ge [sflag:s29], $0x1  }
0xbe: {  	[sflag:s29] =	ssyncadd.s32 $0xFFFFFFFF  }
0xbf: {  	_ =	strace $0x90000048  }
0xc0: {  	_ =	sfence  }
0xc1: {  	s30 =	sld [smem:$0x0];
	_ =	sdelay $0x2  }
0xc2: {  	s31 =	sshll.u32 s1, $0xD;
	s1 =	sshrl.u32 s1, $0x2  }
0xc3: {  	s3 =	sand.u32 $0x4000, s31;
	s1 =	sadd.s32 s1, s30  }
0xc4: {  	s0 =	sor.u32 s3, s0;
	s1 =	sshll.u32 s1, $0x11  }
0xc5: {  	s0 =	sor.u32 s1, s0  }
0xc6: {  	s0 =	sadd.s32 $0x8F2B, s0  }
0xc7: {  	[sflag:s0] =	ssyncadd.remote.s32 $0x1  }
0xc8: {  	_ =	sfence.sel $0xFFFF  }
0xc9: {  	[dreg:$0x0] =	wrdreg $0xFFFFFFFF;
	(pc) =	sbr.abs _section_cstart, $3  }
0xca: {  	[dreg:$0x1] =	wrdreg $0xFFFFFFFF  }
0xcb: {  	_ =	task.clear_ibuf [dreg:s11], $0x2FFFF;
	_ =	strace $0x9FFFFFFF  }
0xcc: {  	(tm) =	ssettm $0x7FFFFFFF  }
0xcd: {  	_ =	shalt  }
tec
execute0_lowered:
.L_overlay_start_1:
0x0: {  	(tag) =	ssettag $0x1  }
0x1: {  	s1 =	rddreg [dreg:$0x0]  }
0x2: {  	s0 =	rddreg [dreg:$0x1]  }
0x3: {  	s2 =	rddreg [dreg:$0x2]  }
0x4: {  	s3 =	srdreg.scid;
	s8 =	rddreg [dreg:$0x3]  }
0x5: {  	s7 =	stileid.u32;
	s12 =	rddreg [dreg:$0x4]  }
0x6: {  	s6 =	simm.s32 $0x1;
	s5 =	simm.s32 $0xF;
	s16 =	simm.s32 $0x2400  }
0x7: {  	s18 =	simm.s32 $0x5;
	s20 =	simm.s32 $0x9000;
	s21 =	simm.s32 $0x12000  }
0x8: {  	s22 =	simm.s32 $0x2;
	s23 =	simm.s32 $0x1B000;
	s24 =	simm.s32 $0x16800  }
0x9: {  	s25 =	simm.s32 $0x4;
	s3 =	sand.u32 $0x1, s3;
	s4 =	sshll.u32 s7, $0x1  }
0xa: {  	s28 =	simm.s32 $0x14400;
	s29 =	simm.s32 $0x0;
	s11 =	sor.u32 s3, s4  }
0xb: {  	p0 =	seq.s32 s3, $0x1;
	s4 =	simm.s32 $0x0;
	p1 =	seq.s32 s11, $0x0  }
0xc: {  	s3 =	ssub.s32 $0x2, s3;
	[smem:$0x7FF] =	sst s4;
	p1 =	por !p1, !p0  }
0xd: {  	s10 =	smul.u32 $0x2400, s11;
	s26 =	sshrl.u32 s3, $0x1;
	p1 =	por !p1, !p1  }
0xe: {  	s5 =	simm.s32 @!p0 $0x0;
	s11 =	sshll.u32 s11, $0xB;
	s6 =	simm.s32 @!p1 $0x0  }
0xf: {  	_ =	strace $0x80000047;
	s14 =	smul.u32 $0x24000, s5;
	s6 =	ssub.s32 s7, s6  }
0x10: {  	s3 =	ssub.s32 s3, s26;
	s11 =	sadd.s32 s12, s11;
	s13 =	smul.u32 $0x2400, s6  }
.Ltmp0:
0x11: {  	s26 =	simm.s32 $0x3;
	s9 =	sshrl.u32 s10, $0x3;
	(pc) =	sbr.rel .LBB2_1-.Ltmp0, $4  }
0x12: {  	s10 =	sadd.s32 $0x48000, s10;
	s15 =	smax.u32 s3, $0x1;
	s7 =	sadd.s32 s0, s9  }
0x13: {  	s9 =	sadd.s32 s1, s9;
	s6 =	simm.s32 $0x1;
	s31 =	sadd.s32 s14, s13  }
0x14: {  	s30 =	sshrl.u32 s13, $0x3;
	s13 =	sadd.s32 $0x24000, s13;
	s0 =	sshrl.u32 s31, $0x3  }
0x15: {  	v0 =	vimm.f32 $0.0e+00;
	s14 =	sadd.s32 $0x10000, s11;
	s8 =	sadd.s32 s8, s30;
	s12 =	sadd.s32 s2, s0  }
.LBB2_19:
0x16: {  	s29 =	sadd.s32 $0x1, s29  }
0x17: {  	p0 =	sne.s32 s29, s15  }
.Ltmp1:
0x18: {  	_ = 	snop;
	(pc) =	sbr.rel @!p0 .LBB2_20-.Ltmp1, $4  }
0x19: {  	[hbm4b:s14+s4] =	stream.linear.scatter [tilespmem:s23], [sflag:$0x5], $0x4000, $0x38;
	[tilespmem:$0x1F000] =	vst v63  }
0x1a: {  	_ =	swait.ge [sflag:s18], $0x4000  }
0x1b: {  	[sflag:s18] =	ssyncset.done $0x0  }
0x1c: {  	[sflag:s18] =	ssyncadd.s32 $0xFFFFC000  }
.LBB2_1:
0x1d: {  	s0 =	simm.s32 $0x48000  }
0x1e: {  	[tilespmem:s4], [sflag:$0x5] =	stream.strided.gather [hbm4b:s7+s16], $0x9000, s0, s16, $0x38;
	[tilespmem:$0x1F000] =	vst v63  }
0x1f: {  	_ =	swait.ge [sflag:s18], $0x9000  }
0x20: {  	[sflag:s18] =	ssyncset.done $0x0  }
0x21: {  	s31 =	simm.s32 $0x24000;
	[sflag:s18] =	ssyncadd.s32 $0xFFFF7000  }
0x22: {  	[tilespmem:s20], [sflag:$0x5] =	stream.strided.gather [hbm4b:s8+s16], $0x9000, s31, s16, $0x38;
	[tilespmem:$0x1F000] =	vst v63  }
0x23: {  	_ =	swait.ge [sflag:s18], $0x9000  }
0x24: {  	[sflag:s18] =	ssyncset.done $0x0  }
0x25: {  	[sflag:s18] =	ssyncadd.s32 $0xFFFF7000  }
0x26: {  	[tilespmem:$0x1B000] =	vst v0  }
0x27: {  	[tilespmem:$0x1B080] =	vst v0  }
0x28: {  	[tilespmem:$0x1B100] =	vst v0  }
0x29: {  	[tilespmem:$0x1B180] =	vst v0  }
0x2a: {  	[tilespmem:$0x1B200] =	vst v0  }
0x2b: {  	[tilespmem:$0x1B280] =	vst v0  }
0x2c: {  	[tilespmem:$0x1B300] =	vst v0  }
0x2d: {  	[tilespmem:$0x1B380] =	vst v0  }
0x2e: {  	[tilespmem:$0x1B400] =	vst v0  }
0x2f: {  	[tilespmem:$0x1B480] =	vst v0  }
0x30: {  	[tilespmem:$0x1B500] =	vst v0  }
0x31: {  	[tilespmem:$0x1B580] =	vst v0  }
0x32: {  	[tilespmem:$0x1B600] =	vst v0  }
0x33: {  	[tilespmem:$0x1B680] =	vst v0  }
0x34: {  	[tilespmem:$0x1B700] =	vst v0  }
0x35: {  	[tilespmem:$0x1B780] =	vst v0  }
0x36: {  	[tilespmem:$0x1B800] =	vst v0  }
0x37: {  	[tilespmem:$0x1B880] =	vst v0  }
0x38: {  	[tilespmem:$0x1B900] =	vst v0  }
0x39: {  	[tilespmem:$0x1B980] =	vst v0  }
0x3a: {  	[tilespmem:$0x1BA00] =	vst v0  }
0x3b: {  	[tilespmem:$0x1BA80] =	vst v0  }
0x3c: {  	[tilespmem:$0x1BB00] =	vst v0  }
0x3d: {  	[tilespmem:$0x1BB80] =	vst v0  }
0x3e: {  	[tilespmem:$0x1BC00] =	vst v0  }
0x3f: {  	[tilespmem:$0x1BC80] =	vst v0  }
0x40: {  	[tilespmem:$0x1BD00] =	vst v0  }
0x41: {  	[tilespmem:$0x1BD80] =	vst v0  }
0x42: {  	[tilespmem:$0x1BE00] =	vst v0  }
0x43: {  	[tilespmem:$0x1BE80] =	vst v0  }
0x44: {  	[tilespmem:$0x1BF00] =	vst v0  }
0x45: {  	[tilespmem:$0x1BF80] =	vst v0  }
0x46: {  	[tilespmem:$0x1C000] =	vst v0  }
0x47: {  	[tilespmem:$0x1C080] =	vst v0  }
0x48: {  	[tilespmem:$0x1C100] =	vst v0  }
0x49: {  	[tilespmem:$0x1C180] =	vst v0  }
0x4a: {  	[tilespmem:$0x1C200] =	vst v0  }
0x4b: {  	[tilespmem:$0x1C280] =	vst v0  }
0x4c: {  	[tilespmem:$0x1C300] =	vst v0  }
0x4d: {  	[tilespmem:$0x1C380] =	vst v0  }
0x4e: {  	[tilespmem:$0x1C400] =	vst v0  }
0x4f: {  	[tilespmem:$0x1C480] =	vst v0  }
0x50: {  	[tilespmem:$0x1C500] =	vst v0  }
0x51: {  	[tilespmem:$0x1C580] =	vst v0  }
0x52: {  	[tilespmem:$0x1C600] =	vst v0  }
0x53: {  	[tilespmem:$0x1C680] =	vst v0  }
0x54: {  	[tilespmem:$0x1C700] =	vst v0  }
0x55: {  	[tilespmem:$0x1C780] =	vst v0  }
0x56: {  	[tilespmem:$0x1C800] =	vst v0  }
0x57: {  	[tilespmem:$0x1C880] =	vst v0  }
0x58: {  	[tilespmem:$0x1C900] =	vst v0  }
0x59: {  	[tilespmem:$0x1C980] =	vst v0  }
0x5a: {  	[tilespmem:$0x1CA00] =	vst v0  }
0x5b: {  	[tilespmem:$0x1CA80] =	vst v0  }
0x5c: {  	[tilespmem:$0x1CB00] =	vst v0  }
0x5d: {  	[tilespmem:$0x1CB80] =	vst v0  }
0x5e: {  	[tilespmem:$0x1CC00] =	vst v0  }
0x5f: {  	[tilespmem:$0x1CC80] =	vst v0  }
0x60: {  	[tilespmem:$0x1CD00] =	vst v0  }
0x61: {  	[tilespmem:$0x1CD80] =	vst v0  }
0x62: {  	[tilespmem:$0x1CE00] =	vst v0  }
0x63: {  	[tilespmem:$0x1CE80] =	vst v0  }
0x64: {  	[tilespmem:$0x1CF00] =	vst v0  }
0x65: {  	[tilespmem:$0x1CF80] =	vst v0  }
0x66: {  	[tilespmem:$0x1D000] =	vst v0  }
0x67: {  	[tilespmem:$0x1D080] =	vst v0  }
0x68: {  	[tilespmem:$0x1D100] =	vst v0  }
0x69: {  	[tilespmem:$0x1D180] =	vst v0  }
0x6a: {  	[tilespmem:$0x1D200] =	vst v0  }
0x6b: {  	[tilespmem:$0x1D280] =	vst v0  }
0x6c: {  	[tilespmem:$0x1D300] =	vst v0  }
0x6d: {  	[tilespmem:$0x1D380] =	vst v0  }
0x6e: {  	[tilespmem:$0x1D400] =	vst v0  }
0x6f: {  	[tilespmem:$0x1D480] =	vst v0  }
0x70: {  	[tilespmem:$0x1D500] =	vst v0  }
0x71: {  	[tilespmem:$0x1D580] =	vst v0  }
0x72: {  	[tilespmem:$0x1D600] =	vst v0  }
0x73: {  	[tilespmem:$0x1D680] =	vst v0  }
0x74: {  	[tilespmem:$0x1D700] =	vst v0  }
0x75: {  	[tilespmem:$0x1D780] =	vst v0  }
0x76: {  	[tilespmem:$0x1D800] =	vst v0  }
0x77: {  	[tilespmem:$0x1D880] =	vst v0  }
0x78: {  	[tilespmem:$0x1D900] =	vst v0  }
0x79: {  	[tilespmem:$0x1D980] =	vst v0  }
0x7a: {  	[tilespmem:$0x1DA00] =	vst v0  }
0x7b: {  	[tilespmem:$0x1DA80] =	vst v0  }
0x7c: {  	[tilespmem:$0x1DB00] =	vst v0  }
0x7d: {  	[tilespmem:$0x1DB80] =	vst v0  }
0x7e: {  	[tilespmem:$0x1DC00] =	vst v0  }
0x7f: {  	[tilespmem:$0x1DC80] =	vst v0  }
0x80: {  	[tilespmem:$0x1DD00] =	vst v0  }
0x81: {  	[tilespmem:$0x1DD80] =	vst v0  }
0x82: {  	[tilespmem:$0x1DE00] =	vst v0  }
0x83: {  	[tilespmem:$0x1DE80] =	vst v0  }
0x84: {  	[tilespmem:$0x1DF00] =	vst v0  }
0x85: {  	[tilespmem:$0x1DF80] =	vst v0  }
0x86: {  	[tilespmem:$0x1E000] =	vst v0  }
0x87: {  	[tilespmem:$0x1E080] =	vst v0  }
0x88: {  	[tilespmem:$0x1E100] =	vst v0  }
0x89: {  	[tilespmem:$0x1E180] =	vst v0  }
0x8a: {  	[tilespmem:$0x1E200] =	vst v0  }
0x8b: {  	[tilespmem:$0x1E280] =	vst v0  }
0x8c: {  	[tilespmem:$0x1E300] =	vst v0  }
0x8d: {  	[tilespmem:$0x1E380] =	vst v0  }
0x8e: {  	[tilespmem:$0x1E400] =	vst v0  }
0x8f: {  	[tilespmem:$0x1E480] =	vst v0  }
0x90: {  	[tilespmem:$0x1E500] =	vst v0  }
0x91: {  	[tilespmem:$0x1E580] =	vst v0  }
0x92: {  	[tilespmem:$0x1E600] =	vst v0  }
0x93: {  	[tilespmem:$0x1E680] =	vst v0  }
0x94: {  	[tilespmem:$0x1E700] =	vst v0  }
0x95: {  	[tilespmem:$0x1E780] =	vst v0  }
0x96: {  	[tilespmem:$0x1E800] =	vst v0  }
0x97: {  	[tilespmem:$0x1E880] =	vst v0  }
0x98: {  	[tilespmem:$0x1E900] =	vst v0  }
0x99: {  	[tilespmem:$0x1E980] =	vst v0  }
0x9a: {  	[tilespmem:$0x1EA00] =	vst v0  }
0x9b: {  	[tilespmem:$0x1EA80] =	vst v0  }
0x9c: {  	[tilespmem:$0x1EB00] =	vst v0  }
0x9d: {  	[tilespmem:$0x1EB80] =	vst v0  }
0x9e: {  	[tilespmem:$0x1EC00] =	vst v0  }
0x9f: {  	[tilespmem:$0x1EC80] =	vst v0  }
0xa0: {  	[tilespmem:$0x1ED00] =	vst v0  }
0xa1: {  	[tilespmem:$0x1ED80] =	vst v0  }
.Ltmp2:
0xa2: {  	[tilespmem:$0x1EE00] =	vst v0;
	(pc) =	sbr.rel .LBB2_2-.Ltmp2, $4  }
0xa3: {  	[tilespmem:$0x1EE80] =	vst v0  }
0xa4: {  	[tilespmem:$0x1EF00] =	vst v0  }
0xa5: {  	s30 =	simm.s32 $0x0;
	[tilespmem:$0x1EF80] =	vst v0  }
0xa6: {  	[tilespmem:s21], [sflag:$0x1] =	stream.linear.gather [hbm4b:s9+s4], $0x2400, $0x38;
	[tilespmem:$0x1F000] =	vst v63  }
.LBB2_9:
0xa7: {  	s30 =	sadd.s32 $0x1, s30  }
0xa8: {  	p0 =	sne.s32 s30, $0x1E  }
.Ltmp3:
0xa9: {  	_ = 	snop;
	(pc) =	sbr.rel @!p0 .LBB2_10-.Ltmp3, $1  }
0xaa: {  	_ =	sdelay $0x3  }
.LBB2_2:
0xab: {  	s3 =	sand.u32 $0x1, s30  }
0xac: {  	p0 =	seq.s32 s3, $0x1  }
.Ltmp4:
0xad: {  	_ = 	snop;
	(pc) =	sbr.rel @p0 .LBB2_6-.Ltmp4, $1  }
0xae: {  	_ =	sdelay $0x3  }
0xaf: {  	s0 =	smul.u32 $0x48000, s30;
	_ =	sdelay $0x1  }
0xb0: {  	_ =	swait.ge [sflag:s6], $0x2400;
	s0 =	sadd.s32 s0, s10  }
0xb1: {  	s17 =	simm.s32 $0x0;
	[sflag:s6] =	ssyncset.done $0x0;
	s0 =	sshrl.u32 s0, $0x3  }
0xb2: {  	s31 =	simm.s32 $0x0;
	[sflag:s6] =	ssyncadd.s32 $0xFFFFDC00;
	s0 =	sadd.s32 s1, s0  }
0xb3: {  	[tilespmem:s28], [sflag:$0x2] =	stream.linear.gather [hbm4b:s0+s17], $0x2400, $0x38;
	[tilespmem:$0x1F000] =	vst v63  }
0xb4: {  	v1 =	vld [tilespmem:s31+$0x12070]  }
0xb5: {  	v2 =	vld [tilespmem:s31+$0x70]  }
0xb6: {  	v3 =	vld [tilespmem:s31+$0x2470]  }
0xb7: {  	v4 =	vld [tilespmem:s31+$0x4870]  }
0xb8: {  	v5 =	vld [tilespmem:s31+$0x6C70]  }
0xb9: {  	v6 =	vld [tilespmem:s31+$0x12060]  }
0xba: {  	v7 =	vld [tilespmem:s31+$0x60]  }
0xbb: {  	v8 =	vld [tilespmem:s31+$0x2460]  }
0xbc: {  	v9 =	vld [tilespmem:s31+$0x4860]  }
0xbd: {  	v10 =	vld [tilespmem:s31+$0x6C60]  }
0xbe: {  	v11 =	vld [tilespmem:s31+$0x12050]  }
0xbf: {  	v12 =	vld [tilespmem:s31+$0x50]  }
0xc0: {  	v13 =	vld [tilespmem:s31+$0x2450]  }
0xc1: {  	v14 =	vld [tilespmem:s31+$0x4850]  }
0xc2: {  	v15 =	vld [tilespmem:s31+$0x6C50]  }
0xc3: {  	v16 =	vld [tilespmem:s31+$0x12040]  }
0xc4: {  	v17 =	vld [tilespmem:s31+$0x40]  }
0xc5: {  	v18 =	vld [tilespmem:s31+$0x2440]  }
0xc6: {  	v19 =	vld [tilespmem:s31+$0x4840]  }
0xc7: {  	v23 =	vld [tilespmem:s31+$0x6C40]  }
0xc8: {  	v30 =	vld [tilespmem:s31+$0x12030]  }
0xc9: {  	v27 =	vld [tilespmem:s31+$0x30]  }
0xca: {  	v28 =	vld [tilespmem:s31+$0x2430]  }
0xcb: {  	v29 =	vld [tilespmem:s31+$0x4830]  }
0xcc: {  	v33 =	vld [tilespmem:s31+$0x6C30];
	v34 =	vsub.f32 v1, v2;
	v36 =	vsub.f32 v1, v3  }
0xcd: {  	v37 =	vld [tilespmem:s31+$0x12020];
	v2 =	vsub.f32 v1, v4;
	v20 =	vsub.f32 v6, v7  }
0xce: {  	v31 =	vld [tilespmem:s31+$0x10];
	v1 =	vsub.f32 v1, v5;
	v21 =	vsub.f32 v6, v8  }
0xcf: {  	v7 =	vld [tilespmem:s31+$0x20];
	v4 =	vsub.f32 v6, v9;
	v22 =	vsub.f32 v11, v12  }
0xd0: {  	v8 =	vld [tilespmem:s31+$0x2420];
	v3 =	vsub.f32 v6, v10;
	v25 =	vsub.f32 v11, v13  }
0xd1: {  	v12 =	vld [tilespmem:s31+$0x4820];
	v6 =	vsub.f32 v11, v14;
	v24 =	vsub.f32 v16, v17  }
0xd2: {  	v13 =	vld [tilespmem:s31+$0x6C20];
	v5 =	vsub.f32 v11, v15;
	v26 =	vsub.f32 v16, v18  }
0xd3: {  	v32 =	vld [tilespmem:s31+$0x2410];
	v10 =	vsub.f32 v16, v19;
	v27 =	vsub.f32 v30, v27  }
0xd4: {  	v17 =	vld [tilespmem:s31+$0x12010];
	v9 =	vsub.f32 v16, v23;
	v28 =	vsub.f32 v30, v28  }
0xd5: {  	v35 =	vld [tilespmem:s31+$0x0];
	v16 =	vsub.f32 v30, v29;
	v14 =	vsub.f32 v30, v33;
	v11 =	vimm.f32 $0.0e+00  }
0xd6: {  	v23 =	vld [tilespmem:s31+$0x12000];
	v15 =	vimm.f32 $0.0e+00;
	v29 =	vsub.f32 v37, v7;
	v30 =	vsub.f32 v37, v8  }
0xd7: {  	v33 =	vld [tilespmem:s31+$0x2400];
	v19 =	vsub.f32 v37, v12;
	v18 =	vsub.f32 v37, v13;
	v8 =	vmul.f32 v34, v34  }
0xd8: {  	s0 =	simm.s32 $0x200;
	v7 =	vmul.f32 v36, v36;
	v34 =	vld [tilespmem:s31+$0x4800];
	v13 =	vimm.f32 $0.0e+00;
	v12 =	vimm.f32 $0.0e+00  }
.LBB2_4:
0xd9: {  	p0 =	sne.s32 s0, $0x8E00;
	v36 =	vld [tilespmem:s31+$0x6C00];
	v31 =	vsub.f32 v17, v31;
	v20 =	vmul.f32 v20, v20;
	v21 =	vmul.f32 v21, v21  }
0xda: {  	v32 =	vsub.f32 v17, v32;
	v22 =	vmul.f32 v22, v22;
	v25 =	vmul.f32 v25, v25;
	v37 =	vld [tilespmem:s31+$0x4810]  }
0xdb: {  	v24 =	vmul.f32 v24, v24;
	v26 =	vmul.f32 v26, v26;
	v35 =	vsub.f32 v23, v35;
	v38 =	vld [tilespmem:s31+$0x6C10];
	s31 =	sshra.s32 s0, $0x2  }
0xdc: {  	v27 =	vmul.f32 v27, v27;
	v28 =	vmul.f32 v28, v28;
	v39 =	vld [tilespmem:s31+$0x12070];
	v33 =	vsub.f32 v23, v33  }
0xdd: {  	v29 =	vmul.f32 v29, v29;
	v30 =	vmul.f32 v30, v30;
	v40 =	vld [tilespmem:s31+$0x70];
	v34 =	vsub.f32 v23, v34  }
0xde: {  	v31 =	vmul.f32 v31, v31;
	v32 =	vmul.f32 v32, v32;
	v41 =	vld [tilespmem:s31+$0x2470];
	v23 =	vsub.f32 v23, v36  }
0xdf: {  	v35 =	vmul.f32 v35, v35;
	v33 =	vmul.f32 v33, v33;
	v36 =	vld [tilespmem:s31+$0x4870];
	v37 =	vsub.f32 v17, v37  }
0xe0: {  	v34 =	vmul.f32 v34, v34;
	v42 =	vld [tilespmem:s31+$0x6C70];
	v23 =	vmul.f32 v23, v23;
	v17 =	vsub.f32 v17, v38  }
0xe1: {  	v11 =	vadd.f32 v35, v11;
	v15 =	vadd.f32 v33, v15;
	v38 =	vld [tilespmem:s31+$0x12060];
	v33 =	vmul.f32 v37, v37  }
0xe2: {  	v13 =	vadd.f32 v34, v13;
	v35 =	vld [tilespmem:s31+$0x60];
	v12 =	vadd.f32 v23, v12;
	v17 =	vmul.f32 v17, v17  }
0xe3: {  	v19 =	vmul.f32 v19, v19;
	v11 =	vadd.f32 v31, v11;
	v15 =	vadd.f32 v32, v15;
	v23 =	vld [tilespmem:s31+$0x2460]  }
0xe4: {  	v13 =	vadd.f32 v33, v13;
	v31 =	vld [tilespmem:s31+$0x4860];
	v12 =	vadd.f32 v17, v12;
	v17 =	vmul.f32 v18, v18  }
0xe5: {  	v16 =	vmul.f32 v16, v16;
	v11 =	vadd.f32 v29, v11;
	v15 =	vadd.f32 v30, v15;
	v18 =	vld [tilespmem:s31+$0x6C60]  }
0xe6: {  	v14 =	vmul.f32 v14, v14;
	v13 =	vadd.f32 v19, v13;
	v29 =	vld [tilespmem:s31+$0x12050];
	v12 =	vadd.f32 v17, v12  }
0xe7: {  	v10 =	vmul.f32 v10, v10;
	v11 =	vadd.f32 v27, v11;
	v15 =	vadd.f32 v28, v15;
	v17 =	vld [tilespmem:s31+$0x50]  }
0xe8: {  	v9 =	vmul.f32 v9, v9;
	v13 =	vadd.f32 v16, v13;
	v19 =	vld [tilespmem:s31+$0x2450];
	v12 =	vadd.f32 v14, v12  }
0xe9: {  	v6 =	vmul.f32 v6, v6;
	v11 =	vadd.f32 v24, v11;
	v15 =	vadd.f32 v26, v15;
	v14 =	vld [tilespmem:s31+$0x4850]  }
0xea: {  	v5 =	vmul.f32 v5, v5;
	v10 =	vadd.f32 v10, v13;
	v16 =	vld [tilespmem:s31+$0x6C50];
	v9 =	vadd.f32 v9, v12  }
0xeb: {  	v4 =	vmul.f32 v4, v4;
	v11 =	vadd.f32 v22, v11;
	v12 =	vadd.f32 v25, v15;
	v28 =	vld [tilespmem:s31+$0x12040]  }
0xec: {  	v3 =	vmul.f32 v3, v3;
	v6 =	vadd.f32 v6, v10;
	v24 =	vld [tilespmem:s31+$0x40];
	v5 =	vadd.f32 v5, v9  }
0xed: {  	v2 =	vmul.f32 v2, v2;
	v10 =	vadd.f32 v20, v11;
	v12 =	vadd.f32 v21, v12;
	v9 =	vld [tilespmem:s31+$0x2440]  }
0xee: {  	v1 =	vmul.f32 v1, v1;
	v4 =	vadd.f32 v4, v6;
	v27 =	vld [tilespmem:s31+$0x4840];
	v3 =	vadd.f32 v3, v5  }
0xef: {  	v11 =	vadd.f32 v8, v10;
	v15 =	vadd.f32 v7, v12;
	v30 =	vld [tilespmem:s31+$0x6C40]  }
0xf0: {  	v13 =	vadd.f32 v2, v4;
	v7 =	vld [tilespmem:s31+$0x12030];
	v12 =	vadd.f32 v1, v3  }
0xf1: {  	v8 =	vld [tilespmem:s31+$0x30]  }
0xf2: {  	v33 =	vld [tilespmem:s31+$0x2430]  }
0xf3: {  	v34 =	vld [tilespmem:s31+$0x4830]  }
0xf4: {  	v40 =	vsub.f32 v39, v40;
	v37 =	vld [tilespmem:s31+$0x6C30]  }
0xf5: {  	v41 =	vsub.f32 v39, v41;
	v2 =	vsub.f32 v39, v36;
	v43 =	vld [tilespmem:s31+$0x12020]  }
0xf6: {  	v20 =	vsub.f32 v38, v35;
	v1 =	vsub.f32 v39, v42;
	v36 =	vld [tilespmem:s31+$0x20]  }
0xf7: {  	v21 =	vsub.f32 v38, v23;
	v4 =	vsub.f32 v38, v31;
	v39 =	vld [tilespmem:s31+$0x2420]  }
0xf8: {  	v22 =	vsub.f32 v29, v17;
	v3 =	vsub.f32 v38, v18;
	v42 =	vld [tilespmem:s31+$0x4820]  }
0xf9: {  	v25 =	vsub.f32 v29, v19;
	v6 =	vsub.f32 v29, v14;
	v18 =	vld [tilespmem:s31+$0x6C20]  }
0xfa: {  	v5 =	vsub.f32 v29, v16;
	v24 =	vsub.f32 v28, v24;
	v17 =	vld [tilespmem:s31+$0x12010]  }
0xfb: {  	v26 =	vsub.f32 v28, v9;
	v10 =	vsub.f32 v28, v27;
	v31 =	vld [tilespmem:s31+$0x10]  }
.Ltmp5:
0xfc: {  	v9 =	vsub.f32 v28, v30;
	v27 =	vsub.f32 v7, v8;
	v32 =	vld [tilespmem:s31+$0x2410];
	(pc) =	sbr.rel @p0 .LBB2_4-.Ltmp5, $4  }
0xfd: {  	v28 =	vsub.f32 v7, v33;
	v16 =	vsub.f32 v7, v34;
	v23 =	vld [tilespmem:s31+$0x12000]  }
0xfe: {  	v14 =	vsub.f32 v7, v37;
	v29 =	vsub.f32 v43, v36;
	v35 =	vld [tilespmem:s31+$0x0]  }
0xff: {  	v30 =	vsub.f32 v43, v39;
	v19 =	vsub.f32 v43, v42;
	v33 =	vld [tilespmem:s31+$0x2400]  }
0x100: {  	s0 =	sadd.s32 $0x200, s0;
	v8 =	vmul.f32 v40, v40;
	v7 =	vmul.f32 v41, v41;
	v18 =	vsub.f32 v43, v18;
	v34 =	vld [tilespmem:s31+$0x4800]  }
0x101: {  	v20 =	vmul.f32 v20, v20;
	v21 =	vmul.f32 v21, v21  }
0x102: {  	v36 =	vld [tilespmem:s31+$0x6C00];
	v31 =	vsub.f32 v17, v31;
	v22 =	vmul.f32 v22, v22;
	v25 =	vmul.f32 v25, v25  }
0x103: {  	v32 =	vsub.f32 v17, v32;
	v37 =	vld [tilespmem:s31+$0x4810];
	v24 =	vmul.f32 v24, v24;
	v26 =	vmul.f32 v26, v26  }
0x104: {  	v38 =	vld [tilespmem:s31+$0x6C10];
	v27 =	vmul.f32 v27, v27;
	v28 =	vmul.f32 v28, v28;
	v35 =	vsub.f32 v23, v35  }
0x105: {  	v29 =	vmul.f32 v29, v29;
	v30 =	vmul.f32 v30, v30;
	v33 =	vsub.f32 v23, v33  }
0x106: {  	v31 =	vmul.f32 v31, v31;
	v34 =	vsub.f32 v23, v34;
	v35 =	vmul.f32 v35, v35  }
0x107: {  	v32 =	vmul.f32 v32, v32;
	v53 =	vsub.f32 v23, v36;
	v33 =	vmul.f32 v33, v33  }
0x108: {  	v54 =	vsub.f32 v17, v37;
	v34 =	vmul.f32 v34, v34;
	v11 =	vadd.f32 v35, v11  }
0x109: {  	v55 =	vsub.f32 v17, v38;
	v23 =	vmul.f32 v53, v53;
	v15 =	vadd.f32 v33, v15  }
0x10a: {  	v56 =	vmul.f32 v54, v54;
	v13 =	vadd.f32 v34, v13;
	v11 =	vadd.f32 v31, v11  }
0x10b: {  	v17 =	vmul.f32 v55, v55;
	v12 =	vadd.f32 v23, v12;
	v15 =	vadd.f32 v32, v15  }
0x10c: {  	v19 =	vmul.f32 v19, v19;
	v13 =	vadd.f32 v56, v13;
	v11 =	vadd.f32 v29, v11  }
0x10d: {  	v57 =	vmul.f32 v18, v18;
	v12 =	vadd.f32 v17, v12;
	v15 =	vadd.f32 v30, v15  }
0x10e: {  	v16 =	vmul.f32 v16, v16;
	v13 =	vadd.f32 v19, v13;
	v11 =	vadd.f32 v27, v11  }
0x10f: {  	v14 =	vmul.f32 v14, v14;
	v12 =	vadd.f32 v57, v12;
	v15 =	vadd.f32 v28, v15  }
0x110: {  	v10 =	vmul.f32 v10, v10;
	v13 =	vadd.f32 v16, v13;
	v11 =	vadd.f32 v24, v11  }
0x111: {  	v9 =	vmul.f32 v9, v9;
	v12 =	vadd.f32 v14, v12;
	v58 =	vadd.f32 v26, v15  }
0x112: {  	v6 =	vmul.f32 v6, v6;
	v10 =	vadd.f32 v10, v13;
	v11 =	vadd.f32 v22, v11  }
0x113: {  	v5 =	vmul.f32 v5, v5;
	v9 =	vadd.f32 v9, v12;
	v59 =	vadd.f32 v25, v58  }
0x114: {  	v4 =	vmul.f32 v4, v4;
	v6 =	vadd.f32 v6, v10;
	v60 =	vadd.f32 v20, v11  }
0x115: {  	v3 =	vmul.f32 v3, v3;
	v5 =	vadd.f32 v5, v9;
	v61 =	vadd.f32 v21, v59  }
0x116: {  	v2 =	vmul.f32 v2, v2;
	s0 =	sshll.u32 s30, $0x7;
	p0 =	seq.s32 s3, $0x0;
	v4 =	vadd.f32 v4, v6;
	v62 =	vadd.f32 v8, v60  }
.Ltmp6:
0x117: {  	v1 =	vmul.f32 v1, v1;
	s0 =	sand.u32 $0x3FFFFF80, s0;
	v3 =	vadd.f32 v3, v5;
	v63 =	vadd.f32 v7, v61;
	(pc) =	sbr.rel @p0 .LBB2_9-.Ltmp6, $4  }
0x118: {  	v2 =	vadd.f32 v2, v4;
	[tilespmem:s0+$0x1B000] =	vst v62  }
0x119: {  	v1 =	vadd.f32 v1, v3;
	[tilespmem:s0+$0x1C000] =	vst v63  }
0x11a: {  	[tilespmem:s0+$0x1D000] =	vst v2  }
0x11b: {  	[tilespmem:s0+$0x1E000] =	vst v1  }
.LBB2_6:
0x11c: {  	p0 =	seq.s32 s30, $0x1D  }
0x11d: {  	s0 =	smul.u32 @!p0 $0x48000, s30;
	_ =	sdelay $0x1  }
0x11e: {  	_ =	swait.ge [sflag:s22], $0x2400;
	s0 =	sadd.s32 @!p0 s0, s10  }
0x11f: {  	[sflag:s22] =	ssyncset.done $0x0;
	s3 =	simm.s32 @!p0 $0x0;
	s0 =	sshrl.u32 @!p0 s0, $0x3  }
0x120: {  	s17 =	simm.s32 @!p0 $0x12000;
	[sflag:s22] =	ssyncadd.s32 $0xFFFFDC00;
	s0 =	sadd.s32 @!p0 s1, s0  }
0x121: {  	[tilespmem:s17], [sflag:$0x1] =	stream.linear.gather @!p0 [hbm4b:s0+s3], $0x2400, $0x38;
	[tilespmem:$0x1F000] =	vst v63  }
0x122: {  	s3 =	simm.s32 $0x0  }
0x123: {  	v1 =	vld [tilespmem:s3+$0x14470]  }
0x124: {  	v2 =	vld [tilespmem:s3+$0x70]  }
0x125: {  	v3 =	vld [tilespmem:s3+$0x2470]  }
0x126: {  	v4 =	vld [tilespmem:s3+$0x4870]  }
0x127: {  	v5 =	vld [tilespmem:s3+$0x6C70]  }
0x128: {  	v6 =	vld [tilespmem:s3+$0x14460]  }
0x129: {  	v7 =	vld [tilespmem:s3+$0x60]  }
0x12a: {  	v8 =	vld [tilespmem:s3+$0x2460]  }
0x12b: {  	v9 =	vld [tilespmem:s3+$0x4860]  }
0x12c: {  	v10 =	vld [tilespmem:s3+$0x6C60]  }
0x12d: {  	v11 =	vld [tilespmem:s3+$0x14450]  }
0x12e: {  	v12 =	vld [tilespmem:s3+$0x50]  }
0x12f: {  	v13 =	vld [tilespmem:s3+$0x2450]  }
0x130: {  	v14 =	vld [tilespmem:s3+$0x4850]  }
0x131: {  	v15 =	vld [tilespmem:s3+$0x6C50]  }
0x132: {  	v16 =	vld [tilespmem:s3+$0x14440]  }
0x133: {  	v17 =	vld [tilespmem:s3+$0x40]  }
0x134: {  	v18 =	vld [tilespmem:s3+$0x2440]  }
0x135: {  	v19 =	vld [tilespmem:s3+$0x4840]  }
0x136: {  	v23 =	vld [tilespmem:s3+$0x6C40]  }
0x137: {  	v30 =	vld [tilespmem:s3+$0x14430]  }
0x138: {  	v27 =	vld [tilespmem:s3+$0x30]  }
0x139: {  	v28 =	vld [tilespmem:s3+$0x2430]  }
0x13a: {  	v29 =	vld [tilespmem:s3+$0x4830]  }
0x13b: {  	v33 =	vld [tilespmem:s3+$0x6C30];
	v34 =	vsub.f32 v1, v2;
	v36 =	vsub.f32 v1, v3  }
0x13c: {  	v37 =	vld [tilespmem:s3+$0x14420];
	v2 =	vsub.f32 v1, v4;
	v20 =	vsub.f32 v6, v7  }
0x13d: {  	v31 =	vld [tilespmem:s3+$0x10];
	v1 =	vsub.f32 v1, v5;
	v21 =	vsub.f32 v6, v8  }
0x13e: {  	v7 =	vld [tilespmem:s3+$0x20];
	v4 =	vsub.f32 v6, v9;
	v22 =	vsub.f32 v11, v12  }
0x13f: {  	v8 =	vld [tilespmem:s3+$0x2420];
	v3 =	vsub.f32 v6, v10;
	v25 =	vsub.f32 v11, v13  }
0x140: {  	v12 =	vld [tilespmem:s3+$0x4820];
	v6 =	vsub.f32 v11, v14;
	v24 =	vsub.f32 v16, v17  }
0x141: {  	v13 =	vld [tilespmem:s3+$0x6C20];
	v5 =	vsub.f32 v11, v15;
	v26 =	vsub.f32 v16, v18  }
0x142: {  	v32 =	vld [tilespmem:s3+$0x2410];
	v10 =	vsub.f32 v16, v19;
	v27 =	vsub.f32 v30, v27  }
0x143: {  	v17 =	vld [tilespmem:s3+$0x14410];
	v9 =	vsub.f32 v16, v23;
	v28 =	vsub.f32 v30, v28  }
0x144: {  	v35 =	vld [tilespmem:s3+$0x0];
	v16 =	vsub.f32 v30, v29;
	v14 =	vsub.f32 v30, v33;
	v11 =	vimm.f32 $0.0e+00  }
0x145: {  	v23 =	vld [tilespmem:s3+$0x14400];
	v15 =	vimm.f32 $0.0e+00;
	v29 =	vsub.f32 v37, v7;
	v30 =	vsub.f32 v37, v8  }
0x146: {  	v33 =	vld [tilespmem:s3+$0x2400];
	v19 =	vsub.f32 v37, v12;
	v18 =	vsub.f32 v37, v13;
	v8 =	vmul.f32 v34, v34  }
0x147: {  	s0 =	simm.s32 $0x200;
	v7 =	vmul.f32 v36, v36;
	v34 =	vld [tilespmem:s3+$0x4800];
	v13 =	vimm.f32 $0.0e+00;
	v12 =	vimm.f32 $0.0e+00  }
.LBB2_7:
0x148: {  	p0 =	sne.s32 s0, $0x8E00;
	v36 =	vld [tilespmem:s3+$0x6C00];
	v31 =	vsub.f32 v17, v31;
	v20 =	vmul.f32 v20, v20;
	v21 =	vmul.f32 v21, v21  }
0x149: {  	v32 =	vsub.f32 v17, v32;
	v22 =	vmul.f32 v22, v22;
	v25 =	vmul.f32 v25, v25;
	v37 =	vld [tilespmem:s3+$0x4810]  }
0x14a: {  	v24 =	vmul.f32 v24, v24;
	v26 =	vmul.f32 v26, v26;
	v35 =	vsub.f32 v23, v35;
	v38 =	vld [tilespmem:s3+$0x6C10];
	s3 =	sshra.s32 s0, $0x2  }
0x14b: {  	v27 =	vmul.f32 v27, v27;
	v28 =	vmul.f32 v28, v28;
	v39 =	vld [tilespmem:s3+$0x14470];
	v33 =	vsub.f32 v23, v33  }
0x14c: {  	v29 =	vmul.f32 v29, v29;
	v30 =	vmul.f32 v30, v30;
	v40 =	vld [tilespmem:s3+$0x70];
	v34 =	vsub.f32 v23, v34  }
0x14d: {  	v31 =	vmul.f32 v31, v31;
	v32 =	vmul.f32 v32, v32;
	v41 =	vld [tilespmem:s3+$0x2470];
	v23 =	vsub.f32 v23, v36  }
0x14e: {  	v35 =	vmul.f32 v35, v35;
	v33 =	vmul.f32 v33, v33;
	v36 =	vld [tilespmem:s3+$0x4870];
	v37 =	vsub.f32 v17, v37  }
0x14f: {  	v34 =	vmul.f32 v34, v34;
	v42 =	vld [tilespmem:s3+$0x6C70];
	v23 =	vmul.f32 v23, v23;
	v17 =	vsub.f32 v17, v38  }
0x150: {  	v11 =	vadd.f32 v35, v11;
	v15 =	vadd.f32 v33, v15;
	v38 =	vld [tilespmem:s3+$0x14460];
	v33 =	vmul.f32 v37, v37  }
0x151: {  	v13 =	vadd.f32 v34, v13;
	v35 =	vld [tilespmem:s3+$0x60];
	v12 =	vadd.f32 v23, v12;
	v17 =	vmul.f32 v17, v17  }
0x152: {  	v19 =	vmul.f32 v19, v19;
	v11 =	vadd.f32 v31, v11;
	v15 =	vadd.f32 v32, v15;
	v23 =	vld [tilespmem:s3+$0x2460]  }
0x153: {  	v13 =	vadd.f32 v33, v13;
	v31 =	vld [tilespmem:s3+$0x4860];
	v12 =	vadd.f32 v17, v12;
	v17 =	vmul.f32 v18, v18  }
0x154: {  	v16 =	vmul.f32 v16, v16;
	v11 =	vadd.f32 v29, v11;
	v15 =	vadd.f32 v30, v15;
	v18 =	vld [tilespmem:s3+$0x6C60]  }
0x155: {  	v14 =	vmul.f32 v14, v14;
	v13 =	vadd.f32 v19, v13;
	v29 =	vld [tilespmem:s3+$0x14450];
	v12 =	vadd.f32 v17, v12  }
0x156: {  	v10 =	vmul.f32 v10, v10;
	v11 =	vadd.f32 v27, v11;
	v15 =	vadd.f32 v28, v15;
	v17 =	vld [tilespmem:s3+$0x50]  }
0x157: {  	v9 =	vmul.f32 v9, v9;
	v13 =	vadd.f32 v16, v13;
	v19 =	vld [tilespmem:s3+$0x2450];
	v12 =	vadd.f32 v14, v12  }
0x158: {  	v6 =	vmul.f32 v6, v6;
	v11 =	vadd.f32 v24, v11;
	v15 =	vadd.f32 v26, v15;
	v14 =	vld [tilespmem:s3+$0x4850]  }
0x159: {  	v5 =	vmul.f32 v5, v5;
	v10 =	vadd.f32 v10, v13;
	v16 =	vld [tilespmem:s3+$0x6C50];
	v9 =	vadd.f32 v9, v12  }
0x15a: {  	v4 =	vmul.f32 v4, v4;
	v11 =	vadd.f32 v22, v11;
	v12 =	vadd.f32 v25, v15;
	v28 =	vld [tilespmem:s3+$0x14440]  }
0x15b: {  	v3 =	vmul.f32 v3, v3;
	v6 =	vadd.f32 v6, v10;
	v24 =	vld [tilespmem:s3+$0x40];
	v5 =	vadd.f32 v5, v9  }
0x15c: {  	v2 =	vmul.f32 v2, v2;
	v10 =	vadd.f32 v20, v11;
	v12 =	vadd.f32 v21, v12;
	v9 =	vld [tilespmem:s3+$0x2440]  }
0x15d: {  	v1 =	vmul.f32 v1, v1;
	v4 =	vadd.f32 v4, v6;
	v27 =	vld [tilespmem:s3+$0x4840];
	v3 =	vadd.f32 v3, v5  }
0x15e: {  	v11 =	vadd.f32 v8, v10;
	v15 =	vadd.f32 v7, v12;
	v30 =	vld [tilespmem:s3+$0x6C40]  }
0x15f: {  	v13 =	vadd.f32 v2, v4;
	v7 =	vld [tilespmem:s3+$0x14430];
	v12 =	vadd.f32 v1, v3  }
0x160: {  	v8 =	vld [tilespmem:s3+$0x30]  }
0x161: {  	v33 =	vld [tilespmem:s3+$0x2430]  }
0x162: {  	v34 =	vld [tilespmem:s3+$0x4830]  }
0x163: {  	v40 =	vsub.f32 v39, v40;
	v37 =	vld [tilespmem:s3+$0x6C30]  }
0x164: {  	v41 =	vsub.f32 v39, v41;
	v2 =	vsub.f32 v39, v36;
	v43 =	vld [tilespmem:s3+$0x14420]  }
0x165: {  	v20 =	vsub.f32 v38, v35;
	v1 =	vsub.f32 v39, v42;
	v36 =	vld [tilespmem:s3+$0x20]  }
0x166: {  	v21 =	vsub.f32 v38, v23;
	v4 =	vsub.f32 v38, v31;
	v39 =	vld [tilespmem:s3+$0x2420]  }
0x167: {  	v22 =	vsub.f32 v29, v17;
	v3 =	vsub.f32 v38, v18;
	v42 =	vld [tilespmem:s3+$0x4820]  }
0x168: {  	v25 =	vsub.f32 v29, v19;
	v6 =	vsub.f32 v29, v14;
	v18 =	vld [tilespmem:s3+$0x6C20]  }
0x169: {  	v5 =	vsub.f32 v29, v16;
	v24 =	vsub.f32 v28, v24;
	v17 =	vld [tilespmem:s3+$0x14410]  }
0x16a: {  	v26 =	vsub.f32 v28, v9;
	v10 =	vsub.f32 v28, v27;
	v31 =	vld [tilespmem:s3+$0x10]  }
.Ltmp7:
0x16b: {  	v9 =	vsub.f32 v28, v30;
	v27 =	vsub.f32 v7, v8;
	v32 =	vld [tilespmem:s3+$0x2410];
	(pc) =	sbr.rel @p0 .LBB2_7-.Ltmp7, $4  }
0x16c: {  	v28 =	vsub.f32 v7, v33;
	v16 =	vsub.f32 v7, v34;
	v23 =	vld [tilespmem:s3+$0x14400]  }
0x16d: {  	v14 =	vsub.f32 v7, v37;
	v29 =	vsub.f32 v43, v36;
	v35 =	vld [tilespmem:s3+$0x0]  }
0x16e: {  	v30 =	vsub.f32 v43, v39;
	v19 =	vsub.f32 v43, v42;
	v33 =	vld [tilespmem:s3+$0x2400]  }
0x16f: {  	s0 =	sadd.s32 $0x200, s0;
	v8 =	vmul.f32 v40, v40;
	v7 =	vmul.f32 v41, v41;
	v18 =	vsub.f32 v43, v18;
	v34 =	vld [tilespmem:s3+$0x4800]  }
0x170: {  	v20 =	vmul.f32 v20, v20;
	v21 =	vmul.f32 v21, v21  }
0x171: {  	v36 =	vld [tilespmem:s3+$0x6C00];
	v31 =	vsub.f32 v17, v31;
	v22 =	vmul.f32 v22, v22;
	v25 =	vmul.f32 v25, v25  }
0x172: {  	v32 =	vsub.f32 v17, v32;
	v37 =	vld [tilespmem:s3+$0x4810];
	v24 =	vmul.f32 v24, v24;
	v26 =	vmul.f32 v26, v26  }
0x173: {  	v38 =	vld [tilespmem:s3+$0x6C10];
	v27 =	vmul.f32 v27, v27;
	v28 =	vmul.f32 v28, v28;
	v35 =	vsub.f32 v23, v35  }
0x174: {  	v29 =	vmul.f32 v29, v29;
	v30 =	vmul.f32 v30, v30;
	v33 =	vsub.f32 v23, v33  }
0x175: {  	v31 =	vmul.f32 v31, v31;
	v34 =	vsub.f32 v23, v34;
	v35 =	vmul.f32 v35, v35  }
0x176: {  	v32 =	vmul.f32 v32, v32;
	v53 =	vsub.f32 v23, v36;
	v33 =	vmul.f32 v33, v33  }
0x177: {  	v54 =	vsub.f32 v17, v37;
	v34 =	vmul.f32 v34, v34;
	v11 =	vadd.f32 v35, v11  }
0x178: {  	v55 =	vsub.f32 v17, v38;
	v23 =	vmul.f32 v53, v53;
	v15 =	vadd.f32 v33, v15  }
0x179: {  	v56 =	vmul.f32 v54, v54;
	v13 =	vadd.f32 v34, v13;
	v11 =	vadd.f32 v31, v11  }
0x17a: {  	v17 =	vmul.f32 v55, v55;
	v12 =	vadd.f32 v23, v12;
	v15 =	vadd.f32 v32, v15  }
0x17b: {  	v19 =	vmul.f32 v19, v19;
	v13 =	vadd.f32 v56, v13;
	v11 =	vadd.f32 v29, v11  }
0x17c: {  	v57 =	vmul.f32 v18, v18;
	v12 =	vadd.f32 v17, v12;
	v15 =	vadd.f32 v30, v15  }
0x17d: {  	v16 =	vmul.f32 v16, v16;
	v13 =	vadd.f32 v19, v13;
	v11 =	vadd.f32 v27, v11  }
0x17e: {  	v14 =	vmul.f32 v14, v14;
	v12 =	vadd.f32 v57, v12;
	v15 =	vadd.f32 v28, v15  }
0x17f: {  	v10 =	vmul.f32 v10, v10;
	v13 =	vadd.f32 v16, v13;
	v11 =	vadd.f32 v24, v11  }
0x180: {  	v9 =	vmul.f32 v9, v9;
	v12 =	vadd.f32 v14, v12;
	v58 =	vadd.f32 v26, v15  }
0x181: {  	v6 =	vmul.f32 v6, v6;
	v10 =	vadd.f32 v10, v13;
	v11 =	vadd.f32 v22, v11  }
0x182: {  	v5 =	vmul.f32 v5, v5;
	v9 =	vadd.f32 v9, v12;
	v59 =	vadd.f32 v25, v58  }
0x183: {  	v4 =	vmul.f32 v4, v4;
	v6 =	vadd.f32 v6, v10;
	v60 =	vadd.f32 v20, v11  }
0x184: {  	v3 =	vmul.f32 v3, v3;
	v5 =	vadd.f32 v5, v9;
	v61 =	vadd.f32 v21, v59  }
0x185: {  	v2 =	vmul.f32 v2, v2;
	s0 =	sshll.u32 s30, $0x7;
	v4 =	vadd.f32 v4, v6;
	v62 =	vadd.f32 v8, v60  }
.Ltmp8:
0x186: {  	v1 =	vmul.f32 v1, v1;
	s0 =	sand.u32 $0x3FFFFF80, s0;
	v3 =	vadd.f32 v3, v5;
	v63 =	vadd.f32 v7, v61;
	(pc) =	sbr.rel .LBB2_9-.Ltmp8, $4  }
0x187: {  	v2 =	vadd.f32 v2, v4;
	[tilespmem:s0+$0x1B000] =	vst v62  }
0x188: {  	v1 =	vadd.f32 v1, v3;
	[tilespmem:s0+$0x1C000] =	vst v63  }
0x189: {  	[tilespmem:s0+$0x1D000] =	vst v2  }
0x18a: {  	[tilespmem:s0+$0x1E000] =	vst v1  }
.LBB2_10:
0x18b: {  	s30 =	simm.s32 $0x0  }
0x18c: {  	[hbm4b:s11+s30] =	stream.linear.scatter [tilespmem:s23], [sflag:$0x5], $0x4000, $0x38;
	[tilespmem:$0x1F000] =	vst v63  }
0x18d: {  	_ =	swait.ge [sflag:s18], $0x4000  }
0x18e: {  	[sflag:s18] =	ssyncset.done $0x0  }
0x18f: {  	[sflag:s18] =	ssyncadd.s32 $0xFFFFC000  }
0x190: {  	[tilespmem:$0x1B000] =	vst v0  }
0x191: {  	[tilespmem:$0x1B080] =	vst v0  }
0x192: {  	[tilespmem:$0x1B100] =	vst v0  }
0x193: {  	[tilespmem:$0x1B180] =	vst v0  }
0x194: {  	[tilespmem:$0x1B200] =	vst v0  }
0x195: {  	[tilespmem:$0x1B280] =	vst v0  }
0x196: {  	[tilespmem:$0x1B300] =	vst v0  }
0x197: {  	[tilespmem:$0x1B380] =	vst v0  }
0x198: {  	[tilespmem:$0x1B400] =	vst v0  }
0x199: {  	[tilespmem:$0x1B480] =	vst v0  }
0x19a: {  	[tilespmem:$0x1B500] =	vst v0  }
0x19b: {  	[tilespmem:$0x1B580] =	vst v0  }
0x19c: {  	[tilespmem:$0x1B600] =	vst v0  }
0x19d: {  	[tilespmem:$0x1B680] =	vst v0  }
0x19e: {  	[tilespmem:$0x1B700] =	vst v0  }
0x19f: {  	[tilespmem:$0x1B780] =	vst v0  }
0x1a0: {  	[tilespmem:$0x1B800] =	vst v0  }
0x1a1: {  	[tilespmem:$0x1B880] =	vst v0  }
0x1a2: {  	[tilespmem:$0x1B900] =	vst v0  }
0x1a3: {  	[tilespmem:$0x1B980] =	vst v0  }
0x1a4: {  	[tilespmem:$0x1BA00] =	vst v0  }
0x1a5: {  	[tilespmem:$0x1BA80] =	vst v0  }
0x1a6: {  	[tilespmem:$0x1BB00] =	vst v0  }
0x1a7: {  	[tilespmem:$0x1BB80] =	vst v0  }
0x1a8: {  	[tilespmem:$0x1BC00] =	vst v0  }
0x1a9: {  	[tilespmem:$0x1BC80] =	vst v0  }
0x1aa: {  	[tilespmem:$0x1BD00] =	vst v0  }
0x1ab: {  	[tilespmem:$0x1BD80] =	vst v0  }
0x1ac: {  	[tilespmem:$0x1BE00] =	vst v0  }
0x1ad: {  	[tilespmem:$0x1BE80] =	vst v0  }
0x1ae: {  	[tilespmem:$0x1BF00] =	vst v0  }
0x1af: {  	[tilespmem:$0x1BF80] =	vst v0  }
0x1b0: {  	[tilespmem:$0x1C000] =	vst v0  }
0x1b1: {  	[tilespmem:$0x1C080] =	vst v0  }
0x1b2: {  	[tilespmem:$0x1C100] =	vst v0  }
0x1b3: {  	[tilespmem:$0x1C180] =	vst v0  }
0x1b4: {  	[tilespmem:$0x1C200] =	vst v0  }
0x1b5: {  	[tilespmem:$0x1C280] =	vst v0  }
0x1b6: {  	[tilespmem:$0x1C300] =	vst v0  }
0x1b7: {  	[tilespmem:$0x1C380] =	vst v0  }
0x1b8: {  	[tilespmem:$0x1C400] =	vst v0  }
0x1b9: {  	[tilespmem:$0x1C480] =	vst v0  }
0x1ba: {  	[tilespmem:$0x1C500] =	vst v0  }
0x1bb: {  	[tilespmem:$0x1C580] =	vst v0  }
0x1bc: {  	[tilespmem:$0x1C600] =	vst v0  }
0x1bd: {  	[tilespmem:$0x1C680] =	vst v0  }
0x1be: {  	[tilespmem:$0x1C700] =	vst v0  }
0x1bf: {  	[tilespmem:$0x1C780] =	vst v0  }
0x1c0: {  	[tilespmem:$0x1C800] =	vst v0  }
0x1c1: {  	[tilespmem:$0x1C880] =	vst v0  }
0x1c2: {  	[tilespmem:$0x1C900] =	vst v0  }
0x1c3: {  	[tilespmem:$0x1C980] =	vst v0  }
0x1c4: {  	[tilespmem:$0x1CA00] =	vst v0  }
0x1c5: {  	[tilespmem:$0x1CA80] =	vst v0  }
0x1c6: {  	[tilespmem:$0x1CB00] =	vst v0  }
0x1c7: {  	[tilespmem:$0x1CB80] =	vst v0  }
0x1c8: {  	[tilespmem:$0x1CC00] =	vst v0  }
0x1c9: {  	[tilespmem:$0x1CC80] =	vst v0  }
0x1ca: {  	[tilespmem:$0x1CD00] =	vst v0  }
0x1cb: {  	[tilespmem:$0x1CD80] =	vst v0  }
0x1cc: {  	[tilespmem:$0x1CE00] =	vst v0  }
0x1cd: {  	[tilespmem:$0x1CE80] =	vst v0  }
0x1ce: {  	[tilespmem:$0x1CF00] =	vst v0  }
0x1cf: {  	[tilespmem:$0x1CF80] =	vst v0  }
0x1d0: {  	[tilespmem:$0x1D000] =	vst v0  }
0x1d1: {  	[tilespmem:$0x1D080] =	vst v0  }
0x1d2: {  	[tilespmem:$0x1D100] =	vst v0  }
0x1d3: {  	[tilespmem:$0x1D180] =	vst v0  }
0x1d4: {  	[tilespmem:$0x1D200] =	vst v0  }
0x1d5: {  	[tilespmem:$0x1D280] =	vst v0  }
0x1d6: {  	[tilespmem:$0x1D300] =	vst v0  }
0x1d7: {  	[tilespmem:$0x1D380] =	vst v0  }
0x1d8: {  	[tilespmem:$0x1D400] =	vst v0  }
0x1d9: {  	[tilespmem:$0x1D480] =	vst v0  }
0x1da: {  	[tilespmem:$0x1D500] =	vst v0  }
0x1db: {  	[tilespmem:$0x1D580] =	vst v0  }
0x1dc: {  	[tilespmem:$0x1D600] =	vst v0  }
0x1dd: {  	[tilespmem:$0x1D680] =	vst v0  }
0x1de: {  	[tilespmem:$0x1D700] =	vst v0  }
0x1df: {  	[tilespmem:$0x1D780] =	vst v0  }
0x1e0: {  	[tilespmem:$0x1D800] =	vst v0  }
0x1e1: {  	[tilespmem:$0x1D880] =	vst v0  }
0x1e2: {  	[tilespmem:$0x1D900] =	vst v0  }
0x1e3: {  	[tilespmem:$0x1D980] =	vst v0  }
0x1e4: {  	[tilespmem:$0x1DA00] =	vst v0  }
0x1e5: {  	[tilespmem:$0x1DA80] =	vst v0  }
0x1e6: {  	[tilespmem:$0x1DB00] =	vst v0  }
0x1e7: {  	[tilespmem:$0x1DB80] =	vst v0  }
0x1e8: {  	[tilespmem:$0x1DC00] =	vst v0  }
0x1e9: {  	[tilespmem:$0x1DC80] =	vst v0  }
0x1ea: {  	[tilespmem:$0x1DD00] =	vst v0  }
0x1eb: {  	[tilespmem:$0x1DD80] =	vst v0  }
0x1ec: {  	[tilespmem:$0x1DE00] =	vst v0  }
0x1ed: {  	[tilespmem:$0x1DE80] =	vst v0  }
0x1ee: {  	[tilespmem:$0x1DF00] =	vst v0  }
0x1ef: {  	[tilespmem:$0x1DF80] =	vst v0  }
0x1f0: {  	[tilespmem:$0x1E000] =	vst v0  }
0x1f1: {  	[tilespmem:$0x1E080] =	vst v0  }
0x1f2: {  	[tilespmem:$0x1E100] =	vst v0  }
0x1f3: {  	[tilespmem:$0x1E180] =	vst v0  }
0x1f4: {  	[tilespmem:$0x1E200] =	vst v0  }
0x1f5: {  	[tilespmem:$0x1E280] =	vst v0  }
0x1f6: {  	[tilespmem:$0x1E300] =	vst v0  }
0x1f7: {  	[tilespmem:$0x1E380] =	vst v0  }
0x1f8: {  	[tilespmem:$0x1E400] =	vst v0  }
0x1f9: {  	[tilespmem:$0x1E480] =	vst v0  }
0x1fa: {  	[tilespmem:$0x1E500] =	vst v0  }
0x1fb: {  	[tilespmem:$0x1E580] =	vst v0  }
0x1fc: {  	[tilespmem:$0x1E600] =	vst v0  }
0x1fd: {  	[tilespmem:$0x1E680] =	vst v0  }
0x1fe: {  	[tilespmem:$0x1E700] =	vst v0  }
0x1ff: {  	[tilespmem:$0x1E780] =	vst v0  }
0x200: {  	[tilespmem:$0x1E800] =	vst v0  }
0x201: {  	[tilespmem:$0x1E880] =	vst v0  }
0x202: {  	[tilespmem:$0x1E900] =	vst v0  }
0x203: {  	[tilespmem:$0x1E980] =	vst v0  }
0x204: {  	[tilespmem:$0x1EA00] =	vst v0  }
0x205: {  	[tilespmem:$0x1EA80] =	vst v0  }
0x206: {  	[tilespmem:$0x1EB00] =	vst v0  }
0x207: {  	[tilespmem:$0x1EB80] =	vst v0  }
0x208: {  	[tilespmem:$0x1EC00] =	vst v0  }
0x209: {  	[tilespmem:$0x1EC80] =	vst v0  }
0x20a: {  	[tilespmem:$0x1ED00] =	vst v0  }
0x20b: {  	[tilespmem:$0x1ED80] =	vst v0  }
.Ltmp9:
0x20c: {  	[tilespmem:$0x1EE00] =	vst v0;
	(pc) =	sbr.rel .LBB2_11-.Ltmp9, $4  }
0x20d: {  	[tilespmem:$0x1EE80] =	vst v0  }
0x20e: {  	[tilespmem:$0x1EF00] =	vst v0  }
0x20f: {  	[tilespmem:$0x1EF80] =	vst v0  }
0x210: {  	[tilespmem:s24], [sflag:$0x3] =	stream.linear.gather [hbm4b:s12+s30], $0x2400, $0x38;
	[tilespmem:$0x1F000] =	vst v63  }
.LBB2_18:
0x211: {  	s30 =	sadd.s32 $0x1, s30  }
0x212: {  	p0 =	sne.s32 s30, $0xF  }
.Ltmp10:
0x213: {  	_ = 	snop;
	(pc) =	sbr.rel @!p0 .LBB2_19-.Ltmp10, $1  }
0x214: {  	_ =	sdelay $0x3  }
.LBB2_11:
0x215: {  	s3 =	sand.u32 $0x1, s30  }
0x216: {  	p0 =	seq.s32 s3, $0x1  }
.Ltmp11:
0x217: {  	_ = 	snop;
	(pc) =	sbr.rel @p0 .LBB2_15-.Ltmp11, $2  }
0x218: {  	_ =	sdelay $0x2  }
0x219: {  	s31 =	sadd.s32 s5, s30  }
0x21a: {  	p0 =	seq.s32 s30, $0xE  }
0x21b: {  	s0 =	smul.u32 @!p0 $0x24000, s31;
	_ =	sdelay $0x1  }
0x21c: {  	_ =	swait.ge [sflag:s26], $0x2400;
	s0 =	sadd.s32 @!p0 s0, s13  }
0x21d: {  	[sflag:s26] =	ssyncset.done $0x0;
	s17 =	simm.s32 @!p0 $0x0;
	s0 =	sshrl.u32 @!p0 s0, $0x3  }
0x21e: {  	s19 =	simm.s32 @!p0 $0x18C00;
	[sflag:s26] =	ssyncadd.s32 $0xFFFFDC00;
	s0 =	sadd.s32 @!p0 s2, s0  }
0x21f: {  	[tilespmem:s19], [sflag:$0x4] =	stream.linear.gather @!p0 [hbm4b:s0+s17], $0x2400, $0x38;
	[tilespmem:$0x1F000] =	vst v63  }
0x220: {  	s0 =	simm.s32 $0x0  }
0x221: {  	v1 =	vld [tilespmem:s0+$0x16870]  }
0x222: {  	v2 =	vld [tilespmem:s0+$0x9070]  }
0x223: {  	v3 =	vld [tilespmem:s0+$0xB470]  }
0x224: {  	v4 =	vld [tilespmem:s0+$0xD870]  }
0x225: {  	v5 =	vld [tilespmem:s0+$0xFC70]  }
0x226: {  	v6 =	vld [tilespmem:s0+$0x16860]  }
0x227: {  	v7 =	vld [tilespmem:s0+$0x9060]  }
0x228: {  	v8 =	vld [tilespmem:s0+$0xB460]  }
0x229: {  	v9 =	vld [tilespmem:s0+$0xD860]  }
0x22a: {  	v10 =	vld [tilespmem:s0+$0xFC60]  }
0x22b: {  	v11 =	vld [tilespmem:s0+$0x16850]  }
0x22c: {  	v12 =	vld [tilespmem:s0+$0x9050]  }
0x22d: {  	v13 =	vld [tilespmem:s0+$0xB450]  }
0x22e: {  	v14 =	vld [tilespmem:s0+$0xD850]  }
0x22f: {  	v15 =	vld [tilespmem:s0+$0xFC50]  }
0x230: {  	v16 =	vld [tilespmem:s0+$0x16840]  }
0x231: {  	v17 =	vld [tilespmem:s0+$0x9040]  }
0x232: {  	v18 =	vld [tilespmem:s0+$0xB440]  }
0x233: {  	v19 =	vld [tilespmem:s0+$0xD840]  }
0x234: {  	v23 =	vld [tilespmem:s0+$0xFC40]  }
0x235: {  	v30 =	vld [tilespmem:s0+$0x16830]  }
0x236: {  	v27 =	vld [tilespmem:s0+$0x9030]  }
0x237: {  	v28 =	vld [tilespmem:s0+$0xB430]  }
0x238: {  	v29 =	vld [tilespmem:s0+$0xD830]  }
0x239: {  	v33 =	vld [tilespmem:s0+$0xFC30];
	v34 =	vsub.f32 v1, v2;
	v36 =	vsub.f32 v1, v3  }
0x23a: {  	v37 =	vld [tilespmem:s0+$0x16820];
	v2 =	vsub.f32 v1, v4;
	v20 =	vsub.f32 v6, v7  }
0x23b: {  	v31 =	vld [tilespmem:s0+$0x9010];
	v1 =	vsub.f32 v1, v5;
	v21 =	vsub.f32 v6, v8  }
0x23c: {  	v7 =	vld [tilespmem:s0+$0x9020];
	v4 =	vsub.f32 v6, v9;
	v22 =	vsub.f32 v11, v12  }
0x23d: {  	v8 =	vld [tilespmem:s0+$0xB420];
	v3 =	vsub.f32 v6, v10;
	v25 =	vsub.f32 v11, v13  }
0x23e: {  	v12 =	vld [tilespmem:s0+$0xD820];
	v6 =	vsub.f32 v11, v14;
	v24 =	vsub.f32 v16, v17  }
0x23f: {  	v13 =	vld [tilespmem:s0+$0xFC20];
	v5 =	vsub.f32 v11, v15;
	v26 =	vsub.f32 v16, v18  }
0x240: {  	v32 =	vld [tilespmem:s0+$0xB410];
	v10 =	vsub.f32 v16, v19;
	v27 =	vsub.f32 v30, v27  }
0x241: {  	v17 =	vld [tilespmem:s0+$0x16810];
	v9 =	vsub.f32 v16, v23;
	v28 =	vsub.f32 v30, v28  }
0x242: {  	v35 =	vld [tilespmem:s0+$0x9000];
	v16 =	vsub.f32 v30, v29;
	v14 =	vsub.f32 v30, v33;
	v11 =	vimm.f32 $0.0e+00  }
0x243: {  	v23 =	vld [tilespmem:s0+$0x16800];
	v15 =	vimm.f32 $0.0e+00;
	v29 =	vsub.f32 v37, v7;
	v30 =	vsub.f32 v37, v8  }
0x244: {  	v33 =	vld [tilespmem:s0+$0xB400];
	v19 =	vsub.f32 v37, v12;
	v18 =	vsub.f32 v37, v13;
	v8 =	vmul.f32 v34, v34  }
0x245: {  	s17 =	simm.s32 $0x200;
	v7 =	vmul.f32 v36, v36;
	v34 =	vld [tilespmem:s0+$0xD800];
	v13 =	vimm.f32 $0.0e+00;
	v12 =	vimm.f32 $0.0e+00  }
.LBB2_13:
0x246: {  	p0 =	sne.s32 s17, $0x8E00;
	v36 =	vld [tilespmem:s0+$0xFC00];
	v31 =	vsub.f32 v17, v31;
	v20 =	vmul.f32 v20, v20;
	v21 =	vmul.f32 v21, v21  }
0x247: {  	v32 =	vsub.f32 v17, v32;
	v22 =	vmul.f32 v22, v22;
	v25 =	vmul.f32 v25, v25;
	v37 =	vld [tilespmem:s0+$0xD810]  }
0x248: {  	v24 =	vmul.f32 v24, v24;
	v26 =	vmul.f32 v26, v26;
	v35 =	vsub.f32 v23, v35;
	v38 =	vld [tilespmem:s0+$0xFC10];
	s0 =	sshra.s32 s17, $0x2  }
0x249: {  	v27 =	vmul.f32 v27, v27;
	v28 =	vmul.f32 v28, v28;
	v39 =	vld [tilespmem:s0+$0x16870];
	v33 =	vsub.f32 v23, v33  }
0x24a: {  	v29 =	vmul.f32 v29, v29;
	v30 =	vmul.f32 v30, v30;
	v40 =	vld [tilespmem:s0+$0x9070];
	v34 =	vsub.f32 v23, v34  }
0x24b: {  	v31 =	vmul.f32 v31, v31;
	v32 =	vmul.f32 v32, v32;
	v41 =	vld [tilespmem:s0+$0xB470];
	v23 =	vsub.f32 v23, v36  }
0x24c: {  	v35 =	vmul.f32 v35, v35;
	v33 =	vmul.f32 v33, v33;
	v36 =	vld [tilespmem:s0+$0xD870];
	v37 =	vsub.f32 v17, v37  }
0x24d: {  	v34 =	vmul.f32 v34, v34;
	v42 =	vld [tilespmem:s0+$0xFC70];
	v23 =	vmul.f32 v23, v23;
	v17 =	vsub.f32 v17, v38  }
0x24e: {  	v11 =	vadd.f32 v35, v11;
	v15 =	vadd.f32 v33, v15;
	v38 =	vld [tilespmem:s0+$0x16860];
	v33 =	vmul.f32 v37, v37  }
0x24f: {  	v13 =	vadd.f32 v34, v13;
	v35 =	vld [tilespmem:s0+$0x9060];
	v12 =	vadd.f32 v23, v12;
	v17 =	vmul.f32 v17, v17  }
0x250: {  	v19 =	vmul.f32 v19, v19;
	v11 =	vadd.f32 v31, v11;
	v15 =	vadd.f32 v32, v15;
	v23 =	vld [tilespmem:s0+$0xB460]  }
0x251: {  	v13 =	vadd.f32 v33, v13;
	v31 =	vld [tilespmem:s0+$0xD860];
	v12 =	vadd.f32 v17, v12;
	v17 =	vmul.f32 v18, v18  }
0x252: {  	v16 =	vmul.f32 v16, v16;
	v11 =	vadd.f32 v29, v11;
	v15 =	vadd.f32 v30, v15;
	v18 =	vld [tilespmem:s0+$0xFC60]  }
0x253: {  	v14 =	vmul.f32 v14, v14;
	v13 =	vadd.f32 v19, v13;
	v29 =	vld [tilespmem:s0+$0x16850];
	v12 =	vadd.f32 v17, v12  }
0x254: {  	v10 =	vmul.f32 v10, v10;
	v11 =	vadd.f32 v27, v11;
	v15 =	vadd.f32 v28, v15;
	v17 =	vld [tilespmem:s0+$0x9050]  }
0x255: {  	v9 =	vmul.f32 v9, v9;
	v13 =	vadd.f32 v16, v13;
	v19 =	vld [tilespmem:s0+$0xB450];
	v12 =	vadd.f32 v14, v12  }
0x256: {  	v6 =	vmul.f32 v6, v6;
	v11 =	vadd.f32 v24, v11;
	v15 =	vadd.f32 v26, v15;
	v14 =	vld [tilespmem:s0+$0xD850]  }
0x257: {  	v5 =	vmul.f32 v5, v5;
	v10 =	vadd.f32 v10, v13;
	v16 =	vld [tilespmem:s0+$0xFC50];
	v9 =	vadd.f32 v9, v12  }
0x258: {  	v4 =	vmul.f32 v4, v4;
	v11 =	vadd.f32 v22, v11;
	v12 =	vadd.f32 v25, v15;
	v28 =	vld [tilespmem:s0+$0x16840]  }
0x259: {  	v3 =	vmul.f32 v3, v3;
	v6 =	vadd.f32 v6, v10;
	v24 =	vld [tilespmem:s0+$0x9040];
	v5 =	vadd.f32 v5, v9  }
0x25a: {  	v2 =	vmul.f32 v2, v2;
	v10 =	vadd.f32 v20, v11;
	v12 =	vadd.f32 v21, v12;
	v9 =	vld [tilespmem:s0+$0xB440]  }
0x25b: {  	v1 =	vmul.f32 v1, v1;
	v4 =	vadd.f32 v4, v6;
	v27 =	vld [tilespmem:s0+$0xD840];
	v3 =	vadd.f32 v3, v5  }
0x25c: {  	v11 =	vadd.f32 v8, v10;
	v15 =	vadd.f32 v7, v12;
	v30 =	vld [tilespmem:s0+$0xFC40]  }
0x25d: {  	v13 =	vadd.f32 v2, v4;
	v7 =	vld [tilespmem:s0+$0x16830];
	v12 =	vadd.f32 v1, v3  }
0x25e: {  	v8 =	vld [tilespmem:s0+$0x9030]  }
0x25f: {  	v33 =	vld [tilespmem:s0+$0xB430]  }
0x260: {  	v34 =	vld [tilespmem:s0+$0xD830]  }
0x261: {  	v40 =	vsub.f32 v39, v40;
	v37 =	vld [tilespmem:s0+$0xFC30]  }
0x262: {  	v41 =	vsub.f32 v39, v41;
	v2 =	vsub.f32 v39, v36;
	v43 =	vld [tilespmem:s0+$0x16820]  }
0x263: {  	v20 =	vsub.f32 v38, v35;
	v1 =	vsub.f32 v39, v42;
	v36 =	vld [tilespmem:s0+$0x9020]  }
0x264: {  	v21 =	vsub.f32 v38, v23;
	v4 =	vsub.f32 v38, v31;
	v39 =	vld [tilespmem:s0+$0xB420]  }
0x265: {  	v22 =	vsub.f32 v29, v17;
	v3 =	vsub.f32 v38, v18;
	v42 =	vld [tilespmem:s0+$0xD820]  }
0x266: {  	v25 =	vsub.f32 v29, v19;
	v6 =	vsub.f32 v29, v14;
	v18 =	vld [tilespmem:s0+$0xFC20]  }
0x267: {  	v5 =	vsub.f32 v29, v16;
	v24 =	vsub.f32 v28, v24;
	v17 =	vld [tilespmem:s0+$0x16810]  }
0x268: {  	v26 =	vsub.f32 v28, v9;
	v10 =	vsub.f32 v28, v27;
	v31 =	vld [tilespmem:s0+$0x9010]  }
.Ltmp12:
0x269: {  	v9 =	vsub.f32 v28, v30;
	v27 =	vsub.f32 v7, v8;
	v32 =	vld [tilespmem:s0+$0xB410];
	(pc) =	sbr.rel @p0 .LBB2_13-.Ltmp12, $4  }
0x26a: {  	v28 =	vsub.f32 v7, v33;
	v16 =	vsub.f32 v7, v34;
	v23 =	vld [tilespmem:s0+$0x16800]  }
0x26b: {  	v14 =	vsub.f32 v7, v37;
	v29 =	vsub.f32 v43, v36;
	v35 =	vld [tilespmem:s0+$0x9000]  }
0x26c: {  	v30 =	vsub.f32 v43, v39;
	v19 =	vsub.f32 v43, v42;
	v33 =	vld [tilespmem:s0+$0xB400]  }
0x26d: {  	s17 =	sadd.s32 $0x200, s17;
	v8 =	vmul.f32 v40, v40;
	v7 =	vmul.f32 v41, v41;
	v18 =	vsub.f32 v43, v18;
	v34 =	vld [tilespmem:s0+$0xD800]  }
0x26e: {  	v20 =	vmul.f32 v20, v20;
	v21 =	vmul.f32 v21, v21  }
0x26f: {  	v36 =	vld [tilespmem:s0+$0xFC00];
	v31 =	vsub.f32 v17, v31;
	v22 =	vmul.f32 v22, v22;
	v25 =	vmul.f32 v25, v25  }
0x270: {  	v32 =	vsub.f32 v17, v32;
	v37 =	vld [tilespmem:s0+$0xD810];
	v24 =	vmul.f32 v24, v24;
	v26 =	vmul.f32 v26, v26  }
0x271: {  	v38 =	vld [tilespmem:s0+$0xFC10];
	v27 =	vmul.f32 v27, v27;
	v28 =	vmul.f32 v28, v28;
	v35 =	vsub.f32 v23, v35  }
0x272: {  	v29 =	vmul.f32 v29, v29;
	v30 =	vmul.f32 v30, v30;
	v33 =	vsub.f32 v23, v33  }
0x273: {  	v31 =	vmul.f32 v31, v31;
	v34 =	vsub.f32 v23, v34;
	v35 =	vmul.f32 v35, v35  }
0x274: {  	v32 =	vmul.f32 v32, v32;
	v53 =	vsub.f32 v23, v36;
	v33 =	vmul.f32 v33, v33  }
0x275: {  	v54 =	vsub.f32 v17, v37;
	v34 =	vmul.f32 v34, v34;
	v11 =	vadd.f32 v35, v11  }
0x276: {  	v55 =	vsub.f32 v17, v38;
	v23 =	vmul.f32 v53, v53;
	v15 =	vadd.f32 v33, v15  }
0x277: {  	v56 =	vmul.f32 v54, v54;
	v13 =	vadd.f32 v34, v13;
	v11 =	vadd.f32 v31, v11  }
0x278: {  	v17 =	vmul.f32 v55, v55;
	v12 =	vadd.f32 v23, v12;
	v15 =	vadd.f32 v32, v15  }
0x279: {  	v19 =	vmul.f32 v19, v19;
	v13 =	vadd.f32 v56, v13;
	v11 =	vadd.f32 v29, v11  }
0x27a: {  	v57 =	vmul.f32 v18, v18;
	v12 =	vadd.f32 v17, v12;
	v15 =	vadd.f32 v30, v15  }
0x27b: {  	v16 =	vmul.f32 v16, v16;
	v13 =	vadd.f32 v19, v13;
	v11 =	vadd.f32 v27, v11  }
0x27c: {  	v14 =	vmul.f32 v14, v14;
	v12 =	vadd.f32 v57, v12;
	v15 =	vadd.f32 v28, v15  }
0x27d: {  	v10 =	vmul.f32 v10, v10;
	v13 =	vadd.f32 v16, v13;
	v11 =	vadd.f32 v24, v11  }
0x27e: {  	v9 =	vmul.f32 v9, v9;
	v12 =	vadd.f32 v14, v12;
	v58 =	vadd.f32 v26, v15  }
0x27f: {  	v6 =	vmul.f32 v6, v6;
	v10 =	vadd.f32 v10, v13;
	v11 =	vadd.f32 v22, v11  }
0x280: {  	v5 =	vmul.f32 v5, v5;
	v9 =	vadd.f32 v9, v12;
	v59 =	vadd.f32 v25, v58  }
0x281: {  	v4 =	vmul.f32 v4, v4;
	v6 =	vadd.f32 v6, v10;
	v60 =	vadd.f32 v20, v11  }
0x282: {  	v3 =	vmul.f32 v3, v3;
	v5 =	vadd.f32 v5, v9;
	v61 =	vadd.f32 v21, v59  }
0x283: {  	v2 =	vmul.f32 v2, v2;
	s19 =	sshll.u32 s31, $0x7;
	p0 =	seq.s32 s3, $0x0;
	v4 =	vadd.f32 v4, v6;
	v62 =	vadd.f32 v8, v60  }
.Ltmp13:
0x284: {  	v1 =	vmul.f32 v1, v1;
	s0 =	sand.u32 $0x3FFFFF80, s19;
	v3 =	vadd.f32 v3, v5;
	v63 =	vadd.f32 v7, v61;
	(pc) =	sbr.rel @p0 .LBB2_18-.Ltmp13, $4  }
0x285: {  	v2 =	vadd.f32 v2, v4;
	[tilespmem:s0+$0x1B000] =	vst v62  }
0x286: {  	v1 =	vadd.f32 v1, v3;
	[tilespmem:s0+$0x1C000] =	vst v63  }
0x287: {  	[tilespmem:s0+$0x1D000] =	vst v2  }
0x288: {  	[tilespmem:s0+$0x1E000] =	vst v1  }
.LBB2_15:
0x289: {  	p0 =	seq.s32 s30, $0xE  }
0x28a: {  	s0 =	smul.u32 @!p0 $0x24000, s31;
	_ =	sdelay $0x1  }
0x28b: {  	_ =	swait.ge [sflag:s25], $0x2400;
	s0 =	sadd.s32 @!p0 s0, s13  }
0x28c: {  	[sflag:s25] =	ssyncset.done $0x0;
	s3 =	simm.s32 @!p0 $0x0;
	s0 =	sshrl.u32 @!p0 s0, $0x3  }
0x28d: {  	s17 =	simm.s32 @!p0 $0x16800;
	[sflag:s25] =	ssyncadd.s32 $0xFFFFDC00;
	s0 =	sadd.s32 @!p0 s2, s0  }
0x28e: {  	[tilespmem:s17], [sflag:$0x3] =	stream.linear.gather @!p0 [hbm4b:s0+s3], $0x2400, $0x38;
	[tilespmem:$0x1F000] =	vst v63  }
0x28f: {  	s0 =	simm.s32 $0x0  }
0x290: {  	v1 =	vld [tilespmem:s0+$0x18C70]  }
0x291: {  	v2 =	vld [tilespmem:s0+$0x9070]  }
0x292: {  	v3 =	vld [tilespmem:s0+$0xB470]  }
0x293: {  	v4 =	vld [tilespmem:s0+$0xD870]  }
0x294: {  	v5 =	vld [tilespmem:s0+$0xFC70]  }
0x295: {  	v6 =	vld [tilespmem:s0+$0x18C60]  }
0x296: {  	v7 =	vld [tilespmem:s0+$0x9060]  }
0x297: {  	v8 =	vld [tilespmem:s0+$0xB460]  }
0x298: {  	v9 =	vld [tilespmem:s0+$0xD860]  }
0x299: {  	v10 =	vld [tilespmem:s0+$0xFC60]  }
0x29a: {  	v11 =	vld [tilespmem:s0+$0x18C50]  }
0x29b: {  	v12 =	vld [tilespmem:s0+$0x9050]  }
0x29c: {  	v13 =	vld [tilespmem:s0+$0xB450]  }
0x29d: {  	v14 =	vld [tilespmem:s0+$0xD850]  }
0x29e: {  	v15 =	vld [tilespmem:s0+$0xFC50]  }
0x29f: {  	v16 =	vld [tilespmem:s0+$0x18C40]  }
0x2a0: {  	v17 =	vld [tilespmem:s0+$0x9040]  }
0x2a1: {  	v18 =	vld [tilespmem:s0+$0xB440]  }
0x2a2: {  	v19 =	vld [tilespmem:s0+$0xD840]  }
0x2a3: {  	v23 =	vld [tilespmem:s0+$0xFC40]  }
0x2a4: {  	v30 =	vld [tilespmem:s0+$0x18C30]  }
0x2a5: {  	v27 =	vld [tilespmem:s0+$0x9030]  }
0x2a6: {  	v28 =	vld [tilespmem:s0+$0xB430]  }
0x2a7: {  	v29 =	vld [tilespmem:s0+$0xD830]  }
0x2a8: {  	v33 =	vld [tilespmem:s0+$0xFC30];
	v34 =	vsub.f32 v1, v2;
	v36 =	vsub.f32 v1, v3  }
0x2a9: {  	v37 =	vld [tilespmem:s0+$0x18C20];
	v2 =	vsub.f32 v1, v4;
	v20 =	vsub.f32 v6, v7  }
0x2aa: {  	v31 =	vld [tilespmem:s0+$0x9010];
	v1 =	vsub.f32 v1, v5;
	v21 =	vsub.f32 v6, v8  }
0x2ab: {  	v7 =	vld [tilespmem:s0+$0x9020];
	v4 =	vsub.f32 v6, v9;
	v22 =	vsub.f32 v11, v12  }
0x2ac: {  	v8 =	vld [tilespmem:s0+$0xB420];
	v3 =	vsub.f32 v6, v10;
	v25 =	vsub.f32 v11, v13  }
0x2ad: {  	v12 =	vld [tilespmem:s0+$0xD820];
	v6 =	vsub.f32 v11, v14;
	v24 =	vsub.f32 v16, v17  }
0x2ae: {  	v13 =	vld [tilespmem:s0+$0xFC20];
	v5 =	vsub.f32 v11, v15;
	v26 =	vsub.f32 v16, v18  }
0x2af: {  	v32 =	vld [tilespmem:s0+$0xB410];
	v10 =	vsub.f32 v16, v19;
	v27 =	vsub.f32 v30, v27  }
0x2b0: {  	v17 =	vld [tilespmem:s0+$0x18C10];
	v9 =	vsub.f32 v16, v23;
	v28 =	vsub.f32 v30, v28  }
0x2b1: {  	v35 =	vld [tilespmem:s0+$0x9000];
	v16 =	vsub.f32 v30, v29;
	v14 =	vsub.f32 v30, v33;
	v11 =	vimm.f32 $0.0e+00  }
0x2b2: {  	v23 =	vld [tilespmem:s0+$0x18C00];
	v15 =	vimm.f32 $0.0e+00;
	v29 =	vsub.f32 v37, v7;
	v30 =	vsub.f32 v37, v8  }
0x2b3: {  	v33 =	vld [tilespmem:s0+$0xB400];
	v19 =	vsub.f32 v37, v12;
	v18 =	vsub.f32 v37, v13;
	v8 =	vmul.f32 v34, v34  }
0x2b4: {  	s3 =	simm.s32 $0x200;
	v7 =	vmul.f32 v36, v36;
	v34 =	vld [tilespmem:s0+$0xD800];
	v13 =	vimm.f32 $0.0e+00;
	v12 =	vimm.f32 $0.0e+00  }
.LBB2_16:
0x2b5: {  	p0 =	sne.s32 s3, $0x8E00;
	v36 =	vld [tilespmem:s0+$0xFC00];
	v31 =	vsub.f32 v17, v31;
	v20 =	vmul.f32 v20, v20;
	v21 =	vmul.f32 v21, v21  }
0x2b6: {  	v32 =	vsub.f32 v17, v32;
	v22 =	vmul.f32 v22, v22;
	v25 =	vmul.f32 v25, v25;
	v37 =	vld [tilespmem:s0+$0xD810]  }
0x2b7: {  	v24 =	vmul.f32 v24, v24;
	v26 =	vmul.f32 v26, v26;
	v35 =	vsub.f32 v23, v35;
	v38 =	vld [tilespmem:s0+$0xFC10];
	s0 =	sshra.s32 s3, $0x2  }
0x2b8: {  	v27 =	vmul.f32 v27, v27;
	v28 =	vmul.f32 v28, v28;
	v39 =	vld [tilespmem:s0+$0x18C70];
	v33 =	vsub.f32 v23, v33  }
0x2b9: {  	v29 =	vmul.f32 v29, v29;
	v30 =	vmul.f32 v30, v30;
	v40 =	vld [tilespmem:s0+$0x9070];
	v34 =	vsub.f32 v23, v34  }
0x2ba: {  	v31 =	vmul.f32 v31, v31;
	v32 =	vmul.f32 v32, v32;
	v41 =	vld [tilespmem:s0+$0xB470];
	v23 =	vsub.f32 v23, v36  }
0x2bb: {  	v35 =	vmul.f32 v35, v35;
	v33 =	vmul.f32 v33, v33;
	v36 =	vld [tilespmem:s0+$0xD870];
	v37 =	vsub.f32 v17, v37  }
0x2bc: {  	v34 =	vmul.f32 v34, v34;
	v42 =	vld [tilespmem:s0+$0xFC70];
	v23 =	vmul.f32 v23, v23;
	v17 =	vsub.f32 v17, v38  }
0x2bd: {  	v11 =	vadd.f32 v35, v11;
	v15 =	vadd.f32 v33, v15;
	v38 =	vld [tilespmem:s0+$0x18C60];
	v33 =	vmul.f32 v37, v37  }
0x2be: {  	v13 =	vadd.f32 v34, v13;
	v35 =	vld [tilespmem:s0+$0x9060];
	v12 =	vadd.f32 v23, v12;
	v17 =	vmul.f32 v17, v17  }
0x2bf: {  	v19 =	vmul.f32 v19, v19;
	v11 =	vadd.f32 v31, v11;
	v15 =	vadd.f32 v32, v15;
	v23 =	vld [tilespmem:s0+$0xB460]  }
0x2c0: {  	v13 =	vadd.f32 v33, v13;
	v31 =	vld [tilespmem:s0+$0xD860];
	v12 =	vadd.f32 v17, v12;
	v17 =	vmul.f32 v18, v18  }
0x2c1: {  	v16 =	vmul.f32 v16, v16;
	v11 =	vadd.f32 v29, v11;
	v15 =	vadd.f32 v30, v15;
	v18 =	vld [tilespmem:s0+$0xFC60]  }
0x2c2: {  	v14 =	vmul.f32 v14, v14;
	v13 =	vadd.f32 v19, v13;
	v29 =	vld [tilespmem:s0+$0x18C50];
	v12 =	vadd.f32 v17, v12  }
0x2c3: {  	v10 =	vmul.f32 v10, v10;
	v11 =	vadd.f32 v27, v11;
	v15 =	vadd.f32 v28, v15;
	v17 =	vld [tilespmem:s0+$0x9050]  }
0x2c4: {  	v9 =	vmul.f32 v9, v9;
	v13 =	vadd.f32 v16, v13;
	v19 =	vld [tilespmem:s0+$0xB450];
	v12 =	vadd.f32 v14, v12  }
0x2c5: {  	v6 =	vmul.f32 v6, v6;
	v11 =	vadd.f32 v24, v11;
	v15 =	vadd.f32 v26, v15;
	v14 =	vld [tilespmem:s0+$0xD850]  }
0x2c6: {  	v5 =	vmul.f32 v5, v5;
	v10 =	vadd.f32 v10, v13;
	v16 =	vld [tilespmem:s0+$0xFC50];
	v9 =	vadd.f32 v9, v12  }
0x2c7: {  	v4 =	vmul.f32 v4, v4;
	v11 =	vadd.f32 v22, v11;
	v12 =	vadd.f32 v25, v15;
	v28 =	vld [tilespmem:s0+$0x18C40]  }
0x2c8: {  	v3 =	vmul.f32 v3, v3;
	v6 =	vadd.f32 v6, v10;
	v24 =	vld [tilespmem:s0+$0x9040];
	v5 =	vadd.f32 v5, v9  }
0x2c9: {  	v2 =	vmul.f32 v2, v2;
	v10 =	vadd.f32 v20, v11;
	v12 =	vadd.f32 v21, v12;
	v9 =	vld [tilespmem:s0+$0xB440]  }
0x2ca: {  	v1 =	vmul.f32 v1, v1;
	v4 =	vadd.f32 v4, v6;
	v27 =	vld [tilespmem:s0+$0xD840];
	v3 =	vadd.f32 v3, v5  }
0x2cb: {  	v11 =	vadd.f32 v8, v10;
	v15 =	vadd.f32 v7, v12;
	v30 =	vld [tilespmem:s0+$0xFC40]  }
0x2cc: {  	v13 =	vadd.f32 v2, v4;
	v7 =	vld [tilespmem:s0+$0x18C30];
	v12 =	vadd.f32 v1, v3  }
0x2cd: {  	v8 =	vld [tilespmem:s0+$0x9030]  }
0x2ce: {  	v33 =	vld [tilespmem:s0+$0xB430]  }
0x2cf: {  	v34 =	vld [tilespmem:s0+$0xD830]  }
0x2d0: {  	v40 =	vsub.f32 v39, v40;
	v37 =	vld [tilespmem:s0+$0xFC30]  }
0x2d1: {  	v41 =	vsub.f32 v39, v41;
	v2 =	vsub.f32 v39, v36;
	v43 =	vld [tilespmem:s0+$0x18C20]  }
0x2d2: {  	v20 =	vsub.f32 v38, v35;
	v1 =	vsub.f32 v39, v42;
	v36 =	vld [tilespmem:s0+$0x9020]  }
0x2d3: {  	v21 =	vsub.f32 v38, v23;
	v4 =	vsub.f32 v38, v31;
	v39 =	vld [tilespmem:s0+$0xB420]  }
0x2d4: {  	v22 =	vsub.f32 v29, v17;
	v3 =	vsub.f32 v38, v18;
	v42 =	vld [tilespmem:s0+$0xD820]  }
0x2d5: {  	v25 =	vsub.f32 v29, v19;
	v6 =	vsub.f32 v29, v14;
	v18 =	vld [tilespmem:s0+$0xFC20]  }
0x2d6: {  	v5 =	vsub.f32 v29, v16;
	v24 =	vsub.f32 v28, v24;
	v17 =	vld [tilespmem:s0+$0x18C10]  }
0x2d7: {  	v26 =	vsub.f32 v28, v9;
	v10 =	vsub.f32 v28, v27;
	v31 =	vld [tilespmem:s0+$0x9010]  }
.Ltmp14:
0x2d8: {  	v9 =	vsub.f32 v28, v30;
	v27 =	vsub.f32 v7, v8;
	v32 =	vld [tilespmem:s0+$0xB410];
	(pc) =	sbr.rel @p0 .LBB2_16-.Ltmp14, $4  }
0x2d9: {  	v28 =	vsub.f32 v7, v33;
	v16 =	vsub.f32 v7, v34;
	v23 =	vld [tilespmem:s0+$0x18C00]  }
0x2da: {  	v14 =	vsub.f32 v7, v37;
	v29 =	vsub.f32 v43, v36;
	v35 =	vld [tilespmem:s0+$0x9000]  }
0x2db: {  	v30 =	vsub.f32 v43, v39;
	v19 =	vsub.f32 v43, v42;
	v33 =	vld [tilespmem:s0+$0xB400]  }
0x2dc: {  	s3 =	sadd.s32 $0x200, s3;
	v8 =	vmul.f32 v40, v40;
	v7 =	vmul.f32 v41, v41;
	v18 =	vsub.f32 v43, v18;
	v34 =	vld [tilespmem:s0+$0xD800]  }
0x2dd: {  	v20 =	vmul.f32 v20, v20;
	v21 =	vmul.f32 v21, v21  }
0x2de: {  	v36 =	vld [tilespmem:s0+$0xFC00];
	v31 =	vsub.f32 v17, v31;
	v22 =	vmul.f32 v22, v22;
	v25 =	vmul.f32 v25, v25  }
0x2df: {  	v32 =	vsub.f32 v17, v32;
	v37 =	vld [tilespmem:s0+$0xD810];
	v24 =	vmul.f32 v24, v24;
	v26 =	vmul.f32 v26, v26  }
0x2e0: {  	v38 =	vld [tilespmem:s0+$0xFC10];
	v27 =	vmul.f32 v27, v27;
	v28 =	vmul.f32 v28, v28;
	v35 =	vsub.f32 v23, v35  }
0x2e1: {  	v29 =	vmul.f32 v29, v29;
	v30 =	vmul.f32 v30, v30;
	v33 =	vsub.f32 v23, v33  }
0x2e2: {  	v31 =	vmul.f32 v31, v31;
	v34 =	vsub.f32 v23, v34;
	v35 =	vmul.f32 v35, v35  }
0x2e3: {  	v32 =	vmul.f32 v32, v32;
	v53 =	vsub.f32 v23, v36;
	v33 =	vmul.f32 v33, v33  }
0x2e4: {  	v54 =	vsub.f32 v17, v37;
	v34 =	vmul.f32 v34, v34;
	v11 =	vadd.f32 v35, v11  }
0x2e5: {  	v55 =	vsub.f32 v17, v38;
	v23 =	vmul.f32 v53, v53;
	v15 =	vadd.f32 v33, v15  }
0x2e6: {  	v56 =	vmul.f32 v54, v54;
	v13 =	vadd.f32 v34, v13;
	v11 =	vadd.f32 v31, v11  }
0x2e7: {  	v17 =	vmul.f32 v55, v55;
	v12 =	vadd.f32 v23, v12;
	v15 =	vadd.f32 v32, v15  }
0x2e8: {  	v19 =	vmul.f32 v19, v19;
	v13 =	vadd.f32 v56, v13;
	v11 =	vadd.f32 v29, v11  }
0x2e9: {  	v57 =	vmul.f32 v18, v18;
	v12 =	vadd.f32 v17, v12;
	v15 =	vadd.f32 v30, v15  }
0x2ea: {  	v16 =	vmul.f32 v16, v16;
	v13 =	vadd.f32 v19, v13;
	v11 =	vadd.f32 v27, v11  }
0x2eb: {  	v14 =	vmul.f32 v14, v14;
	v12 =	vadd.f32 v57, v12;
	v15 =	vadd.f32 v28, v15  }
0x2ec: {  	v10 =	vmul.f32 v10, v10;
	v13 =	vadd.f32 v16, v13;
	v11 =	vadd.f32 v24, v11  }
0x2ed: {  	v9 =	vmul.f32 v9, v9;
	v12 =	vadd.f32 v14, v12;
	v58 =	vadd.f32 v26, v15  }
0x2ee: {  	v6 =	vmul.f32 v6, v6;
	v10 =	vadd.f32 v10, v13;
	v11 =	vadd.f32 v22, v11  }
0x2ef: {  	v5 =	vmul.f32 v5, v5;
	v9 =	vadd.f32 v9, v12;
	v59 =	vadd.f32 v25, v58  }
0x2f0: {  	v4 =	vmul.f32 v4, v4;
	v6 =	vadd.f32 v6, v10;
	v60 =	vadd.f32 v20, v11  }
0x2f1: {  	v3 =	vmul.f32 v3, v3;
	v5 =	vadd.f32 v5, v9;
	v61 =	vadd.f32 v21, v59  }
0x2f2: {  	v2 =	vmul.f32 v2, v2;
	s31 =	sshll.u32 s31, $0x7;
	v4 =	vadd.f32 v4, v6;
	v62 =	vadd.f32 v8, v60  }
.Ltmp15:
0x2f3: {  	v1 =	vmul.f32 v1, v1;
	s0 =	sand.u32 $0x3FFFFF80, s31;
	v3 =	vadd.f32 v3, v5;
	v63 =	vadd.f32 v7, v61;
	(pc) =	sbr.rel .LBB2_18-.Ltmp15, $4  }
0x2f4: {  	v2 =	vadd.f32 v2, v4;
	[tilespmem:s0+$0x1B000] =	vst v62  }
0x2f5: {  	v1 =	vadd.f32 v1, v3;
	[tilespmem:s0+$0x1C000] =	vst v63  }
0x2f6: {  	[tilespmem:s0+$0x1D000] =	vst v2  }
0x2f7: {  	[tilespmem:s0+$0x1E000] =	vst v1  }
.LBB2_20:
0x2f8: {  	_ =	sfence.sel $0x180000  }
0x2f9: {  	[bflag:$0x0] =	sbarrier.arrive $0xFFFF  }
0x2fa: {  	_ =	strace $0x90000047  }
0x2fb: {  	s0 =	stileid.u32;
	[bflag:$0x2] =	sbarrier.arrive $0xFFFF  }
0x2fc: {  	p0 =	sne.s32 s0, $0x0;
	s0 =	rddreg [dreg:$0x5]  }
0x2fd: {  	s0 =	sadd.s32 @!p0 $0x100000, s0  }
0x2fe: {  	[sflag:s0] =	ssyncadd.tile.s32 @!p0 $0x1;
	_ =	shalt  }
.Lfunc_end2:
_tile_overlayer_lowered:
.L_overlay_start_2:
0x2ff: {  	(tag) =	ssettag $0x2  }
0x300: {  	s0 =	rddreg [dreg:$0x0];
	s2 =	stileid.u32  }
0x301: {  	s1 =	rddreg [dreg:$0x1];
	p0 =	sne.s32 s2, $0x0  }
0x302: {  	s3 =	rddreg [dreg:$0x2];
	[bflag:$0x3] =	sbarrier.arrive $0xFFFF;
	s2 =	simm.s32 @!p0 $0x1C05  }
0x303: {  	[timem:s3], [sflag:s2] =	dma.local @!p0 [hbm:s0], s1  }
0x304: {  	s0 =	simm.s32 @!p0 $0x5  }
0x305: {  	_ =	swait.ge @!p0 [sflag:s0], s1  }
0x306: {  	s1 =	ssub.s32 @!p0 $0x0, s1;
	[sflag:s0] =	ssyncset.done @!p0 $0x0  }
0x307: {  	[sflag:s0] =	ssyncadd.s32 @!p0 s1  }
0x308: {  	[bflag:$0x3] =	sbarrier.arrive $0xFFFF  }
0x309: {  	_ =	shalt  }

</sc_bundles>
